<compile_context>
chip_gen: v7x
topology: tpu7x:2x2x1
jax: 0.10.2.dev20260603
libtpu: 0.0.44.dev20260713+nightly
codegen_flags: <defaults>
</compile_context>

<pallas_src>
import functools

import jax
import jax.numpy as jnp
from jax import lax
from jax.experimental import pallas as pl
from jax.experimental.pallas import tpu as pltpu
from jax.experimental.pallas import tpu_sc as plsc

_NC = 2
_NS = 16
_NW = _NC * _NS
_L = 16


@functools.lru_cache(maxsize=None)
def _build_seg_kernel(n, d, sp, ptr_ch, ch):
    s_pad = sp * _NW
    nvec = d // _L
    nsteps = max(1, (sp + 2).bit_length())
    mesh = plsc.VectorSubcoreMesh(core_axis_name="c", subcore_axis_name="s")

    @functools.partial(
        pl.kernel,
        mesh=mesh,
        out_type=(
            jax.ShapeDtypeStruct((s_pad * d,), jnp.float32),
            jax.ShapeDtypeStruct((s_pad,), jnp.float32),
        ),
        scratch_types=[
            pltpu.VMEM((sp * d,), jnp.float32),
            pltpu.VMEM((sp + _L,), jnp.float32),
            pltpu.VMEM((ptr_ch,), jnp.int32),
            pltpu.VMEM((d,), jnp.float32),
            pltpu.VMEM((ch * d,), jnp.float32),
            pltpu.VMEM((ch * d,), jnp.float32),
            pltpu.SemaphoreType.DMA,
            pltpu.SemaphoreType.DMA,
        ],
    )
    def seg_kernel(x_hbm, ww_hbm, ptr_hbm, z_hbm, den_hbm, z_v, den_v, ptr_v,
                   ww_v, x0_v, x1_v, sx0, sx1):
        wid = lax.axis_index("s") * _NC + lax.axis_index("c")
        s0 = wid * sp
        pltpu.sync_copy(ptr_hbm.at[pl.ds(s0, ptr_ch)], ptr_v)
        pltpu.sync_copy(ww_hbm, ww_v)
        r0 = ptr_v[pl.ds(0, _L)][0]
        r1 = ptr_v[pl.ds(sp, _L)][0]

        zero16 = jnp.zeros((_L,), jnp.float32)
        lane0 = lax.iota(jnp.int32, _L) == 0
        ww = tuple(ww_v[pl.ds(j * _L, _L)] for j in range(nvec))
        perms = tuple(
            lax.iota(jnp.int32, _L) ^ k for k in (1, 2, 4, 8)
        )

        c0 = r0 // ch
        c1 = (r1 + ch - 1) // ch

        def x_cp(c, buf, sem):
            return pltpu.make_async_copy(
                x_hbm.at[pl.ds(c * ch * d, ch * d)], buf, sem
            )

        bufs = ((x0_v, sx0), (x1_v, sx1))

        @pl.when(c0 < c1)
        def _():
            x_cp(c0, x0_v, sx0).start()

        def zi_body(k, c):
            zb = k * d
            for j in range(nvec):
                z_v[pl.ds(zb + j * _L, _L)] = zero16
            return c

        lax.fori_loop(0, sp, zi_body, 0)

        def zd_body(k, c):
            den_v[pl.ds(k * _L, _L)] = zero16
            return c

        lax.fori_loop(0, sp // _L + 1, zd_body, 0)

        def process(c, active, sa, x_v):
            base = jnp.where(active, c * ch, 0)
            lo = jnp.where(active, jnp.maximum(r0 - base, 0), 0)
            hi = jnp.where(active, jnp.minimum(r1 - base, jnp.int32(ch)), 0)
            g_last = base + hi - 1

            def bs_body(t, lh):
                blo, bhi = lh
                mid = (blo + bhi) // 2
                p = ptr_v[pl.ds(mid, _L)][0]
                act = blo < bhi
                blo = jnp.where(jnp.logical_and(act, p <= g_last), mid + 1, blo)
                bhi = jnp.where(jnp.logical_and(act, p > g_last), mid, bhi)
                return (blo, bhi)

            blo, _ = lax.fori_loop(
                0, nsteps, bs_body, (jnp.int32(0), jnp.int32(sp + 1))
            )
            sb = blo - 1

            def seg_body(si, carry):
                p_lo = ptr_v[pl.ds(si, _L)][0]
                p_hi = ptr_v[pl.ds(si + 1, _L)][0]
                a = jnp.maximum(p_lo - base, lo)
                b = jnp.maximum(a, jnp.minimum(p_hi - base, hi))

                def row_body(i, rc):
                    xr = tuple(
                        x_v[pl.ds(i * d + j * _L, _L)] for j in range(nvec)
                    )
                    wv = xr[0] * ww[0]
                    for j in range(1, nvec):
                        wv = wv + xr[j] * ww[j]
                    for p in perms:
                        wv = wv + wv[p]
                    evv = jnp.exp(wv)
                    dv = rc[0] + jnp.where(lane0, evv, 0.0)
                    return (dv,) + tuple(
                        rc[1 + j] + evv * xr[j] for j in range(nvec)
                    )

                acc = lax.fori_loop(
                    a, b, row_body, (zero16,) + (zero16,) * nvec
                )
                zb = si * d
                for j in range(nvec):
                    z_v[pl.ds(zb + j * _L, _L)] = (
                        z_v[pl.ds(zb + j * _L, _L)] + acc[1 + j]
                    )
                den_v[pl.ds(si, _L)] = den_v[pl.ds(si, _L)] + acc[0]
                return carry

            lax.fori_loop(sa, jnp.maximum(sa, sb + 1), seg_body, 0)
            return jnp.maximum(sa, sb)

        npairs = (c1 - c0 + 1) // 2

        def pair_body(kk, sa):
            for b in (0, 1):
                xb, sxb = bufs[b]
                xo, sxo = bufs[1 - b]
                c = c0 + kk * 2 + b
                active = c < c1

                @pl.when(active)
                def _():
                    x_cp(c, xb, sxb).wait()

                @pl.when(c + 1 < c1)
                def _():
                    x_cp(c + 1, xo, sxo).start()

                sa = process(c, active, sa, xb)
            return sa

        lax.fori_loop(0, npairs, pair_body, jnp.int32(0))

        pltpu.sync_copy(z_v, z_hbm.at[pl.ds(s0 * d, sp * d)])
        pltpu.sync_copy(den_v.at[pl.ds(0, sp)], den_hbm.at[pl.ds(s0, sp)])

    return seg_kernel


@functools.lru_cache(maxsize=None)
def _build_out_kernel(s_pad, d, blk):
    def body(z_ref, den_ref, wf_ref, bf_ref, o_ref):
        den = den_ref[...]
        nz = den > 0.0
        inv = jnp.where(nz, 1.0 / jnp.where(nz, den, 1.0), 0.0)
        zz = z_ref[...] * inv
        acc = lax.dot_general(
            zz, wf_ref[...], (((1,), (0,)), ((), ())),
            preferred_element_type=jnp.float32,
        )
        o_ref[...] = acc + jnp.where(nz, bf_ref[...], 0.0)

    return pl.pallas_call(
        body,
        grid=(s_pad // blk,),
        in_specs=[
            pl.BlockSpec((blk, d), lambda i: (i, 0)),
            pl.BlockSpec((blk, 1), lambda i: (i, 0)),
            pl.BlockSpec((d, d), lambda i: (0, 0)),
            pl.BlockSpec((1, d), lambda i: (0, 0)),
        ],
        out_specs=pl.BlockSpec((blk, d), lambda i: (i, 0)),
        out_shape=jax.ShapeDtypeStruct((s_pad, d), jnp.float32),
    )


def kernel(x, point_key, Wf, bf, Ww, bw):
    n, d = x.shape
    s = point_key.shape[0] - 1
    sp = ((-(-s // _NW)) + 7) // 8 * 8
    s_pad = sp * _NW
    ptr_ch = sp + 32
    ptr_len = (_NW - 1) * sp + ptr_ch
    ch = 256

    ptr32 = point_key.astype(jnp.int32)
    ptr_pad = jnp.concatenate(
        [ptr32, jnp.full((ptr_len - (s + 1),), n, jnp.int32)]
    )
    z_flat, den = _build_seg_kernel(n, d, sp, ptr_ch, ch)(
        x.reshape(n * d), Ww.reshape(d), ptr_pad
    )
    out_full = _build_out_kernel(s_pad, d, 1280)(
        z_flat.reshape(s_pad, d), den.reshape(s_pad, 1), Wf, bf.reshape(1, d)
    )
    return out_full[:s]

# --- scband reference (transcript-rebuilt; emitter-appended) ---
"""Pipeline reference for scband-point-net-avg-79173427134536 (READ-ONLY COPY).

The authoritative reference and input builder live on the scoring server;
editing this copy changes nothing except your own understanding.
"""

import jax, jax.numpy as jnp
import numpy as np

N = 320000
S = 10000
D = 128

def setup_inputs(seed: int = 0):
    key = jax.random.key(seed)
    k1, k2, k3, k4, k5, k6 = jax.random.split(key, 6)
    x = jax.random.normal(k1, (N, D), dtype=jnp.float32)
    ptr = jnp.sort(jax.random.randint(k2, (S + 1,), 0, N)).astype(jnp.int64)
    ptr = ptr.at[0].set(0).at[-1].set(N)
    Wf = jax.random.normal(k3, (D, D), dtype=jnp.float32) * 0.05
    bf = jax.random.normal(k4, (D,), dtype=jnp.float32) * 0.05
    Ww = jax.random.normal(k5, (D, 1), dtype=jnp.float32) * 0.05
    bw = jax.random.normal(k6, (1,), dtype=jnp.float32) * 0.05
    return {"x": x, "point_key": ptr, "Wf": Wf, "bf": bf, "Ww": Ww, "bw": bw}

def _segment_ids_from_ptr(ptr, n):
    # element i belongs to segment j where ptr[j] <= i < ptr[j+1]
    return jnp.searchsorted(ptr, jnp.arange(n), side='right') - 1

def reference(x, point_key, Wf, bf, Ww, bw):
    n = x.shape[0]
    s = point_key.shape[0] - 1
    ids = _segment_ids_from_ptr(point_key, n)
    # weight_lin
    w = x @ Ww + bw  # [N, 1]
    # softmax_csr over segments
    wmax = jax.ops.segment_max(w, ids, num_segments=s)  # [S, 1]
    w = jnp.exp(w - wmax[ids])
    den = jax.ops.segment_sum(w, ids, num_segments=s)
    w = w / den[ids]
    # feat_lin
    x2 = x @ Wf + bf  # [N, D]
    x2 = w * x2
    # segment_csr sum
    out = jax.ops.segment_sum(x2, ids, num_segments=s)  # [S, D]
    return out

if __name__ == "__main__":
    import jax
    _d = setup_inputs()
    print(jax.jit(kernel)(*tuple(_d.values())))

</pallas_src>

<mosaic_0001>
#map = affine_map<(d0, d1) -> (0)>
module attributes {stable_mosaic.version = 14 : i64} {
  func.func @seg_kernel(%arg0: i32, %arg1: i32, %arg2: memref<40960000xf32, #tpu.memory_space<hbm>>, %arg3: memref<128xf32, #tpu.memory_space<hbm>>, %arg4: memref<10272xi32, #tpu.memory_space<hbm>>, %arg5: memref<1310720xf32, #tpu.memory_space<hbm>>, %arg6: memref<10240xf32, #tpu.memory_space<hbm>>, %arg7: memref<40960xf32, #tpu.memory_space<vmem>>, %arg8: memref<336xf32, #tpu.memory_space<vmem>>, %arg9: memref<352xi32, #tpu.memory_space<vmem>>, %arg10: memref<128xf32, #tpu.memory_space<vmem>>, %arg11: memref<32768xf32, #tpu.memory_space<vmem>>, %arg12: memref<32768xf32, #tpu.memory_space<vmem>>, %arg13: memref<!tpu.dma_semaphore, #tpu.memory_space<semaphore_mem>>, %arg14: memref<!tpu.dma_semaphore, #tpu.memory_space<semaphore_mem>>) attributes {dimension_semantics = [#tpu.dimension_semantics<core_parallel>, #tpu.dimension_semantics<subcore_parallel>], iteration_bounds = array<i64: 2, 16>, scalar_prefetch = 0 : i64, scratch_operands = 8 : i64, tpu.core_type = #tpu.core_type<sc_vector_subcore>, window_params = [{transform_indices = #map}, {transform_indices = #map}, {transform_indices = #map}, {transform_indices = #map}, {transform_indices = #map}]} {
    %mul3A = arith.constant 2 : i32
    %mul3A_0 = arith.muli %arg1, %mul3A : i32
    %add3A = arith.addi %mul3A_0, %arg0 : i32
    %mul3A_1 = arith.constant 320 : i32
    %mul3A_2 = arith.muli %add3A, %mul3A_1 : i32
    "tpu.region"() ({
      %run_scoped3A = tpu.sem_alloc : memref<!tpu.dma_semaphore, #tpu.memory_space<semaphore_mem>>
      %dma_start3A = tpu.memref_slice %arg4[%mul3A_2] : memref<10272xi32, #tpu.memory_space<hbm>> -> memref<352xi32, #tpu.memory_space<hbm>>
      %dma_start3A_148 = tpu.memref_slice %arg4[%mul3A_2] : memref<10272xi32, #tpu.memory_space<hbm>> -> memref<352xi32, #tpu.memory_space<hbm>>
      tpu.enqueue_dma source(%dma_start3A_148 : memref<352xi32, #tpu.memory_space<hbm>>) target(%arg9 : memref<352xi32, #tpu.memory_space<vmem>>) target_semaphore(%run_scoped3A : memref<!tpu.dma_semaphore, #tpu.memory_space<semaphore_mem>>)
      %dma_wait3A = tpu.memref_slice %arg4[%mul3A_2] : memref<10272xi32, #tpu.memory_space<hbm>> -> memref<352xi32, #tpu.memory_space<hbm>>
      %dma_wait3A_149 = tpu.memref_slice %arg4[%mul3A_2] : memref<10272xi32, #tpu.memory_space<hbm>> -> memref<352xi32, #tpu.memory_space<hbm>>
      tpu.wait_dma2 semaphore(%run_scoped3A : memref<!tpu.dma_semaphore, #tpu.memory_space<semaphore_mem>>) src(%dma_wait3A_149 : memref<352xi32, #tpu.memory_space<hbm>>) dst(%arg9 : memref<352xi32, #tpu.memory_space<vmem>>)
      tpu.yield
    }) : () -> ()
    "tpu.region"() ({
      %run_scoped3A = tpu.sem_alloc : memref<!tpu.dma_semaphore, #tpu.memory_space<semaphore_mem>>
      tpu.enqueue_dma source(%arg3 : memref<128xf32, #tpu.memory_space<hbm>>) target(%arg10 : memref<128xf32, #tpu.memory_space<vmem>>) target_semaphore(%run_scoped3A : memref<!tpu.dma_semaphore, #tpu.memory_space<semaphore_mem>>)
      tpu.wait_dma2 semaphore(%run_scoped3A : memref<!tpu.dma_semaphore, #tpu.memory_space<semaphore_mem>>) src(%arg3 : memref<128xf32, #tpu.memory_space<hbm>>) dst(%arg10 : memref<128xf32, #tpu.memory_space<vmem>>)
      tpu.yield
    }) : () -> ()
    %get3A = arith.constant 0 : index
    %get3A_3 = tpu.vector_load %arg9[%get3A] {strides = array<i32>} : memref<352xi32, #tpu.memory_space<vmem>>, vector<16xi32>,
    %get3A_4 = vector.shape_cast %get3A_3 : vector<16xi32> to vector<16xi32>
    %slice3A = vector.extract_strided_slice %get3A_4 {offsets = [0], sizes = [1], strides = [1]} : vector<16xi32> to vector<1xi32>
    %squeeze3A = vector.extract %slice3A[0] : i32 from vector<1xi32>
    %get3A_5 = arith.constant 320 : index
    %get3A_6 = tpu.vector_load %arg9[%get3A_5] {strides = array<i32>} : memref<352xi32, #tpu.memory_space<vmem>>, vector<16xi32>,
    %get3A_7 = vector.shape_cast %get3A_6 : vector<16xi32> to vector<16xi32>
    %slice3A_8 = vector.extract_strided_slice %get3A_7 {offsets = [0], sizes = [1], strides = [1]} : vector<16xi32> to vector<1xi32>
    %squeeze3A_9 = vector.extract %slice3A_8[0] : i32 from vector<1xi32>
    %broadcast_in_dim3A = arith.constant 0.000000e+00 : f32
    %broadcast_in_dim3A_10 = vector.broadcast %broadcast_in_dim3A : f32 to vector<16xf32>
    %iota3A = tpu.iota {dimensions = array<i32: 0>} : vector<16xi32>
    %eq3A = arith.constant 0 : i32
    %eq3A_11 = vector.broadcast %eq3A : i32 to vector<16xi32>
    %eq3A_12 = arith.cmpi eq, %iota3A, %eq3A_11 : vector<16xi32>
    %get3A_13 = arith.constant 0 : index
    %get3A_14 = tpu.vector_load %arg10[%get3A_13] {strides = array<i32>} : memref<128xf32, #tpu.memory_space<vmem>>, vector<16xf32>,
    %get3A_15 = vector.shape_cast %get3A_14 : vector<16xf32> to vector<16xf32>
    %get3A_16 = arith.constant 16 : index
    %get3A_17 = tpu.vector_load %arg10[%get3A_16] {strides = array<i32>} : memref<128xf32, #tpu.memory_space<vmem>>, vector<16xf32>,
    %get3A_18 = vector.shape_cast %get3A_17 : vector<16xf32> to vector<16xf32>
    %get3A_19 = arith.constant 32 : index
    %get3A_20 = tpu.vector_load %arg10[%get3A_19] {strides = array<i32>} : memref<128xf32, #tpu.memory_space<vmem>>, vector<16xf32>,
    %get3A_21 = vector.shape_cast %get3A_20 : vector<16xf32> to vector<16xf32>
    %get3A_22 = arith.constant 48 : index
    %get3A_23 = tpu.vector_load %arg10[%get3A_22] {strides = array<i32>} : memref<128xf32, #tpu.memory_space<vmem>>, vector<16xf32>,
    %get3A_24 = vector.shape_cast %get3A_23 : vector<16xf32> to vector<16xf32>
    %get3A_25 = arith.constant 64 : index
    %get3A_26 = tpu.vector_load %arg10[%get3A_25] {strides = array<i32>} : memref<128xf32, #tpu.memory_space<vmem>>, vector<16xf32>,
    %get3A_27 = vector.shape_cast %get3A_26 : vector<16xf32> to vector<16xf32>
    %get3A_28 = arith.constant 80 : index
    %get3A_29 = tpu.vector_load %arg10[%get3A_28] {strides = array<i32>} : memref<128xf32, #tpu.memory_space<vmem>>, vector<16xf32>,
    %get3A_30 = vector.shape_cast %get3A_29 : vector<16xf32> to vector<16xf32>
    %get3A_31 = arith.constant 96 : index
    %get3A_32 = tpu.vector_load %arg10[%get3A_31] {strides = array<i32>} : memref<128xf32, #tpu.memory_space<vmem>>, vector<16xf32>,
    %get3A_33 = vector.shape_cast %get3A_32 : vector<16xf32> to vector<16xf32>
    %get3A_34 = arith.constant 112 : index
    %get3A_35 = tpu.vector_load %arg10[%get3A_34] {strides = array<i32>} : memref<128xf32, #tpu.memory_space<vmem>>, vector<16xf32>,
    %get3A_36 = vector.shape_cast %get3A_35 : vector<16xf32> to vector<16xf32>
    %iota3A_37 = tpu.iota {dimensions = array<i32: 0>} : vector<16xi32>
    %xor3A = arith.constant 1 : i32
    %xor3A_38 = vector.broadcast %xor3A : i32 to vector<16xi32>
    %xor3A_39 = arith.xori %iota3A_37, %xor3A_38 : vector<16xi32>
    %iota3A_40 = tpu.iota {dimensions = array<i32: 0>} : vector<16xi32>
    %xor3A_41 = arith.constant 2 : i32
    %xor3A_42 = vector.broadcast %xor3A_41 : i32 to vector<16xi32>
    %xor3A_43 = arith.xori %iota3A_40, %xor3A_42 : vector<16xi32>
    %iota3A_44 = tpu.iota {dimensions = array<i32: 0>} : vector<16xi32>
    %xor3A_45 = arith.constant 4 : i32
    %xor3A_46 = vector.broadcast %xor3A_45 : i32 to vector<16xi32>
    %xor3A_47 = arith.xori %iota3A_44, %xor3A_46 : vector<16xi32>
    %iota3A_48 = tpu.iota {dimensions = array<i32: 0>} : vector<16xi32>
    %xor3A_49 = arith.constant 8 : i32
    %xor3A_50 = vector.broadcast %xor3A_49 : i32 to vector<16xi32>
    %xor3A_51 = arith.xori %iota3A_48, %xor3A_50 : vector<16xi32>
    %jit3A = arith.constant 256 : i32
    %div3A = arith.divsi %squeeze3A, %jit3A : i32
    %sign3A = arith.constant 0 : i32
    %sign3A_52 = arith.cmpi sgt, %squeeze3A, %sign3A : i32
    %sign3A_53 = arith.extui %sign3A_52 : i1 to i32
    %sign3A_54 = arith.constant 0 : i32
    %sign3A_55 = arith.cmpi slt, %squeeze3A, %sign3A_54 : i32
    %sign3A_56 = arith.extui %sign3A_55 : i1 to i32
    %sign3A_57 = arith.subi %sign3A_53, %sign3A_56 : i32
    %sign3A_58 = arith.constant 0 : i32
    %sign3A_59 = arith.cmpi sgt, %jit3A, %sign3A_58 : i32
    %sign3A_60 = arith.extui %sign3A_59 : i1 to i32
    %sign3A_61 = arith.constant 0 : i32
    %sign3A_62 = arith.cmpi slt, %jit3A, %sign3A_61 : i32
    %sign3A_63 = arith.extui %sign3A_62 : i1 to i32
    %sign3A_64 = arith.subi %sign3A_60, %sign3A_63 : i32
    %ne3A = arith.cmpi ne, %sign3A_57, %sign3A_64 : i32
    %rem3A = arith.remsi %squeeze3A, %jit3A : i32
    %ne3A_65 = arith.constant 0 : i32
    %ne3A_66 = arith.cmpi ne, %rem3A, %ne3A_65 : i32
    %and3A = arith.andi %ne3A, %ne3A_66 : i1
    %sub3A = arith.constant 1 : i32
    %sub3A_67 = arith.subi %div3A, %sub3A : i32
    %select_n3A = arith.select %and3A, %sub3A_67, %div3A : i32
    %add3A_68 = arith.constant 256 : i32
    %add3A_69 = arith.addi %squeeze3A_9, %add3A_68 : i32
    %sub3A_70 = arith.constant 1 : i32
    %sub3A_71 = arith.subi %add3A_69, %sub3A_70 : i32
    %jit3A_72 = arith.constant 256 : i32
    %div3A_73 = arith.divsi %sub3A_71, %jit3A_72 : i32
    %sign3A_74 = arith.constant 0 : i32
    %sign3A_75 = arith.cmpi sgt, %sub3A_71, %sign3A_74 : i32
    %sign3A_76 = arith.extui %sign3A_75 : i1 to i32
    %sign3A_77 = arith.constant 0 : i32
    %sign3A_78 = arith.cmpi slt, %sub3A_71, %sign3A_77 : i32
    %sign3A_79 = arith.extui %sign3A_78 : i1 to i32
    %sign3A_80 = arith.subi %sign3A_76, %sign3A_79 : i32
    %sign3A_81 = arith.constant 0 : i32
    %sign3A_82 = arith.cmpi sgt, %jit3A_72, %sign3A_81 : i32
    %sign3A_83 = arith.extui %sign3A_82 : i1 to i32
    %sign3A_84 = arith.constant 0 : i32
    %sign3A_85 = arith.cmpi slt, %jit3A_72, %sign3A_84 : i32
    %sign3A_86 = arith.extui %sign3A_85 : i1 to i32
    %sign3A_87 = arith.subi %sign3A_83, %sign3A_86 : i32
    %ne3A_88 = arith.cmpi ne, %sign3A_80, %sign3A_87 : i32
    %rem3A_89 = arith.remsi %sub3A_71, %jit3A_72 : i32
    %ne3A_90 = arith.constant 0 : i32
    %ne3A_91 = arith.cmpi ne, %rem3A_89, %ne3A_90 : i32
    %and3A_92 = arith.andi %ne3A_88, %ne3A_91 : i1
    %sub3A_93 = arith.constant 1 : i32
    %sub3A_94 = arith.subi %div3A_73, %sub3A_93 : i32
    %select_n3A_95 = arith.select %and3A_92, %sub3A_94, %div3A_73 : i32
    %lt3A = arith.cmpi slt, %select_n3A, %select_n3A_95 : i32
    %convert_element_type3A = arith.extui %lt3A : i1 to i32
    %cond3A = arith.constant 0 : i32
    %cond3A_96 = arith.cmpi ne, %convert_element_type3A, %cond3A : i32
    scf.if %cond3A_96 {
      %mul3A_148 = arith.constant 256 : i32
      %mul3A_149 = arith.muli %select_n3A, %mul3A_148 : i32
      %mul3A_150 = arith.constant 128 : i32
      %mul3A_151 = arith.muli %mul3A_149, %mul3A_150 : i32
      %dma_start3A = tpu.memref_slice %arg2[%mul3A_151] : memref<40960000xf32, #tpu.memory_space<hbm>> -> memref<32768xf32, #tpu.memory_space<hbm>>
      %dma_start3A_152 = tpu.memref_slice %arg2[%mul3A_151] : memref<40960000xf32, #tpu.memory_space<hbm>> -> memref<32768xf32, #tpu.memory_space<hbm>>
      tpu.enqueue_dma source(%dma_start3A_152 : memref<32768xf32, #tpu.memory_space<hbm>>) target(%arg11 : memref<32768xf32, #tpu.memory_space<vmem>>) target_semaphore(%arg13 : memref<!tpu.dma_semaphore, #tpu.memory_space<semaphore_mem>>)
    } else {
    }
    %scan3A = arith.constant 0 : i32
    %scan3A_97 = arith.constant 0 : i32
    %scan3A_98 = arith.constant 320 : i32
    %scan3A_99 = arith.addi %scan3A_97, %scan3A_98 : i32
    %scan3A_100 = arith.constant 1 : i32
    scf.for %scan3A_148 = %scan3A_97 to %scan3A_99 step %scan3A_100  : i32 {
      %mul3A_149 = arith.constant 128 : i32
      %mul3A_150 = arith.muli %scan3A_148, %mul3A_149 : i32
      %add3A_151 = arith.constant 0 : i32
      %add3A_152 = arith.addi %mul3A_150, %add3A_151 : i32
      %swap3A = arith.index_cast %add3A_152 : i32 to index
      %swap3A_153 = tpu.vector_load %arg7[%swap3A] {strides = array<i32>} : memref<40960xf32, #tpu.memory_space<vmem>>, vector<16xf32>,
      %swap3A_154 = vector.shape_cast %swap3A_153 : vector<16xf32> to vector<16xf32>
      %swap3A_155 = vector.shape_cast %broadcast_in_dim3A_10 : vector<16xf32> to vector<16xf32>
      tpu.vector_store %arg7[%swap3A], %swap3A_155 {strides = array<i32>} : memref<40960xf32, #tpu.memory_space<vmem>>, vector<16xf32>,
      %add3A_156 = arith.constant 16 : i32
      %add3A_157 = arith.addi %mul3A_150, %add3A_156 : i32
      %swap3A_158 = arith.index_cast %add3A_157 : i32 to index
      %swap3A_159 = tpu.vector_load %arg7[%swap3A_158] {strides = array<i32>} : memref<40960xf32, #tpu.memory_space<vmem>>, vector<16xf32>,
      %swap3A_160 = vector.shape_cast %swap3A_159 : vector<16xf32> to vector<16xf32>
      %swap3A_161 = vector.shape_cast %broadcast_in_dim3A_10 : vector<16xf32> to vector<16xf32>
      tpu.vector_store %arg7[%swap3A_158], %swap3A_161 {strides = array<i32>} : memref<40960xf32, #tpu.memory_space<vmem>>, vector<16xf32>,
      %add3A_162 = arith.constant 32 : i32
      %add3A_163 = arith.addi %mul3A_150, %add3A_162 : i32
      %swap3A_164 = arith.index_cast %add3A_163 : i32 to index
      %swap3A_165 = tpu.vector_load %arg7[%swap3A_164] {strides = array<i32>} : memref<40960xf32, #tpu.memory_space<vmem>>, vector<16xf32>,
      %swap3A_166 = vector.shape_cast %swap3A_165 : vector<16xf32> to vector<16xf32>
      %swap3A_167 = vector.shape_cast %broadcast_in_dim3A_10 : vector<16xf32> to vector<16xf32>
      tpu.vector_store %arg7[%swap3A_164], %swap3A_167 {strides = array<i32>} : memref<40960xf32, #tpu.memory_space<vmem>>, vector<16xf32>,
      %add3A_168 = arith.constant 48 : i32
      %add3A_169 = arith.addi %mul3A_150, %add3A_168 : i32
      %swap3A_170 = arith.index_cast %add3A_169 : i32 to index
      %swap3A_171 = tpu.vector_load %arg7[%swap3A_170] {strides = array<i32>} : memref<40960xf32, #tpu.memory_space<vmem>>, vector<16xf32>,
      %swap3A_172 = vector.shape_cast %swap3A_171 : vector<16xf32> to vector<16xf32>
      %swap3A_173 = vector.shape_cast %broadcast_in_dim3A_10 : vector<16xf32> to vector<16xf32>
      tpu.vector_store %arg7[%swap3A_170], %swap3A_173 {strides = array<i32>} : memref<40960xf32, #tpu.memory_space<vmem>>, vector<16xf32>,
      %add3A_174 = arith.constant 64 : i32
      %add3A_175 = arith.addi %mul3A_150, %add3A_174 : i32
      %swap3A_176 = arith.index_cast %add3A_175 : i32 to index
      %swap3A_177 = tpu.vector_load %arg7[%swap3A_176] {strides = array<i32>} : memref<40960xf32, #tpu.memory_space<vmem>>, vector<16xf32>,
      %swap3A_178 = vector.shape_cast %swap3A_177 : vector<16xf32> to vector<16xf32>
      %swap3A_179 = vector.shape_cast %broadcast_in_dim3A_10 : vector<16xf32> to vector<16xf32>
      tpu.vector_store %arg7[%swap3A_176], %swap3A_179 {strides = array<i32>} : memref<40960xf32, #tpu.memory_space<vmem>>, vector<16xf32>,
      %add3A_180 = arith.constant 80 : i32
      %add3A_181 = arith.addi %mul3A_150, %add3A_180 : i32
      %swap3A_182 = arith.index_cast %add3A_181 : i32 to index
      %swap3A_183 = tpu.vector_load %arg7[%swap3A_182] {strides = array<i32>} : memref<40960xf32, #tpu.memory_space<vmem>>, vector<16xf32>,
      %swap3A_184 = vector.shape_cast %swap3A_183 : vector<16xf32> to vector<16xf32>
      %swap3A_185 = vector.shape_cast %broadcast_in_dim3A_10 : vector<16xf32> to vector<16xf32>
      tpu.vector_store %arg7[%swap3A_182], %swap3A_185 {strides = array<i32>} : memref<40960xf32, #tpu.memory_space<vmem>>, vector<16xf32>,
      %add3A_186 = arith.constant 96 : i32
      %add3A_187 = arith.addi %mul3A_150, %add3A_186 : i32
      %swap3A_188 = arith.index_cast %add3A_187 : i32 to index
      %swap3A_189 = tpu.vector_load %arg7[%swap3A_188] {strides = array<i32>} : memref<40960xf32, #tpu.memory_space<vmem>>, vector<16xf32>,
      %swap3A_190 = vector.shape_cast %swap3A_189 : vector<16xf32> to vector<16xf32>
      %swap3A_191 = vector.shape_cast %broadcast_in_dim3A_10 : vector<16xf32> to vector<16xf32>
      tpu.vector_store %arg7[%swap3A_188], %swap3A_191 {strides = array<i32>} : memref<40960xf32, #tpu.memory_space<vmem>>, vector<16xf32>,
      %add3A_192 = arith.constant 112 : i32
      %add3A_193 = arith.addi %mul3A_150, %add3A_192 : i32
      %swap3A_194 = arith.index_cast %add3A_193 : i32 to index
      %swap3A_195 = tpu.vector_load %arg7[%swap3A_194] {strides = array<i32>} : memref<40960xf32, #tpu.memory_space<vmem>>, vector<16xf32>,
      %swap3A_196 = vector.shape_cast %swap3A_195 : vector<16xf32> to vector<16xf32>
      %swap3A_197 = vector.shape_cast %broadcast_in_dim3A_10 : vector<16xf32> to vector<16xf32>
      tpu.vector_store %arg7[%swap3A_194], %swap3A_197 {strides = array<i32>} : memref<40960xf32, #tpu.memory_space<vmem>>, vector<16xf32>,
    }
    %scan3A_101 = arith.constant 320 : i32
    %scan3A_102 = arith.constant 0 : i32
    %scan3A_103 = arith.constant 0 : i32
    %scan3A_104 = arith.constant 21 : i32
    %scan3A_105 = arith.addi %scan3A_103, %scan3A_104 : i32
    %scan3A_106 = arith.constant 1 : i32
    scf.for %scan3A_148 = %scan3A_103 to %scan3A_105 step %scan3A_106  : i32 {
      %mul3A_149 = arith.constant 16 : i32
      %mul3A_150 = arith.muli %scan3A_148, %mul3A_149 : i32
      %swap3A = arith.index_cast %mul3A_150 : i32 to index
      %swap3A_151 = tpu.vector_load %arg8[%swap3A] {strides = array<i32>} : memref<336xf32, #tpu.memory_space<vmem>>, vector<16xf32>,
      %swap3A_152 = vector.shape_cast %swap3A_151 : vector<16xf32> to vector<16xf32>
      %swap3A_153 = vector.shape_cast %broadcast_in_dim3A_10 : vector<16xf32> to vector<16xf32>
      tpu.vector_store %arg8[%swap3A], %swap3A_153 {strides = array<i32>} : memref<336xf32, #tpu.memory_space<vmem>>, vector<16xf32>,
    }
    %scan3A_107 = arith.constant 21 : i32
    %sub3A_108 = arith.subi %select_n3A_95, %select_n3A : i32
    %add3A_109 = arith.constant 1 : i32
    %add3A_110 = arith.addi %sub3A_108, %add3A_109 : i32
    %jit3A_111 = arith.constant 2 : i32
    %div3A_112 = arith.divsi %add3A_110, %jit3A_111 : i32
    %sign3A_113 = arith.constant 0 : i32
    %sign3A_114 = arith.cmpi sgt, %add3A_110, %sign3A_113 : i32
    %sign3A_115 = arith.extui %sign3A_114 : i1 to i32
    %sign3A_116 = arith.constant 0 : i32
    %sign3A_117 = arith.cmpi slt, %add3A_110, %sign3A_116 : i32
    %sign3A_118 = arith.extui %sign3A_117 : i1 to i32
    %sign3A_119 = arith.subi %sign3A_115, %sign3A_118 : i32
    %sign3A_120 = arith.constant 0 : i32
    %sign3A_121 = arith.cmpi sgt, %jit3A_111, %sign3A_120 : i32
    %sign3A_122 = arith.extui %sign3A_121 : i1 to i32
    %sign3A_123 = arith.constant 0 : i32
    %sign3A_124 = arith.cmpi slt, %jit3A_111, %sign3A_123 : i32
    %sign3A_125 = arith.extui %sign3A_124 : i1 to i32
    %sign3A_126 = arith.subi %sign3A_122, %sign3A_125 : i32
    %ne3A_127 = arith.cmpi ne, %sign3A_119, %sign3A_126 : i32
    %rem3A_128 = arith.remsi %add3A_110, %jit3A_111 : i32
    %ne3A_129 = arith.constant 0 : i32
    %ne3A_130 = arith.cmpi ne, %rem3A_128, %ne3A_129 : i32
    %and3A_131 = arith.andi %ne3A_127, %ne3A_130 : i1
    %sub3A_132 = arith.constant 1 : i32
    %sub3A_133 = arith.subi %div3A_112, %sub3A_132 : i32
    %select_n3A_134 = arith.select %and3A_131, %sub3A_133, %div3A_112 : i32
    %while3A = arith.constant 0 : i32
    %while3A_135 = arith.constant 0 : i32
    %while3A_136 = arith.subi %select_n3A_134, %while3A : i32
    %while3A_137 = arith.addi %while3A, %while3A_136 : i32
    %while3A_138 = arith.constant 1 : i32
    %while3A_139 = arith.divsi %while3A_136, %while3A_138 : i32
    %while3A_140 = arith.muli %while3A_139, %while3A_138 : i32
    %while3A_141 = arith.addi %while3A, %while3A_140 : i32
    %while3A_142 = arith.constant 1 : i32
    %while3A_143 = scf.for %while3A_148 = %while3A to %while3A_141 step %while3A_142 iter_args(%while3A_149 = %while3A_135) -> (i32)  : i32 {
      %mul3A_150 = arith.constant 2 : i32
      %mul3A_151 = arith.muli %while3A_148, %mul3A_150 : i32
      %add3A_152 = arith.addi %select_n3A, %mul3A_151 : i32
      %add3A_153 = arith.constant 0 : i32
      %add3A_154 = arith.addi %add3A_152, %add3A_153 : i32
      %lt3A_155 = arith.cmpi slt, %add3A_154, %select_n3A_95 : i32
      %convert_element_type3A_156 = arith.extui %lt3A_155 : i1 to i32
      %cond3A_157 = arith.constant 0 : i32
      %cond3A_158 = arith.cmpi ne, %convert_element_type3A_156, %cond3A_157 : i32
      scf.if %cond3A_158 {
        %mul3A_258 = arith.constant 256 : i32
        %mul3A_259 = arith.muli %add3A_154, %mul3A_258 : i32
        %mul3A_260 = arith.constant 128 : i32
        %mul3A_261 = arith.muli %mul3A_259, %mul3A_260 : i32
        %dma_wait3A = tpu.memref_slice %arg2[%mul3A_261] : memref<40960000xf32, #tpu.memory_space<hbm>> -> memref<32768xf32, #tpu.memory_space<hbm>>
        %dma_wait3A_262 = tpu.memref_slice %arg2[%mul3A_261] : memref<40960000xf32, #tpu.memory_space<hbm>> -> memref<32768xf32, #tpu.memory_space<hbm>>
        tpu.wait_dma2 semaphore(%arg13 : memref<!tpu.dma_semaphore, #tpu.memory_space<semaphore_mem>>) src(%dma_wait3A_262 : memref<32768xf32, #tpu.memory_space<hbm>>) dst(%arg11 : memref<32768xf32, #tpu.memory_space<vmem>>)
      } else {
      }
      %add3A_159 = arith.constant 1 : i32
      %add3A_160 = arith.addi %add3A_154, %add3A_159 : i32
      %lt3A_161 = arith.cmpi slt, %add3A_160, %select_n3A_95 : i32
      %convert_element_type3A_162 = arith.extui %lt3A_161 : i1 to i32
      %cond3A_163 = arith.constant 0 : i32
      %cond3A_164 = arith.cmpi ne, %convert_element_type3A_162, %cond3A_163 : i32
      scf.if %cond3A_164 {
        %add3A_258 = arith.constant 1 : i32
        %add3A_259 = arith.addi %add3A_154, %add3A_258 : i32
        %mul3A_260 = arith.constant 256 : i32
        %mul3A_261 = arith.muli %add3A_259, %mul3A_260 : i32
        %mul3A_262 = arith.constant 128 : i32
        %mul3A_263 = arith.muli %mul3A_261, %mul3A_262 : i32
        %dma_start3A = tpu.memref_slice %arg2[%mul3A_263] : memref<40960000xf32, #tpu.memory_space<hbm>> -> memref<32768xf32, #tpu.memory_space<hbm>>
        %dma_start3A_264 = tpu.memref_slice %arg2[%mul3A_263] : memref<40960000xf32, #tpu.memory_space<hbm>> -> memref<32768xf32, #tpu.memory_space<hbm>>
        tpu.enqueue_dma source(%dma_start3A_264 : memref<32768xf32, #tpu.memory_space<hbm>>) target(%arg12 : memref<32768xf32, #tpu.memory_space<vmem>>) target_semaphore(%arg14 : memref<!tpu.dma_semaphore, #tpu.memory_space<semaphore_mem>>)
      } else {
      }
      %mul3A_165 = arith.constant 256 : i32
      %mul3A_166 = arith.muli %add3A_154, %mul3A_165 : i32
      %jit3A_167 = arith.constant 0 : i32
      %select_n3A_168 = arith.select %lt3A_155, %mul3A_166, %jit3A_167 : i32
      %sub3A_169 = arith.subi %squeeze3A, %select_n3A_168 : i32
      %max3A = arith.constant 0 : i32
      %max3A_170 = arith.maxsi %sub3A_169, %max3A : i32
      %jit3A_171 = arith.constant 0 : i32
      %select_n3A_172 = arith.select %lt3A_155, %max3A_170, %jit3A_171 : i32
      %sub3A_173 = arith.subi %squeeze3A_9, %select_n3A_168 : i32
      %min3A = arith.constant 256 : i32
      %min3A_174 = arith.minsi %sub3A_173, %min3A : i32
      %jit3A_175 = arith.constant 0 : i32
      %select_n3A_176 = arith.select %lt3A_155, %min3A_174, %jit3A_175 : i32
      %add3A_177 = arith.addi %select_n3A_168, %select_n3A_176 : i32
      %sub3A_178 = arith.constant 1 : i32
      %sub3A_179 = arith.subi %add3A_177, %sub3A_178 : i32
      %scan3A_180 = arith.constant 0 : i32
      %scan3A_181 = arith.constant 321 : i32
      %scan3A_182 = arith.constant 0 : i32
      %scan3A_183 = arith.constant 9 : i32
      %scan3A_184 = arith.addi %scan3A_182, %scan3A_183 : i32
      %scan3A_185 = arith.constant 1 : i32
      %scan3A_186:2 = scf.for %scan3A_258 = %scan3A_182 to %scan3A_184 step %scan3A_185 iter_args(%scan3A_259 = %scan3A_180, %scan3A_260 = %scan3A_181) -> (i32, i32)  : i32 {
        %add3A_261 = arith.addi %scan3A_259, %scan3A_260 : i32
        %jit3A_262 = arith.constant 2 : i32
        %div3A_263 = arith.divsi %add3A_261, %jit3A_262 : i32
        %sign3A_264 = arith.constant 0 : i32
        %sign3A_265 = arith.cmpi sgt, %add3A_261, %sign3A_264 : i32
        %sign3A_266 = arith.extui %sign3A_265 : i1 to i32
        %sign3A_267 = arith.constant 0 : i32
        %sign3A_268 = arith.cmpi slt, %add3A_261, %sign3A_267 : i32
        %sign3A_269 = arith.extui %sign3A_268 : i1 to i32
        %sign3A_270 = arith.subi %sign3A_266, %sign3A_269 : i32
        %sign3A_271 = arith.constant 0 : i32
        %sign3A_272 = arith.cmpi sgt, %jit3A_262, %sign3A_271 : i32
        %sign3A_273 = arith.extui %sign3A_272 : i1 to i32
        %sign3A_274 = arith.constant 0 : i32
        %sign3A_275 = arith.cmpi slt, %jit3A_262, %sign3A_274 : i32
        %sign3A_276 = arith.extui %sign3A_275 : i1 to i32
        %sign3A_277 = arith.subi %sign3A_273, %sign3A_276 : i32
        %ne3A_278 = arith.cmpi ne, %sign3A_270, %sign3A_277 : i32
        %rem3A_279 = arith.remsi %add3A_261, %jit3A_262 : i32
        %ne3A_280 = arith.constant 0 : i32
        %ne3A_281 = arith.cmpi ne, %rem3A_279, %ne3A_280 : i32
        %and3A_282 = arith.andi %ne3A_278, %ne3A_281 : i1
        %sub3A_283 = arith.constant 1 : i32
        %sub3A_284 = arith.subi %div3A_263, %sub3A_283 : i32
        %select_n3A_285 = arith.select %and3A_282, %sub3A_284, %div3A_263 : i32
        %get3A_286 = arith.index_cast %select_n3A_285 : i32 to index
        %get3A_287 = tpu.vector_load %arg9[%get3A_286] {strides = array<i32>} : memref<352xi32, #tpu.memory_space<vmem>>, vector<16xi32>,
        %get3A_288 = vector.shape_cast %get3A_287 : vector<16xi32> to vector<16xi32>
        %slice3A_289 = vector.extract_strided_slice %get3A_288 {offsets = [0], sizes = [1], strides = [1]} : vector<16xi32> to vector<1xi32>
        %squeeze3A_290 = vector.extract %slice3A_289[0] : i32 from vector<1xi32>
        %lt3A_291 = arith.cmpi slt, %scan3A_259, %scan3A_260 : i32
        %le3A = arith.cmpi sle, %squeeze3A_290, %sub3A_179 : i32
        %and3A_292 = arith.andi %lt3A_291, %le3A : i1
        %add3A_293 = arith.constant 1 : i32
        %add3A_294 = arith.addi %select_n3A_285, %add3A_293 : i32
        %select_n3A_295 = arith.select %and3A_292, %add3A_294, %scan3A_259 : i32
        %gt3A = arith.cmpi sgt, %squeeze3A_290, %sub3A_179 : i32
        %and3A_296 = arith.andi %lt3A_291, %gt3A : i1
        %select_n3A_297 = arith.select %and3A_296, %select_n3A_285, %scan3A_260 : i32
        scf.yield %select_n3A_295, %select_n3A_297 : i32, i32
      }
      %scan3A_187 = arith.constant 9 : i32
      %sub3A_188 = arith.constant 1 : i32
      %sub3A_189 = arith.subi %scan3A_186#0, %sub3A_188 : i32
      %add3A_190 = arith.constant 1 : i32
      %add3A_191 = arith.addi %sub3A_189, %add3A_190 : i32
      %max3A_192 = arith.maxsi %while3A_149, %add3A_191 : i32
      %while3A_193 = arith.constant 0 : i32
      %while3A_194 = arith.subi %max3A_192, %while3A_149 : i32
      %while3A_195 = arith.addi %while3A_149, %while3A_194 : i32
      %while3A_196 = arith.constant 1 : i32
      %while3A_197 = arith.divsi %while3A_194, %while3A_196 : i32
      %while3A_198 = arith.muli %while3A_197, %while3A_196 : i32
      %while3A_199 = arith.addi %while3A_149, %while3A_198 : i32
      %while3A_200 = arith.constant 1 : i32
      scf.for %while3A_258 = %while3A_149 to %while3A_199 step %while3A_200  : i32 {
        %get3A_259 = arith.index_cast %while3A_258 : i32 to index
        %get3A_260 = tpu.vector_load %arg9[%get3A_259] {strides = array<i32>} : memref<352xi32, #tpu.memory_space<vmem>>, vector<16xi32>,
        %get3A_261 = vector.shape_cast %get3A_260 : vector<16xi32> to vector<16xi32>
        %slice3A_262 = vector.extract_strided_slice %get3A_261 {offsets = [0], sizes = [1], strides = [1]} : vector<16xi32> to vector<1xi32>
        %squeeze3A_263 = vector.extract %slice3A_262[0] : i32 from vector<1xi32>
        %add3A_264 = arith.constant 1 : i32
        %add3A_265 = arith.addi %while3A_258, %add3A_264 : i32
        %get3A_266 = arith.index_cast %add3A_265 : i32 to index
        %get3A_267 = tpu.vector_load %arg9[%get3A_266] {strides = array<i32>} : memref<352xi32, #tpu.memory_space<vmem>>, vector<16xi32>,
        %get3A_268 = vector.shape_cast %get3A_267 : vector<16xi32> to vector<16xi32>
        %slice3A_269 = vector.extract_strided_slice %get3A_268 {offsets = [0], sizes = [1], strides = [1]} : vector<16xi32> to vector<1xi32>
        %squeeze3A_270 = vector.extract %slice3A_269[0] : i32 from vector<1xi32>
        %sub3A_271 = arith.subi %squeeze3A_263, %select_n3A_168 : i32
        %max3A_272 = arith.maxsi %sub3A_271, %select_n3A_172 : i32
        %sub3A_273 = arith.subi %squeeze3A_270, %select_n3A_168 : i32
        %min3A_274 = arith.minsi %sub3A_273, %select_n3A_176 : i32
        %max3A_275 = arith.maxsi %max3A_272, %min3A_274 : i32
        %while3A_276 = arith.subi %max3A_275, %max3A_272 : i32
        %while3A_277 = arith.addi %max3A_272, %while3A_276 : i32
        %while3A_278 = arith.constant 1 : i32
        %while3A_279 = arith.divsi %while3A_276, %while3A_278 : i32
        %while3A_280 = arith.muli %while3A_279, %while3A_278 : i32
        %while3A_281 = arith.addi %max3A_272, %while3A_280 : i32
        %while3A_282 = arith.constant 1 : i32
        %while3A_283:9 = scf.for %while3A_391 = %max3A_272 to %while3A_281 step %while3A_282 iter_args(%while3A_392 = %broadcast_in_dim3A_10, %while3A_393 = %broadcast_in_dim3A_10, %while3A_394 = %broadcast_in_dim3A_10, %while3A_395 = %broadcast_in_dim3A_10, %while3A_396 = %broadcast_in_dim3A_10, %while3A_397 = %broadcast_in_dim3A_10, %while3A_398 = %broadcast_in_dim3A_10, %while3A_399 = %broadcast_in_dim3A_10, %while3A_400 = %broadcast_in_dim3A_10) -> (vector<16xf32>, vector<16xf32>, vector<16xf32>, vector<16xf32>, vector<16xf32>, vector<16xf32>, vector<16xf32>, vector<16xf32>, vector<16xf32>)  : i32 {
          %mul3A_401 = arith.constant 128 : i32
          %mul3A_402 = arith.muli %while3A_391, %mul3A_401 : i32
          %add3A_403 = arith.constant 0 : i32
          %add3A_404 = arith.addi %mul3A_402, %add3A_403 : i32
          %get3A_405 = arith.index_cast %add3A_404 : i32 to index
          %get3A_406 = tpu.vector_load %arg11[%get3A_405] {strides = array<i32>} : memref<32768xf32, #tpu.memory_space<vmem>>, vector<16xf32>,
          %get3A_407 = vector.shape_cast %get3A_406 : vector<16xf32> to vector<16xf32>
          %mul3A_408 = arith.constant 128 : i32
          %mul3A_409 = arith.muli %while3A_391, %mul3A_408 : i32
          %add3A_410 = arith.constant 16 : i32
          %add3A_411 = arith.addi %mul3A_409, %add3A_410 : i32
          %get3A_412 = arith.index_cast %add3A_411 : i32 to index
          %get3A_413 = tpu.vector_load %arg11[%get3A_412] {strides = array<i32>} : memref<32768xf32, #tpu.memory_space<vmem>>, vector<16xf32>,
          %get3A_414 = vector.shape_cast %get3A_413 : vector<16xf32> to vector<16xf32>
          %mul3A_415 = arith.constant 128 : i32
          %mul3A_416 = arith.muli %while3A_391, %mul3A_415 : i32
          %add3A_417 = arith.constant 32 : i32
          %add3A_418 = arith.addi %mul3A_416, %add3A_417 : i32
          %get3A_419 = arith.index_cast %add3A_418 : i32 to index
          %get3A_420 = tpu.vector_load %arg11[%get3A_419] {strides = array<i32>} : memref<32768xf32, #tpu.memory_space<vmem>>, vector<16xf32>,
          %get3A_421 = vector.shape_cast %get3A_420 : vector<16xf32> to vector<16xf32>
          %mul3A_422 = arith.constant 128 : i32
          %mul3A_423 = arith.muli %while3A_391, %mul3A_422 : i32
          %add3A_424 = arith.constant 48 : i32
          %add3A_425 = arith.addi %mul3A_423, %add3A_424 : i32
          %get3A_426 = arith.index_cast %add3A_425 : i32 to index
          %get3A_427 = tpu.vector_load %arg11[%get3A_426] {strides = array<i32>} : memref<32768xf32, #tpu.memory_space<vmem>>, vector<16xf32>,
          %get3A_428 = vector.shape_cast %get3A_427 : vector<16xf32> to vector<16xf32>
          %mul3A_429 = arith.constant 128 : i32
          %mul3A_430 = arith.muli %while3A_391, %mul3A_429 : i32
          %add3A_431 = arith.constant 64 : i32
          %add3A_432 = arith.addi %mul3A_430, %add3A_431 : i32
          %get3A_433 = arith.index_cast %add3A_432 : i32 to index
          %get3A_434 = tpu.vector_load %arg11[%get3A_433] {strides = array<i32>} : memref<32768xf32, #tpu.memory_space<vmem>>, vector<16xf32>,
          %get3A_435 = vector.shape_cast %get3A_434 : vector<16xf32> to vector<16xf32>
          %mul3A_436 = arith.constant 128 : i32
          %mul3A_437 = arith.muli %while3A_391, %mul3A_436 : i32
          %add3A_438 = arith.constant 80 : i32
          %add3A_439 = arith.addi %mul3A_437, %add3A_438 : i32
          %get3A_440 = arith.index_cast %add3A_439 : i32 to index
          %get3A_441 = tpu.vector_load %arg11[%get3A_440] {strides = array<i32>} : memref<32768xf32, #tpu.memory_space<vmem>>, vector<16xf32>,
          %get3A_442 = vector.shape_cast %get3A_441 : vector<16xf32> to vector<16xf32>
          %mul3A_443 = arith.constant 128 : i32
          %mul3A_444 = arith.muli %while3A_391, %mul3A_443 : i32
          %add3A_445 = arith.constant 96 : i32
          %add3A_446 = arith.addi %mul3A_444, %add3A_445 : i32
          %get3A_447 = arith.index_cast %add3A_446 : i32 to index
          %get3A_448 = tpu.vector_load %arg11[%get3A_447] {strides = array<i32>} : memref<32768xf32, #tpu.memory_space<vmem>>, vector<16xf32>,
          %get3A_449 = vector.shape_cast %get3A_448 : vector<16xf32> to vector<16xf32>
          %mul3A_450 = arith.constant 128 : i32
          %mul3A_451 = arith.muli %while3A_391, %mul3A_450 : i32
          %add3A_452 = arith.constant 112 : i32
          %add3A_453 = arith.addi %mul3A_451, %add3A_452 : i32
          %get3A_454 = arith.index_cast %add3A_453 : i32 to index
          %get3A_455 = tpu.vector_load %arg11[%get3A_454] {strides = array<i32>} : memref<32768xf32, #tpu.memory_space<vmem>>, vector<16xf32>,
          %get3A_456 = vector.shape_cast %get3A_455 : vector<16xf32> to vector<16xf32>
          %mul3A_457 = arith.mulf %get3A_407, %get3A_15 : vector<16xf32>
          %mul3A_458 = arith.mulf %get3A_414, %get3A_18 : vector<16xf32>
          %add3A_459 = arith.addf %mul3A_457, %mul3A_458 : vector<16xf32>
          %mul3A_460 = arith.mulf %get3A_421, %get3A_21 : vector<16xf32>
          %add3A_461 = arith.addf %add3A_459, %mul3A_460 : vector<16xf32>
          %mul3A_462 = arith.mulf %get3A_428, %get3A_24 : vector<16xf32>
          %add3A_463 = arith.addf %add3A_461, %mul3A_462 : vector<16xf32>
          %mul3A_464 = arith.mulf %get3A_435, %get3A_27 : vector<16xf32>
          %add3A_465 = arith.addf %add3A_463, %mul3A_464 : vector<16xf32>
          %mul3A_466 = arith.mulf %get3A_442, %get3A_30 : vector<16xf32>
          %add3A_467 = arith.addf %add3A_465, %mul3A_466 : vector<16xf32>
          %mul3A_468 = arith.mulf %get3A_449, %get3A_33 : vector<16xf32>
          %add3A_469 = arith.addf %add3A_467, %mul3A_468 : vector<16xf32>
          %mul3A_470 = arith.mulf %get3A_456, %get3A_36 : vector<16xf32>
          %add3A_471 = arith.addf %add3A_469, %mul3A_470 : vector<16xf32>
          %lt3A_472 = arith.constant 0 : i32
          %lt3A_473 = vector.broadcast %lt3A_472 : i32 to vector<16xi32>
          %lt3A_474 = arith.cmpi slt, %xor3A_39, %lt3A_473 : vector<16xi32>
          %add3A_475 = arith.constant 16 : i32
          %add3A_476 = vector.broadcast %add3A_475 : i32 to vector<16xi32>
          %add3A_477 = arith.addi %xor3A_39, %add3A_476 : vector<16xi32>
          %select_n3A_478 = arith.select %lt3A_474, %add3A_477, %xor3A_39 : vector<16xi1>, vector<16xi32>
          %broadcast_in_dim3A_479 = vector.shape_cast %select_n3A_478 : vector<16xi32> to vector<16x1xi32>
          %gather3A = vector.shape_cast %broadcast_in_dim3A_479 : vector<16x1xi32> to vector<16xi32>
          %gather3A_480 = tpu.dynamic_gather %add3A_471[%gather3A] in [0] : vector<16xf32>, vector<16xi32> -> vector<16xf32>
          %add3A_481 = arith.addf %add3A_471, %gather3A_480 : vector<16xf32>
          %lt3A_482 = arith.constant 0 : i32
          %lt3A_483 = vector.broadcast %lt3A_482 : i32 to vector<16xi32>
          %lt3A_484 = arith.cmpi slt, %xor3A_43, %lt3A_483 : vector<16xi32>
          %add3A_485 = arith.constant 16 : i32
          %add3A_486 = vector.broadcast %add3A_485 : i32 to vector<16xi32>
          %add3A_487 = arith.addi %xor3A_43, %add3A_486 : vector<16xi32>
          %select_n3A_488 = arith.select %lt3A_484, %add3A_487, %xor3A_43 : vector<16xi1>, vector<16xi32>
          %broadcast_in_dim3A_489 = vector.shape_cast %select_n3A_488 : vector<16xi32> to vector<16x1xi32>
          %gather3A_490 = vector.shape_cast %broadcast_in_dim3A_489 : vector<16x1xi32> to vector<16xi32>
          %gather3A_491 = tpu.dynamic_gather %add3A_481[%gather3A_490] in [0] : vector<16xf32>, vector<16xi32> -> vector<16xf32>
          %add3A_492 = arith.addf %add3A_481, %gather3A_491 : vector<16xf32>
          %lt3A_493 = arith.constant 0 : i32
          %lt3A_494 = vector.broadcast %lt3A_493 : i32 to vector<16xi32>
          %lt3A_495 = arith.cmpi slt, %xor3A_47, %lt3A_494 : vector<16xi32>
          %add3A_496 = arith.constant 16 : i32
          %add3A_497 = vector.broadcast %add3A_496 : i32 to vector<16xi32>
          %add3A_498 = arith.addi %xor3A_47, %add3A_497 : vector<16xi32>
          %select_n3A_499 = arith.select %lt3A_495, %add3A_498, %xor3A_47 : vector<16xi1>, vector<16xi32>
          %broadcast_in_dim3A_500 = vector.shape_cast %select_n3A_499 : vector<16xi32> to vector<16x1xi32>
          %gather3A_501 = vector.shape_cast %broadcast_in_dim3A_500 : vector<16x1xi32> to vector<16xi32>
          %gather3A_502 = tpu.dynamic_gather %add3A_492[%gather3A_501] in [0] : vector<16xf32>, vector<16xi32> -> vector<16xf32>
          %add3A_503 = arith.addf %add3A_492, %gather3A_502 : vector<16xf32>
          %lt3A_504 = arith.constant 0 : i32
          %lt3A_505 = vector.broadcast %lt3A_504 : i32 to vector<16xi32>
          %lt3A_506 = arith.cmpi slt, %xor3A_51, %lt3A_505 : vector<16xi32>
          %add3A_507 = arith.constant 16 : i32
          %add3A_508 = vector.broadcast %add3A_507 : i32 to vector<16xi32>
          %add3A_509 = arith.addi %xor3A_51, %add3A_508 : vector<16xi32>
          %select_n3A_510 = arith.select %lt3A_506, %add3A_509, %xor3A_51 : vector<16xi1>, vector<16xi32>
          %broadcast_in_dim3A_511 = vector.shape_cast %select_n3A_510 : vector<16xi32> to vector<16x1xi32>
          %gather3A_512 = vector.shape_cast %broadcast_in_dim3A_511 : vector<16x1xi32> to vector<16xi32>
          %gather3A_513 = tpu.dynamic_gather %add3A_503[%gather3A_512] in [0] : vector<16xf32>, vector<16xi32> -> vector<16xf32>
          %add3A_514 = arith.addf %add3A_503, %gather3A_513 : vector<16xf32>
          %exp3A = math.exp %add3A_514 : vector<16xf32>
          %jit3A_515 = arith.constant 0.000000e+00 : f32
          %broadcast_in_dim3A_516 = vector.broadcast %jit3A_515 : f32 to vector<16xf32>
          %select_n3A_517 = arith.select %eq3A_12, %exp3A, %broadcast_in_dim3A_516 : vector<16xi1>, vector<16xf32>
          %add3A_518 = arith.addf %while3A_392, %select_n3A_517 : vector<16xf32>
          %mul3A_519 = arith.mulf %exp3A, %get3A_407 : vector<16xf32>
          %add3A_520 = arith.addf %while3A_393, %mul3A_519 : vector<16xf32>
          %mul3A_521 = arith.mulf %exp3A, %get3A_414 : vector<16xf32>
          %add3A_522 = arith.addf %while3A_394, %mul3A_521 : vector<16xf32>
          %mul3A_523 = arith.mulf %exp3A, %get3A_421 : vector<16xf32>
          %add3A_524 = arith.addf %while3A_395, %mul3A_523 : vector<16xf32>
          %mul3A_525 = arith.mulf %exp3A, %get3A_428 : vector<16xf32>
          %add3A_526 = arith.addf %while3A_396, %mul3A_525 : vector<16xf32>
          %mul3A_527 = arith.mulf %exp3A, %get3A_435 : vector<16xf32>
          %add3A_528 = arith.addf %while3A_397, %mul3A_527 : vector<16xf32>
          %mul3A_529 = arith.mulf %exp3A, %get3A_442 : vector<16xf32>
          %add3A_530 = arith.addf %while3A_398, %mul3A_529 : vector<16xf32>
          %mul3A_531 = arith.mulf %exp3A, %get3A_449 : vector<16xf32>
          %add3A_532 = arith.addf %while3A_399, %mul3A_531 : vector<16xf32>
          %mul3A_533 = arith.mulf %exp3A, %get3A_456 : vector<16xf32>
          %add3A_534 = arith.addf %while3A_400, %mul3A_533 : vector<16xf32>
          scf.yield %add3A_518, %add3A_520, %add3A_522, %add3A_524, %add3A_526, %add3A_528, %add3A_530, %add3A_532, %add3A_534 : vector<16xf32>, vector<16xf32>, vector<16xf32>, vector<16xf32>, vector<16xf32>, vector<16xf32>, vector<16xf32>, vector<16xf32>, vector<16xf32>
        }
        %while3A_284 = arith.constant 1 : i32
        %while3A_285:9 = scf.for %while3A_391 = %while3A_281 to %while3A_277 step %while3A_284 iter_args(%while3A_392 = %while3A_283#0, %while3A_393 = %while3A_283#1, %while3A_394 = %while3A_283#2, %while3A_395 = %while3A_283#3, %while3A_396 = %while3A_283#4, %while3A_397 = %while3A_283#5, %while3A_398 = %while3A_283#6, %while3A_399 = %while3A_283#7, %while3A_400 = %while3A_283#8) -> (vector<16xf32>, vector<16xf32>, vector<16xf32>, vector<16xf32>, vector<16xf32>, vector<16xf32>, vector<16xf32>, vector<16xf32>, vector<16xf32>)  : i32 {
          %mul3A_401 = arith.constant 128 : i32
          %mul3A_402 = arith.muli %while3A_391, %mul3A_401 : i32
          %add3A_403 = arith.constant 0 : i32
          %add3A_404 = arith.addi %mul3A_402, %add3A_403 : i32
          %get3A_405 = arith.index_cast %add3A_404 : i32 to index
          %get3A_406 = tpu.vector_load %arg11[%get3A_405] {strides = array<i32>} : memref<32768xf32, #tpu.memory_space<vmem>>, vector<16xf32>,
          %get3A_407 = vector.shape_cast %get3A_406 : vector<16xf32> to vector<16xf32>
          %mul3A_408 = arith.constant 128 : i32
          %mul3A_409 = arith.muli %while3A_391, %mul3A_408 : i32
          %add3A_410 = arith.constant 16 : i32
          %add3A_411 = arith.addi %mul3A_409, %add3A_410 : i32
          %get3A_412 = arith.index_cast %add3A_411 : i32 to index
          %get3A_413 = tpu.vector_load %arg11[%get3A_412] {strides = array<i32>} : memref<32768xf32, #tpu.memory_space<vmem>>, vector<16xf32>,
          %get3A_414 = vector.shape_cast %get3A_413 : vector<16xf32> to vector<16xf32>
          %mul3A_415 = arith.constant 128 : i32
          %mul3A_416 = arith.muli %while3A_391, %mul3A_415 : i32
          %add3A_417 = arith.constant 32 : i32
          %add3A_418 = arith.addi %mul3A_416, %add3A_417 : i32
          %get3A_419 = arith.index_cast %add3A_418 : i32 to index
          %get3A_420 = tpu.vector_load %arg11[%get3A_419] {strides = array<i32>} : memref<32768xf32, #tpu.memory_space<vmem>>, vector<16xf32>,
          %get3A_421 = vector.shape_cast %get3A_420 : vector<16xf32> to vector<16xf32>
          %mul3A_422 = arith.constant 128 : i32
          %mul3A_423 = arith.muli %while3A_391, %mul3A_422 : i32
          %add3A_424 = arith.constant 48 : i32
          %add3A_425 = arith.addi %mul3A_423, %add3A_424 : i32
          %get3A_426 = arith.index_cast %add3A_425 : i32 to index
          %get3A_427 = tpu.vector_load %arg11[%get3A_426] {strides = array<i32>} : memref<32768xf32, #tpu.memory_space<vmem>>, vector<16xf32>,
          %get3A_428 = vector.shape_cast %get3A_427 : vector<16xf32> to vector<16xf32>
          %mul3A_429 = arith.constant 128 : i32
          %mul3A_430 = arith.muli %while3A_391, %mul3A_429 : i32
          %add3A_431 = arith.constant 64 : i32
          %add3A_432 = arith.addi %mul3A_430, %add3A_431 : i32
          %get3A_433 = arith.index_cast %add3A_432 : i32 to index
          %get3A_434 = tpu.vector_load %arg11[%get3A_433] {strides = array<i32>} : memref<32768xf32, #tpu.memory_space<vmem>>, vector<16xf32>,
          %get3A_435 = vector.shape_cast %get3A_434 : vector<16xf32> to vector<16xf32>
          %mul3A_436 = arith.constant 128 : i32
          %mul3A_437 = arith.muli %while3A_391, %mul3A_436 : i32
          %add3A_438 = arith.constant 80 : i32
          %add3A_439 = arith.addi %mul3A_437, %add3A_438 : i32
          %get3A_440 = arith.index_cast %add3A_439 : i32 to index
          %get3A_441 = tpu.vector_load %arg11[%get3A_440] {strides = array<i32>} : memref<32768xf32, #tpu.memory_space<vmem>>, vector<16xf32>,
          %get3A_442 = vector.shape_cast %get3A_441 : vector<16xf32> to vector<16xf32>
          %mul3A_443 = arith.constant 128 : i32
          %mul3A_444 = arith.muli %while3A_391, %mul3A_443 : i32
          %add3A_445 = arith.constant 96 : i32
          %add3A_446 = arith.addi %mul3A_444, %add3A_445 : i32
          %get3A_447 = arith.index_cast %add3A_446 : i32 to index
          %get3A_448 = tpu.vector_load %arg11[%get3A_447] {strides = array<i32>} : memref<32768xf32, #tpu.memory_space<vmem>>, vector<16xf32>,
          %get3A_449 = vector.shape_cast %get3A_448 : vector<16xf32> to vector<16xf32>
          %mul3A_450 = arith.constant 128 : i32
          %mul3A_451 = arith.muli %while3A_391, %mul3A_450 : i32
          %add3A_452 = arith.constant 112 : i32
          %add3A_453 = arith.addi %mul3A_451, %add3A_452 : i32
          %get3A_454 = arith.index_cast %add3A_453 : i32 to index
          %get3A_455 = tpu.vector_load %arg11[%get3A_454] {strides = array<i32>} : memref<32768xf32, #tpu.memory_space<vmem>>, vector<16xf32>,
          %get3A_456 = vector.shape_cast %get3A_455 : vector<16xf32> to vector<16xf32>
          %mul3A_457 = arith.mulf %get3A_407, %get3A_15 : vector<16xf32>
          %mul3A_458 = arith.mulf %get3A_414, %get3A_18 : vector<16xf32>
          %add3A_459 = arith.addf %mul3A_457, %mul3A_458 : vector<16xf32>
          %mul3A_460 = arith.mulf %get3A_421, %get3A_21 : vector<16xf32>
          %add3A_461 = arith.addf %add3A_459, %mul3A_460 : vector<16xf32>
          %mul3A_462 = arith.mulf %get3A_428, %get3A_24 : vector<16xf32>
          %add3A_463 = arith.addf %add3A_461, %mul3A_462 : vector<16xf32>
          %mul3A_464 = arith.mulf %get3A_435, %get3A_27 : vector<16xf32>
          %add3A_465 = arith.addf %add3A_463, %mul3A_464 : vector<16xf32>
          %mul3A_466 = arith.mulf %get3A_442, %get3A_30 : vector<16xf32>
          %add3A_467 = arith.addf %add3A_465, %mul3A_466 : vector<16xf32>
          %mul3A_468 = arith.mulf %get3A_449, %get3A_33 : vector<16xf32>
          %add3A_469 = arith.addf %add3A_467, %mul3A_468 : vector<16xf32>
          %mul3A_470 = arith.mulf %get3A_456, %get3A_36 : vector<16xf32>
          %add3A_471 = arith.addf %add3A_469, %mul3A_470 : vector<16xf32>
          %lt3A_472 = arith.constant 0 : i32
          %lt3A_473 = vector.broadcast %lt3A_472 : i32 to vector<16xi32>
          %lt3A_474 = arith.cmpi slt, %xor3A_39, %lt3A_473 : vector<16xi32>
          %add3A_475 = arith.constant 16 : i32
          %add3A_476 = vector.broadcast %add3A_475 : i32 to vector<16xi32>
          %add3A_477 = arith.addi %xor3A_39, %add3A_476 : vector<16xi32>
          %select_n3A_478 = arith.select %lt3A_474, %add3A_477, %xor3A_39 : vector<16xi1>, vector<16xi32>
          %broadcast_in_dim3A_479 = vector.shape_cast %select_n3A_478 : vector<16xi32> to vector<16x1xi32>
          %gather3A = vector.shape_cast %broadcast_in_dim3A_479 : vector<16x1xi32> to vector<16xi32>
          %gather3A_480 = tpu.dynamic_gather %add3A_471[%gather3A] in [0] : vector<16xf32>, vector<16xi32> -> vector<16xf32>
          %add3A_481 = arith.addf %add3A_471, %gather3A_480 : vector<16xf32>
          %lt3A_482 = arith.constant 0 : i32
          %lt3A_483 = vector.broadcast %lt3A_482 : i32 to vector<16xi32>
          %lt3A_484 = arith.cmpi slt, %xor3A_43, %lt3A_483 : vector<16xi32>
          %add3A_485 = arith.constant 16 : i32
          %add3A_486 = vector.broadcast %add3A_485 : i32 to vector<16xi32>
          %add3A_487 = arith.addi %xor3A_43, %add3A_486 : vector<16xi32>
          %select_n3A_488 = arith.select %lt3A_484, %add3A_487, %xor3A_43 : vector<16xi1>, vector<16xi32>
          %broadcast_in_dim3A_489 = vector.shape_cast %select_n3A_488 : vector<16xi32> to vector<16x1xi32>
          %gather3A_490 = vector.shape_cast %broadcast_in_dim3A_489 : vector<16x1xi32> to vector<16xi32>
          %gather3A_491 = tpu.dynamic_gather %add3A_481[%gather3A_490] in [0] : vector<16xf32>, vector<16xi32> -> vector<16xf32>
          %add3A_492 = arith.addf %add3A_481, %gather3A_491 : vector<16xf32>
          %lt3A_493 = arith.constant 0 : i32
          %lt3A_494 = vector.broadcast %lt3A_493 : i32 to vector<16xi32>
          %lt3A_495 = arith.cmpi slt, %xor3A_47, %lt3A_494 : vector<16xi32>
          %add3A_496 = arith.constant 16 : i32
          %add3A_497 = vector.broadcast %add3A_496 : i32 to vector<16xi32>
          %add3A_498 = arith.addi %xor3A_47, %add3A_497 : vector<16xi32>
          %select_n3A_499 = arith.select %lt3A_495, %add3A_498, %xor3A_47 : vector<16xi1>, vector<16xi32>
          %broadcast_in_dim3A_500 = vector.shape_cast %select_n3A_499 : vector<16xi32> to vector<16x1xi32>
          %gather3A_501 = vector.shape_cast %broadcast_in_dim3A_500 : vector<16x1xi32> to vector<16xi32>
          %gather3A_502 = tpu.dynamic_gather %add3A_492[%gather3A_501] in [0] : vector<16xf32>, vector<16xi32> -> vector<16xf32>
          %add3A_503 = arith.addf %add3A_492, %gather3A_502 : vector<16xf32>
          %lt3A_504 = arith.constant 0 : i32
          %lt3A_505 = vector.broadcast %lt3A_504 : i32 to vector<16xi32>
          %lt3A_506 = arith.cmpi slt, %xor3A_51, %lt3A_505 : vector<16xi32>
          %add3A_507 = arith.constant 16 : i32
          %add3A_508 = vector.broadcast %add3A_507 : i32 to vector<16xi32>
          %add3A_509 = arith.addi %xor3A_51, %add3A_508 : vector<16xi32>
          %select_n3A_510 = arith.select %lt3A_506, %add3A_509, %xor3A_51 : vector<16xi1>, vector<16xi32>
          %broadcast_in_dim3A_511 = vector.shape_cast %select_n3A_510 : vector<16xi32> to vector<16x1xi32>
          %gather3A_512 = vector.shape_cast %broadcast_in_dim3A_511 : vector<16x1xi32> to vector<16xi32>
          %gather3A_513 = tpu.dynamic_gather %add3A_503[%gather3A_512] in [0] : vector<16xf32>, vector<16xi32> -> vector<16xf32>
          %add3A_514 = arith.addf %add3A_503, %gather3A_513 : vector<16xf32>
          %exp3A = math.exp %add3A_514 : vector<16xf32>
          %jit3A_515 = arith.constant 0.000000e+00 : f32
          %broadcast_in_dim3A_516 = vector.broadcast %jit3A_515 : f32 to vector<16xf32>
          %select_n3A_517 = arith.select %eq3A_12, %exp3A, %broadcast_in_dim3A_516 : vector<16xi1>, vector<16xf32>
          %add3A_518 = arith.addf %while3A_392, %select_n3A_517 : vector<16xf32>
          %mul3A_519 = arith.mulf %exp3A, %get3A_407 : vector<16xf32>
          %add3A_520 = arith.addf %while3A_393, %mul3A_519 : vector<16xf32>
          %mul3A_521 = arith.mulf %exp3A, %get3A_414 : vector<16xf32>
          %add3A_522 = arith.addf %while3A_394, %mul3A_521 : vector<16xf32>
          %mul3A_523 = arith.mulf %exp3A, %get3A_421 : vector<16xf32>
          %add3A_524 = arith.addf %while3A_395, %mul3A_523 : vector<16xf32>
          %mul3A_525 = arith.mulf %exp3A, %get3A_428 : vector<16xf32>
          %add3A_526 = arith.addf %while3A_396, %mul3A_525 : vector<16xf32>
          %mul3A_527 = arith.mulf %exp3A, %get3A_435 : vector<16xf32>
          %add3A_528 = arith.addf %while3A_397, %mul3A_527 : vector<16xf32>
          %mul3A_529 = arith.mulf %exp3A, %get3A_442 : vector<16xf32>
          %add3A_530 = arith.addf %while3A_398, %mul3A_529 : vector<16xf32>
          %mul3A_531 = arith.mulf %exp3A, %get3A_449 : vector<16xf32>
          %add3A_532 = arith.addf %while3A_399, %mul3A_531 : vector<16xf32>
          %mul3A_533 = arith.mulf %exp3A, %get3A_456 : vector<16xf32>
          %add3A_534 = arith.addf %while3A_400, %mul3A_533 : vector<16xf32>
          scf.yield %add3A_518, %add3A_520, %add3A_522, %add3A_524, %add3A_526, %add3A_528, %add3A_530, %add3A_532, %add3A_534 : vector<16xf32>, vector<16xf32>, vector<16xf32>, vector<16xf32>, vector<16xf32>, vector<16xf32>, vector<16xf32>, vector<16xf32>, vector<16xf32>
        }
        %mul3A_286 = arith.constant 128 : i32
        %mul3A_287 = arith.muli %while3A_258, %mul3A_286 : i32
        %add3A_288 = arith.constant 0 : i32
        %add3A_289 = arith.addi %mul3A_287, %add3A_288 : i32
        %get3A_290 = arith.index_cast %add3A_289 : i32 to index
        %get3A_291 = tpu.vector_load %arg7[%get3A_290] {strides = array<i32>} : memref<40960xf32, #tpu.memory_space<vmem>>, vector<16xf32>,
        %get3A_292 = vector.shape_cast %get3A_291 : vector<16xf32> to vector<16xf32>
        %add3A_293 = arith.addf %get3A_292, %while3A_285#1 : vector<16xf32>
        %add3A_294 = arith.constant 0 : i32
        %add3A_295 = arith.addi %mul3A_287, %add3A_294 : i32
        %swap3A = arith.index_cast %add3A_295 : i32 to index
        %swap3A_296 = tpu.vector_load %arg7[%swap3A] {strides = array<i32>} : memref<40960xf32, #tpu.memory_space<vmem>>, vector<16xf32>,
        %swap3A_297 = vector.shape_cast %swap3A_296 : vector<16xf32> to vector<16xf32>
        %swap3A_298 = vector.shape_cast %add3A_293 : vector<16xf32> to vector<16xf32>
        tpu.vector_store %arg7[%swap3A], %swap3A_298 {strides = array<i32>} : memref<40960xf32, #tpu.memory_space<vmem>>, vector<16xf32>,
        %add3A_299 = arith.constant 16 : i32
        %add3A_300 = arith.addi %mul3A_287, %add3A_299 : i32
        %get3A_301 = arith.index_cast %add3A_300 : i32 to index
        %get3A_302 = tpu.vector_load %arg7[%get3A_301] {strides = array<i32>} : memref<40960xf32, #tpu.memory_space<vmem>>, vector<16xf32>,
        %get3A_303 = vector.shape_cast %get3A_302 : vector<16xf32> to vector<16xf32>
        %add3A_304 = arith.addf %get3A_303, %while3A_285#2 : vector<16xf32>
        %add3A_305 = arith.constant 16 : i32
        %add3A_306 = arith.addi %mul3A_287, %add3A_305 : i32
        %swap3A_307 = arith.index_cast %add3A_306 : i32 to index
        %swap3A_308 = tpu.vector_load %arg7[%swap3A_307] {strides = array<i32>} : memref<40960xf32, #tpu.memory_space<vmem>>, vector<16xf32>,
        %swap3A_309 = vector.shape_cast %swap3A_308 : vector<16xf32> to vector<16xf32>
        %swap3A_310 = vector.shape_cast %add3A_304 : vector<16xf32> to vector<16xf32>
        tpu.vector_store %arg7[%swap3A_307], %swap3A_310 {strides = array<i32>} : memref<40960xf32, #tpu.memory_space<vmem>>, vector<16xf32>,
        %add3A_311 = arith.constant 32 : i32
        %add3A_312 = arith.addi %mul3A_287, %add3A_311 : i32
        %get3A_313 = arith.index_cast %add3A_312 : i32 to index
        %get3A_314 = tpu.vector_load %arg7[%get3A_313] {strides = array<i32>} : memref<40960xf32, #tpu.memory_space<vmem>>, vector<16xf32>,
        %get3A_315 = vector.shape_cast %get3A_314 : vector<16xf32> to vector<16xf32>
        %add3A_316 = arith.addf %get3A_315, %while3A_285#3 : vector<16xf32>
        %add3A_317 = arith.constant 32 : i32
        %add3A_318 = arith.addi %mul3A_287, %add3A_317 : i32
        %swap3A_319 = arith.index_cast %add3A_318 : i32 to index
        %swap3A_320 = tpu.vector_load %arg7[%swap3A_319] {strides = array<i32>} : memref<40960xf32, #tpu.memory_space<vmem>>, vector<16xf32>,
        %swap3A_321 = vector.shape_cast %swap3A_320 : vector<16xf32> to vector<16xf32>
        %swap3A_322 = vector.shape_cast %add3A_316 : vector<16xf32> to vector<16xf32>
        tpu.vector_store %arg7[%swap3A_319], %swap3A_322 {strides = array<i32>} : memref<40960xf32, #tpu.memory_space<vmem>>, vector<16xf32>,
        %add3A_323 = arith.constant 48 : i32
        %add3A_324 = arith.addi %mul3A_287, %add3A_323 : i32
        %get3A_325 = arith.index_cast %add3A_324 : i32 to index
        %get3A_326 = tpu.vector_load %arg7[%get3A_325] {strides = array<i32>} : memref<40960xf32, #tpu.memory_space<vmem>>, vector<16xf32>,
        %get3A_327 = vector.shape_cast %get3A_326 : vector<16xf32> to vector<16xf32>
        %add3A_328 = arith.addf %get3A_327, %while3A_285#4 : vector<16xf32>
        %add3A_329 = arith.constant 48 : i32
        %add3A_330 = arith.addi %mul3A_287, %add3A_329 : i32
        %swap3A_331 = arith.index_cast %add3A_330 : i32 to index
        %swap3A_332 = tpu.vector_load %arg7[%swap3A_331] {strides = array<i32>} : memref<40960xf32, #tpu.memory_space<vmem>>, vector<16xf32>,
        %swap3A_333 = vector.shape_cast %swap3A_332 : vector<16xf32> to vector<16xf32>
        %swap3A_334 = vector.shape_cast %add3A_328 : vector<16xf32> to vector<16xf32>
        tpu.vector_store %arg7[%swap3A_331], %swap3A_334 {strides = array<i32>} : memref<40960xf32, #tpu.memory_space<vmem>>, vector<16xf32>,
        %add3A_335 = arith.constant 64 : i32
        %add3A_336 = arith.addi %mul3A_287, %add3A_335 : i32
        %get3A_337 = arith.index_cast %add3A_336 : i32 to index
        %get3A_338 = tpu.vector_load %arg7[%get3A_337] {strides = array<i32>} : memref<40960xf32, #tpu.memory_space<vmem>>, vector<16xf32>,
        %get3A_339 = vector.shape_cast %get3A_338 : vector<16xf32> to vector<16xf32>
        %add3A_340 = arith.addf %get3A_339, %while3A_285#5 : vector<16xf32>
        %add3A_341 = arith.constant 64 : i32
        %add3A_342 = arith.addi %mul3A_287, %add3A_341 : i32
        %swap3A_343 = arith.index_cast %add3A_342 : i32 to index
        %swap3A_344 = tpu.vector_load %arg7[%swap3A_343] {strides = array<i32>} : memref<40960xf32, #tpu.memory_space<vmem>>, vector<16xf32>,
        %swap3A_345 = vector.shape_cast %swap3A_344 : vector<16xf32> to vector<16xf32>
        %swap3A_346 = vector.shape_cast %add3A_340 : vector<16xf32> to vector<16xf32>
        tpu.vector_store %arg7[%swap3A_343], %swap3A_346 {strides = array<i32>} : memref<40960xf32, #tpu.memory_space<vmem>>, vector<16xf32>,
        %add3A_347 = arith.constant 80 : i32
        %add3A_348 = arith.addi %mul3A_287, %add3A_347 : i32
        %get3A_349 = arith.index_cast %add3A_348 : i32 to index
        %get3A_350 = tpu.vector_load %arg7[%get3A_349] {strides = array<i32>} : memref<40960xf32, #tpu.memory_space<vmem>>, vector<16xf32>,
        %get3A_351 = vector.shape_cast %get3A_350 : vector<16xf32> to vector<16xf32>
        %add3A_352 = arith.addf %get3A_351, %while3A_285#6 : vector<16xf32>
        %add3A_353 = arith.constant 80 : i32
        %add3A_354 = arith.addi %mul3A_287, %add3A_353 : i32
        %swap3A_355 = arith.index_cast %add3A_354 : i32 to index
        %swap3A_356 = tpu.vector_load %arg7[%swap3A_355] {strides = array<i32>} : memref<40960xf32, #tpu.memory_space<vmem>>, vector<16xf32>,
        %swap3A_357 = vector.shape_cast %swap3A_356 : vector<16xf32> to vector<16xf32>
        %swap3A_358 = vector.shape_cast %add3A_352 : vector<16xf32> to vector<16xf32>
        tpu.vector_store %arg7[%swap3A_355], %swap3A_358 {strides = array<i32>} : memref<40960xf32, #tpu.memory_space<vmem>>, vector<16xf32>,
        %add3A_359 = arith.constant 96 : i32
        %add3A_360 = arith.addi %mul3A_287, %add3A_359 : i32
        %get3A_361 = arith.index_cast %add3A_360 : i32 to index
        %get3A_362 = tpu.vector_load %arg7[%get3A_361] {strides = array<i32>} : memref<40960xf32, #tpu.memory_space<vmem>>, vector<16xf32>,
        %get3A_363 = vector.shape_cast %get3A_362 : vector<16xf32> to vector<16xf32>
        %add3A_364 = arith.addf %get3A_363, %while3A_285#7 : vector<16xf32>
        %add3A_365 = arith.constant 96 : i32
        %add3A_366 = arith.addi %mul3A_287, %add3A_365 : i32
        %swap3A_367 = arith.index_cast %add3A_366 : i32 to index
        %swap3A_368 = tpu.vector_load %arg7[%swap3A_367] {strides = array<i32>} : memref<40960xf32, #tpu.memory_space<vmem>>, vector<16xf32>,
        %swap3A_369 = vector.shape_cast %swap3A_368 : vector<16xf32> to vector<16xf32>
        %swap3A_370 = vector.shape_cast %add3A_364 : vector<16xf32> to vector<16xf32>
        tpu.vector_store %arg7[%swap3A_367], %swap3A_370 {strides = array<i32>} : memref<40960xf32, #tpu.memory_space<vmem>>, vector<16xf32>,
        %add3A_371 = arith.constant 112 : i32
        %add3A_372 = arith.addi %mul3A_287, %add3A_371 : i32
        %get3A_373 = arith.index_cast %add3A_372 : i32 to index
        %get3A_374 = tpu.vector_load %arg7[%get3A_373] {strides = array<i32>} : memref<40960xf32, #tpu.memory_space<vmem>>, vector<16xf32>,
        %get3A_375 = vector.shape_cast %get3A_374 : vector<16xf32> to vector<16xf32>
        %add3A_376 = arith.addf %get3A_375, %while3A_285#8 : vector<16xf32>
        %add3A_377 = arith.constant 112 : i32
        %add3A_378 = arith.addi %mul3A_287, %add3A_377 : i32
        %swap3A_379 = arith.index_cast %add3A_378 : i32 to index
        %swap3A_380 = tpu.vector_load %arg7[%swap3A_379] {strides = array<i32>} : memref<40960xf32, #tpu.memory_space<vmem>>, vector<16xf32>,
        %swap3A_381 = vector.shape_cast %swap3A_380 : vector<16xf32> to vector<16xf32>
        %swap3A_382 = vector.shape_cast %add3A_376 : vector<16xf32> to vector<16xf32>
        tpu.vector_store %arg7[%swap3A_379], %swap3A_382 {strides = array<i32>} : memref<40960xf32, #tpu.memory_space<vmem>>, vector<16xf32>,
        %get3A_383 = arith.index_cast %while3A_258 : i32 to index
        %get3A_384 = tpu.vector_load %arg8[%get3A_383] {strides = array<i32>} : memref<336xf32, #tpu.memory_space<vmem>>, vector<16xf32>,
        %get3A_385 = vector.shape_cast %get3A_384 : vector<16xf32> to vector<16xf32>
        %add3A_386 = arith.addf %get3A_385, %while3A_285#0 : vector<16xf32>
        %swap3A_387 = arith.index_cast %while3A_258 : i32 to index
        %swap3A_388 = tpu.vector_load %arg8[%swap3A_387] {strides = array<i32>} : memref<336xf32, #tpu.memory_space<vmem>>, vector<16xf32>,
        %swap3A_389 = vector.shape_cast %swap3A_388 : vector<16xf32> to vector<16xf32>
        %swap3A_390 = vector.shape_cast %add3A_386 : vector<16xf32> to vector<16xf32>
        tpu.vector_store %arg8[%swap3A_387], %swap3A_390 {strides = array<i32>} : memref<336xf32, #tpu.memory_space<vmem>>, vector<16xf32>,
      }
      %while3A_201 = arith.constant 1 : i32
      scf.for %while3A_258 = %while3A_199 to %while3A_195 step %while3A_201  : i32 {
        %get3A_259 = arith.index_cast %while3A_258 : i32 to index
        %get3A_260 = tpu.vector_load %arg9[%get3A_259] {strides = array<i32>} : memref<352xi32, #tpu.memory_space<vmem>>, vector<16xi32>,
        %get3A_261 = vector.shape_cast %get3A_260 : vector<16xi32> to vector<16xi32>
        %slice3A_262 = vector.extract_strided_slice %get3A_261 {offsets = [0], sizes = [1], strides = [1]} : vector<16xi32> to vector<1xi32>
        %squeeze3A_263 = vector.extract %slice3A_262[0] : i32 from vector<1xi32>
        %add3A_264 = arith.constant 1 : i32
        %add3A_265 = arith.addi %while3A_258, %add3A_264 : i32
        %get3A_266 = arith.index_cast %add3A_265 : i32 to index
        %get3A_267 = tpu.vector_load %arg9[%get3A_266] {strides = array<i32>} : memref<352xi32, #tpu.memory_space<vmem>>, vector<16xi32>,
        %get3A_268 = vector.shape_cast %get3A_267 : vector<16xi32> to vector<16xi32>
        %slice3A_269 = vector.extract_strided_slice %get3A_268 {offsets = [0], sizes = [1], strides = [1]} : vector<16xi32> to vector<1xi32>
        %squeeze3A_270 = vector.extract %slice3A_269[0] : i32 from vector<1xi32>
        %sub3A_271 = arith.subi %squeeze3A_263, %select_n3A_168 : i32
        %max3A_272 = arith.maxsi %sub3A_271, %select_n3A_172 : i32
        %sub3A_273 = arith.subi %squeeze3A_270, %select_n3A_168 : i32
        %min3A_274 = arith.minsi %sub3A_273, %select_n3A_176 : i32
        %max3A_275 = arith.maxsi %max3A_272, %min3A_274 : i32
        %while3A_276 = arith.subi %max3A_275, %max3A_272 : i32
        %while3A_277 = arith.addi %max3A_272, %while3A_276 : i32
        %while3A_278 = arith.constant 1 : i32
        %while3A_279 = arith.divsi %while3A_276, %while3A_278 : i32
        %while3A_280 = arith.muli %while3A_279, %while3A_278 : i32
        %while3A_281 = arith.addi %max3A_272, %while3A_280 : i32
        %while3A_282 = arith.constant 1 : i32
        %while3A_283:9 = scf.for %while3A_391 = %max3A_272 to %while3A_281 step %while3A_282 iter_args(%while3A_392 = %broadcast_in_dim3A_10, %while3A_393 = %broadcast_in_dim3A_10, %while3A_394 = %broadcast_in_dim3A_10, %while3A_395 = %broadcast_in_dim3A_10, %while3A_396 = %broadcast_in_dim3A_10, %while3A_397 = %broadcast_in_dim3A_10, %while3A_398 = %broadcast_in_dim3A_10, %while3A_399 = %broadcast_in_dim3A_10, %while3A_400 = %broadcast_in_dim3A_10) -> (vector<16xf32>, vector<16xf32>, vector<16xf32>, vector<16xf32>, vector<16xf32>, vector<16xf32>, vector<16xf32>, vector<16xf32>, vector<16xf32>)  : i32 {
          %mul3A_401 = arith.constant 128 : i32
          %mul3A_402 = arith.muli %while3A_391, %mul3A_401 : i32
          %add3A_403 = arith.constant 0 : i32
          %add3A_404 = arith.addi %mul3A_402, %add3A_403 : i32
          %get3A_405 = arith.index_cast %add3A_404 : i32 to index
          %get3A_406 = tpu.vector_load %arg11[%get3A_405] {strides = array<i32>} : memref<32768xf32, #tpu.memory_space<vmem>>, vector<16xf32>,
          %get3A_407 = vector.shape_cast %get3A_406 : vector<16xf32> to vector<16xf32>
          %mul3A_408 = arith.constant 128 : i32
          %mul3A_409 = arith.muli %while3A_391, %mul3A_408 : i32
          %add3A_410 = arith.constant 16 : i32
          %add3A_411 = arith.addi %mul3A_409, %add3A_410 : i32
          %get3A_412 = arith.index_cast %add3A_411 : i32 to index
          %get3A_413 = tpu.vector_load %arg11[%get3A_412] {strides = array<i32>} : memref<32768xf32, #tpu.memory_space<vmem>>, vector<16xf32>,
          %get3A_414 = vector.shape_cast %get3A_413 : vector<16xf32> to vector<16xf32>
          %mul3A_415 = arith.constant 128 : i32
          %mul3A_416 = arith.muli %while3A_391, %mul3A_415 : i32
          %add3A_417 = arith.constant 32 : i32
          %add3A_418 = arith.addi %mul3A_416, %add3A_417 : i32
          %get3A_419 = arith.index_cast %add3A_418 : i32 to index
          %get3A_420 = tpu.vector_load %arg11[%get3A_419] {strides = array<i32>} : memref<32768xf32, #tpu.memory_space<vmem>>, vector<16xf32>,
          %get3A_421 = vector.shape_cast %get3A_420 : vector<16xf32> to vector<16xf32>
          %mul3A_422 = arith.constant 128 : i32
          %mul3A_423 = arith.muli %while3A_391, %mul3A_422 : i32
          %add3A_424 = arith.constant 48 : i32
          %add3A_425 = arith.addi %mul3A_423, %add3A_424 : i32
          %get3A_426 = arith.index_cast %add3A_425 : i32 to index
          %get3A_427 = tpu.vector_load %arg11[%get3A_426] {strides = array<i32>} : memref<32768xf32, #tpu.memory_space<vmem>>, vector<16xf32>,
          %get3A_428 = vector.shape_cast %get3A_427 : vector<16xf32> to vector<16xf32>
          %mul3A_429 = arith.constant 128 : i32
          %mul3A_430 = arith.muli %while3A_391, %mul3A_429 : i32
          %add3A_431 = arith.constant 64 : i32
          %add3A_432 = arith.addi %mul3A_430, %add3A_431 : i32
          %get3A_433 = arith.index_cast %add3A_432 : i32 to index
          %get3A_434 = tpu.vector_load %arg11[%get3A_433] {strides = array<i32>} : memref<32768xf32, #tpu.memory_space<vmem>>, vector<16xf32>,
          %get3A_435 = vector.shape_cast %get3A_434 : vector<16xf32> to vector<16xf32>
          %mul3A_436 = arith.constant 128 : i32
          %mul3A_437 = arith.muli %while3A_391, %mul3A_436 : i32
          %add3A_438 = arith.constant 80 : i32
          %add3A_439 = arith.addi %mul3A_437, %add3A_438 : i32
          %get3A_440 = arith.index_cast %add3A_439 : i32 to index
          %get3A_441 = tpu.vector_load %arg11[%get3A_440] {strides = array<i32>} : memref<32768xf32, #tpu.memory_space<vmem>>, vector<16xf32>,
          %get3A_442 = vector.shape_cast %get3A_441 : vector<16xf32> to vector<16xf32>
          %mul3A_443 = arith.constant 128 : i32
          %mul3A_444 = arith.muli %while3A_391, %mul3A_443 : i32
          %add3A_445 = arith.constant 96 : i32
          %add3A_446 = arith.addi %mul3A_444, %add3A_445 : i32
          %get3A_447 = arith.index_cast %add3A_446 : i32 to index
          %get3A_448 = tpu.vector_load %arg11[%get3A_447] {strides = array<i32>} : memref<32768xf32, #tpu.memory_space<vmem>>, vector<16xf32>,
          %get3A_449 = vector.shape_cast %get3A_448 : vector<16xf32> to vector<16xf32>
          %mul3A_450 = arith.constant 128 : i32
          %mul3A_451 = arith.muli %while3A_391, %mul3A_450 : i32
          %add3A_452 = arith.constant 112 : i32
          %add3A_453 = arith.addi %mul3A_451, %add3A_452 : i32
          %get3A_454 = arith.index_cast %add3A_453 : i32 to index
          %get3A_455 = tpu.vector_load %arg11[%get3A_454] {strides = array<i32>} : memref<32768xf32, #tpu.memory_space<vmem>>, vector<16xf32>,
          %get3A_456 = vector.shape_cast %get3A_455 : vector<16xf32> to vector<16xf32>
          %mul3A_457 = arith.mulf %get3A_407, %get3A_15 : vector<16xf32>
          %mul3A_458 = arith.mulf %get3A_414, %get3A_18 : vector<16xf32>
          %add3A_459 = arith.addf %mul3A_457, %mul3A_458 : vector<16xf32>
          %mul3A_460 = arith.mulf %get3A_421, %get3A_21 : vector<16xf32>
          %add3A_461 = arith.addf %add3A_459, %mul3A_460 : vector<16xf32>
          %mul3A_462 = arith.mulf %get3A_428, %get3A_24 : vector<16xf32>
          %add3A_463 = arith.addf %add3A_461, %mul3A_462 : vector<16xf32>
          %mul3A_464 = arith.mulf %get3A_435, %get3A_27 : vector<16xf32>
          %add3A_465 = arith.addf %add3A_463, %mul3A_464 : vector<16xf32>
          %mul3A_466 = arith.mulf %get3A_442, %get3A_30 : vector<16xf32>
          %add3A_467 = arith.addf %add3A_465, %mul3A_466 : vector<16xf32>
          %mul3A_468 = arith.mulf %get3A_449, %get3A_33 : vector<16xf32>
          %add3A_469 = arith.addf %add3A_467, %mul3A_468 : vector<16xf32>
          %mul3A_470 = arith.mulf %get3A_456, %get3A_36 : vector<16xf32>
          %add3A_471 = arith.addf %add3A_469, %mul3A_470 : vector<16xf32>
          %lt3A_472 = arith.constant 0 : i32
          %lt3A_473 = vector.broadcast %lt3A_472 : i32 to vector<16xi32>
          %lt3A_474 = arith.cmpi slt, %xor3A_39, %lt3A_473 : vector<16xi32>
          %add3A_475 = arith.constant 16 : i32
          %add3A_476 = vector.broadcast %add3A_475 : i32 to vector<16xi32>
          %add3A_477 = arith.addi %xor3A_39, %add3A_476 : vector<16xi32>
          %select_n3A_478 = arith.select %lt3A_474, %add3A_477, %xor3A_39 : vector<16xi1>, vector<16xi32>
          %broadcast_in_dim3A_479 = vector.shape_cast %select_n3A_478 : vector<16xi32> to vector<16x1xi32>
          %gather3A = vector.shape_cast %broadcast_in_dim3A_479 : vector<16x1xi32> to vector<16xi32>
          %gather3A_480 = tpu.dynamic_gather %add3A_471[%gather3A] in [0] : vector<16xf32>, vector<16xi32> -> vector<16xf32>
          %add3A_481 = arith.addf %add3A_471, %gather3A_480 : vector<16xf32>
          %lt3A_482 = arith.constant 0 : i32
          %lt3A_483 = vector.broadcast %lt3A_482 : i32 to vector<16xi32>
          %lt3A_484 = arith.cmpi slt, %xor3A_43, %lt3A_483 : vector<16xi32>
          %add3A_485 = arith.constant 16 : i32
          %add3A_486 = vector.broadcast %add3A_485 : i32 to vector<16xi32>
          %add3A_487 = arith.addi %xor3A_43, %add3A_486 : vector<16xi32>
          %select_n3A_488 = arith.select %lt3A_484, %add3A_487, %xor3A_43 : vector<16xi1>, vector<16xi32>
          %broadcast_in_dim3A_489 = vector.shape_cast %select_n3A_488 : vector<16xi32> to vector<16x1xi32>
          %gather3A_490 = vector.shape_cast %broadcast_in_dim3A_489 : vector<16x1xi32> to vector<16xi32>
          %gather3A_491 = tpu.dynamic_gather %add3A_481[%gather3A_490] in [0] : vector<16xf32>, vector<16xi32> -> vector<16xf32>
          %add3A_492 = arith.addf %add3A_481, %gather3A_491 : vector<16xf32>
          %lt3A_493 = arith.constant 0 : i32
          %lt3A_494 = vector.broadcast %lt3A_493 : i32 to vector<16xi32>
          %lt3A_495 = arith.cmpi slt, %xor3A_47, %lt3A_494 : vector<16xi32>
          %add3A_496 = arith.constant 16 : i32
          %add3A_497 = vector.broadcast %add3A_496 : i32 to vector<16xi32>
          %add3A_498 = arith.addi %xor3A_47, %add3A_497 : vector<16xi32>
          %select_n3A_499 = arith.select %lt3A_495, %add3A_498, %xor3A_47 : vector<16xi1>, vector<16xi32>
          %broadcast_in_dim3A_500 = vector.shape_cast %select_n3A_499 : vector<16xi32> to vector<16x1xi32>
          %gather3A_501 = vector.shape_cast %broadcast_in_dim3A_500 : vector<16x1xi32> to vector<16xi32>
          %gather3A_502 = tpu.dynamic_gather %add3A_492[%gather3A_501] in [0] : vector<16xf32>, vector<16xi32> -> vector<16xf32>
          %add3A_503 = arith.addf %add3A_492, %gather3A_502 : vector<16xf32>
          %lt3A_504 = arith.constant 0 : i32
          %lt3A_505 = vector.broadcast %lt3A_504 : i32 to vector<16xi32>
          %lt3A_506 = arith.cmpi slt, %xor3A_51, %lt3A_505 : vector<16xi32>
          %add3A_507 = arith.constant 16 : i32
          %add3A_508 = vector.broadcast %add3A_507 : i32 to vector<16xi32>
          %add3A_509 = arith.addi %xor3A_51, %add3A_508 : vector<16xi32>
          %select_n3A_510 = arith.select %lt3A_506, %add3A_509, %xor3A_51 : vector<16xi1>, vector<16xi32>
          %broadcast_in_dim3A_511 = vector.shape_cast %select_n3A_510 : vector<16xi32> to vector<16x1xi32>
          %gather3A_512 = vector.shape_cast %broadcast_in_dim3A_511 : vector<16x1xi32> to vector<16xi32>
          %gather3A_513 = tpu.dynamic_gather %add3A_503[%gather3A_512] in [0] : vector<16xf32>, vector<16xi32> -> vector<16xf32>
          %add3A_514 = arith.addf %add3A_503, %gather3A_513 : vector<16xf32>
          %exp3A = math.exp %add3A_514 : vector<16xf32>
          %jit3A_515 = arith.constant 0.000000e+00 : f32
          %broadcast_in_dim3A_516 = vector.broadcast %jit3A_515 : f32 to vector<16xf32>
          %select_n3A_517 = arith.select %eq3A_12, %exp3A, %broadcast_in_dim3A_516 : vector<16xi1>, vector<16xf32>
          %add3A_518 = arith.addf %while3A_392, %select_n3A_517 : vector<16xf32>
          %mul3A_519 = arith.mulf %exp3A, %get3A_407 : vector<16xf32>
          %add3A_520 = arith.addf %while3A_393, %mul3A_519 : vector<16xf32>
          %mul3A_521 = arith.mulf %exp3A, %get3A_414 : vector<16xf32>
          %add3A_522 = arith.addf %while3A_394, %mul3A_521 : vector<16xf32>
          %mul3A_523 = arith.mulf %exp3A, %get3A_421 : vector<16xf32>
          %add3A_524 = arith.addf %while3A_395, %mul3A_523 : vector<16xf32>
          %mul3A_525 = arith.mulf %exp3A, %get3A_428 : vector<16xf32>
          %add3A_526 = arith.addf %while3A_396, %mul3A_525 : vector<16xf32>
          %mul3A_527 = arith.mulf %exp3A, %get3A_435 : vector<16xf32>
          %add3A_528 = arith.addf %while3A_397, %mul3A_527 : vector<16xf32>
          %mul3A_529 = arith.mulf %exp3A, %get3A_442 : vector<16xf32>
          %add3A_530 = arith.addf %while3A_398, %mul3A_529 : vector<16xf32>
          %mul3A_531 = arith.mulf %exp3A, %get3A_449 : vector<16xf32>
          %add3A_532 = arith.addf %while3A_399, %mul3A_531 : vector<16xf32>
          %mul3A_533 = arith.mulf %exp3A, %get3A_456 : vector<16xf32>
          %add3A_534 = arith.addf %while3A_400, %mul3A_533 : vector<16xf32>
          scf.yield %add3A_518, %add3A_520, %add3A_522, %add3A_524, %add3A_526, %add3A_528, %add3A_530, %add3A_532, %add3A_534 : vector<16xf32>, vector<16xf32>, vector<16xf32>, vector<16xf32>, vector<16xf32>, vector<16xf32>, vector<16xf32>, vector<16xf32>, vector<16xf32>
        }
        %while3A_284 = arith.constant 1 : i32
        %while3A_285:9 = scf.for %while3A_391 = %while3A_281 to %while3A_277 step %while3A_284 iter_args(%while3A_392 = %while3A_283#0, %while3A_393 = %while3A_283#1, %while3A_394 = %while3A_283#2, %while3A_395 = %while3A_283#3, %while3A_396 = %while3A_283#4, %while3A_397 = %while3A_283#5, %while3A_398 = %while3A_283#6, %while3A_399 = %while3A_283#7, %while3A_400 = %while3A_283#8) -> (vector<16xf32>, vector<16xf32>, vector<16xf32>, vector<16xf32>, vector<16xf32>, vector<16xf32>, vector<16xf32>, vector<16xf32>, vector<16xf32>)  : i32 {
          %mul3A_401 = arith.constant 128 : i32
          %mul3A_402 = arith.muli %while3A_391, %mul3A_401 : i32
          %add3A_403 = arith.constant 0 : i32
          %add3A_404 = arith.addi %mul3A_402, %add3A_403 : i32
          %get3A_405 = arith.index_cast %add3A_404 : i32 to index
          %get3A_406 = tpu.vector_load %arg11[%get3A_405] {strides = array<i32>} : memref<32768xf32, #tpu.memory_space<vmem>>, vector<16xf32>,
          %get3A_407 = vector.shape_cast %get3A_406 : vector<16xf32> to vector<16xf32>
          %mul3A_408 = arith.constant 128 : i32
          %mul3A_409 = arith.muli %while3A_391, %mul3A_408 : i32
          %add3A_410 = arith.constant 16 : i32
          %add3A_411 = arith.addi %mul3A_409, %add3A_410 : i32
          %get3A_412 = arith.index_cast %add3A_411 : i32 to index
          %get3A_413 = tpu.vector_load %arg11[%get3A_412] {strides = array<i32>} : memref<32768xf32, #tpu.memory_space<vmem>>, vector<16xf32>,
          %get3A_414 = vector.shape_cast %get3A_413 : vector<16xf32> to vector<16xf32>
          %mul3A_415 = arith.constant 128 : i32
          %mul3A_416 = arith.muli %while3A_391, %mul3A_415 : i32
          %add3A_417 = arith.constant 32 : i32
          %add3A_418 = arith.addi %mul3A_416, %add3A_417 : i32
          %get3A_419 = arith.index_cast %add3A_418 : i32 to index
          %get3A_420 = tpu.vector_load %arg11[%get3A_419] {strides = array<i32>} : memref<32768xf32, #tpu.memory_space<vmem>>, vector<16xf32>,
          %get3A_421 = vector.shape_cast %get3A_420 : vector<16xf32> to vector<16xf32>
          %mul3A_422 = arith.constant 128 : i32
          %mul3A_423 = arith.muli %while3A_391, %mul3A_422 : i32
          %add3A_424 = arith.constant 48 : i32
          %add3A_425 = arith.addi %mul3A_423, %add3A_424 : i32
          %get3A_426 = arith.index_cast %add3A_425 : i32 to index
          %get3A_427 = tpu.vector_load %arg11[%get3A_426] {strides = array<i32>} : memref<32768xf32, #tpu.memory_space<vmem>>, vector<16xf32>,
          %get3A_428 = vector.shape_cast %get3A_427 : vector<16xf32> to vector<16xf32>
          %mul3A_429 = arith.constant 128 : i32
          %mul3A_430 = arith.muli %while3A_391, %mul3A_429 : i32
          %add3A_431 = arith.constant 64 : i32
          %add3A_432 = arith.addi %mul3A_430, %add3A_431 : i32
          %get3A_433 = arith.index_cast %add3A_432 : i32 to index
          %get3A_434 = tpu.vector_load %arg11[%get3A_433] {strides = array<i32>} : memref<32768xf32, #tpu.memory_space<vmem>>, vector<16xf32>,
          %get3A_435 = vector.shape_cast %get3A_434 : vector<16xf32> to vector<16xf32>
          %mul3A_436 = arith.constant 128 : i32
          %mul3A_437 = arith.muli %while3A_391, %mul3A_436 : i32
          %add3A_438 = arith.constant 80 : i32
          %add3A_439 = arith.addi %mul3A_437, %add3A_438 : i32
          %get3A_440 = arith.index_cast %add3A_439 : i32 to index
          %get3A_441 = tpu.vector_load %arg11[%get3A_440] {strides = array<i32>} : memref<32768xf32, #tpu.memory_space<vmem>>, vector<16xf32>,
          %get3A_442 = vector.shape_cast %get3A_441 : vector<16xf32> to vector<16xf32>
          %mul3A_443 = arith.constant 128 : i32
          %mul3A_444 = arith.muli %while3A_391, %mul3A_443 : i32
          %add3A_445 = arith.constant 96 : i32
          %add3A_446 = arith.addi %mul3A_444, %add3A_445 : i32
          %get3A_447 = arith.index_cast %add3A_446 : i32 to index
          %get3A_448 = tpu.vector_load %arg11[%get3A_447] {strides = array<i32>} : memref<32768xf32, #tpu.memory_space<vmem>>, vector<16xf32>,
          %get3A_449 = vector.shape_cast %get3A_448 : vector<16xf32> to vector<16xf32>
          %mul3A_450 = arith.constant 128 : i32
          %mul3A_451 = arith.muli %while3A_391, %mul3A_450 : i32
          %add3A_452 = arith.constant 112 : i32
          %add3A_453 = arith.addi %mul3A_451, %add3A_452 : i32
          %get3A_454 = arith.index_cast %add3A_453 : i32 to index
          %get3A_455 = tpu.vector_load %arg11[%get3A_454] {strides = array<i32>} : memref<32768xf32, #tpu.memory_space<vmem>>, vector<16xf32>,
          %get3A_456 = vector.shape_cast %get3A_455 : vector<16xf32> to vector<16xf32>
          %mul3A_457 = arith.mulf %get3A_407, %get3A_15 : vector<16xf32>
          %mul3A_458 = arith.mulf %get3A_414, %get3A_18 : vector<16xf32>
          %add3A_459 = arith.addf %mul3A_457, %mul3A_458 : vector<16xf32>
          %mul3A_460 = arith.mulf %get3A_421, %get3A_21 : vector<16xf32>
          %add3A_461 = arith.addf %add3A_459, %mul3A_460 : vector<16xf32>
          %mul3A_462 = arith.mulf %get3A_428, %get3A_24 : vector<16xf32>
          %add3A_463 = arith.addf %add3A_461, %mul3A_462 : vector<16xf32>
          %mul3A_464 = arith.mulf %get3A_435, %get3A_27 : vector<16xf32>
          %add3A_465 = arith.addf %add3A_463, %mul3A_464 : vector<16xf32>
          %mul3A_466 = arith.mulf %get3A_442, %get3A_30 : vector<16xf32>
          %add3A_467 = arith.addf %add3A_465, %mul3A_466 : vector<16xf32>
          %mul3A_468 = arith.mulf %get3A_449, %get3A_33 : vector<16xf32>
          %add3A_469 = arith.addf %add3A_467, %mul3A_468 : vector<16xf32>
          %mul3A_470 = arith.mulf %get3A_456, %get3A_36 : vector<16xf32>
          %add3A_471 = arith.addf %add3A_469, %mul3A_470 : vector<16xf32>
          %lt3A_472 = arith.constant 0 : i32
          %lt3A_473 = vector.broadcast %lt3A_472 : i32 to vector<16xi32>
          %lt3A_474 = arith.cmpi slt, %xor3A_39, %lt3A_473 : vector<16xi32>
          %add3A_475 = arith.constant 16 : i32
          %add3A_476 = vector.broadcast %add3A_475 : i32 to vector<16xi32>
          %add3A_477 = arith.addi %xor3A_39, %add3A_476 : vector<16xi32>
          %select_n3A_478 = arith.select %lt3A_474, %add3A_477, %xor3A_39 : vector<16xi1>, vector<16xi32>
          %broadcast_in_dim3A_479 = vector.shape_cast %select_n3A_478 : vector<16xi32> to vector<16x1xi32>
          %gather3A = vector.shape_cast %broadcast_in_dim3A_479 : vector<16x1xi32> to vector<16xi32>
          %gather3A_480 = tpu.dynamic_gather %add3A_471[%gather3A] in [0] : vector<16xf32>, vector<16xi32> -> vector<16xf32>
          %add3A_481 = arith.addf %add3A_471, %gather3A_480 : vector<16xf32>
          %lt3A_482 = arith.constant 0 : i32
          %lt3A_483 = vector.broadcast %lt3A_482 : i32 to vector<16xi32>
          %lt3A_484 = arith.cmpi slt, %xor3A_43, %lt3A_483 : vector<16xi32>
          %add3A_485 = arith.constant 16 : i32
          %add3A_486 = vector.broadcast %add3A_485 : i32 to vector<16xi32>
          %add3A_487 = arith.addi %xor3A_43, %add3A_486 : vector<16xi32>
          %select_n3A_488 = arith.select %lt3A_484, %add3A_487, %xor3A_43 : vector<16xi1>, vector<16xi32>
          %broadcast_in_dim3A_489 = vector.shape_cast %select_n3A_488 : vector<16xi32> to vector<16x1xi32>
          %gather3A_490 = vector.shape_cast %broadcast_in_dim3A_489 : vector<16x1xi32> to vector<16xi32>
          %gather3A_491 = tpu.dynamic_gather %add3A_481[%gather3A_490] in [0] : vector<16xf32>, vector<16xi32> -> vector<16xf32>
          %add3A_492 = arith.addf %add3A_481, %gather3A_491 : vector<16xf32>
          %lt3A_493 = arith.constant 0 : i32
          %lt3A_494 = vector.broadcast %lt3A_493 : i32 to vector<16xi32>
          %lt3A_495 = arith.cmpi slt, %xor3A_47, %lt3A_494 : vector<16xi32>
          %add3A_496 = arith.constant 16 : i32
          %add3A_497 = vector.broadcast %add3A_496 : i32 to vector<16xi32>
          %add3A_498 = arith.addi %xor3A_47, %add3A_497 : vector<16xi32>
          %select_n3A_499 = arith.select %lt3A_495, %add3A_498, %xor3A_47 : vector<16xi1>, vector<16xi32>
          %broadcast_in_dim3A_500 = vector.shape_cast %select_n3A_499 : vector<16xi32> to vector<16x1xi32>
          %gather3A_501 = vector.shape_cast %broadcast_in_dim3A_500 : vector<16x1xi32> to vector<16xi32>
          %gather3A_502 = tpu.dynamic_gather %add3A_492[%gather3A_501] in [0] : vector<16xf32>, vector<16xi32> -> vector<16xf32>
          %add3A_503 = arith.addf %add3A_492, %gather3A_502 : vector<16xf32>
          %lt3A_504 = arith.constant 0 : i32
          %lt3A_505 = vector.broadcast %lt3A_504 : i32 to vector<16xi32>
          %lt3A_506 = arith.cmpi slt, %xor3A_51, %lt3A_505 : vector<16xi32>
          %add3A_507 = arith.constant 16 : i32
          %add3A_508 = vector.broadcast %add3A_507 : i32 to vector<16xi32>
          %add3A_509 = arith.addi %xor3A_51, %add3A_508 : vector<16xi32>
          %select_n3A_510 = arith.select %lt3A_506, %add3A_509, %xor3A_51 : vector<16xi1>, vector<16xi32>
          %broadcast_in_dim3A_511 = vector.shape_cast %select_n3A_510 : vector<16xi32> to vector<16x1xi32>
          %gather3A_512 = vector.shape_cast %broadcast_in_dim3A_511 : vector<16x1xi32> to vector<16xi32>
          %gather3A_513 = tpu.dynamic_gather %add3A_503[%gather3A_512] in [0] : vector<16xf32>, vector<16xi32> -> vector<16xf32>
          %add3A_514 = arith.addf %add3A_503, %gather3A_513 : vector<16xf32>
          %exp3A = math.exp %add3A_514 : vector<16xf32>
          %jit3A_515 = arith.constant 0.000000e+00 : f32
          %broadcast_in_dim3A_516 = vector.broadcast %jit3A_515 : f32 to vector<16xf32>
          %select_n3A_517 = arith.select %eq3A_12, %exp3A, %broadcast_in_dim3A_516 : vector<16xi1>, vector<16xf32>
          %add3A_518 = arith.addf %while3A_392, %select_n3A_517 : vector<16xf32>
          %mul3A_519 = arith.mulf %exp3A, %get3A_407 : vector<16xf32>
          %add3A_520 = arith.addf %while3A_393, %mul3A_519 : vector<16xf32>
          %mul3A_521 = arith.mulf %exp3A, %get3A_414 : vector<16xf32>
          %add3A_522 = arith.addf %while3A_394, %mul3A_521 : vector<16xf32>
          %mul3A_523 = arith.mulf %exp3A, %get3A_421 : vector<16xf32>
          %add3A_524 = arith.addf %while3A_395, %mul3A_523 : vector<16xf32>
          %mul3A_525 = arith.mulf %exp3A, %get3A_428 : vector<16xf32>
          %add3A_526 = arith.addf %while3A_396, %mul3A_525 : vector<16xf32>
          %mul3A_527 = arith.mulf %exp3A, %get3A_435 : vector<16xf32>
          %add3A_528 = arith.addf %while3A_397, %mul3A_527 : vector<16xf32>
          %mul3A_529 = arith.mulf %exp3A, %get3A_442 : vector<16xf32>
          %add3A_530 = arith.addf %while3A_398, %mul3A_529 : vector<16xf32>
          %mul3A_531 = arith.mulf %exp3A, %get3A_449 : vector<16xf32>
          %add3A_532 = arith.addf %while3A_399, %mul3A_531 : vector<16xf32>
          %mul3A_533 = arith.mulf %exp3A, %get3A_456 : vector<16xf32>
          %add3A_534 = arith.addf %while3A_400, %mul3A_533 : vector<16xf32>
          scf.yield %add3A_518, %add3A_520, %add3A_522, %add3A_524, %add3A_526, %add3A_528, %add3A_530, %add3A_532, %add3A_534 : vector<16xf32>, vector<16xf32>, vector<16xf32>, vector<16xf32>, vector<16xf32>, vector<16xf32>, vector<16xf32>, vector<16xf32>, vector<16xf32>
        }
        %mul3A_286 = arith.constant 128 : i32
        %mul3A_287 = arith.muli %while3A_258, %mul3A_286 : i32
        %add3A_288 = arith.constant 0 : i32
        %add3A_289 = arith.addi %mul3A_287, %add3A_288 : i32
        %get3A_290 = arith.index_cast %add3A_289 : i32 to index
        %get3A_291 = tpu.vector_load %arg7[%get3A_290] {strides = array<i32>} : memref<40960xf32, #tpu.memory_space<vmem>>, vector<16xf32>,
        %get3A_292 = vector.shape_cast %get3A_291 : vector<16xf32> to vector<16xf32>
        %add3A_293 = arith.addf %get3A_292, %while3A_285#1 : vector<16xf32>
        %add3A_294 = arith.constant 0 : i32
        %add3A_295 = arith.addi %mul3A_287, %add3A_294 : i32
        %swap3A = arith.index_cast %add3A_295 : i32 to index
        %swap3A_296 = tpu.vector_load %arg7[%swap3A] {strides = array<i32>} : memref<40960xf32, #tpu.memory_space<vmem>>, vector<16xf32>,
        %swap3A_297 = vector.shape_cast %swap3A_296 : vector<16xf32> to vector<16xf32>
        %swap3A_298 = vector.shape_cast %add3A_293 : vector<16xf32> to vector<16xf32>
        tpu.vector_store %arg7[%swap3A], %swap3A_298 {strides = array<i32>} : memref<40960xf32, #tpu.memory_space<vmem>>, vector<16xf32>,
        %add3A_299 = arith.constant 16 : i32
        %add3A_300 = arith.addi %mul3A_287, %add3A_299 : i32
        %get3A_301 = arith.index_cast %add3A_300 : i32 to index
        %get3A_302 = tpu.vector_load %arg7[%get3A_301] {strides = array<i32>} : memref<40960xf32, #tpu.memory_space<vmem>>, vector<16xf32>,
        %get3A_303 = vector.shape_cast %get3A_302 : vector<16xf32> to vector<16xf32>
        %add3A_304 = arith.addf %get3A_303, %while3A_285#2 : vector<16xf32>
        %add3A_305 = arith.constant 16 : i32
        %add3A_306 = arith.addi %mul3A_287, %add3A_305 : i32
        %swap3A_307 = arith.index_cast %add3A_306 : i32 to index
        %swap3A_308 = tpu.vector_load %arg7[%swap3A_307] {strides = array<i32>} : memref<40960xf32, #tpu.memory_space<vmem>>, vector<16xf32>,
        %swap3A_309 = vector.shape_cast %swap3A_308 : vector<16xf32> to vector<16xf32>
        %swap3A_310 = vector.shape_cast %add3A_304 : vector<16xf32> to vector<16xf32>
        tpu.vector_store %arg7[%swap3A_307], %swap3A_310 {strides = array<i32>} : memref<40960xf32, #tpu.memory_space<vmem>>, vector<16xf32>,
        %add3A_311 = arith.constant 32 : i32
        %add3A_312 = arith.addi %mul3A_287, %add3A_311 : i32
        %get3A_313 = arith.index_cast %add3A_312 : i32 to index
        %get3A_314 = tpu.vector_load %arg7[%get3A_313] {strides = array<i32>} : memref<40960xf32, #tpu.memory_space<vmem>>, vector<16xf32>,
        %get3A_315 = vector.shape_cast %get3A_314 : vector<16xf32> to vector<16xf32>
        %add3A_316 = arith.addf %get3A_315, %while3A_285#3 : vector<16xf32>
        %add3A_317 = arith.constant 32 : i32
        %add3A_318 = arith.addi %mul3A_287, %add3A_317 : i32
        %swap3A_319 = arith.index_cast %add3A_318 : i32 to index
        %swap3A_320 = tpu.vector_load %arg7[%swap3A_319] {strides = array<i32>} : memref<40960xf32, #tpu.memory_space<vmem>>, vector<16xf32>,
        %swap3A_321 = vector.shape_cast %swap3A_320 : vector<16xf32> to vector<16xf32>
        %swap3A_322 = vector.shape_cast %add3A_316 : vector<16xf32> to vector<16xf32>
        tpu.vector_store %arg7[%swap3A_319], %swap3A_322 {strides = array<i32>} : memref<40960xf32, #tpu.memory_space<vmem>>, vector<16xf32>,
        %add3A_323 = arith.constant 48 : i32
        %add3A_324 = arith.addi %mul3A_287, %add3A_323 : i32
        %get3A_325 = arith.index_cast %add3A_324 : i32 to index
        %get3A_326 = tpu.vector_load %arg7[%get3A_325] {strides = array<i32>} : memref<40960xf32, #tpu.memory_space<vmem>>, vector<16xf32>,
        %get3A_327 = vector.shape_cast %get3A_326 : vector<16xf32> to vector<16xf32>
        %add3A_328 = arith.addf %get3A_327, %while3A_285#4 : vector<16xf32>
        %add3A_329 = arith.constant 48 : i32
        %add3A_330 = arith.addi %mul3A_287, %add3A_329 : i32
        %swap3A_331 = arith.index_cast %add3A_330 : i32 to index
        %swap3A_332 = tpu.vector_load %arg7[%swap3A_331] {strides = array<i32>} : memref<40960xf32, #tpu.memory_space<vmem>>, vector<16xf32>,
        %swap3A_333 = vector.shape_cast %swap3A_332 : vector<16xf32> to vector<16xf32>
        %swap3A_334 = vector.shape_cast %add3A_328 : vector<16xf32> to vector<16xf32>
        tpu.vector_store %arg7[%swap3A_331], %swap3A_334 {strides = array<i32>} : memref<40960xf32, #tpu.memory_space<vmem>>, vector<16xf32>,
        %add3A_335 = arith.constant 64 : i32
        %add3A_336 = arith.addi %mul3A_287, %add3A_335 : i32
        %get3A_337 = arith.index_cast %add3A_336 : i32 to index
        %get3A_338 = tpu.vector_load %arg7[%get3A_337] {strides = array<i32>} : memref<40960xf32, #tpu.memory_space<vmem>>, vector<16xf32>,
        %get3A_339 = vector.shape_cast %get3A_338 : vector<16xf32> to vector<16xf32>
        %add3A_340 = arith.addf %get3A_339, %while3A_285#5 : vector<16xf32>
        %add3A_341 = arith.constant 64 : i32
        %add3A_342 = arith.addi %mul3A_287, %add3A_341 : i32
        %swap3A_343 = arith.index_cast %add3A_342 : i32 to index
        %swap3A_344 = tpu.vector_load %arg7[%swap3A_343] {strides = array<i32>} : memref<40960xf32, #tpu.memory_space<vmem>>, vector<16xf32>,
        %swap3A_345 = vector.shape_cast %swap3A_344 : vector<16xf32> to vector<16xf32>
        %swap3A_346 = vector.shape_cast %add3A_340 : vector<16xf32> to vector<16xf32>
        tpu.vector_store %arg7[%swap3A_343], %swap3A_346 {strides = array<i32>} : memref<40960xf32, #tpu.memory_space<vmem>>, vector<16xf32>,
        %add3A_347 = arith.constant 80 : i32
        %add3A_348 = arith.addi %mul3A_287, %add3A_347 : i32
        %get3A_349 = arith.index_cast %add3A_348 : i32 to index
        %get3A_350 = tpu.vector_load %arg7[%get3A_349] {strides = array<i32>} : memref<40960xf32, #tpu.memory_space<vmem>>, vector<16xf32>,
        %get3A_351 = vector.shape_cast %get3A_350 : vector<16xf32> to vector<16xf32>
        %add3A_352 = arith.addf %get3A_351, %while3A_285#6 : vector<16xf32>
        %add3A_353 = arith.constant 80 : i32
        %add3A_354 = arith.addi %mul3A_287, %add3A_353 : i32
        %swap3A_355 = arith.index_cast %add3A_354 : i32 to index
        %swap3A_356 = tpu.vector_load %arg7[%swap3A_355] {strides = array<i32>} : memref<40960xf32, #tpu.memory_space<vmem>>, vector<16xf32>,
        %swap3A_357 = vector.shape_cast %swap3A_356 : vector<16xf32> to vector<16xf32>
        %swap3A_358 = vector.shape_cast %add3A_352 : vector<16xf32> to vector<16xf32>
        tpu.vector_store %arg7[%swap3A_355], %swap3A_358 {strides = array<i32>} : memref<40960xf32, #tpu.memory_space<vmem>>, vector<16xf32>,
        %add3A_359 = arith.constant 96 : i32
        %add3A_360 = arith.addi %mul3A_287, %add3A_359 : i32
        %get3A_361 = arith.index_cast %add3A_360 : i32 to index
        %get3A_362 = tpu.vector_load %arg7[%get3A_361] {strides = array<i32>} : memref<40960xf32, #tpu.memory_space<vmem>>, vector<16xf32>,
        %get3A_363 = vector.shape_cast %get3A_362 : vector<16xf32> to vector<16xf32>
        %add3A_364 = arith.addf %get3A_363, %while3A_285#7 : vector<16xf32>
        %add3A_365 = arith.constant 96 : i32
        %add3A_366 = arith.addi %mul3A_287, %add3A_365 : i32
        %swap3A_367 = arith.index_cast %add3A_366 : i32 to index
        %swap3A_368 = tpu.vector_load %arg7[%swap3A_367] {strides = array<i32>} : memref<40960xf32, #tpu.memory_space<vmem>>, vector<16xf32>,
        %swap3A_369 = vector.shape_cast %swap3A_368 : vector<16xf32> to vector<16xf32>
        %swap3A_370 = vector.shape_cast %add3A_364 : vector<16xf32> to vector<16xf32>
        tpu.vector_store %arg7[%swap3A_367], %swap3A_370 {strides = array<i32>} : memref<40960xf32, #tpu.memory_space<vmem>>, vector<16xf32>,
        %add3A_371 = arith.constant 112 : i32
        %add3A_372 = arith.addi %mul3A_287, %add3A_371 : i32
        %get3A_373 = arith.index_cast %add3A_372 : i32 to index
        %get3A_374 = tpu.vector_load %arg7[%get3A_373] {strides = array<i32>} : memref<40960xf32, #tpu.memory_space<vmem>>, vector<16xf32>,
        %get3A_375 = vector.shape_cast %get3A_374 : vector<16xf32> to vector<16xf32>
        %add3A_376 = arith.addf %get3A_375, %while3A_285#8 : vector<16xf32>
        %add3A_377 = arith.constant 112 : i32
        %add3A_378 = arith.addi %mul3A_287, %add3A_377 : i32
        %swap3A_379 = arith.index_cast %add3A_378 : i32 to index
        %swap3A_380 = tpu.vector_load %arg7[%swap3A_379] {strides = array<i32>} : memref<40960xf32, #tpu.memory_space<vmem>>, vector<16xf32>,
        %swap3A_381 = vector.shape_cast %swap3A_380 : vector<16xf32> to vector<16xf32>
        %swap3A_382 = vector.shape_cast %add3A_376 : vector<16xf32> to vector<16xf32>
        tpu.vector_store %arg7[%swap3A_379], %swap3A_382 {strides = array<i32>} : memref<40960xf32, #tpu.memory_space<vmem>>, vector<16xf32>,
        %get3A_383 = arith.index_cast %while3A_258 : i32 to index
        %get3A_384 = tpu.vector_load %arg8[%get3A_383] {strides = array<i32>} : memref<336xf32, #tpu.memory_space<vmem>>, vector<16xf32>,
        %get3A_385 = vector.shape_cast %get3A_384 : vector<16xf32> to vector<16xf32>
        %add3A_386 = arith.addf %get3A_385, %while3A_285#0 : vector<16xf32>
        %swap3A_387 = arith.index_cast %while3A_258 : i32 to index
        %swap3A_388 = tpu.vector_load %arg8[%swap3A_387] {strides = array<i32>} : memref<336xf32, #tpu.memory_space<vmem>>, vector<16xf32>,
        %swap3A_389 = vector.shape_cast %swap3A_388 : vector<16xf32> to vector<16xf32>
        %swap3A_390 = vector.shape_cast %add3A_386 : vector<16xf32> to vector<16xf32>
        tpu.vector_store %arg8[%swap3A_387], %swap3A_390 {strides = array<i32>} : memref<336xf32, #tpu.memory_space<vmem>>, vector<16xf32>,
      }
      %max3A_202 = arith.maxsi %while3A_149, %sub3A_189 : i32
      %mul3A_203 = arith.constant 2 : i32
      %mul3A_204 = arith.muli %while3A_148, %mul3A_203 : i32
      %add3A_205 = arith.addi %select_n3A, %mul3A_204 : i32
      %add3A_206 = arith.constant 1 : i32
      %add3A_207 = arith.addi %add3A_205, %add3A_206 : i32
      %lt3A_208 = arith.cmpi slt, %add3A_207, %select_n3A_95 : i32
      %convert_element_type3A_209 = arith.extui %lt3A_208 : i1 to i32
      %cond3A_210 = arith.constant 0 : i32
      %cond3A_211 = arith.cmpi ne, %convert_element_type3A_209, %cond3A_210 : i32
      scf.if %cond3A_211 {
        %mul3A_258 = arith.constant 256 : i32
        %mul3A_259 = arith.muli %add3A_207, %mul3A_258 : i32
        %mul3A_260 = arith.constant 128 : i32
        %mul3A_261 = arith.muli %mul3A_259, %mul3A_260 : i32
        %dma_wait3A = tpu.memref_slice %arg2[%mul3A_261] : memref<40960000xf32, #tpu.memory_space<hbm>> -> memref<32768xf32, #tpu.memory_space<hbm>>
        %dma_wait3A_262 = tpu.memref_slice %arg2[%mul3A_261] : memref<40960000xf32, #tpu.memory_space<hbm>> -> memref<32768xf32, #tpu.memory_space<hbm>>
        tpu.wait_dma2 semaphore(%arg14 : memref<!tpu.dma_semaphore, #tpu.memory_space<semaphore_mem>>) src(%dma_wait3A_262 : memref<32768xf32, #tpu.memory_space<hbm>>) dst(%arg12 : memref<32768xf32, #tpu.memory_space<vmem>>)
      } else {
      }
      %add3A_212 = arith.constant 1 : i32
      %add3A_213 = arith.addi %add3A_207, %add3A_212 : i32
      %lt3A_214 = arith.cmpi slt, %add3A_213, %select_n3A_95 : i32
      %convert_element_type3A_215 = arith.extui %lt3A_214 : i1 to i32
      %cond3A_216 = arith.constant 0 : i32
      %cond3A_217 = arith.cmpi ne, %convert_element_type3A_215, %cond3A_216 : i32
      scf.if %cond3A_217 {
        %add3A_258 = arith.constant 1 : i32
        %add3A_259 = arith.addi %add3A_207, %add3A_258 : i32
        %mul3A_260 = arith.constant 256 : i32
        %mul3A_261 = arith.muli %add3A_259, %mul3A_260 : i32
        %mul3A_262 = arith.constant 128 : i32
        %mul3A_263 = arith.muli %mul3A_261, %mul3A_262 : i32
        %dma_start3A = tpu.memref_slice %arg2[%mul3A_263] : memref<40960000xf32, #tpu.memory_space<hbm>> -> memref<32768xf32, #tpu.memory_space<hbm>>
        %dma_start3A_264 = tpu.memref_slice %arg2[%mul3A_263] : memref<40960000xf32, #tpu.memory_space<hbm>> -> memref<32768xf32, #tpu.memory_space<hbm>>
        tpu.enqueue_dma source(%dma_start3A_264 : memref<32768xf32, #tpu.memory_space<hbm>>) target(%arg11 : memref<32768xf32, #tpu.memory_space<vmem>>) target_semaphore(%arg13 : memref<!tpu.dma_semaphore, #tpu.memory_space<semaphore_mem>>)
      } else {
      }
      %mul3A_218 = arith.constant 256 : i32
      %mul3A_219 = arith.muli %add3A_207, %mul3A_218 : i32
      %jit3A_220 = arith.constant 0 : i32
      %select_n3A_221 = arith.select %lt3A_208, %mul3A_219, %jit3A_220 : i32
      %sub3A_222 = arith.subi %squeeze3A, %select_n3A_221 : i32
      %max3A_223 = arith.constant 0 : i32
      %max3A_224 = arith.maxsi %sub3A_222, %max3A_223 : i32
      %jit3A_225 = arith.constant 0 : i32
      %select_n3A_226 = arith.select %lt3A_208, %max3A_224, %jit3A_225 : i32
      %sub3A_227 = arith.subi %squeeze3A_9, %select_n3A_221 : i32
      %min3A_228 = arith.constant 256 : i32
      %min3A_229 = arith.minsi %sub3A_227, %min3A_228 : i32
      %jit3A_230 = arith.constant 0 : i32
      %select_n3A_231 = arith.select %lt3A_208, %min3A_229, %jit3A_230 : i32
      %add3A_232 = arith.addi %select_n3A_221, %select_n3A_231 : i32
      %sub3A_233 = arith.constant 1 : i32
      %sub3A_234 = arith.subi %add3A_232, %sub3A_233 : i32
      %scan3A_235 = arith.constant 0 : i32
      %scan3A_236 = arith.constant 321 : i32
      %scan3A_237 = arith.constant 0 : i32
      %scan3A_238 = arith.constant 9 : i32
      %scan3A_239 = arith.addi %scan3A_237, %scan3A_238 : i32
      %scan3A_240 = arith.constant 1 : i32
      %scan3A_241:2 = scf.for %scan3A_258 = %scan3A_237 to %scan3A_239 step %scan3A_240 iter_args(%scan3A_259 = %scan3A_235, %scan3A_260 = %scan3A_236) -> (i32, i32)  : i32 {
        %add3A_261 = arith.addi %scan3A_259, %scan3A_260 : i32
        %jit3A_262 = arith.constant 2 : i32
        %div3A_263 = arith.divsi %add3A_261, %jit3A_262 : i32
        %sign3A_264 = arith.constant 0 : i32
        %sign3A_265 = arith.cmpi sgt, %add3A_261, %sign3A_264 : i32
        %sign3A_266 = arith.extui %sign3A_265 : i1 to i32
        %sign3A_267 = arith.constant 0 : i32
        %sign3A_268 = arith.cmpi slt, %add3A_261, %sign3A_267 : i32
        %sign3A_269 = arith.extui %sign3A_268 : i1 to i32
        %sign3A_270 = arith.subi %sign3A_266, %sign3A_269 : i32
        %sign3A_271 = arith.constant 0 : i32
        %sign3A_272 = arith.cmpi sgt, %jit3A_262, %sign3A_271 : i32
        %sign3A_273 = arith.extui %sign3A_272 : i1 to i32
        %sign3A_274 = arith.constant 0 : i32
        %sign3A_275 = arith.cmpi slt, %jit3A_262, %sign3A_274 : i32
        %sign3A_276 = arith.extui %sign3A_275 : i1 to i32
        %sign3A_277 = arith.subi %sign3A_273, %sign3A_276 : i32
        %ne3A_278 = arith.cmpi ne, %sign3A_270, %sign3A_277 : i32
        %rem3A_279 = arith.remsi %add3A_261, %jit3A_262 : i32
        %ne3A_280 = arith.constant 0 : i32
        %ne3A_281 = arith.cmpi ne, %rem3A_279, %ne3A_280 : i32
        %and3A_282 = arith.andi %ne3A_278, %ne3A_281 : i1
        %sub3A_283 = arith.constant 1 : i32
        %sub3A_284 = arith.subi %div3A_263, %sub3A_283 : i32
        %select_n3A_285 = arith.select %and3A_282, %sub3A_284, %div3A_263 : i32
        %get3A_286 = arith.index_cast %select_n3A_285 : i32 to index
        %get3A_287 = tpu.vector_load %arg9[%get3A_286] {strides = array<i32>} : memref<352xi32, #tpu.memory_space<vmem>>, vector<16xi32>,
        %get3A_288 = vector.shape_cast %get3A_287 : vector<16xi32> to vector<16xi32>
        %slice3A_289 = vector.extract_strided_slice %get3A_288 {offsets = [0], sizes = [1], strides = [1]} : vector<16xi32> to vector<1xi32>
        %squeeze3A_290 = vector.extract %slice3A_289[0] : i32 from vector<1xi32>
        %lt3A_291 = arith.cmpi slt, %scan3A_259, %scan3A_260 : i32
        %le3A = arith.cmpi sle, %squeeze3A_290, %sub3A_234 : i32
        %and3A_292 = arith.andi %lt3A_291, %le3A : i1
        %add3A_293 = arith.constant 1 : i32
        %add3A_294 = arith.addi %select_n3A_285, %add3A_293 : i32
        %select_n3A_295 = arith.select %and3A_292, %add3A_294, %scan3A_259 : i32
        %gt3A = arith.cmpi sgt, %squeeze3A_290, %sub3A_234 : i32
        %and3A_296 = arith.andi %lt3A_291, %gt3A : i1
        %select_n3A_297 = arith.select %and3A_296, %select_n3A_285, %scan3A_260 : i32
        scf.yield %select_n3A_295, %select_n3A_297 : i32, i32
      }
      %scan3A_242 = arith.constant 9 : i32
      %sub3A_243 = arith.constant 1 : i32
      %sub3A_244 = arith.subi %scan3A_241#0, %sub3A_243 : i32
      %add3A_245 = arith.constant 1 : i32
      %add3A_246 = arith.addi %sub3A_244, %add3A_245 : i32
      %max3A_247 = arith.maxsi %max3A_202, %add3A_246 : i32
      %while3A_248 = arith.constant 0 : i32
      %while3A_249 = arith.subi %max3A_247, %max3A_202 : i32
      %while3A_250 = arith.addi %max3A_202, %while3A_249 : i32
      %while3A_251 = arith.constant 1 : i32
      %while3A_252 = arith.divsi %while3A_249, %while3A_251 : i32
      %while3A_253 = arith.muli %while3A_252, %while3A_251 : i32
      %while3A_254 = arith.addi %max3A_202, %while3A_253 : i32
      %while3A_255 = arith.constant 1 : i32
      scf.for %while3A_258 = %max3A_202 to %while3A_254 step %while3A_255  : i32 {
        %get3A_259 = arith.index_cast %while3A_258 : i32 to index
        %get3A_260 = tpu.vector_load %arg9[%get3A_259] {strides = array<i32>} : memref<352xi32, #tpu.memory_space<vmem>>, vector<16xi32>,
        %get3A_261 = vector.shape_cast %get3A_260 : vector<16xi32> to vector<16xi32>
        %slice3A_262 = vector.extract_strided_slice %get3A_261 {offsets = [0], sizes = [1], strides = [1]} : vector<16xi32> to vector<1xi32>
        %squeeze3A_263 = vector.extract %slice3A_262[0] : i32 from vector<1xi32>
        %add3A_264 = arith.constant 1 : i32
        %add3A_265 = arith.addi %while3A_258, %add3A_264 : i32
        %get3A_266 = arith.index_cast %add3A_265 : i32 to index
        %get3A_267 = tpu.vector_load %arg9[%get3A_266] {strides = array<i32>} : memref<352xi32, #tpu.memory_space<vmem>>, vector<16xi32>,
        %get3A_268 = vector.shape_cast %get3A_267 : vector<16xi32> to vector<16xi32>
        %slice3A_269 = vector.extract_strided_slice %get3A_268 {offsets = [0], sizes = [1], strides = [1]} : vector<16xi32> to vector<1xi32>
        %squeeze3A_270 = vector.extract %slice3A_269[0] : i32 from vector<1xi32>
        %sub3A_271 = arith.subi %squeeze3A_263, %select_n3A_221 : i32
        %max3A_272 = arith.maxsi %sub3A_271, %select_n3A_226 : i32
        %sub3A_273 = arith.subi %squeeze3A_270, %select_n3A_221 : i32
        %min3A_274 = arith.minsi %sub3A_273, %select_n3A_231 : i32
        %max3A_275 = arith.maxsi %max3A_272, %min3A_274 : i32
        %while3A_276 = arith.subi %max3A_275, %max3A_272 : i32
        %while3A_277 = arith.addi %max3A_272, %while3A_276 : i32
        %while3A_278 = arith.constant 1 : i32
        %while3A_279 = arith.divsi %while3A_276, %while3A_278 : i32
        %while3A_280 = arith.muli %while3A_279, %while3A_278 : i32
        %while3A_281 = arith.addi %max3A_272, %while3A_280 : i32
        %while3A_282 = arith.constant 1 : i32
        %while3A_283:9 = scf.for %while3A_391 = %max3A_272 to %while3A_281 step %while3A_282 iter_args(%while3A_392 = %broadcast_in_dim3A_10, %while3A_393 = %broadcast_in_dim3A_10, %while3A_394 = %broadcast_in_dim3A_10, %while3A_395 = %broadcast_in_dim3A_10, %while3A_396 = %broadcast_in_dim3A_10, %while3A_397 = %broadcast_in_dim3A_10, %while3A_398 = %broadcast_in_dim3A_10, %while3A_399 = %broadcast_in_dim3A_10, %while3A_400 = %broadcast_in_dim3A_10) -> (vector<16xf32>, vector<16xf32>, vector<16xf32>, vector<16xf32>, vector<16xf32>, vector<16xf32>, vector<16xf32>, vector<16xf32>, vector<16xf32>)  : i32 {
          %mul3A_401 = arith.constant 128 : i32
          %mul3A_402 = arith.muli %while3A_391, %mul3A_401 : i32
          %add3A_403 = arith.constant 0 : i32
          %add3A_404 = arith.addi %mul3A_402, %add3A_403 : i32
          %get3A_405 = arith.index_cast %add3A_404 : i32 to index
          %get3A_406 = tpu.vector_load %arg12[%get3A_405] {strides = array<i32>} : memref<32768xf32, #tpu.memory_space<vmem>>, vector<16xf32>,
          %get3A_407 = vector.shape_cast %get3A_406 : vector<16xf32> to vector<16xf32>
          %mul3A_408 = arith.constant 128 : i32
          %mul3A_409 = arith.muli %while3A_391, %mul3A_408 : i32
          %add3A_410 = arith.constant 16 : i32
          %add3A_411 = arith.addi %mul3A_409, %add3A_410 : i32
          %get3A_412 = arith.index_cast %add3A_411 : i32 to index
          %get3A_413 = tpu.vector_load %arg12[%get3A_412] {strides = array<i32>} : memref<32768xf32, #tpu.memory_space<vmem>>, vector<16xf32>,
          %get3A_414 = vector.shape_cast %get3A_413 : vector<16xf32> to vector<16xf32>
          %mul3A_415 = arith.constant 128 : i32
          %mul3A_416 = arith.muli %while3A_391, %mul3A_415 : i32
          %add3A_417 = arith.constant 32 : i32
          %add3A_418 = arith.addi %mul3A_416, %add3A_417 : i32
          %get3A_419 = arith.index_cast %add3A_418 : i32 to index
          %get3A_420 = tpu.vector_load %arg12[%get3A_419] {strides = array<i32>} : memref<32768xf32, #tpu.memory_space<vmem>>, vector<16xf32>,
          %get3A_421 = vector.shape_cast %get3A_420 : vector<16xf32> to vector<16xf32>
          %mul3A_422 = arith.constant 128 : i32
          %mul3A_423 = arith.muli %while3A_391, %mul3A_422 : i32
          %add3A_424 = arith.constant 48 : i32
          %add3A_425 = arith.addi %mul3A_423, %add3A_424 : i32
          %get3A_426 = arith.index_cast %add3A_425 : i32 to index
          %get3A_427 = tpu.vector_load %arg12[%get3A_426] {strides = array<i32>} : memref<32768xf32, #tpu.memory_space<vmem>>, vector<16xf32>,
          %get3A_428 = vector.shape_cast %get3A_427 : vector<16xf32> to vector<16xf32>
          %mul3A_429 = arith.constant 128 : i32
          %mul3A_430 = arith.muli %while3A_391, %mul3A_429 : i32
          %add3A_431 = arith.constant 64 : i32
          %add3A_432 = arith.addi %mul3A_430, %add3A_431 : i32
          %get3A_433 = arith.index_cast %add3A_432 : i32 to index
          %get3A_434 = tpu.vector_load %arg12[%get3A_433] {strides = array<i32>} : memref<32768xf32, #tpu.memory_space<vmem>>, vector<16xf32>,
          %get3A_435 = vector.shape_cast %get3A_434 : vector<16xf32> to vector<16xf32>
          %mul3A_436 = arith.constant 128 : i32
          %mul3A_437 = arith.muli %while3A_391, %mul3A_436 : i32
          %add3A_438 = arith.constant 80 : i32
          %add3A_439 = arith.addi %mul3A_437, %add3A_438 : i32
          %get3A_440 = arith.index_cast %add3A_439 : i32 to index
          %get3A_441 = tpu.vector_load %arg12[%get3A_440] {strides = array<i32>} : memref<32768xf32, #tpu.memory_space<vmem>>, vector<16xf32>,
          %get3A_442 = vector.shape_cast %get3A_441 : vector<16xf32> to vector<16xf32>
          %mul3A_443 = arith.constant 128 : i32
          %mul3A_444 = arith.muli %while3A_391, %mul3A_443 : i32
          %add3A_445 = arith.constant 96 : i32
          %add3A_446 = arith.addi %mul3A_444, %add3A_445 : i32
          %get3A_447 = arith.index_cast %add3A_446 : i32 to index
          %get3A_448 = tpu.vector_load %arg12[%get3A_447] {strides = array<i32>} : memref<32768xf32, #tpu.memory_space<vmem>>, vector<16xf32>,
          %get3A_449 = vector.shape_cast %get3A_448 : vector<16xf32> to vector<16xf32>
          %mul3A_450 = arith.constant 128 : i32
          %mul3A_451 = arith.muli %while3A_391, %mul3A_450 : i32
          %add3A_452 = arith.constant 112 : i32
          %add3A_453 = arith.addi %mul3A_451, %add3A_452 : i32
          %get3A_454 = arith.index_cast %add3A_453 : i32 to index
          %get3A_455 = tpu.vector_load %arg12[%get3A_454] {strides = array<i32>} : memref<32768xf32, #tpu.memory_space<vmem>>, vector<16xf32>,
          %get3A_456 = vector.shape_cast %get3A_455 : vector<16xf32> to vector<16xf32>
          %mul3A_457 = arith.mulf %get3A_407, %get3A_15 : vector<16xf32>
          %mul3A_458 = arith.mulf %get3A_414, %get3A_18 : vector<16xf32>
          %add3A_459 = arith.addf %mul3A_457, %mul3A_458 : vector<16xf32>
          %mul3A_460 = arith.mulf %get3A_421, %get3A_21 : vector<16xf32>
          %add3A_461 = arith.addf %add3A_459, %mul3A_460 : vector<16xf32>
          %mul3A_462 = arith.mulf %get3A_428, %get3A_24 : vector<16xf32>
          %add3A_463 = arith.addf %add3A_461, %mul3A_462 : vector<16xf32>
          %mul3A_464 = arith.mulf %get3A_435, %get3A_27 : vector<16xf32>
          %add3A_465 = arith.addf %add3A_463, %mul3A_464 : vector<16xf32>
          %mul3A_466 = arith.mulf %get3A_442, %get3A_30 : vector<16xf32>
          %add3A_467 = arith.addf %add3A_465, %mul3A_466 : vector<16xf32>
          %mul3A_468 = arith.mulf %get3A_449, %get3A_33 : vector<16xf32>
          %add3A_469 = arith.addf %add3A_467, %mul3A_468 : vector<16xf32>
          %mul3A_470 = arith.mulf %get3A_456, %get3A_36 : vector<16xf32>
          %add3A_471 = arith.addf %add3A_469, %mul3A_470 : vector<16xf32>
          %lt3A_472 = arith.constant 0 : i32
          %lt3A_473 = vector.broadcast %lt3A_472 : i32 to vector<16xi32>
          %lt3A_474 = arith.cmpi slt, %xor3A_39, %lt3A_473 : vector<16xi32>
          %add3A_475 = arith.constant 16 : i32
          %add3A_476 = vector.broadcast %add3A_475 : i32 to vector<16xi32>
          %add3A_477 = arith.addi %xor3A_39, %add3A_476 : vector<16xi32>
          %select_n3A_478 = arith.select %lt3A_474, %add3A_477, %xor3A_39 : vector<16xi1>, vector<16xi32>
          %broadcast_in_dim3A_479 = vector.shape_cast %select_n3A_478 : vector<16xi32> to vector<16x1xi32>
          %gather3A = vector.shape_cast %broadcast_in_dim3A_479 : vector<16x1xi32> to vector<16xi32>
          %gather3A_480 = tpu.dynamic_gather %add3A_471[%gather3A] in [0] : vector<16xf32>, vector<16xi32> -> vector<16xf32>
          %add3A_481 = arith.addf %add3A_471, %gather3A_480 : vector<16xf32>
          %lt3A_482 = arith.constant 0 : i32
          %lt3A_483 = vector.broadcast %lt3A_482 : i32 to vector<16xi32>
          %lt3A_484 = arith.cmpi slt, %xor3A_43, %lt3A_483 : vector<16xi32>
          %add3A_485 = arith.constant 16 : i32
          %add3A_486 = vector.broadcast %add3A_485 : i32 to vector<16xi32>
          %add3A_487 = arith.addi %xor3A_43, %add3A_486 : vector<16xi32>
          %select_n3A_488 = arith.select %lt3A_484, %add3A_487, %xor3A_43 : vector<16xi1>, vector<16xi32>
          %broadcast_in_dim3A_489 = vector.shape_cast %select_n3A_488 : vector<16xi32> to vector<16x1xi32>
          %gather3A_490 = vector.shape_cast %broadcast_in_dim3A_489 : vector<16x1xi32> to vector<16xi32>
          %gather3A_491 = tpu.dynamic_gather %add3A_481[%gather3A_490] in [0] : vector<16xf32>, vector<16xi32> -> vector<16xf32>
          %add3A_492 = arith.addf %add3A_481, %gather3A_491 : vector<16xf32>
          %lt3A_493 = arith.constant 0 : i32
          %lt3A_494 = vector.broadcast %lt3A_493 : i32 to vector<16xi32>
          %lt3A_495 = arith.cmpi slt, %xor3A_47, %lt3A_494 : vector<16xi32>
          %add3A_496 = arith.constant 16 : i32
          %add3A_497 = vector.broadcast %add3A_496 : i32 to vector<16xi32>
          %add3A_498 = arith.addi %xor3A_47, %add3A_497 : vector<16xi32>
          %select_n3A_499 = arith.select %lt3A_495, %add3A_498, %xor3A_47 : vector<16xi1>, vector<16xi32>
          %broadcast_in_dim3A_500 = vector.shape_cast %select_n3A_499 : vector<16xi32> to vector<16x1xi32>
          %gather3A_501 = vector.shape_cast %broadcast_in_dim3A_500 : vector<16x1xi32> to vector<16xi32>
          %gather3A_502 = tpu.dynamic_gather %add3A_492[%gather3A_501] in [0] : vector<16xf32>, vector<16xi32> -> vector<16xf32>
          %add3A_503 = arith.addf %add3A_492, %gather3A_502 : vector<16xf32>
          %lt3A_504 = arith.constant 0 : i32
          %lt3A_505 = vector.broadcast %lt3A_504 : i32 to vector<16xi32>
          %lt3A_506 = arith.cmpi slt, %xor3A_51, %lt3A_505 : vector<16xi32>
          %add3A_507 = arith.constant 16 : i32
          %add3A_508 = vector.broadcast %add3A_507 : i32 to vector<16xi32>
          %add3A_509 = arith.addi %xor3A_51, %add3A_508 : vector<16xi32>
          %select_n3A_510 = arith.select %lt3A_506, %add3A_509, %xor3A_51 : vector<16xi1>, vector<16xi32>
          %broadcast_in_dim3A_511 = vector.shape_cast %select_n3A_510 : vector<16xi32> to vector<16x1xi32>
          %gather3A_512 = vector.shape_cast %broadcast_in_dim3A_511 : vector<16x1xi32> to vector<16xi32>
          %gather3A_513 = tpu.dynamic_gather %add3A_503[%gather3A_512] in [0] : vector<16xf32>, vector<16xi32> -> vector<16xf32>
          %add3A_514 = arith.addf %add3A_503, %gather3A_513 : vector<16xf32>
          %exp3A = math.exp %add3A_514 : vector<16xf32>
          %jit3A_515 = arith.constant 0.000000e+00 : f32
          %broadcast_in_dim3A_516 = vector.broadcast %jit3A_515 : f32 to vector<16xf32>
          %select_n3A_517 = arith.select %eq3A_12, %exp3A, %broadcast_in_dim3A_516 : vector<16xi1>, vector<16xf32>
          %add3A_518 = arith.addf %while3A_392, %select_n3A_517 : vector<16xf32>
          %mul3A_519 = arith.mulf %exp3A, %get3A_407 : vector<16xf32>
          %add3A_520 = arith.addf %while3A_393, %mul3A_519 : vector<16xf32>
          %mul3A_521 = arith.mulf %exp3A, %get3A_414 : vector<16xf32>
          %add3A_522 = arith.addf %while3A_394, %mul3A_521 : vector<16xf32>
          %mul3A_523 = arith.mulf %exp3A, %get3A_421 : vector<16xf32>
          %add3A_524 = arith.addf %while3A_395, %mul3A_523 : vector<16xf32>
          %mul3A_525 = arith.mulf %exp3A, %get3A_428 : vector<16xf32>
          %add3A_526 = arith.addf %while3A_396, %mul3A_525 : vector<16xf32>
          %mul3A_527 = arith.mulf %exp3A, %get3A_435 : vector<16xf32>
          %add3A_528 = arith.addf %while3A_397, %mul3A_527 : vector<16xf32>
          %mul3A_529 = arith.mulf %exp3A, %get3A_442 : vector<16xf32>
          %add3A_530 = arith.addf %while3A_398, %mul3A_529 : vector<16xf32>
          %mul3A_531 = arith.mulf %exp3A, %get3A_449 : vector<16xf32>
          %add3A_532 = arith.addf %while3A_399, %mul3A_531 : vector<16xf32>
          %mul3A_533 = arith.mulf %exp3A, %get3A_456 : vector<16xf32>
          %add3A_534 = arith.addf %while3A_400, %mul3A_533 : vector<16xf32>
          scf.yield %add3A_518, %add3A_520, %add3A_522, %add3A_524, %add3A_526, %add3A_528, %add3A_530, %add3A_532, %add3A_534 : vector<16xf32>, vector<16xf32>, vector<16xf32>, vector<16xf32>, vector<16xf32>, vector<16xf32>, vector<16xf32>, vector<16xf32>, vector<16xf32>
        }
        %while3A_284 = arith.constant 1 : i32
        %while3A_285:9 = scf.for %while3A_391 = %while3A_281 to %while3A_277 step %while3A_284 iter_args(%while3A_392 = %while3A_283#0, %while3A_393 = %while3A_283#1, %while3A_394 = %while3A_283#2, %while3A_395 = %while3A_283#3, %while3A_396 = %while3A_283#4, %while3A_397 = %while3A_283#5, %while3A_398 = %while3A_283#6, %while3A_399 = %while3A_283#7, %while3A_400 = %while3A_283#8) -> (vector<16xf32>, vector<16xf32>, vector<16xf32>, vector<16xf32>, vector<16xf32>, vector<16xf32>, vector<16xf32>, vector<16xf32>, vector<16xf32>)  : i32 {
          %mul3A_401 = arith.constant 128 : i32
          %mul3A_402 = arith.muli %while3A_391, %mul3A_401 : i32
          %add3A_403 = arith.constant 0 : i32
          %add3A_404 = arith.addi %mul3A_402, %add3A_403 : i32
          %get3A_405 = arith.index_cast %add3A_404 : i32 to index
          %get3A_406 = tpu.vector_load %arg12[%get3A_405] {strides = array<i32>} : memref<32768xf32, #tpu.memory_space<vmem>>, vector<16xf32>,
          %get3A_407 = vector.shape_cast %get3A_406 : vector<16xf32> to vector<16xf32>
          %mul3A_408 = arith.constant 128 : i32
          %mul3A_409 = arith.muli %while3A_391, %mul3A_408 : i32
          %add3A_410 = arith.constant 16 : i32
          %add3A_411 = arith.addi %mul3A_409, %add3A_410 : i32
          %get3A_412 = arith.index_cast %add3A_411 : i32 to index
          %get3A_413 = tpu.vector_load %arg12[%get3A_412] {strides = array<i32>} : memref<32768xf32, #tpu.memory_space<vmem>>, vector<16xf32>,
          %get3A_414 = vector.shape_cast %get3A_413 : vector<16xf32> to vector<16xf32>
          %mul3A_415 = arith.constant 128 : i32
          %mul3A_416 = arith.muli %while3A_391, %mul3A_415 : i32
          %add3A_417 = arith.constant 32 : i32
          %add3A_418 = arith.addi %mul3A_416, %add3A_417 : i32
          %get3A_419 = arith.index_cast %add3A_418 : i32 to index
          %get3A_420 = tpu.vector_load %arg12[%get3A_419] {strides = array<i32>} : memref<32768xf32, #tpu.memory_space<vmem>>, vector<16xf32>,
          %get3A_421 = vector.shape_cast %get3A_420 : vector<16xf32> to vector<16xf32>
          %mul3A_422 = arith.constant 128 : i32
          %mul3A_423 = arith.muli %while3A_391, %mul3A_422 : i32
          %add3A_424 = arith.constant 48 : i32
          %add3A_425 = arith.addi %mul3A_423, %add3A_424 : i32
          %get3A_426 = arith.index_cast %add3A_425 : i32 to index
          %get3A_427 = tpu.vector_load %arg12[%get3A_426] {strides = array<i32>} : memref<32768xf32, #tpu.memory_space<vmem>>, vector<16xf32>,
          %get3A_428 = vector.shape_cast %get3A_427 : vector<16xf32> to vector<16xf32>
          %mul3A_429 = arith.constant 128 : i32
          %mul3A_430 = arith.muli %while3A_391, %mul3A_429 : i32
          %add3A_431 = arith.constant 64 : i32
          %add3A_432 = arith.addi %mul3A_430, %add3A_431 : i32
          %get3A_433 = arith.index_cast %add3A_432 : i32 to index
          %get3A_434 = tpu.vector_load %arg12[%get3A_433] {strides = array<i32>} : memref<32768xf32, #tpu.memory_space<vmem>>, vector<16xf32>,
          %get3A_435 = vector.shape_cast %get3A_434 : vector<16xf32> to vector<16xf32>
          %mul3A_436 = arith.constant 128 : i32
          %mul3A_437 = arith.muli %while3A_391, %mul3A_436 : i32
          %add3A_438 = arith.constant 80 : i32
          %add3A_439 = arith.addi %mul3A_437, %add3A_438 : i32
          %get3A_440 = arith.index_cast %add3A_439 : i32 to index
          %get3A_441 = tpu.vector_load %arg12[%get3A_440] {strides = array<i32>} : memref<32768xf32, #tpu.memory_space<vmem>>, vector<16xf32>,
          %get3A_442 = vector.shape_cast %get3A_441 : vector<16xf32> to vector<16xf32>
          %mul3A_443 = arith.constant 128 : i32
          %mul3A_444 = arith.muli %while3A_391, %mul3A_443 : i32
          %add3A_445 = arith.constant 96 : i32
          %add3A_446 = arith.addi %mul3A_444, %add3A_445 : i32
          %get3A_447 = arith.index_cast %add3A_446 : i32 to index
          %get3A_448 = tpu.vector_load %arg12[%get3A_447] {strides = array<i32>} : memref<32768xf32, #tpu.memory_space<vmem>>, vector<16xf32>,
          %get3A_449 = vector.shape_cast %get3A_448 : vector<16xf32> to vector<16xf32>
          %mul3A_450 = arith.constant 128 : i32
          %mul3A_451 = arith.muli %while3A_391, %mul3A_450 : i32
          %add3A_452 = arith.constant 112 : i32
          %add3A_453 = arith.addi %mul3A_451, %add3A_452 : i32
          %get3A_454 = arith.index_cast %add3A_453 : i32 to index
          %get3A_455 = tpu.vector_load %arg12[%get3A_454] {strides = array<i32>} : memref<32768xf32, #tpu.memory_space<vmem>>, vector<16xf32>,
          %get3A_456 = vector.shape_cast %get3A_455 : vector<16xf32> to vector<16xf32>
          %mul3A_457 = arith.mulf %get3A_407, %get3A_15 : vector<16xf32>
          %mul3A_458 = arith.mulf %get3A_414, %get3A_18 : vector<16xf32>
          %add3A_459 = arith.addf %mul3A_457, %mul3A_458 : vector<16xf32>
          %mul3A_460 = arith.mulf %get3A_421, %get3A_21 : vector<16xf32>
          %add3A_461 = arith.addf %add3A_459, %mul3A_460 : vector<16xf32>
          %mul3A_462 = arith.mulf %get3A_428, %get3A_24 : vector<16xf32>
          %add3A_463 = arith.addf %add3A_461, %mul3A_462 : vector<16xf32>
          %mul3A_464 = arith.mulf %get3A_435, %get3A_27 : vector<16xf32>
          %add3A_465 = arith.addf %add3A_463, %mul3A_464 : vector<16xf32>
          %mul3A_466 = arith.mulf %get3A_442, %get3A_30 : vector<16xf32>
          %add3A_467 = arith.addf %add3A_465, %mul3A_466 : vector<16xf32>
          %mul3A_468 = arith.mulf %get3A_449, %get3A_33 : vector<16xf32>
          %add3A_469 = arith.addf %add3A_467, %mul3A_468 : vector<16xf32>
          %mul3A_470 = arith.mulf %get3A_456, %get3A_36 : vector<16xf32>
          %add3A_471 = arith.addf %add3A_469, %mul3A_470 : vector<16xf32>
          %lt3A_472 = arith.constant 0 : i32
          %lt3A_473 = vector.broadcast %lt3A_472 : i32 to vector<16xi32>
          %lt3A_474 = arith.cmpi slt, %xor3A_39, %lt3A_473 : vector<16xi32>
          %add3A_475 = arith.constant 16 : i32
          %add3A_476 = vector.broadcast %add3A_475 : i32 to vector<16xi32>
          %add3A_477 = arith.addi %xor3A_39, %add3A_476 : vector<16xi32>
          %select_n3A_478 = arith.select %lt3A_474, %add3A_477, %xor3A_39 : vector<16xi1>, vector<16xi32>
          %broadcast_in_dim3A_479 = vector.shape_cast %select_n3A_478 : vector<16xi32> to vector<16x1xi32>
          %gather3A = vector.shape_cast %broadcast_in_dim3A_479 : vector<16x1xi32> to vector<16xi32>
          %gather3A_480 = tpu.dynamic_gather %add3A_471[%gather3A] in [0] : vector<16xf32>, vector<16xi32> -> vector<16xf32>
          %add3A_481 = arith.addf %add3A_471, %gather3A_480 : vector<16xf32>
          %lt3A_482 = arith.constant 0 : i32
          %lt3A_483 = vector.broadcast %lt3A_482 : i32 to vector<16xi32>
          %lt3A_484 = arith.cmpi slt, %xor3A_43, %lt3A_483 : vector<16xi32>
          %add3A_485 = arith.constant 16 : i32
          %add3A_486 = vector.broadcast %add3A_485 : i32 to vector<16xi32>
          %add3A_487 = arith.addi %xor3A_43, %add3A_486 : vector<16xi32>
          %select_n3A_488 = arith.select %lt3A_484, %add3A_487, %xor3A_43 : vector<16xi1>, vector<16xi32>
          %broadcast_in_dim3A_489 = vector.shape_cast %select_n3A_488 : vector<16xi32> to vector<16x1xi32>
          %gather3A_490 = vector.shape_cast %broadcast_in_dim3A_489 : vector<16x1xi32> to vector<16xi32>
          %gather3A_491 = tpu.dynamic_gather %add3A_481[%gather3A_490] in [0] : vector<16xf32>, vector<16xi32> -> vector<16xf32>
          %add3A_492 = arith.addf %add3A_481, %gather3A_491 : vector<16xf32>
          %lt3A_493 = arith.constant 0 : i32
          %lt3A_494 = vector.broadcast %lt3A_493 : i32 to vector<16xi32>
          %lt3A_495 = arith.cmpi slt, %xor3A_47, %lt3A_494 : vector<16xi32>
          %add3A_496 = arith.constant 16 : i32
          %add3A_497 = vector.broadcast %add3A_496 : i32 to vector<16xi32>
          %add3A_498 = arith.addi %xor3A_47, %add3A_497 : vector<16xi32>
          %select_n3A_499 = arith.select %lt3A_495, %add3A_498, %xor3A_47 : vector<16xi1>, vector<16xi32>
          %broadcast_in_dim3A_500 = vector.shape_cast %select_n3A_499 : vector<16xi32> to vector<16x1xi32>
          %gather3A_501 = vector.shape_cast %broadcast_in_dim3A_500 : vector<16x1xi32> to vector<16xi32>
          %gather3A_502 = tpu.dynamic_gather %add3A_492[%gather3A_501] in [0] : vector<16xf32>, vector<16xi32> -> vector<16xf32>
          %add3A_503 = arith.addf %add3A_492, %gather3A_502 : vector<16xf32>
          %lt3A_504 = arith.constant 0 : i32
          %lt3A_505 = vector.broadcast %lt3A_504 : i32 to vector<16xi32>
          %lt3A_506 = arith.cmpi slt, %xor3A_51, %lt3A_505 : vector<16xi32>
          %add3A_507 = arith.constant 16 : i32
          %add3A_508 = vector.broadcast %add3A_507 : i32 to vector<16xi32>
          %add3A_509 = arith.addi %xor3A_51, %add3A_508 : vector<16xi32>
          %select_n3A_510 = arith.select %lt3A_506, %add3A_509, %xor3A_51 : vector<16xi1>, vector<16xi32>
          %broadcast_in_dim3A_511 = vector.shape_cast %select_n3A_510 : vector<16xi32> to vector<16x1xi32>
          %gather3A_512 = vector.shape_cast %broadcast_in_dim3A_511 : vector<16x1xi32> to vector<16xi32>
          %gather3A_513 = tpu.dynamic_gather %add3A_503[%gather3A_512] in [0] : vector<16xf32>, vector<16xi32> -> vector<16xf32>
          %add3A_514 = arith.addf %add3A_503, %gather3A_513 : vector<16xf32>
          %exp3A = math.exp %add3A_514 : vector<16xf32>
          %jit3A_515 = arith.constant 0.000000e+00 : f32
          %broadcast_in_dim3A_516 = vector.broadcast %jit3A_515 : f32 to vector<16xf32>
          %select_n3A_517 = arith.select %eq3A_12, %exp3A, %broadcast_in_dim3A_516 : vector<16xi1>, vector<16xf32>
          %add3A_518 = arith.addf %while3A_392, %select_n3A_517 : vector<16xf32>
          %mul3A_519 = arith.mulf %exp3A, %get3A_407 : vector<16xf32>
          %add3A_520 = arith.addf %while3A_393, %mul3A_519 : vector<16xf32>
          %mul3A_521 = arith.mulf %exp3A, %get3A_414 : vector<16xf32>
          %add3A_522 = arith.addf %while3A_394, %mul3A_521 : vector<16xf32>
          %mul3A_523 = arith.mulf %exp3A, %get3A_421 : vector<16xf32>
          %add3A_524 = arith.addf %while3A_395, %mul3A_523 : vector<16xf32>
          %mul3A_525 = arith.mulf %exp3A, %get3A_428 : vector<16xf32>
          %add3A_526 = arith.addf %while3A_396, %mul3A_525 : vector<16xf32>
          %mul3A_527 = arith.mulf %exp3A, %get3A_435 : vector<16xf32>
          %add3A_528 = arith.addf %while3A_397, %mul3A_527 : vector<16xf32>
          %mul3A_529 = arith.mulf %exp3A, %get3A_442 : vector<16xf32>
          %add3A_530 = arith.addf %while3A_398, %mul3A_529 : vector<16xf32>
          %mul3A_531 = arith.mulf %exp3A, %get3A_449 : vector<16xf32>
          %add3A_532 = arith.addf %while3A_399, %mul3A_531 : vector<16xf32>
          %mul3A_533 = arith.mulf %exp3A, %get3A_456 : vector<16xf32>
          %add3A_534 = arith.addf %while3A_400, %mul3A_533 : vector<16xf32>
          scf.yield %add3A_518, %add3A_520, %add3A_522, %add3A_524, %add3A_526, %add3A_528, %add3A_530, %add3A_532, %add3A_534 : vector<16xf32>, vector<16xf32>, vector<16xf32>, vector<16xf32>, vector<16xf32>, vector<16xf32>, vector<16xf32>, vector<16xf32>, vector<16xf32>
        }
        %mul3A_286 = arith.constant 128 : i32
        %mul3A_287 = arith.muli %while3A_258, %mul3A_286 : i32
        %add3A_288 = arith.constant 0 : i32
        %add3A_289 = arith.addi %mul3A_287, %add3A_288 : i32
        %get3A_290 = arith.index_cast %add3A_289 : i32 to index
        %get3A_291 = tpu.vector_load %arg7[%get3A_290] {strides = array<i32>} : memref<40960xf32, #tpu.memory_space<vmem>>, vector<16xf32>,
        %get3A_292 = vector.shape_cast %get3A_291 : vector<16xf32> to vector<16xf32>
        %add3A_293 = arith.addf %get3A_292, %while3A_285#1 : vector<16xf32>
        %add3A_294 = arith.constant 0 : i32
        %add3A_295 = arith.addi %mul3A_287, %add3A_294 : i32
        %swap3A = arith.index_cast %add3A_295 : i32 to index
        %swap3A_296 = tpu.vector_load %arg7[%swap3A] {strides = array<i32>} : memref<40960xf32, #tpu.memory_space<vmem>>, vector<16xf32>,
        %swap3A_297 = vector.shape_cast %swap3A_296 : vector<16xf32> to vector<16xf32>
        %swap3A_298 = vector.shape_cast %add3A_293 : vector<16xf32> to vector<16xf32>
        tpu.vector_store %arg7[%swap3A], %swap3A_298 {strides = array<i32>} : memref<40960xf32, #tpu.memory_space<vmem>>, vector<16xf32>,
        %add3A_299 = arith.constant 16 : i32
        %add3A_300 = arith.addi %mul3A_287, %add3A_299 : i32
        %get3A_301 = arith.index_cast %add3A_300 : i32 to index
        %get3A_302 = tpu.vector_load %arg7[%get3A_301] {strides = array<i32>} : memref<40960xf32, #tpu.memory_space<vmem>>, vector<16xf32>,
        %get3A_303 = vector.shape_cast %get3A_302 : vector<16xf32> to vector<16xf32>
        %add3A_304 = arith.addf %get3A_303, %while3A_285#2 : vector<16xf32>
        %add3A_305 = arith.constant 16 : i32
        %add3A_306 = arith.addi %mul3A_287, %add3A_305 : i32
        %swap3A_307 = arith.index_cast %add3A_306 : i32 to index
        %swap3A_308 = tpu.vector_load %arg7[%swap3A_307] {strides = array<i32>} : memref<40960xf32, #tpu.memory_space<vmem>>, vector<16xf32>,
        %swap3A_309 = vector.shape_cast %swap3A_308 : vector<16xf32> to vector<16xf32>
        %swap3A_310 = vector.shape_cast %add3A_304 : vector<16xf32> to vector<16xf32>
        tpu.vector_store %arg7[%swap3A_307], %swap3A_310 {strides = array<i32>} : memref<40960xf32, #tpu.memory_space<vmem>>, vector<16xf32>,
        %add3A_311 = arith.constant 32 : i32
        %add3A_312 = arith.addi %mul3A_287, %add3A_311 : i32
        %get3A_313 = arith.index_cast %add3A_312 : i32 to index
        %get3A_314 = tpu.vector_load %arg7[%get3A_313] {strides = array<i32>} : memref<40960xf32, #tpu.memory_space<vmem>>, vector<16xf32>,
        %get3A_315 = vector.shape_cast %get3A_314 : vector<16xf32> to vector<16xf32>
        %add3A_316 = arith.addf %get3A_315, %while3A_285#3 : vector<16xf32>
        %add3A_317 = arith.constant 32 : i32
        %add3A_318 = arith.addi %mul3A_287, %add3A_317 : i32
        %swap3A_319 = arith.index_cast %add3A_318 : i32 to index
        %swap3A_320 = tpu.vector_load %arg7[%swap3A_319] {strides = array<i32>} : memref<40960xf32, #tpu.memory_space<vmem>>, vector<16xf32>,
        %swap3A_321 = vector.shape_cast %swap3A_320 : vector<16xf32> to vector<16xf32>
        %swap3A_322 = vector.shape_cast %add3A_316 : vector<16xf32> to vector<16xf32>
        tpu.vector_store %arg7[%swap3A_319], %swap3A_322 {strides = array<i32>} : memref<40960xf32, #tpu.memory_space<vmem>>, vector<16xf32>,
        %add3A_323 = arith.constant 48 : i32
        %add3A_324 = arith.addi %mul3A_287, %add3A_323 : i32
        %get3A_325 = arith.index_cast %add3A_324 : i32 to index
        %get3A_326 = tpu.vector_load %arg7[%get3A_325] {strides = array<i32>} : memref<40960xf32, #tpu.memory_space<vmem>>, vector<16xf32>,
        %get3A_327 = vector.shape_cast %get3A_326 : vector<16xf32> to vector<16xf32>
        %add3A_328 = arith.addf %get3A_327, %while3A_285#4 : vector<16xf32>
        %add3A_329 = arith.constant 48 : i32
        %add3A_330 = arith.addi %mul3A_287, %add3A_329 : i32
        %swap3A_331 = arith.index_cast %add3A_330 : i32 to index
        %swap3A_332 = tpu.vector_load %arg7[%swap3A_331] {strides = array<i32>} : memref<40960xf32, #tpu.memory_space<vmem>>, vector<16xf32>,
        %swap3A_333 = vector.shape_cast %swap3A_332 : vector<16xf32> to vector<16xf32>
        %swap3A_334 = vector.shape_cast %add3A_328 : vector<16xf32> to vector<16xf32>
        tpu.vector_store %arg7[%swap3A_331], %swap3A_334 {strides = array<i32>} : memref<40960xf32, #tpu.memory_space<vmem>>, vector<16xf32>,
        %add3A_335 = arith.constant 64 : i32
        %add3A_336 = arith.addi %mul3A_287, %add3A_335 : i32
        %get3A_337 = arith.index_cast %add3A_336 : i32 to index
        %get3A_338 = tpu.vector_load %arg7[%get3A_337] {strides = array<i32>} : memref<40960xf32, #tpu.memory_space<vmem>>, vector<16xf32>,
        %get3A_339 = vector.shape_cast %get3A_338 : vector<16xf32> to vector<16xf32>
        %add3A_340 = arith.addf %get3A_339, %while3A_285#5 : vector<16xf32>
        %add3A_341 = arith.constant 64 : i32
        %add3A_342 = arith.addi %mul3A_287, %add3A_341 : i32
        %swap3A_343 = arith.index_cast %add3A_342 : i32 to index
        %swap3A_344 = tpu.vector_load %arg7[%swap3A_343] {strides = array<i32>} : memref<40960xf32, #tpu.memory_space<vmem>>, vector<16xf32>,
        %swap3A_345 = vector.shape_cast %swap3A_344 : vector<16xf32> to vector<16xf32>
        %swap3A_346 = vector.shape_cast %add3A_340 : vector<16xf32> to vector<16xf32>
        tpu.vector_store %arg7[%swap3A_343], %swap3A_346 {strides = array<i32>} : memref<40960xf32, #tpu.memory_space<vmem>>, vector<16xf32>,
        %add3A_347 = arith.constant 80 : i32
        %add3A_348 = arith.addi %mul3A_287, %add3A_347 : i32
        %get3A_349 = arith.index_cast %add3A_348 : i32 to index
        %get3A_350 = tpu.vector_load %arg7[%get3A_349] {strides = array<i32>} : memref<40960xf32, #tpu.memory_space<vmem>>, vector<16xf32>,
        %get3A_351 = vector.shape_cast %get3A_350 : vector<16xf32> to vector<16xf32>
        %add3A_352 = arith.addf %get3A_351, %while3A_285#6 : vector<16xf32>
        %add3A_353 = arith.constant 80 : i32
        %add3A_354 = arith.addi %mul3A_287, %add3A_353 : i32
        %swap3A_355 = arith.index_cast %add3A_354 : i32 to index
        %swap3A_356 = tpu.vector_load %arg7[%swap3A_355] {strides = array<i32>} : memref<40960xf32, #tpu.memory_space<vmem>>, vector<16xf32>,
        %swap3A_357 = vector.shape_cast %swap3A_356 : vector<16xf32> to vector<16xf32>
        %swap3A_358 = vector.shape_cast %add3A_352 : vector<16xf32> to vector<16xf32>
        tpu.vector_store %arg7[%swap3A_355], %swap3A_358 {strides = array<i32>} : memref<40960xf32, #tpu.memory_space<vmem>>, vector<16xf32>,
        %add3A_359 = arith.constant 96 : i32
        %add3A_360 = arith.addi %mul3A_287, %add3A_359 : i32
        %get3A_361 = arith.index_cast %add3A_360 : i32 to index
        %get3A_362 = tpu.vector_load %arg7[%get3A_361] {strides = array<i32>} : memref<40960xf32, #tpu.memory_space<vmem>>, vector<16xf32>,
        %get3A_363 = vector.shape_cast %get3A_362 : vector<16xf32> to vector<16xf32>
        %add3A_364 = arith.addf %get3A_363, %while3A_285#7 : vector<16xf32>
        %add3A_365 = arith.constant 96 : i32
        %add3A_366 = arith.addi %mul3A_287, %add3A_365 : i32
        %swap3A_367 = arith.index_cast %add3A_366 : i32 to index
        %swap3A_368 = tpu.vector_load %arg7[%swap3A_367] {strides = array<i32>} : memref<40960xf32, #tpu.memory_space<vmem>>, vector<16xf32>,
        %swap3A_369 = vector.shape_cast %swap3A_368 : vector<16xf32> to vector<16xf32>
        %swap3A_370 = vector.shape_cast %add3A_364 : vector<16xf32> to vector<16xf32>
        tpu.vector_store %arg7[%swap3A_367], %swap3A_370 {strides = array<i32>} : memref<40960xf32, #tpu.memory_space<vmem>>, vector<16xf32>,
        %add3A_371 = arith.constant 112 : i32
        %add3A_372 = arith.addi %mul3A_287, %add3A_371 : i32
        %get3A_373 = arith.index_cast %add3A_372 : i32 to index
        %get3A_374 = tpu.vector_load %arg7[%get3A_373] {strides = array<i32>} : memref<40960xf32, #tpu.memory_space<vmem>>, vector<16xf32>,
        %get3A_375 = vector.shape_cast %get3A_374 : vector<16xf32> to vector<16xf32>
        %add3A_376 = arith.addf %get3A_375, %while3A_285#8 : vector<16xf32>
        %add3A_377 = arith.constant 112 : i32
        %add3A_378 = arith.addi %mul3A_287, %add3A_377 : i32
        %swap3A_379 = arith.index_cast %add3A_378 : i32 to index
        %swap3A_380 = tpu.vector_load %arg7[%swap3A_379] {strides = array<i32>} : memref<40960xf32, #tpu.memory_space<vmem>>, vector<16xf32>,
        %swap3A_381 = vector.shape_cast %swap3A_380 : vector<16xf32> to vector<16xf32>
        %swap3A_382 = vector.shape_cast %add3A_376 : vector<16xf32> to vector<16xf32>
        tpu.vector_store %arg7[%swap3A_379], %swap3A_382 {strides = array<i32>} : memref<40960xf32, #tpu.memory_space<vmem>>, vector<16xf32>,
        %get3A_383 = arith.index_cast %while3A_258 : i32 to index
        %get3A_384 = tpu.vector_load %arg8[%get3A_383] {strides = array<i32>} : memref<336xf32, #tpu.memory_space<vmem>>, vector<16xf32>,
        %get3A_385 = vector.shape_cast %get3A_384 : vector<16xf32> to vector<16xf32>
        %add3A_386 = arith.addf %get3A_385, %while3A_285#0 : vector<16xf32>
        %swap3A_387 = arith.index_cast %while3A_258 : i32 to index
        %swap3A_388 = tpu.vector_load %arg8[%swap3A_387] {strides = array<i32>} : memref<336xf32, #tpu.memory_space<vmem>>, vector<16xf32>,
        %swap3A_389 = vector.shape_cast %swap3A_388 : vector<16xf32> to vector<16xf32>
        %swap3A_390 = vector.shape_cast %add3A_386 : vector<16xf32> to vector<16xf32>
        tpu.vector_store %arg8[%swap3A_387], %swap3A_390 {strides = array<i32>} : memref<336xf32, #tpu.memory_space<vmem>>, vector<16xf32>,
      }
      %while3A_256 = arith.constant 1 : i32
      scf.for %while3A_258 = %while3A_254 to %while3A_250 step %while3A_256  : i32 {
        %get3A_259 = arith.index_cast %while3A_258 : i32 to index
        %get3A_260 = tpu.vector_load %arg9[%get3A_259] {strides = array<i32>} : memref<352xi32, #tpu.memory_space<vmem>>, vector<16xi32>,
        %get3A_261 = vector.shape_cast %get3A_260 : vector<16xi32> to vector<16xi32>
        %slice3A_262 = vector.extract_strided_slice %get3A_261 {offsets = [0], sizes = [1], strides = [1]} : vector<16xi32> to vector<1xi32>
        %squeeze3A_263 = vector.extract %slice3A_262[0] : i32 from vector<1xi32>
        %add3A_264 = arith.constant 1 : i32
        %add3A_265 = arith.addi %while3A_258, %add3A_264 : i32
        %get3A_266 = arith.index_cast %add3A_265 : i32 to index
        %get3A_267 = tpu.vector_load %arg9[%get3A_266] {strides = array<i32>} : memref<352xi32, #tpu.memory_space<vmem>>, vector<16xi32>,
        %get3A_268 = vector.shape_cast %get3A_267 : vector<16xi32> to vector<16xi32>
        %slice3A_269 = vector.extract_strided_slice %get3A_268 {offsets = [0], sizes = [1], strides = [1]} : vector<16xi32> to vector<1xi32>
        %squeeze3A_270 = vector.extract %slice3A_269[0] : i32 from vector<1xi32>
        %sub3A_271 = arith.subi %squeeze3A_263, %select_n3A_221 : i32
        %max3A_272 = arith.maxsi %sub3A_271, %select_n3A_226 : i32
        %sub3A_273 = arith.subi %squeeze3A_270, %select_n3A_221 : i32
        %min3A_274 = arith.minsi %sub3A_273, %select_n3A_231 : i32
        %max3A_275 = arith.maxsi %max3A_272, %min3A_274 : i32
        %while3A_276 = arith.subi %max3A_275, %max3A_272 : i32
        %while3A_277 = arith.addi %max3A_272, %while3A_276 : i32
        %while3A_278 = arith.constant 1 : i32
        %while3A_279 = arith.divsi %while3A_276, %while3A_278 : i32
        %while3A_280 = arith.muli %while3A_279, %while3A_278 : i32
        %while3A_281 = arith.addi %max3A_272, %while3A_280 : i32
        %while3A_282 = arith.constant 1 : i32
        %while3A_283:9 = scf.for %while3A_391 = %max3A_272 to %while3A_281 step %while3A_282 iter_args(%while3A_392 = %broadcast_in_dim3A_10, %while3A_393 = %broadcast_in_dim3A_10, %while3A_394 = %broadcast_in_dim3A_10, %while3A_395 = %broadcast_in_dim3A_10, %while3A_396 = %broadcast_in_dim3A_10, %while3A_397 = %broadcast_in_dim3A_10, %while3A_398 = %broadcast_in_dim3A_10, %while3A_399 = %broadcast_in_dim3A_10, %while3A_400 = %broadcast_in_dim3A_10) -> (vector<16xf32>, vector<16xf32>, vector<16xf32>, vector<16xf32>, vector<16xf32>, vector<16xf32>, vector<16xf32>, vector<16xf32>, vector<16xf32>)  : i32 {
          %mul3A_401 = arith.constant 128 : i32
          %mul3A_402 = arith.muli %while3A_391, %mul3A_401 : i32
          %add3A_403 = arith.constant 0 : i32
          %add3A_404 = arith.addi %mul3A_402, %add3A_403 : i32
          %get3A_405 = arith.index_cast %add3A_404 : i32 to index
          %get3A_406 = tpu.vector_load %arg12[%get3A_405] {strides = array<i32>} : memref<32768xf32, #tpu.memory_space<vmem>>, vector<16xf32>,
          %get3A_407 = vector.shape_cast %get3A_406 : vector<16xf32> to vector<16xf32>
          %mul3A_408 = arith.constant 128 : i32
          %mul3A_409 = arith.muli %while3A_391, %mul3A_408 : i32
          %add3A_410 = arith.constant 16 : i32
          %add3A_411 = arith.addi %mul3A_409, %add3A_410 : i32
          %get3A_412 = arith.index_cast %add3A_411 : i32 to index
          %get3A_413 = tpu.vector_load %arg12[%get3A_412] {strides = array<i32>} : memref<32768xf32, #tpu.memory_space<vmem>>, vector<16xf32>,
          %get3A_414 = vector.shape_cast %get3A_413 : vector<16xf32> to vector<16xf32>
          %mul3A_415 = arith.constant 128 : i32
          %mul3A_416 = arith.muli %while3A_391, %mul3A_415 : i32
          %add3A_417 = arith.constant 32 : i32
          %add3A_418 = arith.addi %mul3A_416, %add3A_417 : i32
          %get3A_419 = arith.index_cast %add3A_418 : i32 to index
          %get3A_420 = tpu.vector_load %arg12[%get3A_419] {strides = array<i32>} : memref<32768xf32, #tpu.memory_space<vmem>>, vector<16xf32>,
          %get3A_421 = vector.shape_cast %get3A_420 : vector<16xf32> to vector<16xf32>
          %mul3A_422 = arith.constant 128 : i32
          %mul3A_423 = arith.muli %while3A_391, %mul3A_422 : i32
          %add3A_424 = arith.constant 48 : i32
          %add3A_425 = arith.addi %mul3A_423, %add3A_424 : i32
          %get3A_426 = arith.index_cast %add3A_425 : i32 to index
          %get3A_427 = tpu.vector_load %arg12[%get3A_426] {strides = array<i32>} : memref<32768xf32, #tpu.memory_space<vmem>>, vector<16xf32>,
          %get3A_428 = vector.shape_cast %get3A_427 : vector<16xf32> to vector<16xf32>
          %mul3A_429 = arith.constant 128 : i32
          %mul3A_430 = arith.muli %while3A_391, %mul3A_429 : i32
          %add3A_431 = arith.constant 64 : i32
          %add3A_432 = arith.addi %mul3A_430, %add3A_431 : i32
          %get3A_433 = arith.index_cast %add3A_432 : i32 to index
          %get3A_434 = tpu.vector_load %arg12[%get3A_433] {strides = array<i32>} : memref<32768xf32, #tpu.memory_space<vmem>>, vector<16xf32>,
          %get3A_435 = vector.shape_cast %get3A_434 : vector<16xf32> to vector<16xf32>
          %mul3A_436 = arith.constant 128 : i32
          %mul3A_437 = arith.muli %while3A_391, %mul3A_436 : i32
          %add3A_438 = arith.constant 80 : i32
          %add3A_439 = arith.addi %mul3A_437, %add3A_438 : i32
          %get3A_440 = arith.index_cast %add3A_439 : i32 to index
          %get3A_441 = tpu.vector_load %arg12[%get3A_440] {strides = array<i32>} : memref<32768xf32, #tpu.memory_space<vmem>>, vector<16xf32>,
          %get3A_442 = vector.shape_cast %get3A_441 : vector<16xf32> to vector<16xf32>
          %mul3A_443 = arith.constant 128 : i32
          %mul3A_444 = arith.muli %while3A_391, %mul3A_443 : i32
          %add3A_445 = arith.constant 96 : i32
          %add3A_446 = arith.addi %mul3A_444, %add3A_445 : i32
          %get3A_447 = arith.index_cast %add3A_446 : i32 to index
          %get3A_448 = tpu.vector_load %arg12[%get3A_447] {strides = array<i32>} : memref<32768xf32, #tpu.memory_space<vmem>>, vector<16xf32>,
          %get3A_449 = vector.shape_cast %get3A_448 : vector<16xf32> to vector<16xf32>
          %mul3A_450 = arith.constant 128 : i32
          %mul3A_451 = arith.muli %while3A_391, %mul3A_450 : i32
          %add3A_452 = arith.constant 112 : i32
          %add3A_453 = arith.addi %mul3A_451, %add3A_452 : i32
          %get3A_454 = arith.index_cast %add3A_453 : i32 to index
          %get3A_455 = tpu.vector_load %arg12[%get3A_454] {strides = array<i32>} : memref<32768xf32, #tpu.memory_space<vmem>>, vector<16xf32>,
          %get3A_456 = vector.shape_cast %get3A_455 : vector<16xf32> to vector<16xf32>
          %mul3A_457 = arith.mulf %get3A_407, %get3A_15 : vector<16xf32>
          %mul3A_458 = arith.mulf %get3A_414, %get3A_18 : vector<16xf32>
          %add3A_459 = arith.addf %mul3A_457, %mul3A_458 : vector<16xf32>
          %mul3A_460 = arith.mulf %get3A_421, %get3A_21 : vector<16xf32>
          %add3A_461 = arith.addf %add3A_459, %mul3A_460 : vector<16xf32>
          %mul3A_462 = arith.mulf %get3A_428, %get3A_24 : vector<16xf32>
          %add3A_463 = arith.addf %add3A_461, %mul3A_462 : vector<16xf32>
          %mul3A_464 = arith.mulf %get3A_435, %get3A_27 : vector<16xf32>
          %add3A_465 = arith.addf %add3A_463, %mul3A_464 : vector<16xf32>
          %mul3A_466 = arith.mulf %get3A_442, %get3A_30 : vector<16xf32>
          %add3A_467 = arith.addf %add3A_465, %mul3A_466 : vector<16xf32>
          %mul3A_468 = arith.mulf %get3A_449, %get3A_33 : vector<16xf32>
          %add3A_469 = arith.addf %add3A_467, %mul3A_468 : vector<16xf32>
          %mul3A_470 = arith.mulf %get3A_456, %get3A_36 : vector<16xf32>
          %add3A_471 = arith.addf %add3A_469, %mul3A_470 : vector<16xf32>
          %lt3A_472 = arith.constant 0 : i32
          %lt3A_473 = vector.broadcast %lt3A_472 : i32 to vector<16xi32>
          %lt3A_474 = arith.cmpi slt, %xor3A_39, %lt3A_473 : vector<16xi32>
          %add3A_475 = arith.constant 16 : i32
          %add3A_476 = vector.broadcast %add3A_475 : i32 to vector<16xi32>
          %add3A_477 = arith.addi %xor3A_39, %add3A_476 : vector<16xi32>
          %select_n3A_478 = arith.select %lt3A_474, %add3A_477, %xor3A_39 : vector<16xi1>, vector<16xi32>
          %broadcast_in_dim3A_479 = vector.shape_cast %select_n3A_478 : vector<16xi32> to vector<16x1xi32>
          %gather3A = vector.shape_cast %broadcast_in_dim3A_479 : vector<16x1xi32> to vector<16xi32>
          %gather3A_480 = tpu.dynamic_gather %add3A_471[%gather3A] in [0] : vector<16xf32>, vector<16xi32> -> vector<16xf32>
          %add3A_481 = arith.addf %add3A_471, %gather3A_480 : vector<16xf32>
          %lt3A_482 = arith.constant 0 : i32
          %lt3A_483 = vector.broadcast %lt3A_482 : i32 to vector<16xi32>
          %lt3A_484 = arith.cmpi slt, %xor3A_43, %lt3A_483 : vector<16xi32>
          %add3A_485 = arith.constant 16 : i32
          %add3A_486 = vector.broadcast %add3A_485 : i32 to vector<16xi32>
          %add3A_487 = arith.addi %xor3A_43, %add3A_486 : vector<16xi32>
          %select_n3A_488 = arith.select %lt3A_484, %add3A_487, %xor3A_43 : vector<16xi1>, vector<16xi32>
          %broadcast_in_dim3A_489 = vector.shape_cast %select_n3A_488 : vector<16xi32> to vector<16x1xi32>
          %gather3A_490 = vector.shape_cast %broadcast_in_dim3A_489 : vector<16x1xi32> to vector<16xi32>
          %gather3A_491 = tpu.dynamic_gather %add3A_481[%gather3A_490] in [0] : vector<16xf32>, vector<16xi32> -> vector<16xf32>
          %add3A_492 = arith.addf %add3A_481, %gather3A_491 : vector<16xf32>
          %lt3A_493 = arith.constant 0 : i32
          %lt3A_494 = vector.broadcast %lt3A_493 : i32 to vector<16xi32>
          %lt3A_495 = arith.cmpi slt, %xor3A_47, %lt3A_494 : vector<16xi32>
          %add3A_496 = arith.constant 16 : i32
          %add3A_497 = vector.broadcast %add3A_496 : i32 to vector<16xi32>
          %add3A_498 = arith.addi %xor3A_47, %add3A_497 : vector<16xi32>
          %select_n3A_499 = arith.select %lt3A_495, %add3A_498, %xor3A_47 : vector<16xi1>, vector<16xi32>
          %broadcast_in_dim3A_500 = vector.shape_cast %select_n3A_499 : vector<16xi32> to vector<16x1xi32>
          %gather3A_501 = vector.shape_cast %broadcast_in_dim3A_500 : vector<16x1xi32> to vector<16xi32>
          %gather3A_502 = tpu.dynamic_gather %add3A_492[%gather3A_501] in [0] : vector<16xf32>, vector<16xi32> -> vector<16xf32>
          %add3A_503 = arith.addf %add3A_492, %gather3A_502 : vector<16xf32>
          %lt3A_504 = arith.constant 0 : i32
          %lt3A_505 = vector.broadcast %lt3A_504 : i32 to vector<16xi32>
          %lt3A_506 = arith.cmpi slt, %xor3A_51, %lt3A_505 : vector<16xi32>
          %add3A_507 = arith.constant 16 : i32
          %add3A_508 = vector.broadcast %add3A_507 : i32 to vector<16xi32>
          %add3A_509 = arith.addi %xor3A_51, %add3A_508 : vector<16xi32>
          %select_n3A_510 = arith.select %lt3A_506, %add3A_509, %xor3A_51 : vector<16xi1>, vector<16xi32>
          %broadcast_in_dim3A_511 = vector.shape_cast %select_n3A_510 : vector<16xi32> to vector<16x1xi32>
          %gather3A_512 = vector.shape_cast %broadcast_in_dim3A_511 : vector<16x1xi32> to vector<16xi32>
          %gather3A_513 = tpu.dynamic_gather %add3A_503[%gather3A_512] in [0] : vector<16xf32>, vector<16xi32> -> vector<16xf32>
          %add3A_514 = arith.addf %add3A_503, %gather3A_513 : vector<16xf32>
          %exp3A = math.exp %add3A_514 : vector<16xf32>
          %jit3A_515 = arith.constant 0.000000e+00 : f32
          %broadcast_in_dim3A_516 = vector.broadcast %jit3A_515 : f32 to vector<16xf32>
          %select_n3A_517 = arith.select %eq3A_12, %exp3A, %broadcast_in_dim3A_516 : vector<16xi1>, vector<16xf32>
          %add3A_518 = arith.addf %while3A_392, %select_n3A_517 : vector<16xf32>
          %mul3A_519 = arith.mulf %exp3A, %get3A_407 : vector<16xf32>
          %add3A_520 = arith.addf %while3A_393, %mul3A_519 : vector<16xf32>
          %mul3A_521 = arith.mulf %exp3A, %get3A_414 : vector<16xf32>
          %add3A_522 = arith.addf %while3A_394, %mul3A_521 : vector<16xf32>
          %mul3A_523 = arith.mulf %exp3A, %get3A_421 : vector<16xf32>
          %add3A_524 = arith.addf %while3A_395, %mul3A_523 : vector<16xf32>
          %mul3A_525 = arith.mulf %exp3A, %get3A_428 : vector<16xf32>
          %add3A_526 = arith.addf %while3A_396, %mul3A_525 : vector<16xf32>
          %mul3A_527 = arith.mulf %exp3A, %get3A_435 : vector<16xf32>
          %add3A_528 = arith.addf %while3A_397, %mul3A_527 : vector<16xf32>
          %mul3A_529 = arith.mulf %exp3A, %get3A_442 : vector<16xf32>
          %add3A_530 = arith.addf %while3A_398, %mul3A_529 : vector<16xf32>
          %mul3A_531 = arith.mulf %exp3A, %get3A_449 : vector<16xf32>
          %add3A_532 = arith.addf %while3A_399, %mul3A_531 : vector<16xf32>
          %mul3A_533 = arith.mulf %exp3A, %get3A_456 : vector<16xf32>
          %add3A_534 = arith.addf %while3A_400, %mul3A_533 : vector<16xf32>
          scf.yield %add3A_518, %add3A_520, %add3A_522, %add3A_524, %add3A_526, %add3A_528, %add3A_530, %add3A_532, %add3A_534 : vector<16xf32>, vector<16xf32>, vector<16xf32>, vector<16xf32>, vector<16xf32>, vector<16xf32>, vector<16xf32>, vector<16xf32>, vector<16xf32>
        }
        %while3A_284 = arith.constant 1 : i32
        %while3A_285:9 = scf.for %while3A_391 = %while3A_281 to %while3A_277 step %while3A_284 iter_args(%while3A_392 = %while3A_283#0, %while3A_393 = %while3A_283#1, %while3A_394 = %while3A_283#2, %while3A_395 = %while3A_283#3, %while3A_396 = %while3A_283#4, %while3A_397 = %while3A_283#5, %while3A_398 = %while3A_283#6, %while3A_399 = %while3A_283#7, %while3A_400 = %while3A_283#8) -> (vector<16xf32>, vector<16xf32>, vector<16xf32>, vector<16xf32>, vector<16xf32>, vector<16xf32>, vector<16xf32>, vector<16xf32>, vector<16xf32>)  : i32 {
          %mul3A_401 = arith.constant 128 : i32
          %mul3A_402 = arith.muli %while3A_391, %mul3A_401 : i32
          %add3A_403 = arith.constant 0 : i32
          %add3A_404 = arith.addi %mul3A_402, %add3A_403 : i32
          %get3A_405 = arith.index_cast %add3A_404 : i32 to index
          %get3A_406 = tpu.vector_load %arg12[%get3A_405] {strides = array<i32>} : memref<32768xf32, #tpu.memory_space<vmem>>, vector<16xf32>,
          %get3A_407 = vector.shape_cast %get3A_406 : vector<16xf32> to vector<16xf32>
          %mul3A_408 = arith.constant 128 : i32
          %mul3A_409 = arith.muli %while3A_391, %mul3A_408 : i32
          %add3A_410 = arith.constant 16 : i32
          %add3A_411 = arith.addi %mul3A_409, %add3A_410 : i32
          %get3A_412 = arith.index_cast %add3A_411 : i32 to index
          %get3A_413 = tpu.vector_load %arg12[%get3A_412] {strides = array<i32>} : memref<32768xf32, #tpu.memory_space<vmem>>, vector<16xf32>,
          %get3A_414 = vector.shape_cast %get3A_413 : vector<16xf32> to vector<16xf32>
          %mul3A_415 = arith.constant 128 : i32
          %mul3A_416 = arith.muli %while3A_391, %mul3A_415 : i32
          %add3A_417 = arith.constant 32 : i32
          %add3A_418 = arith.addi %mul3A_416, %add3A_417 : i32
          %get3A_419 = arith.index_cast %add3A_418 : i32 to index
          %get3A_420 = tpu.vector_load %arg12[%get3A_419] {strides = array<i32>} : memref<32768xf32, #tpu.memory_space<vmem>>, vector<16xf32>,
          %get3A_421 = vector.shape_cast %get3A_420 : vector<16xf32> to vector<16xf32>
          %mul3A_422 = arith.constant 128 : i32
          %mul3A_423 = arith.muli %while3A_391, %mul3A_422 : i32
          %add3A_424 = arith.constant 48 : i32
          %add3A_425 = arith.addi %mul3A_423, %add3A_424 : i32
          %get3A_426 = arith.index_cast %add3A_425 : i32 to index
          %get3A_427 = tpu.vector_load %arg12[%get3A_426] {strides = array<i32>} : memref<32768xf32, #tpu.memory_space<vmem>>, vector<16xf32>,
          %get3A_428 = vector.shape_cast %get3A_427 : vector<16xf32> to vector<16xf32>
          %mul3A_429 = arith.constant 128 : i32
          %mul3A_430 = arith.muli %while3A_391, %mul3A_429 : i32
          %add3A_431 = arith.constant 64 : i32
          %add3A_432 = arith.addi %mul3A_430, %add3A_431 : i32
          %get3A_433 = arith.index_cast %add3A_432 : i32 to index
          %get3A_434 = tpu.vector_load %arg12[%get3A_433] {strides = array<i32>} : memref<32768xf32, #tpu.memory_space<vmem>>, vector<16xf32>,
          %get3A_435 = vector.shape_cast %get3A_434 : vector<16xf32> to vector<16xf32>
          %mul3A_436 = arith.constant 128 : i32
          %mul3A_437 = arith.muli %while3A_391, %mul3A_436 : i32
          %add3A_438 = arith.constant 80 : i32
          %add3A_439 = arith.addi %mul3A_437, %add3A_438 : i32
          %get3A_440 = arith.index_cast %add3A_439 : i32 to index
          %get3A_441 = tpu.vector_load %arg12[%get3A_440] {strides = array<i32>} : memref<32768xf32, #tpu.memory_space<vmem>>, vector<16xf32>,
          %get3A_442 = vector.shape_cast %get3A_441 : vector<16xf32> to vector<16xf32>
          %mul3A_443 = arith.constant 128 : i32
          %mul3A_444 = arith.muli %while3A_391, %mul3A_443 : i32
          %add3A_445 = arith.constant 96 : i32
          %add3A_446 = arith.addi %mul3A_444, %add3A_445 : i32
          %get3A_447 = arith.index_cast %add3A_446 : i32 to index
          %get3A_448 = tpu.vector_load %arg12[%get3A_447] {strides = array<i32>} : memref<32768xf32, #tpu.memory_space<vmem>>, vector<16xf32>,
          %get3A_449 = vector.shape_cast %get3A_448 : vector<16xf32> to vector<16xf32>
          %mul3A_450 = arith.constant 128 : i32
          %mul3A_451 = arith.muli %while3A_391, %mul3A_450 : i32
          %add3A_452 = arith.constant 112 : i32
          %add3A_453 = arith.addi %mul3A_451, %add3A_452 : i32
          %get3A_454 = arith.index_cast %add3A_453 : i32 to index
          %get3A_455 = tpu.vector_load %arg12[%get3A_454] {strides = array<i32>} : memref<32768xf32, #tpu.memory_space<vmem>>, vector<16xf32>,
          %get3A_456 = vector.shape_cast %get3A_455 : vector<16xf32> to vector<16xf32>
          %mul3A_457 = arith.mulf %get3A_407, %get3A_15 : vector<16xf32>
          %mul3A_458 = arith.mulf %get3A_414, %get3A_18 : vector<16xf32>
          %add3A_459 = arith.addf %mul3A_457, %mul3A_458 : vector<16xf32>
          %mul3A_460 = arith.mulf %get3A_421, %get3A_21 : vector<16xf32>
          %add3A_461 = arith.addf %add3A_459, %mul3A_460 : vector<16xf32>
          %mul3A_462 = arith.mulf %get3A_428, %get3A_24 : vector<16xf32>
          %add3A_463 = arith.addf %add3A_461, %mul3A_462 : vector<16xf32>
          %mul3A_464 = arith.mulf %get3A_435, %get3A_27 : vector<16xf32>
          %add3A_465 = arith.addf %add3A_463, %mul3A_464 : vector<16xf32>
          %mul3A_466 = arith.mulf %get3A_442, %get3A_30 : vector<16xf32>
          %add3A_467 = arith.addf %add3A_465, %mul3A_466 : vector<16xf32>
          %mul3A_468 = arith.mulf %get3A_449, %get3A_33 : vector<16xf32>
          %add3A_469 = arith.addf %add3A_467, %mul3A_468 : vector<16xf32>
          %mul3A_470 = arith.mulf %get3A_456, %get3A_36 : vector<16xf32>
          %add3A_471 = arith.addf %add3A_469, %mul3A_470 : vector<16xf32>
          %lt3A_472 = arith.constant 0 : i32
          %lt3A_473 = vector.broadcast %lt3A_472 : i32 to vector<16xi32>
          %lt3A_474 = arith.cmpi slt, %xor3A_39, %lt3A_473 : vector<16xi32>
          %add3A_475 = arith.constant 16 : i32
          %add3A_476 = vector.broadcast %add3A_475 : i32 to vector<16xi32>
          %add3A_477 = arith.addi %xor3A_39, %add3A_476 : vector<16xi32>
          %select_n3A_478 = arith.select %lt3A_474, %add3A_477, %xor3A_39 : vector<16xi1>, vector<16xi32>
          %broadcast_in_dim3A_479 = vector.shape_cast %select_n3A_478 : vector<16xi32> to vector<16x1xi32>
          %gather3A = vector.shape_cast %broadcast_in_dim3A_479 : vector<16x1xi32> to vector<16xi32>
          %gather3A_480 = tpu.dynamic_gather %add3A_471[%gather3A] in [0] : vector<16xf32>, vector<16xi32> -> vector<16xf32>
          %add3A_481 = arith.addf %add3A_471, %gather3A_480 : vector<16xf32>
          %lt3A_482 = arith.constant 0 : i32
          %lt3A_483 = vector.broadcast %lt3A_482 : i32 to vector<16xi32>
          %lt3A_484 = arith.cmpi slt, %xor3A_43, %lt3A_483 : vector<16xi32>
          %add3A_485 = arith.constant 16 : i32
          %add3A_486 = vector.broadcast %add3A_485 : i32 to vector<16xi32>
          %add3A_487 = arith.addi %xor3A_43, %add3A_486 : vector<16xi32>
          %select_n3A_488 = arith.select %lt3A_484, %add3A_487, %xor3A_43 : vector<16xi1>, vector<16xi32>
          %broadcast_in_dim3A_489 = vector.shape_cast %select_n3A_488 : vector<16xi32> to vector<16x1xi32>
          %gather3A_490 = vector.shape_cast %broadcast_in_dim3A_489 : vector<16x1xi32> to vector<16xi32>
          %gather3A_491 = tpu.dynamic_gather %add3A_481[%gather3A_490] in [0] : vector<16xf32>, vector<16xi32> -> vector<16xf32>
          %add3A_492 = arith.addf %add3A_481, %gather3A_491 : vector<16xf32>
          %lt3A_493 = arith.constant 0 : i32
          %lt3A_494 = vector.broadcast %lt3A_493 : i32 to vector<16xi32>
          %lt3A_495 = arith.cmpi slt, %xor3A_47, %lt3A_494 : vector<16xi32>
          %add3A_496 = arith.constant 16 : i32
          %add3A_497 = vector.broadcast %add3A_496 : i32 to vector<16xi32>
          %add3A_498 = arith.addi %xor3A_47, %add3A_497 : vector<16xi32>
          %select_n3A_499 = arith.select %lt3A_495, %add3A_498, %xor3A_47 : vector<16xi1>, vector<16xi32>
          %broadcast_in_dim3A_500 = vector.shape_cast %select_n3A_499 : vector<16xi32> to vector<16x1xi32>
          %gather3A_501 = vector.shape_cast %broadcast_in_dim3A_500 : vector<16x1xi32> to vector<16xi32>
          %gather3A_502 = tpu.dynamic_gather %add3A_492[%gather3A_501] in [0] : vector<16xf32>, vector<16xi32> -> vector<16xf32>
          %add3A_503 = arith.addf %add3A_492, %gather3A_502 : vector<16xf32>
          %lt3A_504 = arith.constant 0 : i32
          %lt3A_505 = vector.broadcast %lt3A_504 : i32 to vector<16xi32>
          %lt3A_506 = arith.cmpi slt, %xor3A_51, %lt3A_505 : vector<16xi32>
          %add3A_507 = arith.constant 16 : i32
          %add3A_508 = vector.broadcast %add3A_507 : i32 to vector<16xi32>
          %add3A_509 = arith.addi %xor3A_51, %add3A_508 : vector<16xi32>
          %select_n3A_510 = arith.select %lt3A_506, %add3A_509, %xor3A_51 : vector<16xi1>, vector<16xi32>
          %broadcast_in_dim3A_511 = vector.shape_cast %select_n3A_510 : vector<16xi32> to vector<16x1xi32>
          %gather3A_512 = vector.shape_cast %broadcast_in_dim3A_511 : vector<16x1xi32> to vector<16xi32>
          %gather3A_513 = tpu.dynamic_gather %add3A_503[%gather3A_512] in [0] : vector<16xf32>, vector<16xi32> -> vector<16xf32>
          %add3A_514 = arith.addf %add3A_503, %gather3A_513 : vector<16xf32>
          %exp3A = math.exp %add3A_514 : vector<16xf32>
          %jit3A_515 = arith.constant 0.000000e+00 : f32
          %broadcast_in_dim3A_516 = vector.broadcast %jit3A_515 : f32 to vector<16xf32>
          %select_n3A_517 = arith.select %eq3A_12, %exp3A, %broadcast_in_dim3A_516 : vector<16xi1>, vector<16xf32>
          %add3A_518 = arith.addf %while3A_392, %select_n3A_517 : vector<16xf32>
          %mul3A_519 = arith.mulf %exp3A, %get3A_407 : vector<16xf32>
          %add3A_520 = arith.addf %while3A_393, %mul3A_519 : vector<16xf32>
          %mul3A_521 = arith.mulf %exp3A, %get3A_414 : vector<16xf32>
          %add3A_522 = arith.addf %while3A_394, %mul3A_521 : vector<16xf32>
          %mul3A_523 = arith.mulf %exp3A, %get3A_421 : vector<16xf32>
          %add3A_524 = arith.addf %while3A_395, %mul3A_523 : vector<16xf32>
          %mul3A_525 = arith.mulf %exp3A, %get3A_428 : vector<16xf32>
          %add3A_526 = arith.addf %while3A_396, %mul3A_525 : vector<16xf32>
          %mul3A_527 = arith.mulf %exp3A, %get3A_435 : vector<16xf32>
          %add3A_528 = arith.addf %while3A_397, %mul3A_527 : vector<16xf32>
          %mul3A_529 = arith.mulf %exp3A, %get3A_442 : vector<16xf32>
          %add3A_530 = arith.addf %while3A_398, %mul3A_529 : vector<16xf32>
          %mul3A_531 = arith.mulf %exp3A, %get3A_449 : vector<16xf32>
          %add3A_532 = arith.addf %while3A_399, %mul3A_531 : vector<16xf32>
          %mul3A_533 = arith.mulf %exp3A, %get3A_456 : vector<16xf32>
          %add3A_534 = arith.addf %while3A_400, %mul3A_533 : vector<16xf32>
          scf.yield %add3A_518, %add3A_520, %add3A_522, %add3A_524, %add3A_526, %add3A_528, %add3A_530, %add3A_532, %add3A_534 : vector<16xf32>, vector<16xf32>, vector<16xf32>, vector<16xf32>, vector<16xf32>, vector<16xf32>, vector<16xf32>, vector<16xf32>, vector<16xf32>
        }
        %mul3A_286 = arith.constant 128 : i32
        %mul3A_287 = arith.muli %while3A_258, %mul3A_286 : i32
        %add3A_288 = arith.constant 0 : i32
        %add3A_289 = arith.addi %mul3A_287, %add3A_288 : i32
        %get3A_290 = arith.index_cast %add3A_289 : i32 to index
        %get3A_291 = tpu.vector_load %arg7[%get3A_290] {strides = array<i32>} : memref<40960xf32, #tpu.memory_space<vmem>>, vector<16xf32>,
        %get3A_292 = vector.shape_cast %get3A_291 : vector<16xf32> to vector<16xf32>
        %add3A_293 = arith.addf %get3A_292, %while3A_285#1 : vector<16xf32>
        %add3A_294 = arith.constant 0 : i32
        %add3A_295 = arith.addi %mul3A_287, %add3A_294 : i32
        %swap3A = arith.index_cast %add3A_295 : i32 to index
        %swap3A_296 = tpu.vector_load %arg7[%swap3A] {strides = array<i32>} : memref<40960xf32, #tpu.memory_space<vmem>>, vector<16xf32>,
        %swap3A_297 = vector.shape_cast %swap3A_296 : vector<16xf32> to vector<16xf32>
        %swap3A_298 = vector.shape_cast %add3A_293 : vector<16xf32> to vector<16xf32>
        tpu.vector_store %arg7[%swap3A], %swap3A_298 {strides = array<i32>} : memref<40960xf32, #tpu.memory_space<vmem>>, vector<16xf32>,
        %add3A_299 = arith.constant 16 : i32
        %add3A_300 = arith.addi %mul3A_287, %add3A_299 : i32
        %get3A_301 = arith.index_cast %add3A_300 : i32 to index
        %get3A_302 = tpu.vector_load %arg7[%get3A_301] {strides = array<i32>} : memref<40960xf32, #tpu.memory_space<vmem>>, vector<16xf32>,
        %get3A_303 = vector.shape_cast %get3A_302 : vector<16xf32> to vector<16xf32>
        %add3A_304 = arith.addf %get3A_303, %while3A_285#2 : vector<16xf32>
        %add3A_305 = arith.constant 16 : i32
        %add3A_306 = arith.addi %mul3A_287, %add3A_305 : i32
        %swap3A_307 = arith.index_cast %add3A_306 : i32 to index
        %swap3A_308 = tpu.vector_load %arg7[%swap3A_307] {strides = array<i32>} : memref<40960xf32, #tpu.memory_space<vmem>>, vector<16xf32>,
        %swap3A_309 = vector.shape_cast %swap3A_308 : vector<16xf32> to vector<16xf32>
        %swap3A_310 = vector.shape_cast %add3A_304 : vector<16xf32> to vector<16xf32>
        tpu.vector_store %arg7[%swap3A_307], %swap3A_310 {strides = array<i32>} : memref<40960xf32, #tpu.memory_space<vmem>>, vector<16xf32>,
        %add3A_311 = arith.constant 32 : i32
        %add3A_312 = arith.addi %mul3A_287, %add3A_311 : i32
        %get3A_313 = arith.index_cast %add3A_312 : i32 to index
        %get3A_314 = tpu.vector_load %arg7[%get3A_313] {strides = array<i32>} : memref<40960xf32, #tpu.memory_space<vmem>>, vector<16xf32>,
        %get3A_315 = vector.shape_cast %get3A_314 : vector<16xf32> to vector<16xf32>
        %add3A_316 = arith.addf %get3A_315, %while3A_285#3 : vector<16xf32>
        %add3A_317 = arith.constant 32 : i32
        %add3A_318 = arith.addi %mul3A_287, %add3A_317 : i32
        %swap3A_319 = arith.index_cast %add3A_318 : i32 to index
        %swap3A_320 = tpu.vector_load %arg7[%swap3A_319] {strides = array<i32>} : memref<40960xf32, #tpu.memory_space<vmem>>, vector<16xf32>,
        %swap3A_321 = vector.shape_cast %swap3A_320 : vector<16xf32> to vector<16xf32>
        %swap3A_322 = vector.shape_cast %add3A_316 : vector<16xf32> to vector<16xf32>
        tpu.vector_store %arg7[%swap3A_319], %swap3A_322 {strides = array<i32>} : memref<40960xf32, #tpu.memory_space<vmem>>, vector<16xf32>,
        %add3A_323 = arith.constant 48 : i32
        %add3A_324 = arith.addi %mul3A_287, %add3A_323 : i32
        %get3A_325 = arith.index_cast %add3A_324 : i32 to index
        %get3A_326 = tpu.vector_load %arg7[%get3A_325] {strides = array<i32>} : memref<40960xf32, #tpu.memory_space<vmem>>, vector<16xf32>,
        %get3A_327 = vector.shape_cast %get3A_326 : vector<16xf32> to vector<16xf32>
        %add3A_328 = arith.addf %get3A_327, %while3A_285#4 : vector<16xf32>
        %add3A_329 = arith.constant 48 : i32
        %add3A_330 = arith.addi %mul3A_287, %add3A_329 : i32
        %swap3A_331 = arith.index_cast %add3A_330 : i32 to index
        %swap3A_332 = tpu.vector_load %arg7[%swap3A_331] {strides = array<i32>} : memref<40960xf32, #tpu.memory_space<vmem>>, vector<16xf32>,
        %swap3A_333 = vector.shape_cast %swap3A_332 : vector<16xf32> to vector<16xf32>
        %swap3A_334 = vector.shape_cast %add3A_328 : vector<16xf32> to vector<16xf32>
        tpu.vector_store %arg7[%swap3A_331], %swap3A_334 {strides = array<i32>} : memref<40960xf32, #tpu.memory_space<vmem>>, vector<16xf32>,
        %add3A_335 = arith.constant 64 : i32
        %add3A_336 = arith.addi %mul3A_287, %add3A_335 : i32
        %get3A_337 = arith.index_cast %add3A_336 : i32 to index
        %get3A_338 = tpu.vector_load %arg7[%get3A_337] {strides = array<i32>} : memref<40960xf32, #tpu.memory_space<vmem>>, vector<16xf32>,
        %get3A_339 = vector.shape_cast %get3A_338 : vector<16xf32> to vector<16xf32>
        %add3A_340 = arith.addf %get3A_339, %while3A_285#5 : vector<16xf32>
        %add3A_341 = arith.constant 64 : i32
        %add3A_342 = arith.addi %mul3A_287, %add3A_341 : i32
        %swap3A_343 = arith.index_cast %add3A_342 : i32 to index
        %swap3A_344 = tpu.vector_load %arg7[%swap3A_343] {strides = array<i32>} : memref<40960xf32, #tpu.memory_space<vmem>>, vector<16xf32>,
        %swap3A_345 = vector.shape_cast %swap3A_344 : vector<16xf32> to vector<16xf32>
        %swap3A_346 = vector.shape_cast %add3A_340 : vector<16xf32> to vector<16xf32>
        tpu.vector_store %arg7[%swap3A_343], %swap3A_346 {strides = array<i32>} : memref<40960xf32, #tpu.memory_space<vmem>>, vector<16xf32>,
        %add3A_347 = arith.constant 80 : i32
        %add3A_348 = arith.addi %mul3A_287, %add3A_347 : i32
        %get3A_349 = arith.index_cast %add3A_348 : i32 to index
        %get3A_350 = tpu.vector_load %arg7[%get3A_349] {strides = array<i32>} : memref<40960xf32, #tpu.memory_space<vmem>>, vector<16xf32>,
        %get3A_351 = vector.shape_cast %get3A_350 : vector<16xf32> to vector<16xf32>
        %add3A_352 = arith.addf %get3A_351, %while3A_285#6 : vector<16xf32>
        %add3A_353 = arith.constant 80 : i32
        %add3A_354 = arith.addi %mul3A_287, %add3A_353 : i32
        %swap3A_355 = arith.index_cast %add3A_354 : i32 to index
        %swap3A_356 = tpu.vector_load %arg7[%swap3A_355] {strides = array<i32>} : memref<40960xf32, #tpu.memory_space<vmem>>, vector<16xf32>,
        %swap3A_357 = vector.shape_cast %swap3A_356 : vector<16xf32> to vector<16xf32>
        %swap3A_358 = vector.shape_cast %add3A_352 : vector<16xf32> to vector<16xf32>
        tpu.vector_store %arg7[%swap3A_355], %swap3A_358 {strides = array<i32>} : memref<40960xf32, #tpu.memory_space<vmem>>, vector<16xf32>,
        %add3A_359 = arith.constant 96 : i32
        %add3A_360 = arith.addi %mul3A_287, %add3A_359 : i32
        %get3A_361 = arith.index_cast %add3A_360 : i32 to index
        %get3A_362 = tpu.vector_load %arg7[%get3A_361] {strides = array<i32>} : memref<40960xf32, #tpu.memory_space<vmem>>, vector<16xf32>,
        %get3A_363 = vector.shape_cast %get3A_362 : vector<16xf32> to vector<16xf32>
        %add3A_364 = arith.addf %get3A_363, %while3A_285#7 : vector<16xf32>
        %add3A_365 = arith.constant 96 : i32
        %add3A_366 = arith.addi %mul3A_287, %add3A_365 : i32
        %swap3A_367 = arith.index_cast %add3A_366 : i32 to index
        %swap3A_368 = tpu.vector_load %arg7[%swap3A_367] {strides = array<i32>} : memref<40960xf32, #tpu.memory_space<vmem>>, vector<16xf32>,
        %swap3A_369 = vector.shape_cast %swap3A_368 : vector<16xf32> to vector<16xf32>
        %swap3A_370 = vector.shape_cast %add3A_364 : vector<16xf32> to vector<16xf32>
        tpu.vector_store %arg7[%swap3A_367], %swap3A_370 {strides = array<i32>} : memref<40960xf32, #tpu.memory_space<vmem>>, vector<16xf32>,
        %add3A_371 = arith.constant 112 : i32
        %add3A_372 = arith.addi %mul3A_287, %add3A_371 : i32
        %get3A_373 = arith.index_cast %add3A_372 : i32 to index
        %get3A_374 = tpu.vector_load %arg7[%get3A_373] {strides = array<i32>} : memref<40960xf32, #tpu.memory_space<vmem>>, vector<16xf32>,
        %get3A_375 = vector.shape_cast %get3A_374 : vector<16xf32> to vector<16xf32>
        %add3A_376 = arith.addf %get3A_375, %while3A_285#8 : vector<16xf32>
        %add3A_377 = arith.constant 112 : i32
        %add3A_378 = arith.addi %mul3A_287, %add3A_377 : i32
        %swap3A_379 = arith.index_cast %add3A_378 : i32 to index
        %swap3A_380 = tpu.vector_load %arg7[%swap3A_379] {strides = array<i32>} : memref<40960xf32, #tpu.memory_space<vmem>>, vector<16xf32>,
        %swap3A_381 = vector.shape_cast %swap3A_380 : vector<16xf32> to vector<16xf32>
        %swap3A_382 = vector.shape_cast %add3A_376 : vector<16xf32> to vector<16xf32>
        tpu.vector_store %arg7[%swap3A_379], %swap3A_382 {strides = array<i32>} : memref<40960xf32, #tpu.memory_space<vmem>>, vector<16xf32>,
        %get3A_383 = arith.index_cast %while3A_258 : i32 to index
        %get3A_384 = tpu.vector_load %arg8[%get3A_383] {strides = array<i32>} : memref<336xf32, #tpu.memory_space<vmem>>, vector<16xf32>,
        %get3A_385 = vector.shape_cast %get3A_384 : vector<16xf32> to vector<16xf32>
        %add3A_386 = arith.addf %get3A_385, %while3A_285#0 : vector<16xf32>
        %swap3A_387 = arith.index_cast %while3A_258 : i32 to index
        %swap3A_388 = tpu.vector_load %arg8[%swap3A_387] {strides = array<i32>} : memref<336xf32, #tpu.memory_space<vmem>>, vector<16xf32>,
        %swap3A_389 = vector.shape_cast %swap3A_388 : vector<16xf32> to vector<16xf32>
        %swap3A_390 = vector.shape_cast %add3A_386 : vector<16xf32> to vector<16xf32>
        tpu.vector_store %arg8[%swap3A_387], %swap3A_390 {strides = array<i32>} : memref<336xf32, #tpu.memory_space<vmem>>, vector<16xf32>,
      }
      %max3A_257 = arith.maxsi %max3A_202, %sub3A_244 : i32
      scf.yield %max3A_257 : i32
    }
    %while3A_144 = arith.constant 1 : i32
    %while3A_145 = scf.for %while3A_148 = %while3A_141 to %while3A_137 step %while3A_144 iter_args(%while3A_149 = %while3A_143) -> (i32)  : i32 {
      %mul3A_150 = arith.constant 2 : i32
      %mul3A_151 = arith.muli %while3A_148, %mul3A_150 : i32
      %add3A_152 = arith.addi %select_n3A, %mul3A_151 : i32
      %add3A_153 = arith.constant 0 : i32
      %add3A_154 = arith.addi %add3A_152, %add3A_153 : i32
      %lt3A_155 = arith.cmpi slt, %add3A_154, %select_n3A_95 : i32
      %convert_element_type3A_156 = arith.extui %lt3A_155 : i1 to i32
      %cond3A_157 = arith.constant 0 : i32
      %cond3A_158 = arith.cmpi ne, %convert_element_type3A_156, %cond3A_157 : i32
      scf.if %cond3A_158 {
        %mul3A_258 = arith.constant 256 : i32
        %mul3A_259 = arith.muli %add3A_154, %mul3A_258 : i32
        %mul3A_260 = arith.constant 128 : i32
        %mul3A_261 = arith.muli %mul3A_259, %mul3A_260 : i32
        %dma_wait3A = tpu.memref_slice %arg2[%mul3A_261] : memref<40960000xf32, #tpu.memory_space<hbm>> -> memref<32768xf32, #tpu.memory_space<hbm>>
        %dma_wait3A_262 = tpu.memref_slice %arg2[%mul3A_261] : memref<40960000xf32, #tpu.memory_space<hbm>> -> memref<32768xf32, #tpu.memory_space<hbm>>
        tpu.wait_dma2 semaphore(%arg13 : memref<!tpu.dma_semaphore, #tpu.memory_space<semaphore_mem>>) src(%dma_wait3A_262 : memref<32768xf32, #tpu.memory_space<hbm>>) dst(%arg11 : memref<32768xf32, #tpu.memory_space<vmem>>)
      } else {
      }
      %add3A_159 = arith.constant 1 : i32
      %add3A_160 = arith.addi %add3A_154, %add3A_159 : i32
      %lt3A_161 = arith.cmpi slt, %add3A_160, %select_n3A_95 : i32
      %convert_element_type3A_162 = arith.extui %lt3A_161 : i1 to i32
      %cond3A_163 = arith.constant 0 : i32
      %cond3A_164 = arith.cmpi ne, %convert_element_type3A_162, %cond3A_163 : i32
      scf.if %cond3A_164 {
        %add3A_258 = arith.constant 1 : i32
        %add3A_259 = arith.addi %add3A_154, %add3A_258 : i32
        %mul3A_260 = arith.constant 256 : i32
        %mul3A_261 = arith.muli %add3A_259, %mul3A_260 : i32
        %mul3A_262 = arith.constant 128 : i32
        %mul3A_263 = arith.muli %mul3A_261, %mul3A_262 : i32
        %dma_start3A = tpu.memref_slice %arg2[%mul3A_263] : memref<40960000xf32, #tpu.memory_space<hbm>> -> memref<32768xf32, #tpu.memory_space<hbm>>
        %dma_start3A_264 = tpu.memref_slice %arg2[%mul3A_263] : memref<40960000xf32, #tpu.memory_space<hbm>> -> memref<32768xf32, #tpu.memory_space<hbm>>
        tpu.enqueue_dma source(%dma_start3A_264 : memref<32768xf32, #tpu.memory_space<hbm>>) target(%arg12 : memref<32768xf32, #tpu.memory_space<vmem>>) target_semaphore(%arg14 : memref<!tpu.dma_semaphore, #tpu.memory_space<semaphore_mem>>)
      } else {
      }
      %mul3A_165 = arith.constant 256 : i32
      %mul3A_166 = arith.muli %add3A_154, %mul3A_165 : i32
      %jit3A_167 = arith.constant 0 : i32
      %select_n3A_168 = arith.select %lt3A_155, %mul3A_166, %jit3A_167 : i32
      %sub3A_169 = arith.subi %squeeze3A, %select_n3A_168 : i32
      %max3A = arith.constant 0 : i32
      %max3A_170 = arith.maxsi %sub3A_169, %max3A : i32
      %jit3A_171 = arith.constant 0 : i32
      %select_n3A_172 = arith.select %lt3A_155, %max3A_170, %jit3A_171 : i32
      %sub3A_173 = arith.subi %squeeze3A_9, %select_n3A_168 : i32
      %min3A = arith.constant 256 : i32
      %min3A_174 = arith.minsi %sub3A_173, %min3A : i32
      %jit3A_175 = arith.constant 0 : i32
      %select_n3A_176 = arith.select %lt3A_155, %min3A_174, %jit3A_175 : i32
      %add3A_177 = arith.addi %select_n3A_168, %select_n3A_176 : i32
      %sub3A_178 = arith.constant 1 : i32
      %sub3A_179 = arith.subi %add3A_177, %sub3A_178 : i32
      %scan3A_180 = arith.constant 0 : i32
      %scan3A_181 = arith.constant 321 : i32
      %scan3A_182 = arith.constant 0 : i32
      %scan3A_183 = arith.constant 9 : i32
      %scan3A_184 = arith.addi %scan3A_182, %scan3A_183 : i32
      %scan3A_185 = arith.constant 1 : i32
      %scan3A_186:2 = scf.for %scan3A_258 = %scan3A_182 to %scan3A_184 step %scan3A_185 iter_args(%scan3A_259 = %scan3A_180, %scan3A_260 = %scan3A_181) -> (i32, i32)  : i32 {
        %add3A_261 = arith.addi %scan3A_259, %scan3A_260 : i32
        %jit3A_262 = arith.constant 2 : i32
        %div3A_263 = arith.divsi %add3A_261, %jit3A_262 : i32
        %sign3A_264 = arith.constant 0 : i32
        %sign3A_265 = arith.cmpi sgt, %add3A_261, %sign3A_264 : i32
        %sign3A_266 = arith.extui %sign3A_265 : i1 to i32
        %sign3A_267 = arith.constant 0 : i32
        %sign3A_268 = arith.cmpi slt, %add3A_261, %sign3A_267 : i32
        %sign3A_269 = arith.extui %sign3A_268 : i1 to i32
        %sign3A_270 = arith.subi %sign3A_266, %sign3A_269 : i32
        %sign3A_271 = arith.constant 0 : i32
        %sign3A_272 = arith.cmpi sgt, %jit3A_262, %sign3A_271 : i32
        %sign3A_273 = arith.extui %sign3A_272 : i1 to i32
        %sign3A_274 = arith.constant 0 : i32
        %sign3A_275 = arith.cmpi slt, %jit3A_262, %sign3A_274 : i32
        %sign3A_276 = arith.extui %sign3A_275 : i1 to i32
        %sign3A_277 = arith.subi %sign3A_273, %sign3A_276 : i32
        %ne3A_278 = arith.cmpi ne, %sign3A_270, %sign3A_277 : i32
        %rem3A_279 = arith.remsi %add3A_261, %jit3A_262 : i32
        %ne3A_280 = arith.constant 0 : i32
        %ne3A_281 = arith.cmpi ne, %rem3A_279, %ne3A_280 : i32
        %and3A_282 = arith.andi %ne3A_278, %ne3A_281 : i1
        %sub3A_283 = arith.constant 1 : i32
        %sub3A_284 = arith.subi %div3A_263, %sub3A_283 : i32
        %select_n3A_285 = arith.select %and3A_282, %sub3A_284, %div3A_263 : i32
        %get3A_286 = arith.index_cast %select_n3A_285 : i32 to index
        %get3A_287 = tpu.vector_load %arg9[%get3A_286] {strides = array<i32>} : memref<352xi32, #tpu.memory_space<vmem>>, vector<16xi32>,
        %get3A_288 = vector.shape_cast %get3A_287 : vector<16xi32> to vector<16xi32>
        %slice3A_289 = vector.extract_strided_slice %get3A_288 {offsets = [0], sizes = [1], strides = [1]} : vector<16xi32> to vector<1xi32>
        %squeeze3A_290 = vector.extract %slice3A_289[0] : i32 from vector<1xi32>
        %lt3A_291 = arith.cmpi slt, %scan3A_259, %scan3A_260 : i32
        %le3A = arith.cmpi sle, %squeeze3A_290, %sub3A_179 : i32
        %and3A_292 = arith.andi %lt3A_291, %le3A : i1
        %add3A_293 = arith.constant 1 : i32
        %add3A_294 = arith.addi %select_n3A_285, %add3A_293 : i32
        %select_n3A_295 = arith.select %and3A_292, %add3A_294, %scan3A_259 : i32
        %gt3A = arith.cmpi sgt, %squeeze3A_290, %sub3A_179 : i32
        %and3A_296 = arith.andi %lt3A_291, %gt3A : i1
        %select_n3A_297 = arith.select %and3A_296, %select_n3A_285, %scan3A_260 : i32
        scf.yield %select_n3A_295, %select_n3A_297 : i32, i32
      }
      %scan3A_187 = arith.constant 9 : i32
      %sub3A_188 = arith.constant 1 : i32
      %sub3A_189 = arith.subi %scan3A_186#0, %sub3A_188 : i32
      %add3A_190 = arith.constant 1 : i32
      %add3A_191 = arith.addi %sub3A_189, %add3A_190 : i32
      %max3A_192 = arith.maxsi %while3A_149, %add3A_191 : i32
      %while3A_193 = arith.constant 0 : i32
      %while3A_194 = arith.subi %max3A_192, %while3A_149 : i32
      %while3A_195 = arith.addi %while3A_149, %while3A_194 : i32
      %while3A_196 = arith.constant 1 : i32
      %while3A_197 = arith.divsi %while3A_194, %while3A_196 : i32
      %while3A_198 = arith.muli %while3A_197, %while3A_196 : i32
      %while3A_199 = arith.addi %while3A_149, %while3A_198 : i32
      %while3A_200 = arith.constant 1 : i32
      scf.for %while3A_258 = %while3A_149 to %while3A_199 step %while3A_200  : i32 {
        %get3A_259 = arith.index_cast %while3A_258 : i32 to index
        %get3A_260 = tpu.vector_load %arg9[%get3A_259] {strides = array<i32>} : memref<352xi32, #tpu.memory_space<vmem>>, vector<16xi32>,
        %get3A_261 = vector.shape_cast %get3A_260 : vector<16xi32> to vector<16xi32>
        %slice3A_262 = vector.extract_strided_slice %get3A_261 {offsets = [0], sizes = [1], strides = [1]} : vector<16xi32> to vector<1xi32>
        %squeeze3A_263 = vector.extract %slice3A_262[0] : i32 from vector<1xi32>
        %add3A_264 = arith.constant 1 : i32
        %add3A_265 = arith.addi %while3A_258, %add3A_264 : i32
        %get3A_266 = arith.index_cast %add3A_265 : i32 to index
        %get3A_267 = tpu.vector_load %arg9[%get3A_266] {strides = array<i32>} : memref<352xi32, #tpu.memory_space<vmem>>, vector<16xi32>,
        %get3A_268 = vector.shape_cast %get3A_267 : vector<16xi32> to vector<16xi32>
        %slice3A_269 = vector.extract_strided_slice %get3A_268 {offsets = [0], sizes = [1], strides = [1]} : vector<16xi32> to vector<1xi32>
        %squeeze3A_270 = vector.extract %slice3A_269[0] : i32 from vector<1xi32>
        %sub3A_271 = arith.subi %squeeze3A_263, %select_n3A_168 : i32
        %max3A_272 = arith.maxsi %sub3A_271, %select_n3A_172 : i32
        %sub3A_273 = arith.subi %squeeze3A_270, %select_n3A_168 : i32
        %min3A_274 = arith.minsi %sub3A_273, %select_n3A_176 : i32
        %max3A_275 = arith.maxsi %max3A_272, %min3A_274 : i32
        %while3A_276 = arith.subi %max3A_275, %max3A_272 : i32
        %while3A_277 = arith.addi %max3A_272, %while3A_276 : i32
        %while3A_278 = arith.constant 1 : i32
        %while3A_279 = arith.divsi %while3A_276, %while3A_278 : i32
        %while3A_280 = arith.muli %while3A_279, %while3A_278 : i32
        %while3A_281 = arith.addi %max3A_272, %while3A_280 : i32
        %while3A_282 = arith.constant 1 : i32
        %while3A_283:9 = scf.for %while3A_391 = %max3A_272 to %while3A_281 step %while3A_282 iter_args(%while3A_392 = %broadcast_in_dim3A_10, %while3A_393 = %broadcast_in_dim3A_10, %while3A_394 = %broadcast_in_dim3A_10, %while3A_395 = %broadcast_in_dim3A_10, %while3A_396 = %broadcast_in_dim3A_10, %while3A_397 = %broadcast_in_dim3A_10, %while3A_398 = %broadcast_in_dim3A_10, %while3A_399 = %broadcast_in_dim3A_10, %while3A_400 = %broadcast_in_dim3A_10) -> (vector<16xf32>, vector<16xf32>, vector<16xf32>, vector<16xf32>, vector<16xf32>, vector<16xf32>, vector<16xf32>, vector<16xf32>, vector<16xf32>)  : i32 {
          %mul3A_401 = arith.constant 128 : i32
          %mul3A_402 = arith.muli %while3A_391, %mul3A_401 : i32
          %add3A_403 = arith.constant 0 : i32
          %add3A_404 = arith.addi %mul3A_402, %add3A_403 : i32
          %get3A_405 = arith.index_cast %add3A_404 : i32 to index
          %get3A_406 = tpu.vector_load %arg11[%get3A_405] {strides = array<i32>} : memref<32768xf32, #tpu.memory_space<vmem>>, vector<16xf32>,
          %get3A_407 = vector.shape_cast %get3A_406 : vector<16xf32> to vector<16xf32>
          %mul3A_408 = arith.constant 128 : i32
          %mul3A_409 = arith.muli %while3A_391, %mul3A_408 : i32
          %add3A_410 = arith.constant 16 : i32
          %add3A_411 = arith.addi %mul3A_409, %add3A_410 : i32
          %get3A_412 = arith.index_cast %add3A_411 : i32 to index
          %get3A_413 = tpu.vector_load %arg11[%get3A_412] {strides = array<i32>} : memref<32768xf32, #tpu.memory_space<vmem>>, vector<16xf32>,
          %get3A_414 = vector.shape_cast %get3A_413 : vector<16xf32> to vector<16xf32>
          %mul3A_415 = arith.constant 128 : i32
          %mul3A_416 = arith.muli %while3A_391, %mul3A_415 : i32
          %add3A_417 = arith.constant 32 : i32
          %add3A_418 = arith.addi %mul3A_416, %add3A_417 : i32
          %get3A_419 = arith.index_cast %add3A_418 : i32 to index
          %get3A_420 = tpu.vector_load %arg11[%get3A_419] {strides = array<i32>} : memref<32768xf32, #tpu.memory_space<vmem>>, vector<16xf32>,
          %get3A_421 = vector.shape_cast %get3A_420 : vector<16xf32> to vector<16xf32>
          %mul3A_422 = arith.constant 128 : i32
          %mul3A_423 = arith.muli %while3A_391, %mul3A_422 : i32
          %add3A_424 = arith.constant 48 : i32
          %add3A_425 = arith.addi %mul3A_423, %add3A_424 : i32
          %get3A_426 = arith.index_cast %add3A_425 : i32 to index
          %get3A_427 = tpu.vector_load %arg11[%get3A_426] {strides = array<i32>} : memref<32768xf32, #tpu.memory_space<vmem>>, vector<16xf32>,
          %get3A_428 = vector.shape_cast %get3A_427 : vector<16xf32> to vector<16xf32>
          %mul3A_429 = arith.constant 128 : i32
          %mul3A_430 = arith.muli %while3A_391, %mul3A_429 : i32
          %add3A_431 = arith.constant 64 : i32
          %add3A_432 = arith.addi %mul3A_430, %add3A_431 : i32
          %get3A_433 = arith.index_cast %add3A_432 : i32 to index
          %get3A_434 = tpu.vector_load %arg11[%get3A_433] {strides = array<i32>} : memref<32768xf32, #tpu.memory_space<vmem>>, vector<16xf32>,
          %get3A_435 = vector.shape_cast %get3A_434 : vector<16xf32> to vector<16xf32>
          %mul3A_436 = arith.constant 128 : i32
          %mul3A_437 = arith.muli %while3A_391, %mul3A_436 : i32
          %add3A_438 = arith.constant 80 : i32
          %add3A_439 = arith.addi %mul3A_437, %add3A_438 : i32
          %get3A_440 = arith.index_cast %add3A_439 : i32 to index
          %get3A_441 = tpu.vector_load %arg11[%get3A_440] {strides = array<i32>} : memref<32768xf32, #tpu.memory_space<vmem>>, vector<16xf32>,
          %get3A_442 = vector.shape_cast %get3A_441 : vector<16xf32> to vector<16xf32>
          %mul3A_443 = arith.constant 128 : i32
          %mul3A_444 = arith.muli %while3A_391, %mul3A_443 : i32
          %add3A_445 = arith.constant 96 : i32
          %add3A_446 = arith.addi %mul3A_444, %add3A_445 : i32
          %get3A_447 = arith.index_cast %add3A_446 : i32 to index
          %get3A_448 = tpu.vector_load %arg11[%get3A_447] {strides = array<i32>} : memref<32768xf32, #tpu.memory_space<vmem>>, vector<16xf32>,
          %get3A_449 = vector.shape_cast %get3A_448 : vector<16xf32> to vector<16xf32>
          %mul3A_450 = arith.constant 128 : i32
          %mul3A_451 = arith.muli %while3A_391, %mul3A_450 : i32
          %add3A_452 = arith.constant 112 : i32
          %add3A_453 = arith.addi %mul3A_451, %add3A_452 : i32
          %get3A_454 = arith.index_cast %add3A_453 : i32 to index
          %get3A_455 = tpu.vector_load %arg11[%get3A_454] {strides = array<i32>} : memref<32768xf32, #tpu.memory_space<vmem>>, vector<16xf32>,
          %get3A_456 = vector.shape_cast %get3A_455 : vector<16xf32> to vector<16xf32>
          %mul3A_457 = arith.mulf %get3A_407, %get3A_15 : vector<16xf32>
          %mul3A_458 = arith.mulf %get3A_414, %get3A_18 : vector<16xf32>
          %add3A_459 = arith.addf %mul3A_457, %mul3A_458 : vector<16xf32>
          %mul3A_460 = arith.mulf %get3A_421, %get3A_21 : vector<16xf32>
          %add3A_461 = arith.addf %add3A_459, %mul3A_460 : vector<16xf32>
          %mul3A_462 = arith.mulf %get3A_428, %get3A_24 : vector<16xf32>
          %add3A_463 = arith.addf %add3A_461, %mul3A_462 : vector<16xf32>
          %mul3A_464 = arith.mulf %get3A_435, %get3A_27 : vector<16xf32>
          %add3A_465 = arith.addf %add3A_463, %mul3A_464 : vector<16xf32>
          %mul3A_466 = arith.mulf %get3A_442, %get3A_30 : vector<16xf32>
          %add3A_467 = arith.addf %add3A_465, %mul3A_466 : vector<16xf32>
          %mul3A_468 = arith.mulf %get3A_449, %get3A_33 : vector<16xf32>
          %add3A_469 = arith.addf %add3A_467, %mul3A_468 : vector<16xf32>
          %mul3A_470 = arith.mulf %get3A_456, %get3A_36 : vector<16xf32>
          %add3A_471 = arith.addf %add3A_469, %mul3A_470 : vector<16xf32>
          %lt3A_472 = arith.constant 0 : i32
          %lt3A_473 = vector.broadcast %lt3A_472 : i32 to vector<16xi32>
          %lt3A_474 = arith.cmpi slt, %xor3A_39, %lt3A_473 : vector<16xi32>
          %add3A_475 = arith.constant 16 : i32
          %add3A_476 = vector.broadcast %add3A_475 : i32 to vector<16xi32>
          %add3A_477 = arith.addi %xor3A_39, %add3A_476 : vector<16xi32>
          %select_n3A_478 = arith.select %lt3A_474, %add3A_477, %xor3A_39 : vector<16xi1>, vector<16xi32>
          %broadcast_in_dim3A_479 = vector.shape_cast %select_n3A_478 : vector<16xi32> to vector<16x1xi32>
          %gather3A = vector.shape_cast %broadcast_in_dim3A_479 : vector<16x1xi32> to vector<16xi32>
          %gather3A_480 = tpu.dynamic_gather %add3A_471[%gather3A] in [0] : vector<16xf32>, vector<16xi32> -> vector<16xf32>
          %add3A_481 = arith.addf %add3A_471, %gather3A_480 : vector<16xf32>
          %lt3A_482 = arith.constant 0 : i32
          %lt3A_483 = vector.broadcast %lt3A_482 : i32 to vector<16xi32>
          %lt3A_484 = arith.cmpi slt, %xor3A_43, %lt3A_483 : vector<16xi32>
          %add3A_485 = arith.constant 16 : i32
          %add3A_486 = vector.broadcast %add3A_485 : i32 to vector<16xi32>
          %add3A_487 = arith.addi %xor3A_43, %add3A_486 : vector<16xi32>
          %select_n3A_488 = arith.select %lt3A_484, %add3A_487, %xor3A_43 : vector<16xi1>, vector<16xi32>
          %broadcast_in_dim3A_489 = vector.shape_cast %select_n3A_488 : vector<16xi32> to vector<16x1xi32>
          %gather3A_490 = vector.shape_cast %broadcast_in_dim3A_489 : vector<16x1xi32> to vector<16xi32>
          %gather3A_491 = tpu.dynamic_gather %add3A_481[%gather3A_490] in [0] : vector<16xf32>, vector<16xi32> -> vector<16xf32>
          %add3A_492 = arith.addf %add3A_481, %gather3A_491 : vector<16xf32>
          %lt3A_493 = arith.constant 0 : i32
          %lt3A_494 = vector.broadcast %lt3A_493 : i32 to vector<16xi32>
          %lt3A_495 = arith.cmpi slt, %xor3A_47, %lt3A_494 : vector<16xi32>
          %add3A_496 = arith.constant 16 : i32
          %add3A_497 = vector.broadcast %add3A_496 : i32 to vector<16xi32>
          %add3A_498 = arith.addi %xor3A_47, %add3A_497 : vector<16xi32>
          %select_n3A_499 = arith.select %lt3A_495, %add3A_498, %xor3A_47 : vector<16xi1>, vector<16xi32>
          %broadcast_in_dim3A_500 = vector.shape_cast %select_n3A_499 : vector<16xi32> to vector<16x1xi32>
          %gather3A_501 = vector.shape_cast %broadcast_in_dim3A_500 : vector<16x1xi32> to vector<16xi32>
          %gather3A_502 = tpu.dynamic_gather %add3A_492[%gather3A_501] in [0] : vector<16xf32>, vector<16xi32> -> vector<16xf32>
          %add3A_503 = arith.addf %add3A_492, %gather3A_502 : vector<16xf32>
          %lt3A_504 = arith.constant 0 : i32
          %lt3A_505 = vector.broadcast %lt3A_504 : i32 to vector<16xi32>
          %lt3A_506 = arith.cmpi slt, %xor3A_51, %lt3A_505 : vector<16xi32>
          %add3A_507 = arith.constant 16 : i32
          %add3A_508 = vector.broadcast %add3A_507 : i32 to vector<16xi32>
          %add3A_509 = arith.addi %xor3A_51, %add3A_508 : vector<16xi32>
          %select_n3A_510 = arith.select %lt3A_506, %add3A_509, %xor3A_51 : vector<16xi1>, vector<16xi32>
          %broadcast_in_dim3A_511 = vector.shape_cast %select_n3A_510 : vector<16xi32> to vector<16x1xi32>
          %gather3A_512 = vector.shape_cast %broadcast_in_dim3A_511 : vector<16x1xi32> to vector<16xi32>
          %gather3A_513 = tpu.dynamic_gather %add3A_503[%gather3A_512] in [0] : vector<16xf32>, vector<16xi32> -> vector<16xf32>
          %add3A_514 = arith.addf %add3A_503, %gather3A_513 : vector<16xf32>
          %exp3A = math.exp %add3A_514 : vector<16xf32>
          %jit3A_515 = arith.constant 0.000000e+00 : f32
          %broadcast_in_dim3A_516 = vector.broadcast %jit3A_515 : f32 to vector<16xf32>
          %select_n3A_517 = arith.select %eq3A_12, %exp3A, %broadcast_in_dim3A_516 : vector<16xi1>, vector<16xf32>
          %add3A_518 = arith.addf %while3A_392, %select_n3A_517 : vector<16xf32>
          %mul3A_519 = arith.mulf %exp3A, %get3A_407 : vector<16xf32>
          %add3A_520 = arith.addf %while3A_393, %mul3A_519 : vector<16xf32>
          %mul3A_521 = arith.mulf %exp3A, %get3A_414 : vector<16xf32>
          %add3A_522 = arith.addf %while3A_394, %mul3A_521 : vector<16xf32>
          %mul3A_523 = arith.mulf %exp3A, %get3A_421 : vector<16xf32>
          %add3A_524 = arith.addf %while3A_395, %mul3A_523 : vector<16xf32>
          %mul3A_525 = arith.mulf %exp3A, %get3A_428 : vector<16xf32>
          %add3A_526 = arith.addf %while3A_396, %mul3A_525 : vector<16xf32>
          %mul3A_527 = arith.mulf %exp3A, %get3A_435 : vector<16xf32>
          %add3A_528 = arith.addf %while3A_397, %mul3A_527 : vector<16xf32>
          %mul3A_529 = arith.mulf %exp3A, %get3A_442 : vector<16xf32>
          %add3A_530 = arith.addf %while3A_398, %mul3A_529 : vector<16xf32>
          %mul3A_531 = arith.mulf %exp3A, %get3A_449 : vector<16xf32>
          %add3A_532 = arith.addf %while3A_399, %mul3A_531 : vector<16xf32>
          %mul3A_533 = arith.mulf %exp3A, %get3A_456 : vector<16xf32>
          %add3A_534 = arith.addf %while3A_400, %mul3A_533 : vector<16xf32>
          scf.yield %add3A_518, %add3A_520, %add3A_522, %add3A_524, %add3A_526, %add3A_528, %add3A_530, %add3A_532, %add3A_534 : vector<16xf32>, vector<16xf32>, vector<16xf32>, vector<16xf32>, vector<16xf32>, vector<16xf32>, vector<16xf32>, vector<16xf32>, vector<16xf32>
        }
        %while3A_284 = arith.constant 1 : i32
        %while3A_285:9 = scf.for %while3A_391 = %while3A_281 to %while3A_277 step %while3A_284 iter_args(%while3A_392 = %while3A_283#0, %while3A_393 = %while3A_283#1, %while3A_394 = %while3A_283#2, %while3A_395 = %while3A_283#3, %while3A_396 = %while3A_283#4, %while3A_397 = %while3A_283#5, %while3A_398 = %while3A_283#6, %while3A_399 = %while3A_283#7, %while3A_400 = %while3A_283#8) -> (vector<16xf32>, vector<16xf32>, vector<16xf32>, vector<16xf32>, vector<16xf32>, vector<16xf32>, vector<16xf32>, vector<16xf32>, vector<16xf32>)  : i32 {
          %mul3A_401 = arith.constant 128 : i32
          %mul3A_402 = arith.muli %while3A_391, %mul3A_401 : i32
          %add3A_403 = arith.constant 0 : i32
          %add3A_404 = arith.addi %mul3A_402, %add3A_403 : i32
          %get3A_405 = arith.index_cast %add3A_404 : i32 to index
          %get3A_406 = tpu.vector_load %arg11[%get3A_405] {strides = array<i32>} : memref<32768xf32, #tpu.memory_space<vmem>>, vector<16xf32>,
          %get3A_407 = vector.shape_cast %get3A_406 : vector<16xf32> to vector<16xf32>
          %mul3A_408 = arith.constant 128 : i32
          %mul3A_409 = arith.muli %while3A_391, %mul3A_408 : i32
          %add3A_410 = arith.constant 16 : i32
          %add3A_411 = arith.addi %mul3A_409, %add3A_410 : i32
          %get3A_412 = arith.index_cast %add3A_411 : i32 to index
          %get3A_413 = tpu.vector_load %arg11[%get3A_412] {strides = array<i32>} : memref<32768xf32, #tpu.memory_space<vmem>>, vector<16xf32>,
          %get3A_414 = vector.shape_cast %get3A_413 : vector<16xf32> to vector<16xf32>
          %mul3A_415 = arith.constant 128 : i32
          %mul3A_416 = arith.muli %while3A_391, %mul3A_415 : i32
          %add3A_417 = arith.constant 32 : i32
          %add3A_418 = arith.addi %mul3A_416, %add3A_417 : i32
          %get3A_419 = arith.index_cast %add3A_418 : i32 to index
          %get3A_420 = tpu.vector_load %arg11[%get3A_419] {strides = array<i32>} : memref<32768xf32, #tpu.memory_space<vmem>>, vector<16xf32>,
          %get3A_421 = vector.shape_cast %get3A_420 : vector<16xf32> to vector<16xf32>
          %mul3A_422 = arith.constant 128 : i32
          %mul3A_423 = arith.muli %while3A_391, %mul3A_422 : i32
          %add3A_424 = arith.constant 48 : i32
          %add3A_425 = arith.addi %mul3A_423, %add3A_424 : i32
          %get3A_426 = arith.index_cast %add3A_425 : i32 to index
          %get3A_427 = tpu.vector_load %arg11[%get3A_426] {strides = array<i32>} : memref<32768xf32, #tpu.memory_space<vmem>>, vector<16xf32>,
          %get3A_428 = vector.shape_cast %get3A_427 : vector<16xf32> to vector<16xf32>
          %mul3A_429 = arith.constant 128 : i32
          %mul3A_430 = arith.muli %while3A_391, %mul3A_429 : i32
          %add3A_431 = arith.constant 64 : i32
          %add3A_432 = arith.addi %mul3A_430, %add3A_431 : i32
          %get3A_433 = arith.index_cast %add3A_432 : i32 to index
          %get3A_434 = tpu.vector_load %arg11[%get3A_433] {strides = array<i32>} : memref<32768xf32, #tpu.memory_space<vmem>>, vector<16xf32>,
          %get3A_435 = vector.shape_cast %get3A_434 : vector<16xf32> to vector<16xf32>
          %mul3A_436 = arith.constant 128 : i32
          %mul3A_437 = arith.muli %while3A_391, %mul3A_436 : i32
          %add3A_438 = arith.constant 80 : i32
          %add3A_439 = arith.addi %mul3A_437, %add3A_438 : i32
          %get3A_440 = arith.index_cast %add3A_439 : i32 to index
          %get3A_441 = tpu.vector_load %arg11[%get3A_440] {strides = array<i32>} : memref<32768xf32, #tpu.memory_space<vmem>>, vector<16xf32>,
          %get3A_442 = vector.shape_cast %get3A_441 : vector<16xf32> to vector<16xf32>
          %mul3A_443 = arith.constant 128 : i32
          %mul3A_444 = arith.muli %while3A_391, %mul3A_443 : i32
          %add3A_445 = arith.constant 96 : i32
          %add3A_446 = arith.addi %mul3A_444, %add3A_445 : i32
          %get3A_447 = arith.index_cast %add3A_446 : i32 to index
          %get3A_448 = tpu.vector_load %arg11[%get3A_447] {strides = array<i32>} : memref<32768xf32, #tpu.memory_space<vmem>>, vector<16xf32>,
          %get3A_449 = vector.shape_cast %get3A_448 : vector<16xf32> to vector<16xf32>
          %mul3A_450 = arith.constant 128 : i32
          %mul3A_451 = arith.muli %while3A_391, %mul3A_450 : i32
          %add3A_452 = arith.constant 112 : i32
          %add3A_453 = arith.addi %mul3A_451, %add3A_452 : i32
          %get3A_454 = arith.index_cast %add3A_453 : i32 to index
          %get3A_455 = tpu.vector_load %arg11[%get3A_454] {strides = array<i32>} : memref<32768xf32, #tpu.memory_space<vmem>>, vector<16xf32>,
          %get3A_456 = vector.shape_cast %get3A_455 : vector<16xf32> to vector<16xf32>
          %mul3A_457 = arith.mulf %get3A_407, %get3A_15 : vector<16xf32>
          %mul3A_458 = arith.mulf %get3A_414, %get3A_18 : vector<16xf32>
          %add3A_459 = arith.addf %mul3A_457, %mul3A_458 : vector<16xf32>
          %mul3A_460 = arith.mulf %get3A_421, %get3A_21 : vector<16xf32>
          %add3A_461 = arith.addf %add3A_459, %mul3A_460 : vector<16xf32>
          %mul3A_462 = arith.mulf %get3A_428, %get3A_24 : vector<16xf32>
          %add3A_463 = arith.addf %add3A_461, %mul3A_462 : vector<16xf32>
          %mul3A_464 = arith.mulf %get3A_435, %get3A_27 : vector<16xf32>
          %add3A_465 = arith.addf %add3A_463, %mul3A_464 : vector<16xf32>
          %mul3A_466 = arith.mulf %get3A_442, %get3A_30 : vector<16xf32>
          %add3A_467 = arith.addf %add3A_465, %mul3A_466 : vector<16xf32>
          %mul3A_468 = arith.mulf %get3A_449, %get3A_33 : vector<16xf32>
          %add3A_469 = arith.addf %add3A_467, %mul3A_468 : vector<16xf32>
          %mul3A_470 = arith.mulf %get3A_456, %get3A_36 : vector<16xf32>
          %add3A_471 = arith.addf %add3A_469, %mul3A_470 : vector<16xf32>
          %lt3A_472 = arith.constant 0 : i32
          %lt3A_473 = vector.broadcast %lt3A_472 : i32 to vector<16xi32>
          %lt3A_474 = arith.cmpi slt, %xor3A_39, %lt3A_473 : vector<16xi32>
          %add3A_475 = arith.constant 16 : i32
          %add3A_476 = vector.broadcast %add3A_475 : i32 to vector<16xi32>
          %add3A_477 = arith.addi %xor3A_39, %add3A_476 : vector<16xi32>
          %select_n3A_478 = arith.select %lt3A_474, %add3A_477, %xor3A_39 : vector<16xi1>, vector<16xi32>
          %broadcast_in_dim3A_479 = vector.shape_cast %select_n3A_478 : vector<16xi32> to vector<16x1xi32>
          %gather3A = vector.shape_cast %broadcast_in_dim3A_479 : vector<16x1xi32> to vector<16xi32>
          %gather3A_480 = tpu.dynamic_gather %add3A_471[%gather3A] in [0] : vector<16xf32>, vector<16xi32> -> vector<16xf32>
          %add3A_481 = arith.addf %add3A_471, %gather3A_480 : vector<16xf32>
          %lt3A_482 = arith.constant 0 : i32
          %lt3A_483 = vector.broadcast %lt3A_482 : i32 to vector<16xi32>
          %lt3A_484 = arith.cmpi slt, %xor3A_43, %lt3A_483 : vector<16xi32>
          %add3A_485 = arith.constant 16 : i32
          %add3A_486 = vector.broadcast %add3A_485 : i32 to vector<16xi32>
          %add3A_487 = arith.addi %xor3A_43, %add3A_486 : vector<16xi32>
          %select_n3A_488 = arith.select %lt3A_484, %add3A_487, %xor3A_43 : vector<16xi1>, vector<16xi32>
          %broadcast_in_dim3A_489 = vector.shape_cast %select_n3A_488 : vector<16xi32> to vector<16x1xi32>
          %gather3A_490 = vector.shape_cast %broadcast_in_dim3A_489 : vector<16x1xi32> to vector<16xi32>
          %gather3A_491 = tpu.dynamic_gather %add3A_481[%gather3A_490] in [0] : vector<16xf32>, vector<16xi32> -> vector<16xf32>
          %add3A_492 = arith.addf %add3A_481, %gather3A_491 : vector<16xf32>
          %lt3A_493 = arith.constant 0 : i32
          %lt3A_494 = vector.broadcast %lt3A_493 : i32 to vector<16xi32>
          %lt3A_495 = arith.cmpi slt, %xor3A_47, %lt3A_494 : vector<16xi32>
          %add3A_496 = arith.constant 16 : i32
          %add3A_497 = vector.broadcast %add3A_496 : i32 to vector<16xi32>
          %add3A_498 = arith.addi %xor3A_47, %add3A_497 : vector<16xi32>
          %select_n3A_499 = arith.select %lt3A_495, %add3A_498, %xor3A_47 : vector<16xi1>, vector<16xi32>
          %broadcast_in_dim3A_500 = vector.shape_cast %select_n3A_499 : vector<16xi32> to vector<16x1xi32>
          %gather3A_501 = vector.shape_cast %broadcast_in_dim3A_500 : vector<16x1xi32> to vector<16xi32>
          %gather3A_502 = tpu.dynamic_gather %add3A_492[%gather3A_501] in [0] : vector<16xf32>, vector<16xi32> -> vector<16xf32>
          %add3A_503 = arith.addf %add3A_492, %gather3A_502 : vector<16xf32>
          %lt3A_504 = arith.constant 0 : i32
          %lt3A_505 = vector.broadcast %lt3A_504 : i32 to vector<16xi32>
          %lt3A_506 = arith.cmpi slt, %xor3A_51, %lt3A_505 : vector<16xi32>
          %add3A_507 = arith.constant 16 : i32
          %add3A_508 = vector.broadcast %add3A_507 : i32 to vector<16xi32>
          %add3A_509 = arith.addi %xor3A_51, %add3A_508 : vector<16xi32>
          %select_n3A_510 = arith.select %lt3A_506, %add3A_509, %xor3A_51 : vector<16xi1>, vector<16xi32>
          %broadcast_in_dim3A_511 = vector.shape_cast %select_n3A_510 : vector<16xi32> to vector<16x1xi32>
          %gather3A_512 = vector.shape_cast %broadcast_in_dim3A_511 : vector<16x1xi32> to vector<16xi32>
          %gather3A_513 = tpu.dynamic_gather %add3A_503[%gather3A_512] in [0] : vector<16xf32>, vector<16xi32> -> vector<16xf32>
          %add3A_514 = arith.addf %add3A_503, %gather3A_513 : vector<16xf32>
          %exp3A = math.exp %add3A_514 : vector<16xf32>
          %jit3A_515 = arith.constant 0.000000e+00 : f32
          %broadcast_in_dim3A_516 = vector.broadcast %jit3A_515 : f32 to vector<16xf32>
          %select_n3A_517 = arith.select %eq3A_12, %exp3A, %broadcast_in_dim3A_516 : vector<16xi1>, vector<16xf32>
          %add3A_518 = arith.addf %while3A_392, %select_n3A_517 : vector<16xf32>
          %mul3A_519 = arith.mulf %exp3A, %get3A_407 : vector<16xf32>
          %add3A_520 = arith.addf %while3A_393, %mul3A_519 : vector<16xf32>
          %mul3A_521 = arith.mulf %exp3A, %get3A_414 : vector<16xf32>
          %add3A_522 = arith.addf %while3A_394, %mul3A_521 : vector<16xf32>
          %mul3A_523 = arith.mulf %exp3A, %get3A_421 : vector<16xf32>
          %add3A_524 = arith.addf %while3A_395, %mul3A_523 : vector<16xf32>
          %mul3A_525 = arith.mulf %exp3A, %get3A_428 : vector<16xf32>
          %add3A_526 = arith.addf %while3A_396, %mul3A_525 : vector<16xf32>
          %mul3A_527 = arith.mulf %exp3A, %get3A_435 : vector<16xf32>
          %add3A_528 = arith.addf %while3A_397, %mul3A_527 : vector<16xf32>
          %mul3A_529 = arith.mulf %exp3A, %get3A_442 : vector<16xf32>
          %add3A_530 = arith.addf %while3A_398, %mul3A_529 : vector<16xf32>
          %mul3A_531 = arith.mulf %exp3A, %get3A_449 : vector<16xf32>
          %add3A_532 = arith.addf %while3A_399, %mul3A_531 : vector<16xf32>
          %mul3A_533 = arith.mulf %exp3A, %get3A_456 : vector<16xf32>
          %add3A_534 = arith.addf %while3A_400, %mul3A_533 : vector<16xf32>
          scf.yield %add3A_518, %add3A_520, %add3A_522, %add3A_524, %add3A_526, %add3A_528, %add3A_530, %add3A_532, %add3A_534 : vector<16xf32>, vector<16xf32>, vector<16xf32>, vector<16xf32>, vector<16xf32>, vector<16xf32>, vector<16xf32>, vector<16xf32>, vector<16xf32>
        }
        %mul3A_286 = arith.constant 128 : i32
        %mul3A_287 = arith.muli %while3A_258, %mul3A_286 : i32
        %add3A_288 = arith.constant 0 : i32
        %add3A_289 = arith.addi %mul3A_287, %add3A_288 : i32
        %get3A_290 = arith.index_cast %add3A_289 : i32 to index
        %get3A_291 = tpu.vector_load %arg7[%get3A_290] {strides = array<i32>} : memref<40960xf32, #tpu.memory_space<vmem>>, vector<16xf32>,
        %get3A_292 = vector.shape_cast %get3A_291 : vector<16xf32> to vector<16xf32>
        %add3A_293 = arith.addf %get3A_292, %while3A_285#1 : vector<16xf32>
        %add3A_294 = arith.constant 0 : i32
        %add3A_295 = arith.addi %mul3A_287, %add3A_294 : i32
        %swap3A = arith.index_cast %add3A_295 : i32 to index
        %swap3A_296 = tpu.vector_load %arg7[%swap3A] {strides = array<i32>} : memref<40960xf32, #tpu.memory_space<vmem>>, vector<16xf32>,
        %swap3A_297 = vector.shape_cast %swap3A_296 : vector<16xf32> to vector<16xf32>
        %swap3A_298 = vector.shape_cast %add3A_293 : vector<16xf32> to vector<16xf32>
        tpu.vector_store %arg7[%swap3A], %swap3A_298 {strides = array<i32>} : memref<40960xf32, #tpu.memory_space<vmem>>, vector<16xf32>,
        %add3A_299 = arith.constant 16 : i32
        %add3A_300 = arith.addi %mul3A_287, %add3A_299 : i32
        %get3A_301 = arith.index_cast %add3A_300 : i32 to index
        %get3A_302 = tpu.vector_load %arg7[%get3A_301] {strides = array<i32>} : memref<40960xf32, #tpu.memory_space<vmem>>, vector<16xf32>,
        %get3A_303 = vector.shape_cast %get3A_302 : vector<16xf32> to vector<16xf32>
        %add3A_304 = arith.addf %get3A_303, %while3A_285#2 : vector<16xf32>
        %add3A_305 = arith.constant 16 : i32
        %add3A_306 = arith.addi %mul3A_287, %add3A_305 : i32
        %swap3A_307 = arith.index_cast %add3A_306 : i32 to index
        %swap3A_308 = tpu.vector_load %arg7[%swap3A_307] {strides = array<i32>} : memref<40960xf32, #tpu.memory_space<vmem>>, vector<16xf32>,
        %swap3A_309 = vector.shape_cast %swap3A_308 : vector<16xf32> to vector<16xf32>
        %swap3A_310 = vector.shape_cast %add3A_304 : vector<16xf32> to vector<16xf32>
        tpu.vector_store %arg7[%swap3A_307], %swap3A_310 {strides = array<i32>} : memref<40960xf32, #tpu.memory_space<vmem>>, vector<16xf32>,
        %add3A_311 = arith.constant 32 : i32
        %add3A_312 = arith.addi %mul3A_287, %add3A_311 : i32
        %get3A_313 = arith.index_cast %add3A_312 : i32 to index
        %get3A_314 = tpu.vector_load %arg7[%get3A_313] {strides = array<i32>} : memref<40960xf32, #tpu.memory_space<vmem>>, vector<16xf32>,
        %get3A_315 = vector.shape_cast %get3A_314 : vector<16xf32> to vector<16xf32>
        %add3A_316 = arith.addf %get3A_315, %while3A_285#3 : vector<16xf32>
        %add3A_317 = arith.constant 32 : i32
        %add3A_318 = arith.addi %mul3A_287, %add3A_317 : i32
        %swap3A_319 = arith.index_cast %add3A_318 : i32 to index
        %swap3A_320 = tpu.vector_load %arg7[%swap3A_319] {strides = array<i32>} : memref<40960xf32, #tpu.memory_space<vmem>>, vector<16xf32>,
        %swap3A_321 = vector.shape_cast %swap3A_320 : vector<16xf32> to vector<16xf32>
        %swap3A_322 = vector.shape_cast %add3A_316 : vector<16xf32> to vector<16xf32>
        tpu.vector_store %arg7[%swap3A_319], %swap3A_322 {strides = array<i32>} : memref<40960xf32, #tpu.memory_space<vmem>>, vector<16xf32>,
        %add3A_323 = arith.constant 48 : i32
        %add3A_324 = arith.addi %mul3A_287, %add3A_323 : i32
        %get3A_325 = arith.index_cast %add3A_324 : i32 to index
        %get3A_326 = tpu.vector_load %arg7[%get3A_325] {strides = array<i32>} : memref<40960xf32, #tpu.memory_space<vmem>>, vector<16xf32>,
        %get3A_327 = vector.shape_cast %get3A_326 : vector<16xf32> to vector<16xf32>
        %add3A_328 = arith.addf %get3A_327, %while3A_285#4 : vector<16xf32>
        %add3A_329 = arith.constant 48 : i32
        %add3A_330 = arith.addi %mul3A_287, %add3A_329 : i32
        %swap3A_331 = arith.index_cast %add3A_330 : i32 to index
        %swap3A_332 = tpu.vector_load %arg7[%swap3A_331] {strides = array<i32>} : memref<40960xf32, #tpu.memory_space<vmem>>, vector<16xf32>,
        %swap3A_333 = vector.shape_cast %swap3A_332 : vector<16xf32> to vector<16xf32>
        %swap3A_334 = vector.shape_cast %add3A_328 : vector<16xf32> to vector<16xf32>
        tpu.vector_store %arg7[%swap3A_331], %swap3A_334 {strides = array<i32>} : memref<40960xf32, #tpu.memory_space<vmem>>, vector<16xf32>,
        %add3A_335 = arith.constant 64 : i32
        %add3A_336 = arith.addi %mul3A_287, %add3A_335 : i32
        %get3A_337 = arith.index_cast %add3A_336 : i32 to index
        %get3A_338 = tpu.vector_load %arg7[%get3A_337] {strides = array<i32>} : memref<40960xf32, #tpu.memory_space<vmem>>, vector<16xf32>,
        %get3A_339 = vector.shape_cast %get3A_338 : vector<16xf32> to vector<16xf32>
        %add3A_340 = arith.addf %get3A_339, %while3A_285#5 : vector<16xf32>
        %add3A_341 = arith.constant 64 : i32
        %add3A_342 = arith.addi %mul3A_287, %add3A_341 : i32
        %swap3A_343 = arith.index_cast %add3A_342 : i32 to index
        %swap3A_344 = tpu.vector_load %arg7[%swap3A_343] {strides = array<i32>} : memref<40960xf32, #tpu.memory_space<vmem>>, vector<16xf32>,
        %swap3A_345 = vector.shape_cast %swap3A_344 : vector<16xf32> to vector<16xf32>
        %swap3A_346 = vector.shape_cast %add3A_340 : vector<16xf32> to vector<16xf32>
        tpu.vector_store %arg7[%swap3A_343], %swap3A_346 {strides = array<i32>} : memref<40960xf32, #tpu.memory_space<vmem>>, vector<16xf32>,
        %add3A_347 = arith.constant 80 : i32
        %add3A_348 = arith.addi %mul3A_287, %add3A_347 : i32
        %get3A_349 = arith.index_cast %add3A_348 : i32 to index
        %get3A_350 = tpu.vector_load %arg7[%get3A_349] {strides = array<i32>} : memref<40960xf32, #tpu.memory_space<vmem>>, vector<16xf32>,
        %get3A_351 = vector.shape_cast %get3A_350 : vector<16xf32> to vector<16xf32>
        %add3A_352 = arith.addf %get3A_351, %while3A_285#6 : vector<16xf32>
        %add3A_353 = arith.constant 80 : i32
        %add3A_354 = arith.addi %mul3A_287, %add3A_353 : i32
        %swap3A_355 = arith.index_cast %add3A_354 : i32 to index
        %swap3A_356 = tpu.vector_load %arg7[%swap3A_355] {strides = array<i32>} : memref<40960xf32, #tpu.memory_space<vmem>>, vector<16xf32>,
        %swap3A_357 = vector.shape_cast %swap3A_356 : vector<16xf32> to vector<16xf32>
        %swap3A_358 = vector.shape_cast %add3A_352 : vector<16xf32> to vector<16xf32>
        tpu.vector_store %arg7[%swap3A_355], %swap3A_358 {strides = array<i32>} : memref<40960xf32, #tpu.memory_space<vmem>>, vector<16xf32>,
        %add3A_359 = arith.constant 96 : i32
        %add3A_360 = arith.addi %mul3A_287, %add3A_359 : i32
        %get3A_361 = arith.index_cast %add3A_360 : i32 to index
        %get3A_362 = tpu.vector_load %arg7[%get3A_361] {strides = array<i32>} : memref<40960xf32, #tpu.memory_space<vmem>>, vector<16xf32>,
        %get3A_363 = vector.shape_cast %get3A_362 : vector<16xf32> to vector<16xf32>
        %add3A_364 = arith.addf %get3A_363, %while3A_285#7 : vector<16xf32>
        %add3A_365 = arith.constant 96 : i32
        %add3A_366 = arith.addi %mul3A_287, %add3A_365 : i32
        %swap3A_367 = arith.index_cast %add3A_366 : i32 to index
        %swap3A_368 = tpu.vector_load %arg7[%swap3A_367] {strides = array<i32>} : memref<40960xf32, #tpu.memory_space<vmem>>, vector<16xf32>,
        %swap3A_369 = vector.shape_cast %swap3A_368 : vector<16xf32> to vector<16xf32>
        %swap3A_370 = vector.shape_cast %add3A_364 : vector<16xf32> to vector<16xf32>
        tpu.vector_store %arg7[%swap3A_367], %swap3A_370 {strides = array<i32>} : memref<40960xf32, #tpu.memory_space<vmem>>, vector<16xf32>,
        %add3A_371 = arith.constant 112 : i32
        %add3A_372 = arith.addi %mul3A_287, %add3A_371 : i32
        %get3A_373 = arith.index_cast %add3A_372 : i32 to index
        %get3A_374 = tpu.vector_load %arg7[%get3A_373] {strides = array<i32>} : memref<40960xf32, #tpu.memory_space<vmem>>, vector<16xf32>,
        %get3A_375 = vector.shape_cast %get3A_374 : vector<16xf32> to vector<16xf32>
        %add3A_376 = arith.addf %get3A_375, %while3A_285#8 : vector<16xf32>
        %add3A_377 = arith.constant 112 : i32
        %add3A_378 = arith.addi %mul3A_287, %add3A_377 : i32
        %swap3A_379 = arith.index_cast %add3A_378 : i32 to index
        %swap3A_380 = tpu.vector_load %arg7[%swap3A_379] {strides = array<i32>} : memref<40960xf32, #tpu.memory_space<vmem>>, vector<16xf32>,
        %swap3A_381 = vector.shape_cast %swap3A_380 : vector<16xf32> to vector<16xf32>
        %swap3A_382 = vector.shape_cast %add3A_376 : vector<16xf32> to vector<16xf32>
        tpu.vector_store %arg7[%swap3A_379], %swap3A_382 {strides = array<i32>} : memref<40960xf32, #tpu.memory_space<vmem>>, vector<16xf32>,
        %get3A_383 = arith.index_cast %while3A_258 : i32 to index
        %get3A_384 = tpu.vector_load %arg8[%get3A_383] {strides = array<i32>} : memref<336xf32, #tpu.memory_space<vmem>>, vector<16xf32>,
        %get3A_385 = vector.shape_cast %get3A_384 : vector<16xf32> to vector<16xf32>
        %add3A_386 = arith.addf %get3A_385, %while3A_285#0 : vector<16xf32>
        %swap3A_387 = arith.index_cast %while3A_258 : i32 to index
        %swap3A_388 = tpu.vector_load %arg8[%swap3A_387] {strides = array<i32>} : memref<336xf32, #tpu.memory_space<vmem>>, vector<16xf32>,
        %swap3A_389 = vector.shape_cast %swap3A_388 : vector<16xf32> to vector<16xf32>
        %swap3A_390 = vector.shape_cast %add3A_386 : vector<16xf32> to vector<16xf32>
        tpu.vector_store %arg8[%swap3A_387], %swap3A_390 {strides = array<i32>} : memref<336xf32, #tpu.memory_space<vmem>>, vector<16xf32>,
      }
      %while3A_201 = arith.constant 1 : i32
      scf.for %while3A_258 = %while3A_199 to %while3A_195 step %while3A_201  : i32 {
        %get3A_259 = arith.index_cast %while3A_258 : i32 to index
        %get3A_260 = tpu.vector_load %arg9[%get3A_259] {strides = array<i32>} : memref<352xi32, #tpu.memory_space<vmem>>, vector<16xi32>,
        %get3A_261 = vector.shape_cast %get3A_260 : vector<16xi32> to vector<16xi32>
        %slice3A_262 = vector.extract_strided_slice %get3A_261 {offsets = [0], sizes = [1], strides = [1]} : vector<16xi32> to vector<1xi32>
        %squeeze3A_263 = vector.extract %slice3A_262[0] : i32 from vector<1xi32>
        %add3A_264 = arith.constant 1 : i32
        %add3A_265 = arith.addi %while3A_258, %add3A_264 : i32
        %get3A_266 = arith.index_cast %add3A_265 : i32 to index
        %get3A_267 = tpu.vector_load %arg9[%get3A_266] {strides = array<i32>} : memref<352xi32, #tpu.memory_space<vmem>>, vector<16xi32>,
        %get3A_268 = vector.shape_cast %get3A_267 : vector<16xi32> to vector<16xi32>
        %slice3A_269 = vector.extract_strided_slice %get3A_268 {offsets = [0], sizes = [1], strides = [1]} : vector<16xi32> to vector<1xi32>
        %squeeze3A_270 = vector.extract %slice3A_269[0] : i32 from vector<1xi32>
        %sub3A_271 = arith.subi %squeeze3A_263, %select_n3A_168 : i32
        %max3A_272 = arith.maxsi %sub3A_271, %select_n3A_172 : i32
        %sub3A_273 = arith.subi %squeeze3A_270, %select_n3A_168 : i32
        %min3A_274 = arith.minsi %sub3A_273, %select_n3A_176 : i32
        %max3A_275 = arith.maxsi %max3A_272, %min3A_274 : i32
        %while3A_276 = arith.subi %max3A_275, %max3A_272 : i32
        %while3A_277 = arith.addi %max3A_272, %while3A_276 : i32
        %while3A_278 = arith.constant 1 : i32
        %while3A_279 = arith.divsi %while3A_276, %while3A_278 : i32
        %while3A_280 = arith.muli %while3A_279, %while3A_278 : i32
        %while3A_281 = arith.addi %max3A_272, %while3A_280 : i32
        %while3A_282 = arith.constant 1 : i32
        %while3A_283:9 = scf.for %while3A_391 = %max3A_272 to %while3A_281 step %while3A_282 iter_args(%while3A_392 = %broadcast_in_dim3A_10, %while3A_393 = %broadcast_in_dim3A_10, %while3A_394 = %broadcast_in_dim3A_10, %while3A_395 = %broadcast_in_dim3A_10, %while3A_396 = %broadcast_in_dim3A_10, %while3A_397 = %broadcast_in_dim3A_10, %while3A_398 = %broadcast_in_dim3A_10, %while3A_399 = %broadcast_in_dim3A_10, %while3A_400 = %broadcast_in_dim3A_10) -> (vector<16xf32>, vector<16xf32>, vector<16xf32>, vector<16xf32>, vector<16xf32>, vector<16xf32>, vector<16xf32>, vector<16xf32>, vector<16xf32>)  : i32 {
          %mul3A_401 = arith.constant 128 : i32
          %mul3A_402 = arith.muli %while3A_391, %mul3A_401 : i32
          %add3A_403 = arith.constant 0 : i32
          %add3A_404 = arith.addi %mul3A_402, %add3A_403 : i32
          %get3A_405 = arith.index_cast %add3A_404 : i32 to index
          %get3A_406 = tpu.vector_load %arg11[%get3A_405] {strides = array<i32>} : memref<32768xf32, #tpu.memory_space<vmem>>, vector<16xf32>,
          %get3A_407 = vector.shape_cast %get3A_406 : vector<16xf32> to vector<16xf32>
          %mul3A_408 = arith.constant 128 : i32
          %mul3A_409 = arith.muli %while3A_391, %mul3A_408 : i32
          %add3A_410 = arith.constant 16 : i32
          %add3A_411 = arith.addi %mul3A_409, %add3A_410 : i32
          %get3A_412 = arith.index_cast %add3A_411 : i32 to index
          %get3A_413 = tpu.vector_load %arg11[%get3A_412] {strides = array<i32>} : memref<32768xf32, #tpu.memory_space<vmem>>, vector<16xf32>,
          %get3A_414 = vector.shape_cast %get3A_413 : vector<16xf32> to vector<16xf32>
          %mul3A_415 = arith.constant 128 : i32
          %mul3A_416 = arith.muli %while3A_391, %mul3A_415 : i32
          %add3A_417 = arith.constant 32 : i32
          %add3A_418 = arith.addi %mul3A_416, %add3A_417 : i32
          %get3A_419 = arith.index_cast %add3A_418 : i32 to index
          %get3A_420 = tpu.vector_load %arg11[%get3A_419] {strides = array<i32>} : memref<32768xf32, #tpu.memory_space<vmem>>, vector<16xf32>,
          %get3A_421 = vector.shape_cast %get3A_420 : vector<16xf32> to vector<16xf32>
          %mul3A_422 = arith.constant 128 : i32
          %mul3A_423 = arith.muli %while3A_391, %mul3A_422 : i32
          %add3A_424 = arith.constant 48 : i32
          %add3A_425 = arith.addi %mul3A_423, %add3A_424 : i32
          %get3A_426 = arith.index_cast %add3A_425 : i32 to index
          %get3A_427 = tpu.vector_load %arg11[%get3A_426] {strides = array<i32>} : memref<32768xf32, #tpu.memory_space<vmem>>, vector<16xf32>,
          %get3A_428 = vector.shape_cast %get3A_427 : vector<16xf32> to vector<16xf32>
          %mul3A_429 = arith.constant 128 : i32
          %mul3A_430 = arith.muli %while3A_391, %mul3A_429 : i32
          %add3A_431 = arith.constant 64 : i32
          %add3A_432 = arith.addi %mul3A_430, %add3A_431 : i32
          %get3A_433 = arith.index_cast %add3A_432 : i32 to index
          %get3A_434 = tpu.vector_load %arg11[%get3A_433] {strides = array<i32>} : memref<32768xf32, #tpu.memory_space<vmem>>, vector<16xf32>,
          %get3A_435 = vector.shape_cast %get3A_434 : vector<16xf32> to vector<16xf32>
          %mul3A_436 = arith.constant 128 : i32
          %mul3A_437 = arith.muli %while3A_391, %mul3A_436 : i32
          %add3A_438 = arith.constant 80 : i32
          %add3A_439 = arith.addi %mul3A_437, %add3A_438 : i32
          %get3A_440 = arith.index_cast %add3A_439 : i32 to index
          %get3A_441 = tpu.vector_load %arg11[%get3A_440] {strides = array<i32>} : memref<32768xf32, #tpu.memory_space<vmem>>, vector<16xf32>,
          %get3A_442 = vector.shape_cast %get3A_441 : vector<16xf32> to vector<16xf32>
          %mul3A_443 = arith.constant 128 : i32
          %mul3A_444 = arith.muli %while3A_391, %mul3A_443 : i32
          %add3A_445 = arith.constant 96 : i32
          %add3A_446 = arith.addi %mul3A_444, %add3A_445 : i32
          %get3A_447 = arith.index_cast %add3A_446 : i32 to index
          %get3A_448 = tpu.vector_load %arg11[%get3A_447] {strides = array<i32>} : memref<32768xf32, #tpu.memory_space<vmem>>, vector<16xf32>,
          %get3A_449 = vector.shape_cast %get3A_448 : vector<16xf32> to vector<16xf32>
          %mul3A_450 = arith.constant 128 : i32
          %mul3A_451 = arith.muli %while3A_391, %mul3A_450 : i32
          %add3A_452 = arith.constant 112 : i32
          %add3A_453 = arith.addi %mul3A_451, %add3A_452 : i32
          %get3A_454 = arith.index_cast %add3A_453 : i32 to index
          %get3A_455 = tpu.vector_load %arg11[%get3A_454] {strides = array<i32>} : memref<32768xf32, #tpu.memory_space<vmem>>, vector<16xf32>,
          %get3A_456 = vector.shape_cast %get3A_455 : vector<16xf32> to vector<16xf32>
          %mul3A_457 = arith.mulf %get3A_407, %get3A_15 : vector<16xf32>
          %mul3A_458 = arith.mulf %get3A_414, %get3A_18 : vector<16xf32>
          %add3A_459 = arith.addf %mul3A_457, %mul3A_458 : vector<16xf32>
          %mul3A_460 = arith.mulf %get3A_421, %get3A_21 : vector<16xf32>
          %add3A_461 = arith.addf %add3A_459, %mul3A_460 : vector<16xf32>
          %mul3A_462 = arith.mulf %get3A_428, %get3A_24 : vector<16xf32>
          %add3A_463 = arith.addf %add3A_461, %mul3A_462 : vector<16xf32>
          %mul3A_464 = arith.mulf %get3A_435, %get3A_27 : vector<16xf32>
          %add3A_465 = arith.addf %add3A_463, %mul3A_464 : vector<16xf32>
          %mul3A_466 = arith.mulf %get3A_442, %get3A_30 : vector<16xf32>
          %add3A_467 = arith.addf %add3A_465, %mul3A_466 : vector<16xf32>
          %mul3A_468 = arith.mulf %get3A_449, %get3A_33 : vector<16xf32>
          %add3A_469 = arith.addf %add3A_467, %mul3A_468 : vector<16xf32>
          %mul3A_470 = arith.mulf %get3A_456, %get3A_36 : vector<16xf32>
          %add3A_471 = arith.addf %add3A_469, %mul3A_470 : vector<16xf32>
          %lt3A_472 = arith.constant 0 : i32
          %lt3A_473 = vector.broadcast %lt3A_472 : i32 to vector<16xi32>
          %lt3A_474 = arith.cmpi slt, %xor3A_39, %lt3A_473 : vector<16xi32>
          %add3A_475 = arith.constant 16 : i32
          %add3A_476 = vector.broadcast %add3A_475 : i32 to vector<16xi32>
          %add3A_477 = arith.addi %xor3A_39, %add3A_476 : vector<16xi32>
          %select_n3A_478 = arith.select %lt3A_474, %add3A_477, %xor3A_39 : vector<16xi1>, vector<16xi32>
          %broadcast_in_dim3A_479 = vector.shape_cast %select_n3A_478 : vector<16xi32> to vector<16x1xi32>
          %gather3A = vector.shape_cast %broadcast_in_dim3A_479 : vector<16x1xi32> to vector<16xi32>
          %gather3A_480 = tpu.dynamic_gather %add3A_471[%gather3A] in [0] : vector<16xf32>, vector<16xi32> -> vector<16xf32>
          %add3A_481 = arith.addf %add3A_471, %gather3A_480 : vector<16xf32>
          %lt3A_482 = arith.constant 0 : i32
          %lt3A_483 = vector.broadcast %lt3A_482 : i32 to vector<16xi32>
          %lt3A_484 = arith.cmpi slt, %xor3A_43, %lt3A_483 : vector<16xi32>
          %add3A_485 = arith.constant 16 : i32
          %add3A_486 = vector.broadcast %add3A_485 : i32 to vector<16xi32>
          %add3A_487 = arith.addi %xor3A_43, %add3A_486 : vector<16xi32>
          %select_n3A_488 = arith.select %lt3A_484, %add3A_487, %xor3A_43 : vector<16xi1>, vector<16xi32>
          %broadcast_in_dim3A_489 = vector.shape_cast %select_n3A_488 : vector<16xi32> to vector<16x1xi32>
          %gather3A_490 = vector.shape_cast %broadcast_in_dim3A_489 : vector<16x1xi32> to vector<16xi32>
          %gather3A_491 = tpu.dynamic_gather %add3A_481[%gather3A_490] in [0] : vector<16xf32>, vector<16xi32> -> vector<16xf32>
          %add3A_492 = arith.addf %add3A_481, %gather3A_491 : vector<16xf32>
          %lt3A_493 = arith.constant 0 : i32
          %lt3A_494 = vector.broadcast %lt3A_493 : i32 to vector<16xi32>
          %lt3A_495 = arith.cmpi slt, %xor3A_47, %lt3A_494 : vector<16xi32>
          %add3A_496 = arith.constant 16 : i32
          %add3A_497 = vector.broadcast %add3A_496 : i32 to vector<16xi32>
          %add3A_498 = arith.addi %xor3A_47, %add3A_497 : vector<16xi32>
          %select_n3A_499 = arith.select %lt3A_495, %add3A_498, %xor3A_47 : vector<16xi1>, vector<16xi32>
          %broadcast_in_dim3A_500 = vector.shape_cast %select_n3A_499 : vector<16xi32> to vector<16x1xi32>
          %gather3A_501 = vector.shape_cast %broadcast_in_dim3A_500 : vector<16x1xi32> to vector<16xi32>
          %gather3A_502 = tpu.dynamic_gather %add3A_492[%gather3A_501] in [0] : vector<16xf32>, vector<16xi32> -> vector<16xf32>
          %add3A_503 = arith.addf %add3A_492, %gather3A_502 : vector<16xf32>
          %lt3A_504 = arith.constant 0 : i32
          %lt3A_505 = vector.broadcast %lt3A_504 : i32 to vector<16xi32>
          %lt3A_506 = arith.cmpi slt, %xor3A_51, %lt3A_505 : vector<16xi32>
          %add3A_507 = arith.constant 16 : i32
          %add3A_508 = vector.broadcast %add3A_507 : i32 to vector<16xi32>
          %add3A_509 = arith.addi %xor3A_51, %add3A_508 : vector<16xi32>
          %select_n3A_510 = arith.select %lt3A_506, %add3A_509, %xor3A_51 : vector<16xi1>, vector<16xi32>
          %broadcast_in_dim3A_511 = vector.shape_cast %select_n3A_510 : vector<16xi32> to vector<16x1xi32>
          %gather3A_512 = vector.shape_cast %broadcast_in_dim3A_511 : vector<16x1xi32> to vector<16xi32>
          %gather3A_513 = tpu.dynamic_gather %add3A_503[%gather3A_512] in [0] : vector<16xf32>, vector<16xi32> -> vector<16xf32>
          %add3A_514 = arith.addf %add3A_503, %gather3A_513 : vector<16xf32>
          %exp3A = math.exp %add3A_514 : vector<16xf32>
          %jit3A_515 = arith.constant 0.000000e+00 : f32
          %broadcast_in_dim3A_516 = vector.broadcast %jit3A_515 : f32 to vector<16xf32>
          %select_n3A_517 = arith.select %eq3A_12, %exp3A, %broadcast_in_dim3A_516 : vector<16xi1>, vector<16xf32>
          %add3A_518 = arith.addf %while3A_392, %select_n3A_517 : vector<16xf32>
          %mul3A_519 = arith.mulf %exp3A, %get3A_407 : vector<16xf32>
          %add3A_520 = arith.addf %while3A_393, %mul3A_519 : vector<16xf32>
          %mul3A_521 = arith.mulf %exp3A, %get3A_414 : vector<16xf32>
          %add3A_522 = arith.addf %while3A_394, %mul3A_521 : vector<16xf32>
          %mul3A_523 = arith.mulf %exp3A, %get3A_421 : vector<16xf32>
          %add3A_524 = arith.addf %while3A_395, %mul3A_523 : vector<16xf32>
          %mul3A_525 = arith.mulf %exp3A, %get3A_428 : vector<16xf32>
          %add3A_526 = arith.addf %while3A_396, %mul3A_525 : vector<16xf32>
          %mul3A_527 = arith.mulf %exp3A, %get3A_435 : vector<16xf32>
          %add3A_528 = arith.addf %while3A_397, %mul3A_527 : vector<16xf32>
          %mul3A_529 = arith.mulf %exp3A, %get3A_442 : vector<16xf32>
          %add3A_530 = arith.addf %while3A_398, %mul3A_529 : vector<16xf32>
          %mul3A_531 = arith.mulf %exp3A, %get3A_449 : vector<16xf32>
          %add3A_532 = arith.addf %while3A_399, %mul3A_531 : vector<16xf32>
          %mul3A_533 = arith.mulf %exp3A, %get3A_456 : vector<16xf32>
          %add3A_534 = arith.addf %while3A_400, %mul3A_533 : vector<16xf32>
          scf.yield %add3A_518, %add3A_520, %add3A_522, %add3A_524, %add3A_526, %add3A_528, %add3A_530, %add3A_532, %add3A_534 : vector<16xf32>, vector<16xf32>, vector<16xf32>, vector<16xf32>, vector<16xf32>, vector<16xf32>, vector<16xf32>, vector<16xf32>, vector<16xf32>
        }
        %while3A_284 = arith.constant 1 : i32
        %while3A_285:9 = scf.for %while3A_391 = %while3A_281 to %while3A_277 step %while3A_284 iter_args(%while3A_392 = %while3A_283#0, %while3A_393 = %while3A_283#1, %while3A_394 = %while3A_283#2, %while3A_395 = %while3A_283#3, %while3A_396 = %while3A_283#4, %while3A_397 = %while3A_283#5, %while3A_398 = %while3A_283#6, %while3A_399 = %while3A_283#7, %while3A_400 = %while3A_283#8) -> (vector<16xf32>, vector<16xf32>, vector<16xf32>, vector<16xf32>, vector<16xf32>, vector<16xf32>, vector<16xf32>, vector<16xf32>, vector<16xf32>)  : i32 {
          %mul3A_401 = arith.constant 128 : i32
          %mul3A_402 = arith.muli %while3A_391, %mul3A_401 : i32
          %add3A_403 = arith.constant 0 : i32
          %add3A_404 = arith.addi %mul3A_402, %add3A_403 : i32
          %get3A_405 = arith.index_cast %add3A_404 : i32 to index
          %get3A_406 = tpu.vector_load %arg11[%get3A_405] {strides = array<i32>} : memref<32768xf32, #tpu.memory_space<vmem>>, vector<16xf32>,
          %get3A_407 = vector.shape_cast %get3A_406 : vector<16xf32> to vector<16xf32>
          %mul3A_408 = arith.constant 128 : i32
          %mul3A_409 = arith.muli %while3A_391, %mul3A_408 : i32
          %add3A_410 = arith.constant 16 : i32
          %add3A_411 = arith.addi %mul3A_409, %add3A_410 : i32
          %get3A_412 = arith.index_cast %add3A_411 : i32 to index
          %get3A_413 = tpu.vector_load %arg11[%get3A_412] {strides = array<i32>} : memref<32768xf32, #tpu.memory_space<vmem>>, vector<16xf32>,
          %get3A_414 = vector.shape_cast %get3A_413 : vector<16xf32> to vector<16xf32>
          %mul3A_415 = arith.constant 128 : i32
          %mul3A_416 = arith.muli %while3A_391, %mul3A_415 : i32
          %add3A_417 = arith.constant 32 : i32
          %add3A_418 = arith.addi %mul3A_416, %add3A_417 : i32
          %get3A_419 = arith.index_cast %add3A_418 : i32 to index
          %get3A_420 = tpu.vector_load %arg11[%get3A_419] {strides = array<i32>} : memref<32768xf32, #tpu.memory_space<vmem>>, vector<16xf32>,
          %get3A_421 = vector.shape_cast %get3A_420 : vector<16xf32> to vector<16xf32>
          %mul3A_422 = arith.constant 128 : i32
          %mul3A_423 = arith.muli %while3A_391, %mul3A_422 : i32
          %add3A_424 = arith.constant 48 : i32
          %add3A_425 = arith.addi %mul3A_423, %add3A_424 : i32
          %get3A_426 = arith.index_cast %add3A_425 : i32 to index
          %get3A_427 = tpu.vector_load %arg11[%get3A_426] {strides = array<i32>} : memref<32768xf32, #tpu.memory_space<vmem>>, vector<16xf32>,
          %get3A_428 = vector.shape_cast %get3A_427 : vector<16xf32> to vector<16xf32>
          %mul3A_429 = arith.constant 128 : i32
          %mul3A_430 = arith.muli %while3A_391, %mul3A_429 : i32
          %add3A_431 = arith.constant 64 : i32
          %add3A_432 = arith.addi %mul3A_430, %add3A_431 : i32
          %get3A_433 = arith.index_cast %add3A_432 : i32 to index
          %get3A_434 = tpu.vector_load %arg11[%get3A_433] {strides = array<i32>} : memref<32768xf32, #tpu.memory_space<vmem>>, vector<16xf32>,
          %get3A_435 = vector.shape_cast %get3A_434 : vector<16xf32> to vector<16xf32>
          %mul3A_436 = arith.constant 128 : i32
          %mul3A_437 = arith.muli %while3A_391, %mul3A_436 : i32
          %add3A_438 = arith.constant 80 : i32
          %add3A_439 = arith.addi %mul3A_437, %add3A_438 : i32
          %get3A_440 = arith.index_cast %add3A_439 : i32 to index
          %get3A_441 = tpu.vector_load %arg11[%get3A_440] {strides = array<i32>} : memref<32768xf32, #tpu.memory_space<vmem>>, vector<16xf32>,
          %get3A_442 = vector.shape_cast %get3A_441 : vector<16xf32> to vector<16xf32>
          %mul3A_443 = arith.constant 128 : i32
          %mul3A_444 = arith.muli %while3A_391, %mul3A_443 : i32
          %add3A_445 = arith.constant 96 : i32
          %add3A_446 = arith.addi %mul3A_444, %add3A_445 : i32
          %get3A_447 = arith.index_cast %add3A_446 : i32 to index
          %get3A_448 = tpu.vector_load %arg11[%get3A_447] {strides = array<i32>} : memref<32768xf32, #tpu.memory_space<vmem>>, vector<16xf32>,
          %get3A_449 = vector.shape_cast %get3A_448 : vector<16xf32> to vector<16xf32>
          %mul3A_450 = arith.constant 128 : i32
          %mul3A_451 = arith.muli %while3A_391, %mul3A_450 : i32
          %add3A_452 = arith.constant 112 : i32
          %add3A_453 = arith.addi %mul3A_451, %add3A_452 : i32
          %get3A_454 = arith.index_cast %add3A_453 : i32 to index
          %get3A_455 = tpu.vector_load %arg11[%get3A_454] {strides = array<i32>} : memref<32768xf32, #tpu.memory_space<vmem>>, vector<16xf32>,
          %get3A_456 = vector.shape_cast %get3A_455 : vector<16xf32> to vector<16xf32>
          %mul3A_457 = arith.mulf %get3A_407, %get3A_15 : vector<16xf32>
          %mul3A_458 = arith.mulf %get3A_414, %get3A_18 : vector<16xf32>
          %add3A_459 = arith.addf %mul3A_457, %mul3A_458 : vector<16xf32>
          %mul3A_460 = arith.mulf %get3A_421, %get3A_21 : vector<16xf32>
          %add3A_461 = arith.addf %add3A_459, %mul3A_460 : vector<16xf32>
          %mul3A_462 = arith.mulf %get3A_428, %get3A_24 : vector<16xf32>
          %add3A_463 = arith.addf %add3A_461, %mul3A_462 : vector<16xf32>
          %mul3A_464 = arith.mulf %get3A_435, %get3A_27 : vector<16xf32>
          %add3A_465 = arith.addf %add3A_463, %mul3A_464 : vector<16xf32>
          %mul3A_466 = arith.mulf %get3A_442, %get3A_30 : vector<16xf32>
          %add3A_467 = arith.addf %add3A_465, %mul3A_466 : vector<16xf32>
          %mul3A_468 = arith.mulf %get3A_449, %get3A_33 : vector<16xf32>
          %add3A_469 = arith.addf %add3A_467, %mul3A_468 : vector<16xf32>
          %mul3A_470 = arith.mulf %get3A_456, %get3A_36 : vector<16xf32>
          %add3A_471 = arith.addf %add3A_469, %mul3A_470 : vector<16xf32>
          %lt3A_472 = arith.constant 0 : i32
          %lt3A_473 = vector.broadcast %lt3A_472 : i32 to vector<16xi32>
          %lt3A_474 = arith.cmpi slt, %xor3A_39, %lt3A_473 : vector<16xi32>
          %add3A_475 = arith.constant 16 : i32
          %add3A_476 = vector.broadcast %add3A_475 : i32 to vector<16xi32>
          %add3A_477 = arith.addi %xor3A_39, %add3A_476 : vector<16xi32>
          %select_n3A_478 = arith.select %lt3A_474, %add3A_477, %xor3A_39 : vector<16xi1>, vector<16xi32>
          %broadcast_in_dim3A_479 = vector.shape_cast %select_n3A_478 : vector<16xi32> to vector<16x1xi32>
          %gather3A = vector.shape_cast %broadcast_in_dim3A_479 : vector<16x1xi32> to vector<16xi32>
          %gather3A_480 = tpu.dynamic_gather %add3A_471[%gather3A] in [0] : vector<16xf32>, vector<16xi32> -> vector<16xf32>
          %add3A_481 = arith.addf %add3A_471, %gather3A_480 : vector<16xf32>
          %lt3A_482 = arith.constant 0 : i32
          %lt3A_483 = vector.broadcast %lt3A_482 : i32 to vector<16xi32>
          %lt3A_484 = arith.cmpi slt, %xor3A_43, %lt3A_483 : vector<16xi32>
          %add3A_485 = arith.constant 16 : i32
          %add3A_486 = vector.broadcast %add3A_485 : i32 to vector<16xi32>
          %add3A_487 = arith.addi %xor3A_43, %add3A_486 : vector<16xi32>
          %select_n3A_488 = arith.select %lt3A_484, %add3A_487, %xor3A_43 : vector<16xi1>, vector<16xi32>
          %broadcast_in_dim3A_489 = vector.shape_cast %select_n3A_488 : vector<16xi32> to vector<16x1xi32>
          %gather3A_490 = vector.shape_cast %broadcast_in_dim3A_489 : vector<16x1xi32> to vector<16xi32>
          %gather3A_491 = tpu.dynamic_gather %add3A_481[%gather3A_490] in [0] : vector<16xf32>, vector<16xi32> -> vector<16xf32>
          %add3A_492 = arith.addf %add3A_481, %gather3A_491 : vector<16xf32>
          %lt3A_493 = arith.constant 0 : i32
          %lt3A_494 = vector.broadcast %lt3A_493 : i32 to vector<16xi32>
          %lt3A_495 = arith.cmpi slt, %xor3A_47, %lt3A_494 : vector<16xi32>
          %add3A_496 = arith.constant 16 : i32
          %add3A_497 = vector.broadcast %add3A_496 : i32 to vector<16xi32>
          %add3A_498 = arith.addi %xor3A_47, %add3A_497 : vector<16xi32>
          %select_n3A_499 = arith.select %lt3A_495, %add3A_498, %xor3A_47 : vector<16xi1>, vector<16xi32>
          %broadcast_in_dim3A_500 = vector.shape_cast %select_n3A_499 : vector<16xi32> to vector<16x1xi32>
          %gather3A_501 = vector.shape_cast %broadcast_in_dim3A_500 : vector<16x1xi32> to vector<16xi32>
          %gather3A_502 = tpu.dynamic_gather %add3A_492[%gather3A_501] in [0] : vector<16xf32>, vector<16xi32> -> vector<16xf32>
          %add3A_503 = arith.addf %add3A_492, %gather3A_502 : vector<16xf32>
          %lt3A_504 = arith.constant 0 : i32
          %lt3A_505 = vector.broadcast %lt3A_504 : i32 to vector<16xi32>
          %lt3A_506 = arith.cmpi slt, %xor3A_51, %lt3A_505 : vector<16xi32>
          %add3A_507 = arith.constant 16 : i32
          %add3A_508 = vector.broadcast %add3A_507 : i32 to vector<16xi32>
          %add3A_509 = arith.addi %xor3A_51, %add3A_508 : vector<16xi32>
          %select_n3A_510 = arith.select %lt3A_506, %add3A_509, %xor3A_51 : vector<16xi1>, vector<16xi32>
          %broadcast_in_dim3A_511 = vector.shape_cast %select_n3A_510 : vector<16xi32> to vector<16x1xi32>
          %gather3A_512 = vector.shape_cast %broadcast_in_dim3A_511 : vector<16x1xi32> to vector<16xi32>
          %gather3A_513 = tpu.dynamic_gather %add3A_503[%gather3A_512] in [0] : vector<16xf32>, vector<16xi32> -> vector<16xf32>
          %add3A_514 = arith.addf %add3A_503, %gather3A_513 : vector<16xf32>
          %exp3A = math.exp %add3A_514 : vector<16xf32>
          %jit3A_515 = arith.constant 0.000000e+00 : f32
          %broadcast_in_dim3A_516 = vector.broadcast %jit3A_515 : f32 to vector<16xf32>
          %select_n3A_517 = arith.select %eq3A_12, %exp3A, %broadcast_in_dim3A_516 : vector<16xi1>, vector<16xf32>
          %add3A_518 = arith.addf %while3A_392, %select_n3A_517 : vector<16xf32>
          %mul3A_519 = arith.mulf %exp3A, %get3A_407 : vector<16xf32>
          %add3A_520 = arith.addf %while3A_393, %mul3A_519 : vector<16xf32>
          %mul3A_521 = arith.mulf %exp3A, %get3A_414 : vector<16xf32>
          %add3A_522 = arith.addf %while3A_394, %mul3A_521 : vector<16xf32>
          %mul3A_523 = arith.mulf %exp3A, %get3A_421 : vector<16xf32>
          %add3A_524 = arith.addf %while3A_395, %mul3A_523 : vector<16xf32>
          %mul3A_525 = arith.mulf %exp3A, %get3A_428 : vector<16xf32>
          %add3A_526 = arith.addf %while3A_396, %mul3A_525 : vector<16xf32>
          %mul3A_527 = arith.mulf %exp3A, %get3A_435 : vector<16xf32>
          %add3A_528 = arith.addf %while3A_397, %mul3A_527 : vector<16xf32>
          %mul3A_529 = arith.mulf %exp3A, %get3A_442 : vector<16xf32>
          %add3A_530 = arith.addf %while3A_398, %mul3A_529 : vector<16xf32>
          %mul3A_531 = arith.mulf %exp3A, %get3A_449 : vector<16xf32>
          %add3A_532 = arith.addf %while3A_399, %mul3A_531 : vector<16xf32>
          %mul3A_533 = arith.mulf %exp3A, %get3A_456 : vector<16xf32>
          %add3A_534 = arith.addf %while3A_400, %mul3A_533 : vector<16xf32>
          scf.yield %add3A_518, %add3A_520, %add3A_522, %add3A_524, %add3A_526, %add3A_528, %add3A_530, %add3A_532, %add3A_534 : vector<16xf32>, vector<16xf32>, vector<16xf32>, vector<16xf32>, vector<16xf32>, vector<16xf32>, vector<16xf32>, vector<16xf32>, vector<16xf32>
        }
        %mul3A_286 = arith.constant 128 : i32
        %mul3A_287 = arith.muli %while3A_258, %mul3A_286 : i32
        %add3A_288 = arith.constant 0 : i32
        %add3A_289 = arith.addi %mul3A_287, %add3A_288 : i32
        %get3A_290 = arith.index_cast %add3A_289 : i32 to index
        %get3A_291 = tpu.vector_load %arg7[%get3A_290] {strides = array<i32>} : memref<40960xf32, #tpu.memory_space<vmem>>, vector<16xf32>,
        %get3A_292 = vector.shape_cast %get3A_291 : vector<16xf32> to vector<16xf32>
        %add3A_293 = arith.addf %get3A_292, %while3A_285#1 : vector<16xf32>
        %add3A_294 = arith.constant 0 : i32
        %add3A_295 = arith.addi %mul3A_287, %add3A_294 : i32
        %swap3A = arith.index_cast %add3A_295 : i32 to index
        %swap3A_296 = tpu.vector_load %arg7[%swap3A] {strides = array<i32>} : memref<40960xf32, #tpu.memory_space<vmem>>, vector<16xf32>,
        %swap3A_297 = vector.shape_cast %swap3A_296 : vector<16xf32> to vector<16xf32>
        %swap3A_298 = vector.shape_cast %add3A_293 : vector<16xf32> to vector<16xf32>
        tpu.vector_store %arg7[%swap3A], %swap3A_298 {strides = array<i32>} : memref<40960xf32, #tpu.memory_space<vmem>>, vector<16xf32>,
        %add3A_299 = arith.constant 16 : i32
        %add3A_300 = arith.addi %mul3A_287, %add3A_299 : i32
        %get3A_301 = arith.index_cast %add3A_300 : i32 to index
        %get3A_302 = tpu.vector_load %arg7[%get3A_301] {strides = array<i32>} : memref<40960xf32, #tpu.memory_space<vmem>>, vector<16xf32>,
        %get3A_303 = vector.shape_cast %get3A_302 : vector<16xf32> to vector<16xf32>
        %add3A_304 = arith.addf %get3A_303, %while3A_285#2 : vector<16xf32>
        %add3A_305 = arith.constant 16 : i32
        %add3A_306 = arith.addi %mul3A_287, %add3A_305 : i32
        %swap3A_307 = arith.index_cast %add3A_306 : i32 to index
        %swap3A_308 = tpu.vector_load %arg7[%swap3A_307] {strides = array<i32>} : memref<40960xf32, #tpu.memory_space<vmem>>, vector<16xf32>,
        %swap3A_309 = vector.shape_cast %swap3A_308 : vector<16xf32> to vector<16xf32>
        %swap3A_310 = vector.shape_cast %add3A_304 : vector<16xf32> to vector<16xf32>
        tpu.vector_store %arg7[%swap3A_307], %swap3A_310 {strides = array<i32>} : memref<40960xf32, #tpu.memory_space<vmem>>, vector<16xf32>,
        %add3A_311 = arith.constant 32 : i32
        %add3A_312 = arith.addi %mul3A_287, %add3A_311 : i32
        %get3A_313 = arith.index_cast %add3A_312 : i32 to index
        %get3A_314 = tpu.vector_load %arg7[%get3A_313] {strides = array<i32>} : memref<40960xf32, #tpu.memory_space<vmem>>, vector<16xf32>,
        %get3A_315 = vector.shape_cast %get3A_314 : vector<16xf32> to vector<16xf32>
        %add3A_316 = arith.addf %get3A_315, %while3A_285#3 : vector<16xf32>
        %add3A_317 = arith.constant 32 : i32
        %add3A_318 = arith.addi %mul3A_287, %add3A_317 : i32
        %swap3A_319 = arith.index_cast %add3A_318 : i32 to index
        %swap3A_320 = tpu.vector_load %arg7[%swap3A_319] {strides = array<i32>} : memref<40960xf32, #tpu.memory_space<vmem>>, vector<16xf32>,
        %swap3A_321 = vector.shape_cast %swap3A_320 : vector<16xf32> to vector<16xf32>
        %swap3A_322 = vector.shape_cast %add3A_316 : vector<16xf32> to vector<16xf32>
        tpu.vector_store %arg7[%swap3A_319], %swap3A_322 {strides = array<i32>} : memref<40960xf32, #tpu.memory_space<vmem>>, vector<16xf32>,
        %add3A_323 = arith.constant 48 : i32
        %add3A_324 = arith.addi %mul3A_287, %add3A_323 : i32
        %get3A_325 = arith.index_cast %add3A_324 : i32 to index
        %get3A_326 = tpu.vector_load %arg7[%get3A_325] {strides = array<i32>} : memref<40960xf32, #tpu.memory_space<vmem>>, vector<16xf32>,
        %get3A_327 = vector.shape_cast %get3A_326 : vector<16xf32> to vector<16xf32>
        %add3A_328 = arith.addf %get3A_327, %while3A_285#4 : vector<16xf32>
        %add3A_329 = arith.constant 48 : i32
        %add3A_330 = arith.addi %mul3A_287, %add3A_329 : i32
        %swap3A_331 = arith.index_cast %add3A_330 : i32 to index
        %swap3A_332 = tpu.vector_load %arg7[%swap3A_331] {strides = array<i32>} : memref<40960xf32, #tpu.memory_space<vmem>>, vector<16xf32>,
        %swap3A_333 = vector.shape_cast %swap3A_332 : vector<16xf32> to vector<16xf32>
        %swap3A_334 = vector.shape_cast %add3A_328 : vector<16xf32> to vector<16xf32>
        tpu.vector_store %arg7[%swap3A_331], %swap3A_334 {strides = array<i32>} : memref<40960xf32, #tpu.memory_space<vmem>>, vector<16xf32>,
        %add3A_335 = arith.constant 64 : i32
        %add3A_336 = arith.addi %mul3A_287, %add3A_335 : i32
        %get3A_337 = arith.index_cast %add3A_336 : i32 to index
        %get3A_338 = tpu.vector_load %arg7[%get3A_337] {strides = array<i32>} : memref<40960xf32, #tpu.memory_space<vmem>>, vector<16xf32>,
        %get3A_339 = vector.shape_cast %get3A_338 : vector<16xf32> to vector<16xf32>
        %add3A_340 = arith.addf %get3A_339, %while3A_285#5 : vector<16xf32>
        %add3A_341 = arith.constant 64 : i32
        %add3A_342 = arith.addi %mul3A_287, %add3A_341 : i32
        %swap3A_343 = arith.index_cast %add3A_342 : i32 to index
        %swap3A_344 = tpu.vector_load %arg7[%swap3A_343] {strides = array<i32>} : memref<40960xf32, #tpu.memory_space<vmem>>, vector<16xf32>,
        %swap3A_345 = vector.shape_cast %swap3A_344 : vector<16xf32> to vector<16xf32>
        %swap3A_346 = vector.shape_cast %add3A_340 : vector<16xf32> to vector<16xf32>
        tpu.vector_store %arg7[%swap3A_343], %swap3A_346 {strides = array<i32>} : memref<40960xf32, #tpu.memory_space<vmem>>, vector<16xf32>,
        %add3A_347 = arith.constant 80 : i32
        %add3A_348 = arith.addi %mul3A_287, %add3A_347 : i32
        %get3A_349 = arith.index_cast %add3A_348 : i32 to index
        %get3A_350 = tpu.vector_load %arg7[%get3A_349] {strides = array<i32>} : memref<40960xf32, #tpu.memory_space<vmem>>, vector<16xf32>,
        %get3A_351 = vector.shape_cast %get3A_350 : vector<16xf32> to vector<16xf32>
        %add3A_352 = arith.addf %get3A_351, %while3A_285#6 : vector<16xf32>
        %add3A_353 = arith.constant 80 : i32
        %add3A_354 = arith.addi %mul3A_287, %add3A_353 : i32
        %swap3A_355 = arith.index_cast %add3A_354 : i32 to index
        %swap3A_356 = tpu.vector_load %arg7[%swap3A_355] {strides = array<i32>} : memref<40960xf32, #tpu.memory_space<vmem>>, vector<16xf32>,
        %swap3A_357 = vector.shape_cast %swap3A_356 : vector<16xf32> to vector<16xf32>
        %swap3A_358 = vector.shape_cast %add3A_352 : vector<16xf32> to vector<16xf32>
        tpu.vector_store %arg7[%swap3A_355], %swap3A_358 {strides = array<i32>} : memref<40960xf32, #tpu.memory_space<vmem>>, vector<16xf32>,
        %add3A_359 = arith.constant 96 : i32
        %add3A_360 = arith.addi %mul3A_287, %add3A_359 : i32
        %get3A_361 = arith.index_cast %add3A_360 : i32 to index
        %get3A_362 = tpu.vector_load %arg7[%get3A_361] {strides = array<i32>} : memref<40960xf32, #tpu.memory_space<vmem>>, vector<16xf32>,
        %get3A_363 = vector.shape_cast %get3A_362 : vector<16xf32> to vector<16xf32>
        %add3A_364 = arith.addf %get3A_363, %while3A_285#7 : vector<16xf32>
        %add3A_365 = arith.constant 96 : i32
        %add3A_366 = arith.addi %mul3A_287, %add3A_365 : i32
        %swap3A_367 = arith.index_cast %add3A_366 : i32 to index
        %swap3A_368 = tpu.vector_load %arg7[%swap3A_367] {strides = array<i32>} : memref<40960xf32, #tpu.memory_space<vmem>>, vector<16xf32>,
        %swap3A_369 = vector.shape_cast %swap3A_368 : vector<16xf32> to vector<16xf32>
        %swap3A_370 = vector.shape_cast %add3A_364 : vector<16xf32> to vector<16xf32>
        tpu.vector_store %arg7[%swap3A_367], %swap3A_370 {strides = array<i32>} : memref<40960xf32, #tpu.memory_space<vmem>>, vector<16xf32>,
        %add3A_371 = arith.constant 112 : i32
        %add3A_372 = arith.addi %mul3A_287, %add3A_371 : i32
        %get3A_373 = arith.index_cast %add3A_372 : i32 to index
        %get3A_374 = tpu.vector_load %arg7[%get3A_373] {strides = array<i32>} : memref<40960xf32, #tpu.memory_space<vmem>>, vector<16xf32>,
        %get3A_375 = vector.shape_cast %get3A_374 : vector<16xf32> to vector<16xf32>
        %add3A_376 = arith.addf %get3A_375, %while3A_285#8 : vector<16xf32>
        %add3A_377 = arith.constant 112 : i32
        %add3A_378 = arith.addi %mul3A_287, %add3A_377 : i32
        %swap3A_379 = arith.index_cast %add3A_378 : i32 to index
        %swap3A_380 = tpu.vector_load %arg7[%swap3A_379] {strides = array<i32>} : memref<40960xf32, #tpu.memory_space<vmem>>, vector<16xf32>,
        %swap3A_381 = vector.shape_cast %swap3A_380 : vector<16xf32> to vector<16xf32>
        %swap3A_382 = vector.shape_cast %add3A_376 : vector<16xf32> to vector<16xf32>
        tpu.vector_store %arg7[%swap3A_379], %swap3A_382 {strides = array<i32>} : memref<40960xf32, #tpu.memory_space<vmem>>, vector<16xf32>,
        %get3A_383 = arith.index_cast %while3A_258 : i32 to index
        %get3A_384 = tpu.vector_load %arg8[%get3A_383] {strides = array<i32>} : memref<336xf32, #tpu.memory_space<vmem>>, vector<16xf32>,
        %get3A_385 = vector.shape_cast %get3A_384 : vector<16xf32> to vector<16xf32>
        %add3A_386 = arith.addf %get3A_385, %while3A_285#0 : vector<16xf32>
        %swap3A_387 = arith.index_cast %while3A_258 : i32 to index
        %swap3A_388 = tpu.vector_load %arg8[%swap3A_387] {strides = array<i32>} : memref<336xf32, #tpu.memory_space<vmem>>, vector<16xf32>,
        %swap3A_389 = vector.shape_cast %swap3A_388 : vector<16xf32> to vector<16xf32>
        %swap3A_390 = vector.shape_cast %add3A_386 : vector<16xf32> to vector<16xf32>
        tpu.vector_store %arg8[%swap3A_387], %swap3A_390 {strides = array<i32>} : memref<336xf32, #tpu.memory_space<vmem>>, vector<16xf32>,
      }
      %max3A_202 = arith.maxsi %while3A_149, %sub3A_189 : i32
      %mul3A_203 = arith.constant 2 : i32
      %mul3A_204 = arith.muli %while3A_148, %mul3A_203 : i32
      %add3A_205 = arith.addi %select_n3A, %mul3A_204 : i32
      %add3A_206 = arith.constant 1 : i32
      %add3A_207 = arith.addi %add3A_205, %add3A_206 : i32
      %lt3A_208 = arith.cmpi slt, %add3A_207, %select_n3A_95 : i32
      %convert_element_type3A_209 = arith.extui %lt3A_208 : i1 to i32
      %cond3A_210 = arith.constant 0 : i32
      %cond3A_211 = arith.cmpi ne, %convert_element_type3A_209, %cond3A_210 : i32
      scf.if %cond3A_211 {
        %mul3A_258 = arith.constant 256 : i32
        %mul3A_259 = arith.muli %add3A_207, %mul3A_258 : i32
        %mul3A_260 = arith.constant 128 : i32
        %mul3A_261 = arith.muli %mul3A_259, %mul3A_260 : i32
        %dma_wait3A = tpu.memref_slice %arg2[%mul3A_261] : memref<40960000xf32, #tpu.memory_space<hbm>> -> memref<32768xf32, #tpu.memory_space<hbm>>
        %dma_wait3A_262 = tpu.memref_slice %arg2[%mul3A_261] : memref<40960000xf32, #tpu.memory_space<hbm>> -> memref<32768xf32, #tpu.memory_space<hbm>>
        tpu.wait_dma2 semaphore(%arg14 : memref<!tpu.dma_semaphore, #tpu.memory_space<semaphore_mem>>) src(%dma_wait3A_262 : memref<32768xf32, #tpu.memory_space<hbm>>) dst(%arg12 : memref<32768xf32, #tpu.memory_space<vmem>>)
      } else {
      }
      %add3A_212 = arith.constant 1 : i32
      %add3A_213 = arith.addi %add3A_207, %add3A_212 : i32
      %lt3A_214 = arith.cmpi slt, %add3A_213, %select_n3A_95 : i32
      %convert_element_type3A_215 = arith.extui %lt3A_214 : i1 to i32
      %cond3A_216 = arith.constant 0 : i32
      %cond3A_217 = arith.cmpi ne, %convert_element_type3A_215, %cond3A_216 : i32
      scf.if %cond3A_217 {
        %add3A_258 = arith.constant 1 : i32
        %add3A_259 = arith.addi %add3A_207, %add3A_258 : i32
        %mul3A_260 = arith.constant 256 : i32
        %mul3A_261 = arith.muli %add3A_259, %mul3A_260 : i32
        %mul3A_262 = arith.constant 128 : i32
        %mul3A_263 = arith.muli %mul3A_261, %mul3A_262 : i32
        %dma_start3A = tpu.memref_slice %arg2[%mul3A_263] : memref<40960000xf32, #tpu.memory_space<hbm>> -> memref<32768xf32, #tpu.memory_space<hbm>>
        %dma_start3A_264 = tpu.memref_slice %arg2[%mul3A_263] : memref<40960000xf32, #tpu.memory_space<hbm>> -> memref<32768xf32, #tpu.memory_space<hbm>>
        tpu.enqueue_dma source(%dma_start3A_264 : memref<32768xf32, #tpu.memory_space<hbm>>) target(%arg11 : memref<32768xf32, #tpu.memory_space<vmem>>) target_semaphore(%arg13 : memref<!tpu.dma_semaphore, #tpu.memory_space<semaphore_mem>>)
      } else {
      }
      %mul3A_218 = arith.constant 256 : i32
      %mul3A_219 = arith.muli %add3A_207, %mul3A_218 : i32
      %jit3A_220 = arith.constant 0 : i32
      %select_n3A_221 = arith.select %lt3A_208, %mul3A_219, %jit3A_220 : i32
      %sub3A_222 = arith.subi %squeeze3A, %select_n3A_221 : i32
      %max3A_223 = arith.constant 0 : i32
      %max3A_224 = arith.maxsi %sub3A_222, %max3A_223 : i32
      %jit3A_225 = arith.constant 0 : i32
      %select_n3A_226 = arith.select %lt3A_208, %max3A_224, %jit3A_225 : i32
      %sub3A_227 = arith.subi %squeeze3A_9, %select_n3A_221 : i32
      %min3A_228 = arith.constant 256 : i32
      %min3A_229 = arith.minsi %sub3A_227, %min3A_228 : i32
      %jit3A_230 = arith.constant 0 : i32
      %select_n3A_231 = arith.select %lt3A_208, %min3A_229, %jit3A_230 : i32
      %add3A_232 = arith.addi %select_n3A_221, %select_n3A_231 : i32
      %sub3A_233 = arith.constant 1 : i32
      %sub3A_234 = arith.subi %add3A_232, %sub3A_233 : i32
      %scan3A_235 = arith.constant 0 : i32
      %scan3A_236 = arith.constant 321 : i32
      %scan3A_237 = arith.constant 0 : i32
      %scan3A_238 = arith.constant 9 : i32
      %scan3A_239 = arith.addi %scan3A_237, %scan3A_238 : i32
      %scan3A_240 = arith.constant 1 : i32
      %scan3A_241:2 = scf.for %scan3A_258 = %scan3A_237 to %scan3A_239 step %scan3A_240 iter_args(%scan3A_259 = %scan3A_235, %scan3A_260 = %scan3A_236) -> (i32, i32)  : i32 {
        %add3A_261 = arith.addi %scan3A_259, %scan3A_260 : i32
        %jit3A_262 = arith.constant 2 : i32
        %div3A_263 = arith.divsi %add3A_261, %jit3A_262 : i32
        %sign3A_264 = arith.constant 0 : i32
        %sign3A_265 = arith.cmpi sgt, %add3A_261, %sign3A_264 : i32
        %sign3A_266 = arith.extui %sign3A_265 : i1 to i32
        %sign3A_267 = arith.constant 0 : i32
        %sign3A_268 = arith.cmpi slt, %add3A_261, %sign3A_267 : i32
        %sign3A_269 = arith.extui %sign3A_268 : i1 to i32
        %sign3A_270 = arith.subi %sign3A_266, %sign3A_269 : i32
        %sign3A_271 = arith.constant 0 : i32
        %sign3A_272 = arith.cmpi sgt, %jit3A_262, %sign3A_271 : i32
        %sign3A_273 = arith.extui %sign3A_272 : i1 to i32
        %sign3A_274 = arith.constant 0 : i32
        %sign3A_275 = arith.cmpi slt, %jit3A_262, %sign3A_274 : i32
        %sign3A_276 = arith.extui %sign3A_275 : i1 to i32
        %sign3A_277 = arith.subi %sign3A_273, %sign3A_276 : i32
        %ne3A_278 = arith.cmpi ne, %sign3A_270, %sign3A_277 : i32
        %rem3A_279 = arith.remsi %add3A_261, %jit3A_262 : i32
        %ne3A_280 = arith.constant 0 : i32
        %ne3A_281 = arith.cmpi ne, %rem3A_279, %ne3A_280 : i32
        %and3A_282 = arith.andi %ne3A_278, %ne3A_281 : i1
        %sub3A_283 = arith.constant 1 : i32
        %sub3A_284 = arith.subi %div3A_263, %sub3A_283 : i32
        %select_n3A_285 = arith.select %and3A_282, %sub3A_284, %div3A_263 : i32
        %get3A_286 = arith.index_cast %select_n3A_285 : i32 to index
        %get3A_287 = tpu.vector_load %arg9[%get3A_286] {strides = array<i32>} : memref<352xi32, #tpu.memory_space<vmem>>, vector<16xi32>,
        %get3A_288 = vector.shape_cast %get3A_287 : vector<16xi32> to vector<16xi32>
        %slice3A_289 = vector.extract_strided_slice %get3A_288 {offsets = [0], sizes = [1], strides = [1]} : vector<16xi32> to vector<1xi32>
        %squeeze3A_290 = vector.extract %slice3A_289[0] : i32 from vector<1xi32>
        %lt3A_291 = arith.cmpi slt, %scan3A_259, %scan3A_260 : i32
        %le3A = arith.cmpi sle, %squeeze3A_290, %sub3A_234 : i32
        %and3A_292 = arith.andi %lt3A_291, %le3A : i1
        %add3A_293 = arith.constant 1 : i32
        %add3A_294 = arith.addi %select_n3A_285, %add3A_293 : i32
        %select_n3A_295 = arith.select %and3A_292, %add3A_294, %scan3A_259 : i32
        %gt3A = arith.cmpi sgt, %squeeze3A_290, %sub3A_234 : i32
        %and3A_296 = arith.andi %lt3A_291, %gt3A : i1
        %select_n3A_297 = arith.select %and3A_296, %select_n3A_285, %scan3A_260 : i32
        scf.yield %select_n3A_295, %select_n3A_297 : i32, i32
      }
      %scan3A_242 = arith.constant 9 : i32
      %sub3A_243 = arith.constant 1 : i32
      %sub3A_244 = arith.subi %scan3A_241#0, %sub3A_243 : i32
      %add3A_245 = arith.constant 1 : i32
      %add3A_246 = arith.addi %sub3A_244, %add3A_245 : i32
      %max3A_247 = arith.maxsi %max3A_202, %add3A_246 : i32
      %while3A_248 = arith.constant 0 : i32
      %while3A_249 = arith.subi %max3A_247, %max3A_202 : i32
      %while3A_250 = arith.addi %max3A_202, %while3A_249 : i32
      %while3A_251 = arith.constant 1 : i32
      %while3A_252 = arith.divsi %while3A_249, %while3A_251 : i32
      %while3A_253 = arith.muli %while3A_252, %while3A_251 : i32
      %while3A_254 = arith.addi %max3A_202, %while3A_253 : i32
      %while3A_255 = arith.constant 1 : i32
      scf.for %while3A_258 = %max3A_202 to %while3A_254 step %while3A_255  : i32 {
        %get3A_259 = arith.index_cast %while3A_258 : i32 to index
        %get3A_260 = tpu.vector_load %arg9[%get3A_259] {strides = array<i32>} : memref<352xi32, #tpu.memory_space<vmem>>, vector<16xi32>,
        %get3A_261 = vector.shape_cast %get3A_260 : vector<16xi32> to vector<16xi32>
        %slice3A_262 = vector.extract_strided_slice %get3A_261 {offsets = [0], sizes = [1], strides = [1]} : vector<16xi32> to vector<1xi32>
        %squeeze3A_263 = vector.extract %slice3A_262[0] : i32 from vector<1xi32>
        %add3A_264 = arith.constant 1 : i32
        %add3A_265 = arith.addi %while3A_258, %add3A_264 : i32
        %get3A_266 = arith.index_cast %add3A_265 : i32 to index
        %get3A_267 = tpu.vector_load %arg9[%get3A_266] {strides = array<i32>} : memref<352xi32, #tpu.memory_space<vmem>>, vector<16xi32>,
        %get3A_268 = vector.shape_cast %get3A_267 : vector<16xi32> to vector<16xi32>
        %slice3A_269 = vector.extract_strided_slice %get3A_268 {offsets = [0], sizes = [1], strides = [1]} : vector<16xi32> to vector<1xi32>
        %squeeze3A_270 = vector.extract %slice3A_269[0] : i32 from vector<1xi32>
        %sub3A_271 = arith.subi %squeeze3A_263, %select_n3A_221 : i32
        %max3A_272 = arith.maxsi %sub3A_271, %select_n3A_226 : i32
        %sub3A_273 = arith.subi %squeeze3A_270, %select_n3A_221 : i32
        %min3A_274 = arith.minsi %sub3A_273, %select_n3A_231 : i32
        %max3A_275 = arith.maxsi %max3A_272, %min3A_274 : i32
        %while3A_276 = arith.subi %max3A_275, %max3A_272 : i32
        %while3A_277 = arith.addi %max3A_272, %while3A_276 : i32
        %while3A_278 = arith.constant 1 : i32
        %while3A_279 = arith.divsi %while3A_276, %while3A_278 : i32
        %while3A_280 = arith.muli %while3A_279, %while3A_278 : i32
        %while3A_281 = arith.addi %max3A_272, %while3A_280 : i32
        %while3A_282 = arith.constant 1 : i32
        %while3A_283:9 = scf.for %while3A_391 = %max3A_272 to %while3A_281 step %while3A_282 iter_args(%while3A_392 = %broadcast_in_dim3A_10, %while3A_393 = %broadcast_in_dim3A_10, %while3A_394 = %broadcast_in_dim3A_10, %while3A_395 = %broadcast_in_dim3A_10, %while3A_396 = %broadcast_in_dim3A_10, %while3A_397 = %broadcast_in_dim3A_10, %while3A_398 = %broadcast_in_dim3A_10, %while3A_399 = %broadcast_in_dim3A_10, %while3A_400 = %broadcast_in_dim3A_10) -> (vector<16xf32>, vector<16xf32>, vector<16xf32>, vector<16xf32>, vector<16xf32>, vector<16xf32>, vector<16xf32>, vector<16xf32>, vector<16xf32>)  : i32 {
          %mul3A_401 = arith.constant 128 : i32
          %mul3A_402 = arith.muli %while3A_391, %mul3A_401 : i32
          %add3A_403 = arith.constant 0 : i32
          %add3A_404 = arith.addi %mul3A_402, %add3A_403 : i32
          %get3A_405 = arith.index_cast %add3A_404 : i32 to index
          %get3A_406 = tpu.vector_load %arg12[%get3A_405] {strides = array<i32>} : memref<32768xf32, #tpu.memory_space<vmem>>, vector<16xf32>,
          %get3A_407 = vector.shape_cast %get3A_406 : vector<16xf32> to vector<16xf32>
          %mul3A_408 = arith.constant 128 : i32
          %mul3A_409 = arith.muli %while3A_391, %mul3A_408 : i32
          %add3A_410 = arith.constant 16 : i32
          %add3A_411 = arith.addi %mul3A_409, %add3A_410 : i32
          %get3A_412 = arith.index_cast %add3A_411 : i32 to index
          %get3A_413 = tpu.vector_load %arg12[%get3A_412] {strides = array<i32>} : memref<32768xf32, #tpu.memory_space<vmem>>, vector<16xf32>,
          %get3A_414 = vector.shape_cast %get3A_413 : vector<16xf32> to vector<16xf32>
          %mul3A_415 = arith.constant 128 : i32
          %mul3A_416 = arith.muli %while3A_391, %mul3A_415 : i32
          %add3A_417 = arith.constant 32 : i32
          %add3A_418 = arith.addi %mul3A_416, %add3A_417 : i32
          %get3A_419 = arith.index_cast %add3A_418 : i32 to index
          %get3A_420 = tpu.vector_load %arg12[%get3A_419] {strides = array<i32>} : memref<32768xf32, #tpu.memory_space<vmem>>, vector<16xf32>,
          %get3A_421 = vector.shape_cast %get3A_420 : vector<16xf32> to vector<16xf32>
          %mul3A_422 = arith.constant 128 : i32
          %mul3A_423 = arith.muli %while3A_391, %mul3A_422 : i32
          %add3A_424 = arith.constant 48 : i32
          %add3A_425 = arith.addi %mul3A_423, %add3A_424 : i32
          %get3A_426 = arith.index_cast %add3A_425 : i32 to index
          %get3A_427 = tpu.vector_load %arg12[%get3A_426] {strides = array<i32>} : memref<32768xf32, #tpu.memory_space<vmem>>, vector<16xf32>,
          %get3A_428 = vector.shape_cast %get3A_427 : vector<16xf32> to vector<16xf32>
          %mul3A_429 = arith.constant 128 : i32
          %mul3A_430 = arith.muli %while3A_391, %mul3A_429 : i32
          %add3A_431 = arith.constant 64 : i32
          %add3A_432 = arith.addi %mul3A_430, %add3A_431 : i32
          %get3A_433 = arith.index_cast %add3A_432 : i32 to index
          %get3A_434 = tpu.vector_load %arg12[%get3A_433] {strides = array<i32>} : memref<32768xf32, #tpu.memory_space<vmem>>, vector<16xf32>,
          %get3A_435 = vector.shape_cast %get3A_434 : vector<16xf32> to vector<16xf32>
          %mul3A_436 = arith.constant 128 : i32
          %mul3A_437 = arith.muli %while3A_391, %mul3A_436 : i32
          %add3A_438 = arith.constant 80 : i32
          %add3A_439 = arith.addi %mul3A_437, %add3A_438 : i32
          %get3A_440 = arith.index_cast %add3A_439 : i32 to index
          %get3A_441 = tpu.vector_load %arg12[%get3A_440] {strides = array<i32>} : memref<32768xf32, #tpu.memory_space<vmem>>, vector<16xf32>,
          %get3A_442 = vector.shape_cast %get3A_441 : vector<16xf32> to vector<16xf32>
          %mul3A_443 = arith.constant 128 : i32
          %mul3A_444 = arith.muli %while3A_391, %mul3A_443 : i32
          %add3A_445 = arith.constant 96 : i32
          %add3A_446 = arith.addi %mul3A_444, %add3A_445 : i32
          %get3A_447 = arith.index_cast %add3A_446 : i32 to index
          %get3A_448 = tpu.vector_load %arg12[%get3A_447] {strides = array<i32>} : memref<32768xf32, #tpu.memory_space<vmem>>, vector<16xf32>,
          %get3A_449 = vector.shape_cast %get3A_448 : vector<16xf32> to vector<16xf32>
          %mul3A_450 = arith.constant 128 : i32
          %mul3A_451 = arith.muli %while3A_391, %mul3A_450 : i32
          %add3A_452 = arith.constant 112 : i32
          %add3A_453 = arith.addi %mul3A_451, %add3A_452 : i32
          %get3A_454 = arith.index_cast %add3A_453 : i32 to index
          %get3A_455 = tpu.vector_load %arg12[%get3A_454] {strides = array<i32>} : memref<32768xf32, #tpu.memory_space<vmem>>, vector<16xf32>,
          %get3A_456 = vector.shape_cast %get3A_455 : vector<16xf32> to vector<16xf32>
          %mul3A_457 = arith.mulf %get3A_407, %get3A_15 : vector<16xf32>
          %mul3A_458 = arith.mulf %get3A_414, %get3A_18 : vector<16xf32>
          %add3A_459 = arith.addf %mul3A_457, %mul3A_458 : vector<16xf32>
          %mul3A_460 = arith.mulf %get3A_421, %get3A_21 : vector<16xf32>
          %add3A_461 = arith.addf %add3A_459, %mul3A_460 : vector<16xf32>
          %mul3A_462 = arith.mulf %get3A_428, %get3A_24 : vector<16xf32>
          %add3A_463 = arith.addf %add3A_461, %mul3A_462 : vector<16xf32>
          %mul3A_464 = arith.mulf %get3A_435, %get3A_27 : vector<16xf32>
          %add3A_465 = arith.addf %add3A_463, %mul3A_464 : vector<16xf32>
          %mul3A_466 = arith.mulf %get3A_442, %get3A_30 : vector<16xf32>
          %add3A_467 = arith.addf %add3A_465, %mul3A_466 : vector<16xf32>
          %mul3A_468 = arith.mulf %get3A_449, %get3A_33 : vector<16xf32>
          %add3A_469 = arith.addf %add3A_467, %mul3A_468 : vector<16xf32>
          %mul3A_470 = arith.mulf %get3A_456, %get3A_36 : vector<16xf32>
          %add3A_471 = arith.addf %add3A_469, %mul3A_470 : vector<16xf32>
          %lt3A_472 = arith.constant 0 : i32
          %lt3A_473 = vector.broadcast %lt3A_472 : i32 to vector<16xi32>
          %lt3A_474 = arith.cmpi slt, %xor3A_39, %lt3A_473 : vector<16xi32>
          %add3A_475 = arith.constant 16 : i32
          %add3A_476 = vector.broadcast %add3A_475 : i32 to vector<16xi32>
          %add3A_477 = arith.addi %xor3A_39, %add3A_476 : vector<16xi32>
          %select_n3A_478 = arith.select %lt3A_474, %add3A_477, %xor3A_39 : vector<16xi1>, vector<16xi32>
          %broadcast_in_dim3A_479 = vector.shape_cast %select_n3A_478 : vector<16xi32> to vector<16x1xi32>
          %gather3A = vector.shape_cast %broadcast_in_dim3A_479 : vector<16x1xi32> to vector<16xi32>
          %gather3A_480 = tpu.dynamic_gather %add3A_471[%gather3A] in [0] : vector<16xf32>, vector<16xi32> -> vector<16xf32>
          %add3A_481 = arith.addf %add3A_471, %gather3A_480 : vector<16xf32>
          %lt3A_482 = arith.constant 0 : i32
          %lt3A_483 = vector.broadcast %lt3A_482 : i32 to vector<16xi32>
          %lt3A_484 = arith.cmpi slt, %xor3A_43, %lt3A_483 : vector<16xi32>
          %add3A_485 = arith.constant 16 : i32
          %add3A_486 = vector.broadcast %add3A_485 : i32 to vector<16xi32>
          %add3A_487 = arith.addi %xor3A_43, %add3A_486 : vector<16xi32>
          %select_n3A_488 = arith.select %lt3A_484, %add3A_487, %xor3A_43 : vector<16xi1>, vector<16xi32>
          %broadcast_in_dim3A_489 = vector.shape_cast %select_n3A_488 : vector<16xi32> to vector<16x1xi32>
          %gather3A_490 = vector.shape_cast %broadcast_in_dim3A_489 : vector<16x1xi32> to vector<16xi32>
          %gather3A_491 = tpu.dynamic_gather %add3A_481[%gather3A_490] in [0] : vector<16xf32>, vector<16xi32> -> vector<16xf32>
          %add3A_492 = arith.addf %add3A_481, %gather3A_491 : vector<16xf32>
          %lt3A_493 = arith.constant 0 : i32
          %lt3A_494 = vector.broadcast %lt3A_493 : i32 to vector<16xi32>
          %lt3A_495 = arith.cmpi slt, %xor3A_47, %lt3A_494 : vector<16xi32>
          %add3A_496 = arith.constant 16 : i32
          %add3A_497 = vector.broadcast %add3A_496 : i32 to vector<16xi32>
          %add3A_498 = arith.addi %xor3A_47, %add3A_497 : vector<16xi32>
          %select_n3A_499 = arith.select %lt3A_495, %add3A_498, %xor3A_47 : vector<16xi1>, vector<16xi32>
          %broadcast_in_dim3A_500 = vector.shape_cast %select_n3A_499 : vector<16xi32> to vector<16x1xi32>
          %gather3A_501 = vector.shape_cast %broadcast_in_dim3A_500 : vector<16x1xi32> to vector<16xi32>
          %gather3A_502 = tpu.dynamic_gather %add3A_492[%gather3A_501] in [0] : vector<16xf32>, vector<16xi32> -> vector<16xf32>
          %add3A_503 = arith.addf %add3A_492, %gather3A_502 : vector<16xf32>
          %lt3A_504 = arith.constant 0 : i32
          %lt3A_505 = vector.broadcast %lt3A_504 : i32 to vector<16xi32>
          %lt3A_506 = arith.cmpi slt, %xor3A_51, %lt3A_505 : vector<16xi32>
          %add3A_507 = arith.constant 16 : i32
          %add3A_508 = vector.broadcast %add3A_507 : i32 to vector<16xi32>
          %add3A_509 = arith.addi %xor3A_51, %add3A_508 : vector<16xi32>
          %select_n3A_510 = arith.select %lt3A_506, %add3A_509, %xor3A_51 : vector<16xi1>, vector<16xi32>
          %broadcast_in_dim3A_511 = vector.shape_cast %select_n3A_510 : vector<16xi32> to vector<16x1xi32>
          %gather3A_512 = vector.shape_cast %broadcast_in_dim3A_511 : vector<16x1xi32> to vector<16xi32>
          %gather3A_513 = tpu.dynamic_gather %add3A_503[%gather3A_512] in [0] : vector<16xf32>, vector<16xi32> -> vector<16xf32>
          %add3A_514 = arith.addf %add3A_503, %gather3A_513 : vector<16xf32>
          %exp3A = math.exp %add3A_514 : vector<16xf32>
          %jit3A_515 = arith.constant 0.000000e+00 : f32
          %broadcast_in_dim3A_516 = vector.broadcast %jit3A_515 : f32 to vector<16xf32>
          %select_n3A_517 = arith.select %eq3A_12, %exp3A, %broadcast_in_dim3A_516 : vector<16xi1>, vector<16xf32>
          %add3A_518 = arith.addf %while3A_392, %select_n3A_517 : vector<16xf32>
          %mul3A_519 = arith.mulf %exp3A, %get3A_407 : vector<16xf32>
          %add3A_520 = arith.addf %while3A_393, %mul3A_519 : vector<16xf32>
          %mul3A_521 = arith.mulf %exp3A, %get3A_414 : vector<16xf32>
          %add3A_522 = arith.addf %while3A_394, %mul3A_521 : vector<16xf32>
          %mul3A_523 = arith.mulf %exp3A, %get3A_421 : vector<16xf32>
          %add3A_524 = arith.addf %while3A_395, %mul3A_523 : vector<16xf32>
          %mul3A_525 = arith.mulf %exp3A, %get3A_428 : vector<16xf32>
          %add3A_526 = arith.addf %while3A_396, %mul3A_525 : vector<16xf32>
          %mul3A_527 = arith.mulf %exp3A, %get3A_435 : vector<16xf32>
          %add3A_528 = arith.addf %while3A_397, %mul3A_527 : vector<16xf32>
          %mul3A_529 = arith.mulf %exp3A, %get3A_442 : vector<16xf32>
          %add3A_530 = arith.addf %while3A_398, %mul3A_529 : vector<16xf32>
          %mul3A_531 = arith.mulf %exp3A, %get3A_449 : vector<16xf32>
          %add3A_532 = arith.addf %while3A_399, %mul3A_531 : vector<16xf32>
          %mul3A_533 = arith.mulf %exp3A, %get3A_456 : vector<16xf32>
          %add3A_534 = arith.addf %while3A_400, %mul3A_533 : vector<16xf32>
          scf.yield %add3A_518, %add3A_520, %add3A_522, %add3A_524, %add3A_526, %add3A_528, %add3A_530, %add3A_532, %add3A_534 : vector<16xf32>, vector<16xf32>, vector<16xf32>, vector<16xf32>, vector<16xf32>, vector<16xf32>, vector<16xf32>, vector<16xf32>, vector<16xf32>
        }
        %while3A_284 = arith.constant 1 : i32
        %while3A_285:9 = scf.for %while3A_391 = %while3A_281 to %while3A_277 step %while3A_284 iter_args(%while3A_392 = %while3A_283#0, %while3A_393 = %while3A_283#1, %while3A_394 = %while3A_283#2, %while3A_395 = %while3A_283#3, %while3A_396 = %while3A_283#4, %while3A_397 = %while3A_283#5, %while3A_398 = %while3A_283#6, %while3A_399 = %while3A_283#7, %while3A_400 = %while3A_283#8) -> (vector<16xf32>, vector<16xf32>, vector<16xf32>, vector<16xf32>, vector<16xf32>, vector<16xf32>, vector<16xf32>, vector<16xf32>, vector<16xf32>)  : i32 {
          %mul3A_401 = arith.constant 128 : i32
          %mul3A_402 = arith.muli %while3A_391, %mul3A_401 : i32
          %add3A_403 = arith.constant 0 : i32
          %add3A_404 = arith.addi %mul3A_402, %add3A_403 : i32
          %get3A_405 = arith.index_cast %add3A_404 : i32 to index
          %get3A_406 = tpu.vector_load %arg12[%get3A_405] {strides = array<i32>} : memref<32768xf32, #tpu.memory_space<vmem>>, vector<16xf32>,
          %get3A_407 = vector.shape_cast %get3A_406 : vector<16xf32> to vector<16xf32>
          %mul3A_408 = arith.constant 128 : i32
          %mul3A_409 = arith.muli %while3A_391, %mul3A_408 : i32
          %add3A_410 = arith.constant 16 : i32
          %add3A_411 = arith.addi %mul3A_409, %add3A_410 : i32
          %get3A_412 = arith.index_cast %add3A_411 : i32 to index
          %get3A_413 = tpu.vector_load %arg12[%get3A_412] {strides = array<i32>} : memref<32768xf32, #tpu.memory_space<vmem>>, vector<16xf32>,
          %get3A_414 = vector.shape_cast %get3A_413 : vector<16xf32> to vector<16xf32>
          %mul3A_415 = arith.constant 128 : i32
          %mul3A_416 = arith.muli %while3A_391, %mul3A_415 : i32
          %add3A_417 = arith.constant 32 : i32
          %add3A_418 = arith.addi %mul3A_416, %add3A_417 : i32
          %get3A_419 = arith.index_cast %add3A_418 : i32 to index
          %get3A_420 = tpu.vector_load %arg12[%get3A_419] {strides = array<i32>} : memref<32768xf32, #tpu.memory_space<vmem>>, vector<16xf32>,
          %get3A_421 = vector.shape_cast %get3A_420 : vector<16xf32> to vector<16xf32>
          %mul3A_422 = arith.constant 128 : i32
          %mul3A_423 = arith.muli %while3A_391, %mul3A_422 : i32
          %add3A_424 = arith.constant 48 : i32
          %add3A_425 = arith.addi %mul3A_423, %add3A_424 : i32
          %get3A_426 = arith.index_cast %add3A_425 : i32 to index
          %get3A_427 = tpu.vector_load %arg12[%get3A_426] {strides = array<i32>} : memref<32768xf32, #tpu.memory_space<vmem>>, vector<16xf32>,
          %get3A_428 = vector.shape_cast %get3A_427 : vector<16xf32> to vector<16xf32>
          %mul3A_429 = arith.constant 128 : i32
          %mul3A_430 = arith.muli %while3A_391, %mul3A_429 : i32
          %add3A_431 = arith.constant 64 : i32
          %add3A_432 = arith.addi %mul3A_430, %add3A_431 : i32
          %get3A_433 = arith.index_cast %add3A_432 : i32 to index
          %get3A_434 = tpu.vector_load %arg12[%get3A_433] {strides = array<i32>} : memref<32768xf32, #tpu.memory_space<vmem>>, vector<16xf32>,
          %get3A_435 = vector.shape_cast %get3A_434 : vector<16xf32> to vector<16xf32>
          %mul3A_436 = arith.constant 128 : i32
          %mul3A_437 = arith.muli %while3A_391, %mul3A_436 : i32
          %add3A_438 = arith.constant 80 : i32
          %add3A_439 = arith.addi %mul3A_437, %add3A_438 : i32
          %get3A_440 = arith.index_cast %add3A_439 : i32 to index
          %get3A_441 = tpu.vector_load %arg12[%get3A_440] {strides = array<i32>} : memref<32768xf32, #tpu.memory_space<vmem>>, vector<16xf32>,
          %get3A_442 = vector.shape_cast %get3A_441 : vector<16xf32> to vector<16xf32>
          %mul3A_443 = arith.constant 128 : i32
          %mul3A_444 = arith.muli %while3A_391, %mul3A_443 : i32
          %add3A_445 = arith.constant 96 : i32
          %add3A_446 = arith.addi %mul3A_444, %add3A_445 : i32
          %get3A_447 = arith.index_cast %add3A_446 : i32 to index
          %get3A_448 = tpu.vector_load %arg12[%get3A_447] {strides = array<i32>} : memref<32768xf32, #tpu.memory_space<vmem>>, vector<16xf32>,
          %get3A_449 = vector.shape_cast %get3A_448 : vector<16xf32> to vector<16xf32>
          %mul3A_450 = arith.constant 128 : i32
          %mul3A_451 = arith.muli %while3A_391, %mul3A_450 : i32
          %add3A_452 = arith.constant 112 : i32
          %add3A_453 = arith.addi %mul3A_451, %add3A_452 : i32
          %get3A_454 = arith.index_cast %add3A_453 : i32 to index
          %get3A_455 = tpu.vector_load %arg12[%get3A_454] {strides = array<i32>} : memref<32768xf32, #tpu.memory_space<vmem>>, vector<16xf32>,
          %get3A_456 = vector.shape_cast %get3A_455 : vector<16xf32> to vector<16xf32>
          %mul3A_457 = arith.mulf %get3A_407, %get3A_15 : vector<16xf32>
          %mul3A_458 = arith.mulf %get3A_414, %get3A_18 : vector<16xf32>
          %add3A_459 = arith.addf %mul3A_457, %mul3A_458 : vector<16xf32>
          %mul3A_460 = arith.mulf %get3A_421, %get3A_21 : vector<16xf32>
          %add3A_461 = arith.addf %add3A_459, %mul3A_460 : vector<16xf32>
          %mul3A_462 = arith.mulf %get3A_428, %get3A_24 : vector<16xf32>
          %add3A_463 = arith.addf %add3A_461, %mul3A_462 : vector<16xf32>
          %mul3A_464 = arith.mulf %get3A_435, %get3A_27 : vector<16xf32>
          %add3A_465 = arith.addf %add3A_463, %mul3A_464 : vector<16xf32>
          %mul3A_466 = arith.mulf %get3A_442, %get3A_30 : vector<16xf32>
          %add3A_467 = arith.addf %add3A_465, %mul3A_466 : vector<16xf32>
          %mul3A_468 = arith.mulf %get3A_449, %get3A_33 : vector<16xf32>
          %add3A_469 = arith.addf %add3A_467, %mul3A_468 : vector<16xf32>
          %mul3A_470 = arith.mulf %get3A_456, %get3A_36 : vector<16xf32>
          %add3A_471 = arith.addf %add3A_469, %mul3A_470 : vector<16xf32>
          %lt3A_472 = arith.constant 0 : i32
          %lt3A_473 = vector.broadcast %lt3A_472 : i32 to vector<16xi32>
          %lt3A_474 = arith.cmpi slt, %xor3A_39, %lt3A_473 : vector<16xi32>
          %add3A_475 = arith.constant 16 : i32
          %add3A_476 = vector.broadcast %add3A_475 : i32 to vector<16xi32>
          %add3A_477 = arith.addi %xor3A_39, %add3A_476 : vector<16xi32>
          %select_n3A_478 = arith.select %lt3A_474, %add3A_477, %xor3A_39 : vector<16xi1>, vector<16xi32>
          %broadcast_in_dim3A_479 = vector.shape_cast %select_n3A_478 : vector<16xi32> to vector<16x1xi32>
          %gather3A = vector.shape_cast %broadcast_in_dim3A_479 : vector<16x1xi32> to vector<16xi32>
          %gather3A_480 = tpu.dynamic_gather %add3A_471[%gather3A] in [0] : vector<16xf32>, vector<16xi32> -> vector<16xf32>
          %add3A_481 = arith.addf %add3A_471, %gather3A_480 : vector<16xf32>
          %lt3A_482 = arith.constant 0 : i32
          %lt3A_483 = vector.broadcast %lt3A_482 : i32 to vector<16xi32>
          %lt3A_484 = arith.cmpi slt, %xor3A_43, %lt3A_483 : vector<16xi32>
          %add3A_485 = arith.constant 16 : i32
          %add3A_486 = vector.broadcast %add3A_485 : i32 to vector<16xi32>
          %add3A_487 = arith.addi %xor3A_43, %add3A_486 : vector<16xi32>
          %select_n3A_488 = arith.select %lt3A_484, %add3A_487, %xor3A_43 : vector<16xi1>, vector<16xi32>
          %broadcast_in_dim3A_489 = vector.shape_cast %select_n3A_488 : vector<16xi32> to vector<16x1xi32>
          %gather3A_490 = vector.shape_cast %broadcast_in_dim3A_489 : vector<16x1xi32> to vector<16xi32>
          %gather3A_491 = tpu.dynamic_gather %add3A_481[%gather3A_490] in [0] : vector<16xf32>, vector<16xi32> -> vector<16xf32>
          %add3A_492 = arith.addf %add3A_481, %gather3A_491 : vector<16xf32>
          %lt3A_493 = arith.constant 0 : i32
          %lt3A_494 = vector.broadcast %lt3A_493 : i32 to vector<16xi32>
          %lt3A_495 = arith.cmpi slt, %xor3A_47, %lt3A_494 : vector<16xi32>
          %add3A_496 = arith.constant 16 : i32
          %add3A_497 = vector.broadcast %add3A_496 : i32 to vector<16xi32>
          %add3A_498 = arith.addi %xor3A_47, %add3A_497 : vector<16xi32>
          %select_n3A_499 = arith.select %lt3A_495, %add3A_498, %xor3A_47 : vector<16xi1>, vector<16xi32>
          %broadcast_in_dim3A_500 = vector.shape_cast %select_n3A_499 : vector<16xi32> to vector<16x1xi32>
          %gather3A_501 = vector.shape_cast %broadcast_in_dim3A_500 : vector<16x1xi32> to vector<16xi32>
          %gather3A_502 = tpu.dynamic_gather %add3A_492[%gather3A_501] in [0] : vector<16xf32>, vector<16xi32> -> vector<16xf32>
          %add3A_503 = arith.addf %add3A_492, %gather3A_502 : vector<16xf32>
          %lt3A_504 = arith.constant 0 : i32
          %lt3A_505 = vector.broadcast %lt3A_504 : i32 to vector<16xi32>
          %lt3A_506 = arith.cmpi slt, %xor3A_51, %lt3A_505 : vector<16xi32>
          %add3A_507 = arith.constant 16 : i32
          %add3A_508 = vector.broadcast %add3A_507 : i32 to vector<16xi32>
          %add3A_509 = arith.addi %xor3A_51, %add3A_508 : vector<16xi32>
          %select_n3A_510 = arith.select %lt3A_506, %add3A_509, %xor3A_51 : vector<16xi1>, vector<16xi32>
          %broadcast_in_dim3A_511 = vector.shape_cast %select_n3A_510 : vector<16xi32> to vector<16x1xi32>
          %gather3A_512 = vector.shape_cast %broadcast_in_dim3A_511 : vector<16x1xi32> to vector<16xi32>
          %gather3A_513 = tpu.dynamic_gather %add3A_503[%gather3A_512] in [0] : vector<16xf32>, vector<16xi32> -> vector<16xf32>
          %add3A_514 = arith.addf %add3A_503, %gather3A_513 : vector<16xf32>
          %exp3A = math.exp %add3A_514 : vector<16xf32>
          %jit3A_515 = arith.constant 0.000000e+00 : f32
          %broadcast_in_dim3A_516 = vector.broadcast %jit3A_515 : f32 to vector<16xf32>
          %select_n3A_517 = arith.select %eq3A_12, %exp3A, %broadcast_in_dim3A_516 : vector<16xi1>, vector<16xf32>
          %add3A_518 = arith.addf %while3A_392, %select_n3A_517 : vector<16xf32>
          %mul3A_519 = arith.mulf %exp3A, %get3A_407 : vector<16xf32>
          %add3A_520 = arith.addf %while3A_393, %mul3A_519 : vector<16xf32>
          %mul3A_521 = arith.mulf %exp3A, %get3A_414 : vector<16xf32>
          %add3A_522 = arith.addf %while3A_394, %mul3A_521 : vector<16xf32>
          %mul3A_523 = arith.mulf %exp3A, %get3A_421 : vector<16xf32>
          %add3A_524 = arith.addf %while3A_395, %mul3A_523 : vector<16xf32>
          %mul3A_525 = arith.mulf %exp3A, %get3A_428 : vector<16xf32>
          %add3A_526 = arith.addf %while3A_396, %mul3A_525 : vector<16xf32>
          %mul3A_527 = arith.mulf %exp3A, %get3A_435 : vector<16xf32>
          %add3A_528 = arith.addf %while3A_397, %mul3A_527 : vector<16xf32>
          %mul3A_529 = arith.mulf %exp3A, %get3A_442 : vector<16xf32>
          %add3A_530 = arith.addf %while3A_398, %mul3A_529 : vector<16xf32>
          %mul3A_531 = arith.mulf %exp3A, %get3A_449 : vector<16xf32>
          %add3A_532 = arith.addf %while3A_399, %mul3A_531 : vector<16xf32>
          %mul3A_533 = arith.mulf %exp3A, %get3A_456 : vector<16xf32>
          %add3A_534 = arith.addf %while3A_400, %mul3A_533 : vector<16xf32>
          scf.yield %add3A_518, %add3A_520, %add3A_522, %add3A_524, %add3A_526, %add3A_528, %add3A_530, %add3A_532, %add3A_534 : vector<16xf32>, vector<16xf32>, vector<16xf32>, vector<16xf32>, vector<16xf32>, vector<16xf32>, vector<16xf32>, vector<16xf32>, vector<16xf32>
        }
        %mul3A_286 = arith.constant 128 : i32
        %mul3A_287 = arith.muli %while3A_258, %mul3A_286 : i32
        %add3A_288 = arith.constant 0 : i32
        %add3A_289 = arith.addi %mul3A_287, %add3A_288 : i32
        %get3A_290 = arith.index_cast %add3A_289 : i32 to index
        %get3A_291 = tpu.vector_load %arg7[%get3A_290] {strides = array<i32>} : memref<40960xf32, #tpu.memory_space<vmem>>, vector<16xf32>,
        %get3A_292 = vector.shape_cast %get3A_291 : vector<16xf32> to vector<16xf32>
        %add3A_293 = arith.addf %get3A_292, %while3A_285#1 : vector<16xf32>
        %add3A_294 = arith.constant 0 : i32
        %add3A_295 = arith.addi %mul3A_287, %add3A_294 : i32
        %swap3A = arith.index_cast %add3A_295 : i32 to index
        %swap3A_296 = tpu.vector_load %arg7[%swap3A] {strides = array<i32>} : memref<40960xf32, #tpu.memory_space<vmem>>, vector<16xf32>,
        %swap3A_297 = vector.shape_cast %swap3A_296 : vector<16xf32> to vector<16xf32>
        %swap3A_298 = vector.shape_cast %add3A_293 : vector<16xf32> to vector<16xf32>
        tpu.vector_store %arg7[%swap3A], %swap3A_298 {strides = array<i32>} : memref<40960xf32, #tpu.memory_space<vmem>>, vector<16xf32>,
        %add3A_299 = arith.constant 16 : i32
        %add3A_300 = arith.addi %mul3A_287, %add3A_299 : i32
        %get3A_301 = arith.index_cast %add3A_300 : i32 to index
        %get3A_302 = tpu.vector_load %arg7[%get3A_301] {strides = array<i32>} : memref<40960xf32, #tpu.memory_space<vmem>>, vector<16xf32>,
        %get3A_303 = vector.shape_cast %get3A_302 : vector<16xf32> to vector<16xf32>
        %add3A_304 = arith.addf %get3A_303, %while3A_285#2 : vector<16xf32>
        %add3A_305 = arith.constant 16 : i32
        %add3A_306 = arith.addi %mul3A_287, %add3A_305 : i32
        %swap3A_307 = arith.index_cast %add3A_306 : i32 to index
        %swap3A_308 = tpu.vector_load %arg7[%swap3A_307] {strides = array<i32>} : memref<40960xf32, #tpu.memory_space<vmem>>, vector<16xf32>,
        %swap3A_309 = vector.shape_cast %swap3A_308 : vector<16xf32> to vector<16xf32>
        %swap3A_310 = vector.shape_cast %add3A_304 : vector<16xf32> to vector<16xf32>
        tpu.vector_store %arg7[%swap3A_307], %swap3A_310 {strides = array<i32>} : memref<40960xf32, #tpu.memory_space<vmem>>, vector<16xf32>,
        %add3A_311 = arith.constant 32 : i32
        %add3A_312 = arith.addi %mul3A_287, %add3A_311 : i32
        %get3A_313 = arith.index_cast %add3A_312 : i32 to index
        %get3A_314 = tpu.vector_load %arg7[%get3A_313] {strides = array<i32>} : memref<40960xf32, #tpu.memory_space<vmem>>, vector<16xf32>,
        %get3A_315 = vector.shape_cast %get3A_314 : vector<16xf32> to vector<16xf32>
        %add3A_316 = arith.addf %get3A_315, %while3A_285#3 : vector<16xf32>
        %add3A_317 = arith.constant 32 : i32
        %add3A_318 = arith.addi %mul3A_287, %add3A_317 : i32
        %swap3A_319 = arith.index_cast %add3A_318 : i32 to index
        %swap3A_320 = tpu.vector_load %arg7[%swap3A_319] {strides = array<i32>} : memref<40960xf32, #tpu.memory_space<vmem>>, vector<16xf32>,
        %swap3A_321 = vector.shape_cast %swap3A_320 : vector<16xf32> to vector<16xf32>
        %swap3A_322 = vector.shape_cast %add3A_316 : vector<16xf32> to vector<16xf32>
        tpu.vector_store %arg7[%swap3A_319], %swap3A_322 {strides = array<i32>} : memref<40960xf32, #tpu.memory_space<vmem>>, vector<16xf32>,
        %add3A_323 = arith.constant 48 : i32
        %add3A_324 = arith.addi %mul3A_287, %add3A_323 : i32
        %get3A_325 = arith.index_cast %add3A_324 : i32 to index
        %get3A_326 = tpu.vector_load %arg7[%get3A_325] {strides = array<i32>} : memref<40960xf32, #tpu.memory_space<vmem>>, vector<16xf32>,
        %get3A_327 = vector.shape_cast %get3A_326 : vector<16xf32> to vector<16xf32>
        %add3A_328 = arith.addf %get3A_327, %while3A_285#4 : vector<16xf32>
        %add3A_329 = arith.constant 48 : i32
        %add3A_330 = arith.addi %mul3A_287, %add3A_329 : i32
        %swap3A_331 = arith.index_cast %add3A_330 : i32 to index
        %swap3A_332 = tpu.vector_load %arg7[%swap3A_331] {strides = array<i32>} : memref<40960xf32, #tpu.memory_space<vmem>>, vector<16xf32>,
        %swap3A_333 = vector.shape_cast %swap3A_332 : vector<16xf32> to vector<16xf32>
        %swap3A_334 = vector.shape_cast %add3A_328 : vector<16xf32> to vector<16xf32>
        tpu.vector_store %arg7[%swap3A_331], %swap3A_334 {strides = array<i32>} : memref<40960xf32, #tpu.memory_space<vmem>>, vector<16xf32>,
        %add3A_335 = arith.constant 64 : i32
        %add3A_336 = arith.addi %mul3A_287, %add3A_335 : i32
        %get3A_337 = arith.index_cast %add3A_336 : i32 to index
        %get3A_338 = tpu.vector_load %arg7[%get3A_337] {strides = array<i32>} : memref<40960xf32, #tpu.memory_space<vmem>>, vector<16xf32>,
        %get3A_339 = vector.shape_cast %get3A_338 : vector<16xf32> to vector<16xf32>
        %add3A_340 = arith.addf %get3A_339, %while3A_285#5 : vector<16xf32>
        %add3A_341 = arith.constant 64 : i32
        %add3A_342 = arith.addi %mul3A_287, %add3A_341 : i32
        %swap3A_343 = arith.index_cast %add3A_342 : i32 to index
        %swap3A_344 = tpu.vector_load %arg7[%swap3A_343] {strides = array<i32>} : memref<40960xf32, #tpu.memory_space<vmem>>, vector<16xf32>,
        %swap3A_345 = vector.shape_cast %swap3A_344 : vector<16xf32> to vector<16xf32>
        %swap3A_346 = vector.shape_cast %add3A_340 : vector<16xf32> to vector<16xf32>
        tpu.vector_store %arg7[%swap3A_343], %swap3A_346 {strides = array<i32>} : memref<40960xf32, #tpu.memory_space<vmem>>, vector<16xf32>,
        %add3A_347 = arith.constant 80 : i32
        %add3A_348 = arith.addi %mul3A_287, %add3A_347 : i32
        %get3A_349 = arith.index_cast %add3A_348 : i32 to index
        %get3A_350 = tpu.vector_load %arg7[%get3A_349] {strides = array<i32>} : memref<40960xf32, #tpu.memory_space<vmem>>, vector<16xf32>,
        %get3A_351 = vector.shape_cast %get3A_350 : vector<16xf32> to vector<16xf32>
        %add3A_352 = arith.addf %get3A_351, %while3A_285#6 : vector<16xf32>
        %add3A_353 = arith.constant 80 : i32
        %add3A_354 = arith.addi %mul3A_287, %add3A_353 : i32
        %swap3A_355 = arith.index_cast %add3A_354 : i32 to index
        %swap3A_356 = tpu.vector_load %arg7[%swap3A_355] {strides = array<i32>} : memref<40960xf32, #tpu.memory_space<vmem>>, vector<16xf32>,
        %swap3A_357 = vector.shape_cast %swap3A_356 : vector<16xf32> to vector<16xf32>
        %swap3A_358 = vector.shape_cast %add3A_352 : vector<16xf32> to vector<16xf32>
        tpu.vector_store %arg7[%swap3A_355], %swap3A_358 {strides = array<i32>} : memref<40960xf32, #tpu.memory_space<vmem>>, vector<16xf32>,
        %add3A_359 = arith.constant 96 : i32
        %add3A_360 = arith.addi %mul3A_287, %add3A_359 : i32
        %get3A_361 = arith.index_cast %add3A_360 : i32 to index
        %get3A_362 = tpu.vector_load %arg7[%get3A_361] {strides = array<i32>} : memref<40960xf32, #tpu.memory_space<vmem>>, vector<16xf32>,
        %get3A_363 = vector.shape_cast %get3A_362 : vector<16xf32> to vector<16xf32>
        %add3A_364 = arith.addf %get3A_363, %while3A_285#7 : vector<16xf32>
        %add3A_365 = arith.constant 96 : i32
        %add3A_366 = arith.addi %mul3A_287, %add3A_365 : i32
        %swap3A_367 = arith.index_cast %add3A_366 : i32 to index
        %swap3A_368 = tpu.vector_load %arg7[%swap3A_367] {strides = array<i32>} : memref<40960xf32, #tpu.memory_space<vmem>>, vector<16xf32>,
        %swap3A_369 = vector.shape_cast %swap3A_368 : vector<16xf32> to vector<16xf32>
        %swap3A_370 = vector.shape_cast %add3A_364 : vector<16xf32> to vector<16xf32>
        tpu.vector_store %arg7[%swap3A_367], %swap3A_370 {strides = array<i32>} : memref<40960xf32, #tpu.memory_space<vmem>>, vector<16xf32>,
        %add3A_371 = arith.constant 112 : i32
        %add3A_372 = arith.addi %mul3A_287, %add3A_371 : i32
        %get3A_373 = arith.index_cast %add3A_372 : i32 to index
        %get3A_374 = tpu.vector_load %arg7[%get3A_373] {strides = array<i32>} : memref<40960xf32, #tpu.memory_space<vmem>>, vector<16xf32>,
        %get3A_375 = vector.shape_cast %get3A_374 : vector<16xf32> to vector<16xf32>
        %add3A_376 = arith.addf %get3A_375, %while3A_285#8 : vector<16xf32>
        %add3A_377 = arith.constant 112 : i32
        %add3A_378 = arith.addi %mul3A_287, %add3A_377 : i32
        %swap3A_379 = arith.index_cast %add3A_378 : i32 to index
        %swap3A_380 = tpu.vector_load %arg7[%swap3A_379] {strides = array<i32>} : memref<40960xf32, #tpu.memory_space<vmem>>, vector<16xf32>,
        %swap3A_381 = vector.shape_cast %swap3A_380 : vector<16xf32> to vector<16xf32>
        %swap3A_382 = vector.shape_cast %add3A_376 : vector<16xf32> to vector<16xf32>
        tpu.vector_store %arg7[%swap3A_379], %swap3A_382 {strides = array<i32>} : memref<40960xf32, #tpu.memory_space<vmem>>, vector<16xf32>,
        %get3A_383 = arith.index_cast %while3A_258 : i32 to index
        %get3A_384 = tpu.vector_load %arg8[%get3A_383] {strides = array<i32>} : memref<336xf32, #tpu.memory_space<vmem>>, vector<16xf32>,
        %get3A_385 = vector.shape_cast %get3A_384 : vector<16xf32> to vector<16xf32>
        %add3A_386 = arith.addf %get3A_385, %while3A_285#0 : vector<16xf32>
        %swap3A_387 = arith.index_cast %while3A_258 : i32 to index
        %swap3A_388 = tpu.vector_load %arg8[%swap3A_387] {strides = array<i32>} : memref<336xf32, #tpu.memory_space<vmem>>, vector<16xf32>,
        %swap3A_389 = vector.shape_cast %swap3A_388 : vector<16xf32> to vector<16xf32>
        %swap3A_390 = vector.shape_cast %add3A_386 : vector<16xf32> to vector<16xf32>
        tpu.vector_store %arg8[%swap3A_387], %swap3A_390 {strides = array<i32>} : memref<336xf32, #tpu.memory_space<vmem>>, vector<16xf32>,
      }
      %while3A_256 = arith.constant 1 : i32
      scf.for %while3A_258 = %while3A_254 to %while3A_250 step %while3A_256  : i32 {
        %get3A_259 = arith.index_cast %while3A_258 : i32 to index
        %get3A_260 = tpu.vector_load %arg9[%get3A_259] {strides = array<i32>} : memref<352xi32, #tpu.memory_space<vmem>>, vector<16xi32>,
        %get3A_261 = vector.shape_cast %get3A_260 : vector<16xi32> to vector<16xi32>
        %slice3A_262 = vector.extract_strided_slice %get3A_261 {offsets = [0], sizes = [1], strides = [1]} : vector<16xi32> to vector<1xi32>
        %squeeze3A_263 = vector.extract %slice3A_262[0] : i32 from vector<1xi32>
        %add3A_264 = arith.constant 1 : i32
        %add3A_265 = arith.addi %while3A_258, %add3A_264 : i32
        %get3A_266 = arith.index_cast %add3A_265 : i32 to index
        %get3A_267 = tpu.vector_load %arg9[%get3A_266] {strides = array<i32>} : memref<352xi32, #tpu.memory_space<vmem>>, vector<16xi32>,
        %get3A_268 = vector.shape_cast %get3A_267 : vector<16xi32> to vector<16xi32>
        %slice3A_269 = vector.extract_strided_slice %get3A_268 {offsets = [0], sizes = [1], strides = [1]} : vector<16xi32> to vector<1xi32>
        %squeeze3A_270 = vector.extract %slice3A_269[0] : i32 from vector<1xi32>
        %sub3A_271 = arith.subi %squeeze3A_263, %select_n3A_221 : i32
        %max3A_272 = arith.maxsi %sub3A_271, %select_n3A_226 : i32
        %sub3A_273 = arith.subi %squeeze3A_270, %select_n3A_221 : i32
        %min3A_274 = arith.minsi %sub3A_273, %select_n3A_231 : i32
        %max3A_275 = arith.maxsi %max3A_272, %min3A_274 : i32
        %while3A_276 = arith.subi %max3A_275, %max3A_272 : i32
        %while3A_277 = arith.addi %max3A_272, %while3A_276 : i32
        %while3A_278 = arith.constant 1 : i32
        %while3A_279 = arith.divsi %while3A_276, %while3A_278 : i32
        %while3A_280 = arith.muli %while3A_279, %while3A_278 : i32
        %while3A_281 = arith.addi %max3A_272, %while3A_280 : i32
        %while3A_282 = arith.constant 1 : i32
        %while3A_283:9 = scf.for %while3A_391 = %max3A_272 to %while3A_281 step %while3A_282 iter_args(%while3A_392 = %broadcast_in_dim3A_10, %while3A_393 = %broadcast_in_dim3A_10, %while3A_394 = %broadcast_in_dim3A_10, %while3A_395 = %broadcast_in_dim3A_10, %while3A_396 = %broadcast_in_dim3A_10, %while3A_397 = %broadcast_in_dim3A_10, %while3A_398 = %broadcast_in_dim3A_10, %while3A_399 = %broadcast_in_dim3A_10, %while3A_400 = %broadcast_in_dim3A_10) -> (vector<16xf32>, vector<16xf32>, vector<16xf32>, vector<16xf32>, vector<16xf32>, vector<16xf32>, vector<16xf32>, vector<16xf32>, vector<16xf32>)  : i32 {
          %mul3A_401 = arith.constant 128 : i32
          %mul3A_402 = arith.muli %while3A_391, %mul3A_401 : i32
          %add3A_403 = arith.constant 0 : i32
          %add3A_404 = arith.addi %mul3A_402, %add3A_403 : i32
          %get3A_405 = arith.index_cast %add3A_404 : i32 to index
          %get3A_406 = tpu.vector_load %arg12[%get3A_405] {strides = array<i32>} : memref<32768xf32, #tpu.memory_space<vmem>>, vector<16xf32>,
          %get3A_407 = vector.shape_cast %get3A_406 : vector<16xf32> to vector<16xf32>
          %mul3A_408 = arith.constant 128 : i32
          %mul3A_409 = arith.muli %while3A_391, %mul3A_408 : i32
          %add3A_410 = arith.constant 16 : i32
          %add3A_411 = arith.addi %mul3A_409, %add3A_410 : i32
          %get3A_412 = arith.index_cast %add3A_411 : i32 to index
          %get3A_413 = tpu.vector_load %arg12[%get3A_412] {strides = array<i32>} : memref<32768xf32, #tpu.memory_space<vmem>>, vector<16xf32>,
          %get3A_414 = vector.shape_cast %get3A_413 : vector<16xf32> to vector<16xf32>
          %mul3A_415 = arith.constant 128 : i32
          %mul3A_416 = arith.muli %while3A_391, %mul3A_415 : i32
          %add3A_417 = arith.constant 32 : i32
          %add3A_418 = arith.addi %mul3A_416, %add3A_417 : i32
          %get3A_419 = arith.index_cast %add3A_418 : i32 to index
          %get3A_420 = tpu.vector_load %arg12[%get3A_419] {strides = array<i32>} : memref<32768xf32, #tpu.memory_space<vmem>>, vector<16xf32>,
          %get3A_421 = vector.shape_cast %get3A_420 : vector<16xf32> to vector<16xf32>
          %mul3A_422 = arith.constant 128 : i32
          %mul3A_423 = arith.muli %while3A_391, %mul3A_422 : i32
          %add3A_424 = arith.constant 48 : i32
          %add3A_425 = arith.addi %mul3A_423, %add3A_424 : i32
          %get3A_426 = arith.index_cast %add3A_425 : i32 to index
          %get3A_427 = tpu.vector_load %arg12[%get3A_426] {strides = array<i32>} : memref<32768xf32, #tpu.memory_space<vmem>>, vector<16xf32>,
          %get3A_428 = vector.shape_cast %get3A_427 : vector<16xf32> to vector<16xf32>
          %mul3A_429 = arith.constant 128 : i32
          %mul3A_430 = arith.muli %while3A_391, %mul3A_429 : i32
          %add3A_431 = arith.constant 64 : i32
          %add3A_432 = arith.addi %mul3A_430, %add3A_431 : i32
          %get3A_433 = arith.index_cast %add3A_432 : i32 to index
          %get3A_434 = tpu.vector_load %arg12[%get3A_433] {strides = array<i32>} : memref<32768xf32, #tpu.memory_space<vmem>>, vector<16xf32>,
          %get3A_435 = vector.shape_cast %get3A_434 : vector<16xf32> to vector<16xf32>
          %mul3A_436 = arith.constant 128 : i32
          %mul3A_437 = arith.muli %while3A_391, %mul3A_436 : i32
          %add3A_438 = arith.constant 80 : i32
          %add3A_439 = arith.addi %mul3A_437, %add3A_438 : i32
          %get3A_440 = arith.index_cast %add3A_439 : i32 to index
          %get3A_441 = tpu.vector_load %arg12[%get3A_440] {strides = array<i32>} : memref<32768xf32, #tpu.memory_space<vmem>>, vector<16xf32>,
          %get3A_442 = vector.shape_cast %get3A_441 : vector<16xf32> to vector<16xf32>
          %mul3A_443 = arith.constant 128 : i32
          %mul3A_444 = arith.muli %while3A_391, %mul3A_443 : i32
          %add3A_445 = arith.constant 96 : i32
          %add3A_446 = arith.addi %mul3A_444, %add3A_445 : i32
          %get3A_447 = arith.index_cast %add3A_446 : i32 to index
          %get3A_448 = tpu.vector_load %arg12[%get3A_447] {strides = array<i32>} : memref<32768xf32, #tpu.memory_space<vmem>>, vector<16xf32>,
          %get3A_449 = vector.shape_cast %get3A_448 : vector<16xf32> to vector<16xf32>
          %mul3A_450 = arith.constant 128 : i32
          %mul3A_451 = arith.muli %while3A_391, %mul3A_450 : i32
          %add3A_452 = arith.constant 112 : i32
          %add3A_453 = arith.addi %mul3A_451, %add3A_452 : i32
          %get3A_454 = arith.index_cast %add3A_453 : i32 to index
          %get3A_455 = tpu.vector_load %arg12[%get3A_454] {strides = array<i32>} : memref<32768xf32, #tpu.memory_space<vmem>>, vector<16xf32>,
          %get3A_456 = vector.shape_cast %get3A_455 : vector<16xf32> to vector<16xf32>
          %mul3A_457 = arith.mulf %get3A_407, %get3A_15 : vector<16xf32>
          %mul3A_458 = arith.mulf %get3A_414, %get3A_18 : vector<16xf32>
          %add3A_459 = arith.addf %mul3A_457, %mul3A_458 : vector<16xf32>
          %mul3A_460 = arith.mulf %get3A_421, %get3A_21 : vector<16xf32>
          %add3A_461 = arith.addf %add3A_459, %mul3A_460 : vector<16xf32>
          %mul3A_462 = arith.mulf %get3A_428, %get3A_24 : vector<16xf32>
          %add3A_463 = arith.addf %add3A_461, %mul3A_462 : vector<16xf32>
          %mul3A_464 = arith.mulf %get3A_435, %get3A_27 : vector<16xf32>
          %add3A_465 = arith.addf %add3A_463, %mul3A_464 : vector<16xf32>
          %mul3A_466 = arith.mulf %get3A_442, %get3A_30 : vector<16xf32>
          %add3A_467 = arith.addf %add3A_465, %mul3A_466 : vector<16xf32>
          %mul3A_468 = arith.mulf %get3A_449, %get3A_33 : vector<16xf32>
          %add3A_469 = arith.addf %add3A_467, %mul3A_468 : vector<16xf32>
          %mul3A_470 = arith.mulf %get3A_456, %get3A_36 : vector<16xf32>
          %add3A_471 = arith.addf %add3A_469, %mul3A_470 : vector<16xf32>
          %lt3A_472 = arith.constant 0 : i32
          %lt3A_473 = vector.broadcast %lt3A_472 : i32 to vector<16xi32>
          %lt3A_474 = arith.cmpi slt, %xor3A_39, %lt3A_473 : vector<16xi32>
          %add3A_475 = arith.constant 16 : i32
          %add3A_476 = vector.broadcast %add3A_475 : i32 to vector<16xi32>
          %add3A_477 = arith.addi %xor3A_39, %add3A_476 : vector<16xi32>
          %select_n3A_478 = arith.select %lt3A_474, %add3A_477, %xor3A_39 : vector<16xi1>, vector<16xi32>
          %broadcast_in_dim3A_479 = vector.shape_cast %select_n3A_478 : vector<16xi32> to vector<16x1xi32>
          %gather3A = vector.shape_cast %broadcast_in_dim3A_479 : vector<16x1xi32> to vector<16xi32>
          %gather3A_480 = tpu.dynamic_gather %add3A_471[%gather3A] in [0] : vector<16xf32>, vector<16xi32> -> vector<16xf32>
          %add3A_481 = arith.addf %add3A_471, %gather3A_480 : vector<16xf32>
          %lt3A_482 = arith.constant 0 : i32
          %lt3A_483 = vector.broadcast %lt3A_482 : i32 to vector<16xi32>
          %lt3A_484 = arith.cmpi slt, %xor3A_43, %lt3A_483 : vector<16xi32>
          %add3A_485 = arith.constant 16 : i32
          %add3A_486 = vector.broadcast %add3A_485 : i32 to vector<16xi32>
          %add3A_487 = arith.addi %xor3A_43, %add3A_486 : vector<16xi32>
          %select_n3A_488 = arith.select %lt3A_484, %add3A_487, %xor3A_43 : vector<16xi1>, vector<16xi32>
          %broadcast_in_dim3A_489 = vector.shape_cast %select_n3A_488 : vector<16xi32> to vector<16x1xi32>
          %gather3A_490 = vector.shape_cast %broadcast_in_dim3A_489 : vector<16x1xi32> to vector<16xi32>
          %gather3A_491 = tpu.dynamic_gather %add3A_481[%gather3A_490] in [0] : vector<16xf32>, vector<16xi32> -> vector<16xf32>
          %add3A_492 = arith.addf %add3A_481, %gather3A_491 : vector<16xf32>
          %lt3A_493 = arith.constant 0 : i32
          %lt3A_494 = vector.broadcast %lt3A_493 : i32 to vector<16xi32>
          %lt3A_495 = arith.cmpi slt, %xor3A_47, %lt3A_494 : vector<16xi32>
          %add3A_496 = arith.constant 16 : i32
          %add3A_497 = vector.broadcast %add3A_496 : i32 to vector<16xi32>
          %add3A_498 = arith.addi %xor3A_47, %add3A_497 : vector<16xi32>
          %select_n3A_499 = arith.select %lt3A_495, %add3A_498, %xor3A_47 : vector<16xi1>, vector<16xi32>
          %broadcast_in_dim3A_500 = vector.shape_cast %select_n3A_499 : vector<16xi32> to vector<16x1xi32>
          %gather3A_501 = vector.shape_cast %broadcast_in_dim3A_500 : vector<16x1xi32> to vector<16xi32>
          %gather3A_502 = tpu.dynamic_gather %add3A_492[%gather3A_501] in [0] : vector<16xf32>, vector<16xi32> -> vector<16xf32>
          %add3A_503 = arith.addf %add3A_492, %gather3A_502 : vector<16xf32>
          %lt3A_504 = arith.constant 0 : i32
          %lt3A_505 = vector.broadcast %lt3A_504 : i32 to vector<16xi32>
          %lt3A_506 = arith.cmpi slt, %xor3A_51, %lt3A_505 : vector<16xi32>
          %add3A_507 = arith.constant 16 : i32
          %add3A_508 = vector.broadcast %add3A_507 : i32 to vector<16xi32>
          %add3A_509 = arith.addi %xor3A_51, %add3A_508 : vector<16xi32>
          %select_n3A_510 = arith.select %lt3A_506, %add3A_509, %xor3A_51 : vector<16xi1>, vector<16xi32>
          %broadcast_in_dim3A_511 = vector.shape_cast %select_n3A_510 : vector<16xi32> to vector<16x1xi32>
          %gather3A_512 = vector.shape_cast %broadcast_in_dim3A_511 : vector<16x1xi32> to vector<16xi32>
          %gather3A_513 = tpu.dynamic_gather %add3A_503[%gather3A_512] in [0] : vector<16xf32>, vector<16xi32> -> vector<16xf32>
          %add3A_514 = arith.addf %add3A_503, %gather3A_513 : vector<16xf32>
          %exp3A = math.exp %add3A_514 : vector<16xf32>
          %jit3A_515 = arith.constant 0.000000e+00 : f32
          %broadcast_in_dim3A_516 = vector.broadcast %jit3A_515 : f32 to vector<16xf32>
          %select_n3A_517 = arith.select %eq3A_12, %exp3A, %broadcast_in_dim3A_516 : vector<16xi1>, vector<16xf32>
          %add3A_518 = arith.addf %while3A_392, %select_n3A_517 : vector<16xf32>
          %mul3A_519 = arith.mulf %exp3A, %get3A_407 : vector<16xf32>
          %add3A_520 = arith.addf %while3A_393, %mul3A_519 : vector<16xf32>
          %mul3A_521 = arith.mulf %exp3A, %get3A_414 : vector<16xf32>
          %add3A_522 = arith.addf %while3A_394, %mul3A_521 : vector<16xf32>
          %mul3A_523 = arith.mulf %exp3A, %get3A_421 : vector<16xf32>
          %add3A_524 = arith.addf %while3A_395, %mul3A_523 : vector<16xf32>
          %mul3A_525 = arith.mulf %exp3A, %get3A_428 : vector<16xf32>
          %add3A_526 = arith.addf %while3A_396, %mul3A_525 : vector<16xf32>
          %mul3A_527 = arith.mulf %exp3A, %get3A_435 : vector<16xf32>
          %add3A_528 = arith.addf %while3A_397, %mul3A_527 : vector<16xf32>
          %mul3A_529 = arith.mulf %exp3A, %get3A_442 : vector<16xf32>
          %add3A_530 = arith.addf %while3A_398, %mul3A_529 : vector<16xf32>
          %mul3A_531 = arith.mulf %exp3A, %get3A_449 : vector<16xf32>
          %add3A_532 = arith.addf %while3A_399, %mul3A_531 : vector<16xf32>
          %mul3A_533 = arith.mulf %exp3A, %get3A_456 : vector<16xf32>
          %add3A_534 = arith.addf %while3A_400, %mul3A_533 : vector<16xf32>
          scf.yield %add3A_518, %add3A_520, %add3A_522, %add3A_524, %add3A_526, %add3A_528, %add3A_530, %add3A_532, %add3A_534 : vector<16xf32>, vector<16xf32>, vector<16xf32>, vector<16xf32>, vector<16xf32>, vector<16xf32>, vector<16xf32>, vector<16xf32>, vector<16xf32>
        }
        %while3A_284 = arith.constant 1 : i32
        %while3A_285:9 = scf.for %while3A_391 = %while3A_281 to %while3A_277 step %while3A_284 iter_args(%while3A_392 = %while3A_283#0, %while3A_393 = %while3A_283#1, %while3A_394 = %while3A_283#2, %while3A_395 = %while3A_283#3, %while3A_396 = %while3A_283#4, %while3A_397 = %while3A_283#5, %while3A_398 = %while3A_283#6, %while3A_399 = %while3A_283#7, %while3A_400 = %while3A_283#8) -> (vector<16xf32>, vector<16xf32>, vector<16xf32>, vector<16xf32>, vector<16xf32>, vector<16xf32>, vector<16xf32>, vector<16xf32>, vector<16xf32>)  : i32 {
          %mul3A_401 = arith.constant 128 : i32
          %mul3A_402 = arith.muli %while3A_391, %mul3A_401 : i32
          %add3A_403 = arith.constant 0 : i32
          %add3A_404 = arith.addi %mul3A_402, %add3A_403 : i32
          %get3A_405 = arith.index_cast %add3A_404 : i32 to index
          %get3A_406 = tpu.vector_load %arg12[%get3A_405] {strides = array<i32>} : memref<32768xf32, #tpu.memory_space<vmem>>, vector<16xf32>,
          %get3A_407 = vector.shape_cast %get3A_406 : vector<16xf32> to vector<16xf32>
          %mul3A_408 = arith.constant 128 : i32
          %mul3A_409 = arith.muli %while3A_391, %mul3A_408 : i32
          %add3A_410 = arith.constant 16 : i32
          %add3A_411 = arith.addi %mul3A_409, %add3A_410 : i32
          %get3A_412 = arith.index_cast %add3A_411 : i32 to index
          %get3A_413 = tpu.vector_load %arg12[%get3A_412] {strides = array<i32>} : memref<32768xf32, #tpu.memory_space<vmem>>, vector<16xf32>,
          %get3A_414 = vector.shape_cast %get3A_413 : vector<16xf32> to vector<16xf32>
          %mul3A_415 = arith.constant 128 : i32
          %mul3A_416 = arith.muli %while3A_391, %mul3A_415 : i32
          %add3A_417 = arith.constant 32 : i32
          %add3A_418 = arith.addi %mul3A_416, %add3A_417 : i32
          %get3A_419 = arith.index_cast %add3A_418 : i32 to index
          %get3A_420 = tpu.vector_load %arg12[%get3A_419] {strides = array<i32>} : memref<32768xf32, #tpu.memory_space<vmem>>, vector<16xf32>,
          %get3A_421 = vector.shape_cast %get3A_420 : vector<16xf32> to vector<16xf32>
          %mul3A_422 = arith.constant 128 : i32
          %mul3A_423 = arith.muli %while3A_391, %mul3A_422 : i32
          %add3A_424 = arith.constant 48 : i32
          %add3A_425 = arith.addi %mul3A_423, %add3A_424 : i32
          %get3A_426 = arith.index_cast %add3A_425 : i32 to index
          %get3A_427 = tpu.vector_load %arg12[%get3A_426] {strides = array<i32>} : memref<32768xf32, #tpu.memory_space<vmem>>, vector<16xf32>,
          %get3A_428 = vector.shape_cast %get3A_427 : vector<16xf32> to vector<16xf32>
          %mul3A_429 = arith.constant 128 : i32
          %mul3A_430 = arith.muli %while3A_391, %mul3A_429 : i32
          %add3A_431 = arith.constant 64 : i32
          %add3A_432 = arith.addi %mul3A_430, %add3A_431 : i32
          %get3A_433 = arith.index_cast %add3A_432 : i32 to index
          %get3A_434 = tpu.vector_load %arg12[%get3A_433] {strides = array<i32>} : memref<32768xf32, #tpu.memory_space<vmem>>, vector<16xf32>,
          %get3A_435 = vector.shape_cast %get3A_434 : vector<16xf32> to vector<16xf32>
          %mul3A_436 = arith.constant 128 : i32
          %mul3A_437 = arith.muli %while3A_391, %mul3A_436 : i32
          %add3A_438 = arith.constant 80 : i32
          %add3A_439 = arith.addi %mul3A_437, %add3A_438 : i32
          %get3A_440 = arith.index_cast %add3A_439 : i32 to index
          %get3A_441 = tpu.vector_load %arg12[%get3A_440] {strides = array<i32>} : memref<32768xf32, #tpu.memory_space<vmem>>, vector<16xf32>,
          %get3A_442 = vector.shape_cast %get3A_441 : vector<16xf32> to vector<16xf32>
          %mul3A_443 = arith.constant 128 : i32
          %mul3A_444 = arith.muli %while3A_391, %mul3A_443 : i32
          %add3A_445 = arith.constant 96 : i32
          %add3A_446 = arith.addi %mul3A_444, %add3A_445 : i32
          %get3A_447 = arith.index_cast %add3A_446 : i32 to index
          %get3A_448 = tpu.vector_load %arg12[%get3A_447] {strides = array<i32>} : memref<32768xf32, #tpu.memory_space<vmem>>, vector<16xf32>,
          %get3A_449 = vector.shape_cast %get3A_448 : vector<16xf32> to vector<16xf32>
          %mul3A_450 = arith.constant 128 : i32
          %mul3A_451 = arith.muli %while3A_391, %mul3A_450 : i32
          %add3A_452 = arith.constant 112 : i32
          %add3A_453 = arith.addi %mul3A_451, %add3A_452 : i32
          %get3A_454 = arith.index_cast %add3A_453 : i32 to index
          %get3A_455 = tpu.vector_load %arg12[%get3A_454] {strides = array<i32>} : memref<32768xf32, #tpu.memory_space<vmem>>, vector<16xf32>,
          %get3A_456 = vector.shape_cast %get3A_455 : vector<16xf32> to vector<16xf32>
          %mul3A_457 = arith.mulf %get3A_407, %get3A_15 : vector<16xf32>
          %mul3A_458 = arith.mulf %get3A_414, %get3A_18 : vector<16xf32>
          %add3A_459 = arith.addf %mul3A_457, %mul3A_458 : vector<16xf32>
          %mul3A_460 = arith.mulf %get3A_421, %get3A_21 : vector<16xf32>
          %add3A_461 = arith.addf %add3A_459, %mul3A_460 : vector<16xf32>
          %mul3A_462 = arith.mulf %get3A_428, %get3A_24 : vector<16xf32>
          %add3A_463 = arith.addf %add3A_461, %mul3A_462 : vector<16xf32>
          %mul3A_464 = arith.mulf %get3A_435, %get3A_27 : vector<16xf32>
          %add3A_465 = arith.addf %add3A_463, %mul3A_464 : vector<16xf32>
          %mul3A_466 = arith.mulf %get3A_442, %get3A_30 : vector<16xf32>
          %add3A_467 = arith.addf %add3A_465, %mul3A_466 : vector<16xf32>
          %mul3A_468 = arith.mulf %get3A_449, %get3A_33 : vector<16xf32>
          %add3A_469 = arith.addf %add3A_467, %mul3A_468 : vector<16xf32>
          %mul3A_470 = arith.mulf %get3A_456, %get3A_36 : vector<16xf32>
          %add3A_471 = arith.addf %add3A_469, %mul3A_470 : vector<16xf32>
          %lt3A_472 = arith.constant 0 : i32
          %lt3A_473 = vector.broadcast %lt3A_472 : i32 to vector<16xi32>
          %lt3A_474 = arith.cmpi slt, %xor3A_39, %lt3A_473 : vector<16xi32>
          %add3A_475 = arith.constant 16 : i32
          %add3A_476 = vector.broadcast %add3A_475 : i32 to vector<16xi32>
          %add3A_477 = arith.addi %xor3A_39, %add3A_476 : vector<16xi32>
          %select_n3A_478 = arith.select %lt3A_474, %add3A_477, %xor3A_39 : vector<16xi1>, vector<16xi32>
          %broadcast_in_dim3A_479 = vector.shape_cast %select_n3A_478 : vector<16xi32> to vector<16x1xi32>
          %gather3A = vector.shape_cast %broadcast_in_dim3A_479 : vector<16x1xi32> to vector<16xi32>
          %gather3A_480 = tpu.dynamic_gather %add3A_471[%gather3A] in [0] : vector<16xf32>, vector<16xi32> -> vector<16xf32>
          %add3A_481 = arith.addf %add3A_471, %gather3A_480 : vector<16xf32>
          %lt3A_482 = arith.constant 0 : i32
          %lt3A_483 = vector.broadcast %lt3A_482 : i32 to vector<16xi32>
          %lt3A_484 = arith.cmpi slt, %xor3A_43, %lt3A_483 : vector<16xi32>
          %add3A_485 = arith.constant 16 : i32
          %add3A_486 = vector.broadcast %add3A_485 : i32 to vector<16xi32>
          %add3A_487 = arith.addi %xor3A_43, %add3A_486 : vector<16xi32>
          %select_n3A_488 = arith.select %lt3A_484, %add3A_487, %xor3A_43 : vector<16xi1>, vector<16xi32>
          %broadcast_in_dim3A_489 = vector.shape_cast %select_n3A_488 : vector<16xi32> to vector<16x1xi32>
          %gather3A_490 = vector.shape_cast %broadcast_in_dim3A_489 : vector<16x1xi32> to vector<16xi32>
          %gather3A_491 = tpu.dynamic_gather %add3A_481[%gather3A_490] in [0] : vector<16xf32>, vector<16xi32> -> vector<16xf32>
          %add3A_492 = arith.addf %add3A_481, %gather3A_491 : vector<16xf32>
          %lt3A_493 = arith.constant 0 : i32
          %lt3A_494 = vector.broadcast %lt3A_493 : i32 to vector<16xi32>
          %lt3A_495 = arith.cmpi slt, %xor3A_47, %lt3A_494 : vector<16xi32>
          %add3A_496 = arith.constant 16 : i32
          %add3A_497 = vector.broadcast %add3A_496 : i32 to vector<16xi32>
          %add3A_498 = arith.addi %xor3A_47, %add3A_497 : vector<16xi32>
          %select_n3A_499 = arith.select %lt3A_495, %add3A_498, %xor3A_47 : vector<16xi1>, vector<16xi32>
          %broadcast_in_dim3A_500 = vector.shape_cast %select_n3A_499 : vector<16xi32> to vector<16x1xi32>
          %gather3A_501 = vector.shape_cast %broadcast_in_dim3A_500 : vector<16x1xi32> to vector<16xi32>
          %gather3A_502 = tpu.dynamic_gather %add3A_492[%gather3A_501] in [0] : vector<16xf32>, vector<16xi32> -> vector<16xf32>
          %add3A_503 = arith.addf %add3A_492, %gather3A_502 : vector<16xf32>
          %lt3A_504 = arith.constant 0 : i32
          %lt3A_505 = vector.broadcast %lt3A_504 : i32 to vector<16xi32>
          %lt3A_506 = arith.cmpi slt, %xor3A_51, %lt3A_505 : vector<16xi32>
          %add3A_507 = arith.constant 16 : i32
          %add3A_508 = vector.broadcast %add3A_507 : i32 to vector<16xi32>
          %add3A_509 = arith.addi %xor3A_51, %add3A_508 : vector<16xi32>
          %select_n3A_510 = arith.select %lt3A_506, %add3A_509, %xor3A_51 : vector<16xi1>, vector<16xi32>
          %broadcast_in_dim3A_511 = vector.shape_cast %select_n3A_510 : vector<16xi32> to vector<16x1xi32>
          %gather3A_512 = vector.shape_cast %broadcast_in_dim3A_511 : vector<16x1xi32> to vector<16xi32>
          %gather3A_513 = tpu.dynamic_gather %add3A_503[%gather3A_512] in [0] : vector<16xf32>, vector<16xi32> -> vector<16xf32>
          %add3A_514 = arith.addf %add3A_503, %gather3A_513 : vector<16xf32>
          %exp3A = math.exp %add3A_514 : vector<16xf32>
          %jit3A_515 = arith.constant 0.000000e+00 : f32
          %broadcast_in_dim3A_516 = vector.broadcast %jit3A_515 : f32 to vector<16xf32>
          %select_n3A_517 = arith.select %eq3A_12, %exp3A, %broadcast_in_dim3A_516 : vector<16xi1>, vector<16xf32>
          %add3A_518 = arith.addf %while3A_392, %select_n3A_517 : vector<16xf32>
          %mul3A_519 = arith.mulf %exp3A, %get3A_407 : vector<16xf32>
          %add3A_520 = arith.addf %while3A_393, %mul3A_519 : vector<16xf32>
          %mul3A_521 = arith.mulf %exp3A, %get3A_414 : vector<16xf32>
          %add3A_522 = arith.addf %while3A_394, %mul3A_521 : vector<16xf32>
          %mul3A_523 = arith.mulf %exp3A, %get3A_421 : vector<16xf32>
          %add3A_524 = arith.addf %while3A_395, %mul3A_523 : vector<16xf32>
          %mul3A_525 = arith.mulf %exp3A, %get3A_428 : vector<16xf32>
          %add3A_526 = arith.addf %while3A_396, %mul3A_525 : vector<16xf32>
          %mul3A_527 = arith.mulf %exp3A, %get3A_435 : vector<16xf32>
          %add3A_528 = arith.addf %while3A_397, %mul3A_527 : vector<16xf32>
          %mul3A_529 = arith.mulf %exp3A, %get3A_442 : vector<16xf32>
          %add3A_530 = arith.addf %while3A_398, %mul3A_529 : vector<16xf32>
          %mul3A_531 = arith.mulf %exp3A, %get3A_449 : vector<16xf32>
          %add3A_532 = arith.addf %while3A_399, %mul3A_531 : vector<16xf32>
          %mul3A_533 = arith.mulf %exp3A, %get3A_456 : vector<16xf32>
          %add3A_534 = arith.addf %while3A_400, %mul3A_533 : vector<16xf32>
          scf.yield %add3A_518, %add3A_520, %add3A_522, %add3A_524, %add3A_526, %add3A_528, %add3A_530, %add3A_532, %add3A_534 : vector<16xf32>, vector<16xf32>, vector<16xf32>, vector<16xf32>, vector<16xf32>, vector<16xf32>, vector<16xf32>, vector<16xf32>, vector<16xf32>
        }
        %mul3A_286 = arith.constant 128 : i32
        %mul3A_287 = arith.muli %while3A_258, %mul3A_286 : i32
        %add3A_288 = arith.constant 0 : i32
        %add3A_289 = arith.addi %mul3A_287, %add3A_288 : i32
        %get3A_290 = arith.index_cast %add3A_289 : i32 to index
        %get3A_291 = tpu.vector_load %arg7[%get3A_290] {strides = array<i32>} : memref<40960xf32, #tpu.memory_space<vmem>>, vector<16xf32>,
        %get3A_292 = vector.shape_cast %get3A_291 : vector<16xf32> to vector<16xf32>
        %add3A_293 = arith.addf %get3A_292, %while3A_285#1 : vector<16xf32>
        %add3A_294 = arith.constant 0 : i32
        %add3A_295 = arith.addi %mul3A_287, %add3A_294 : i32
        %swap3A = arith.index_cast %add3A_295 : i32 to index
        %swap3A_296 = tpu.vector_load %arg7[%swap3A] {strides = array<i32>} : memref<40960xf32, #tpu.memory_space<vmem>>, vector<16xf32>,
        %swap3A_297 = vector.shape_cast %swap3A_296 : vector<16xf32> to vector<16xf32>
        %swap3A_298 = vector.shape_cast %add3A_293 : vector<16xf32> to vector<16xf32>
        tpu.vector_store %arg7[%swap3A], %swap3A_298 {strides = array<i32>} : memref<40960xf32, #tpu.memory_space<vmem>>, vector<16xf32>,
        %add3A_299 = arith.constant 16 : i32
        %add3A_300 = arith.addi %mul3A_287, %add3A_299 : i32
        %get3A_301 = arith.index_cast %add3A_300 : i32 to index
        %get3A_302 = tpu.vector_load %arg7[%get3A_301] {strides = array<i32>} : memref<40960xf32, #tpu.memory_space<vmem>>, vector<16xf32>,
        %get3A_303 = vector.shape_cast %get3A_302 : vector<16xf32> to vector<16xf32>
        %add3A_304 = arith.addf %get3A_303, %while3A_285#2 : vector<16xf32>
        %add3A_305 = arith.constant 16 : i32
        %add3A_306 = arith.addi %mul3A_287, %add3A_305 : i32
        %swap3A_307 = arith.index_cast %add3A_306 : i32 to index
        %swap3A_308 = tpu.vector_load %arg7[%swap3A_307] {strides = array<i32>} : memref<40960xf32, #tpu.memory_space<vmem>>, vector<16xf32>,
        %swap3A_309 = vector.shape_cast %swap3A_308 : vector<16xf32> to vector<16xf32>
        %swap3A_310 = vector.shape_cast %add3A_304 : vector<16xf32> to vector<16xf32>
        tpu.vector_store %arg7[%swap3A_307], %swap3A_310 {strides = array<i32>} : memref<40960xf32, #tpu.memory_space<vmem>>, vector<16xf32>,
        %add3A_311 = arith.constant 32 : i32
        %add3A_312 = arith.addi %mul3A_287, %add3A_311 : i32
        %get3A_313 = arith.index_cast %add3A_312 : i32 to index
        %get3A_314 = tpu.vector_load %arg7[%get3A_313] {strides = array<i32>} : memref<40960xf32, #tpu.memory_space<vmem>>, vector<16xf32>,
        %get3A_315 = vector.shape_cast %get3A_314 : vector<16xf32> to vector<16xf32>
        %add3A_316 = arith.addf %get3A_315, %while3A_285#3 : vector<16xf32>
        %add3A_317 = arith.constant 32 : i32
        %add3A_318 = arith.addi %mul3A_287, %add3A_317 : i32
        %swap3A_319 = arith.index_cast %add3A_318 : i32 to index
        %swap3A_320 = tpu.vector_load %arg7[%swap3A_319] {strides = array<i32>} : memref<40960xf32, #tpu.memory_space<vmem>>, vector<16xf32>,
        %swap3A_321 = vector.shape_cast %swap3A_320 : vector<16xf32> to vector<16xf32>
        %swap3A_322 = vector.shape_cast %add3A_316 : vector<16xf32> to vector<16xf32>
        tpu.vector_store %arg7[%swap3A_319], %swap3A_322 {strides = array<i32>} : memref<40960xf32, #tpu.memory_space<vmem>>, vector<16xf32>,
        %add3A_323 = arith.constant 48 : i32
        %add3A_324 = arith.addi %mul3A_287, %add3A_323 : i32
        %get3A_325 = arith.index_cast %add3A_324 : i32 to index
        %get3A_326 = tpu.vector_load %arg7[%get3A_325] {strides = array<i32>} : memref<40960xf32, #tpu.memory_space<vmem>>, vector<16xf32>,
        %get3A_327 = vector.shape_cast %get3A_326 : vector<16xf32> to vector<16xf32>
        %add3A_328 = arith.addf %get3A_327, %while3A_285#4 : vector<16xf32>
        %add3A_329 = arith.constant 48 : i32
        %add3A_330 = arith.addi %mul3A_287, %add3A_329 : i32
        %swap3A_331 = arith.index_cast %add3A_330 : i32 to index
        %swap3A_332 = tpu.vector_load %arg7[%swap3A_331] {strides = array<i32>} : memref<40960xf32, #tpu.memory_space<vmem>>, vector<16xf32>,
        %swap3A_333 = vector.shape_cast %swap3A_332 : vector<16xf32> to vector<16xf32>
        %swap3A_334 = vector.shape_cast %add3A_328 : vector<16xf32> to vector<16xf32>
        tpu.vector_store %arg7[%swap3A_331], %swap3A_334 {strides = array<i32>} : memref<40960xf32, #tpu.memory_space<vmem>>, vector<16xf32>,
        %add3A_335 = arith.constant 64 : i32
        %add3A_336 = arith.addi %mul3A_287, %add3A_335 : i32
        %get3A_337 = arith.index_cast %add3A_336 : i32 to index
        %get3A_338 = tpu.vector_load %arg7[%get3A_337] {strides = array<i32>} : memref<40960xf32, #tpu.memory_space<vmem>>, vector<16xf32>,
        %get3A_339 = vector.shape_cast %get3A_338 : vector<16xf32> to vector<16xf32>
        %add3A_340 = arith.addf %get3A_339, %while3A_285#5 : vector<16xf32>
        %add3A_341 = arith.constant 64 : i32
        %add3A_342 = arith.addi %mul3A_287, %add3A_341 : i32
        %swap3A_343 = arith.index_cast %add3A_342 : i32 to index
        %swap3A_344 = tpu.vector_load %arg7[%swap3A_343] {strides = array<i32>} : memref<40960xf32, #tpu.memory_space<vmem>>, vector<16xf32>,
        %swap3A_345 = vector.shape_cast %swap3A_344 : vector<16xf32> to vector<16xf32>
        %swap3A_346 = vector.shape_cast %add3A_340 : vector<16xf32> to vector<16xf32>
        tpu.vector_store %arg7[%swap3A_343], %swap3A_346 {strides = array<i32>} : memref<40960xf32, #tpu.memory_space<vmem>>, vector<16xf32>,
        %add3A_347 = arith.constant 80 : i32
        %add3A_348 = arith.addi %mul3A_287, %add3A_347 : i32
        %get3A_349 = arith.index_cast %add3A_348 : i32 to index
        %get3A_350 = tpu.vector_load %arg7[%get3A_349] {strides = array<i32>} : memref<40960xf32, #tpu.memory_space<vmem>>, vector<16xf32>,
        %get3A_351 = vector.shape_cast %get3A_350 : vector<16xf32> to vector<16xf32>
        %add3A_352 = arith.addf %get3A_351, %while3A_285#6 : vector<16xf32>
        %add3A_353 = arith.constant 80 : i32
        %add3A_354 = arith.addi %mul3A_287, %add3A_353 : i32
        %swap3A_355 = arith.index_cast %add3A_354 : i32 to index
        %swap3A_356 = tpu.vector_load %arg7[%swap3A_355] {strides = array<i32>} : memref<40960xf32, #tpu.memory_space<vmem>>, vector<16xf32>,
        %swap3A_357 = vector.shape_cast %swap3A_356 : vector<16xf32> to vector<16xf32>
        %swap3A_358 = vector.shape_cast %add3A_352 : vector<16xf32> to vector<16xf32>
        tpu.vector_store %arg7[%swap3A_355], %swap3A_358 {strides = array<i32>} : memref<40960xf32, #tpu.memory_space<vmem>>, vector<16xf32>,
        %add3A_359 = arith.constant 96 : i32
        %add3A_360 = arith.addi %mul3A_287, %add3A_359 : i32
        %get3A_361 = arith.index_cast %add3A_360 : i32 to index
        %get3A_362 = tpu.vector_load %arg7[%get3A_361] {strides = array<i32>} : memref<40960xf32, #tpu.memory_space<vmem>>, vector<16xf32>,
        %get3A_363 = vector.shape_cast %get3A_362 : vector<16xf32> to vector<16xf32>
        %add3A_364 = arith.addf %get3A_363, %while3A_285#7 : vector<16xf32>
        %add3A_365 = arith.constant 96 : i32
        %add3A_366 = arith.addi %mul3A_287, %add3A_365 : i32
        %swap3A_367 = arith.index_cast %add3A_366 : i32 to index
        %swap3A_368 = tpu.vector_load %arg7[%swap3A_367] {strides = array<i32>} : memref<40960xf32, #tpu.memory_space<vmem>>, vector<16xf32>,
        %swap3A_369 = vector.shape_cast %swap3A_368 : vector<16xf32> to vector<16xf32>
        %swap3A_370 = vector.shape_cast %add3A_364 : vector<16xf32> to vector<16xf32>
        tpu.vector_store %arg7[%swap3A_367], %swap3A_370 {strides = array<i32>} : memref<40960xf32, #tpu.memory_space<vmem>>, vector<16xf32>,
        %add3A_371 = arith.constant 112 : i32
        %add3A_372 = arith.addi %mul3A_287, %add3A_371 : i32
        %get3A_373 = arith.index_cast %add3A_372 : i32 to index
        %get3A_374 = tpu.vector_load %arg7[%get3A_373] {strides = array<i32>} : memref<40960xf32, #tpu.memory_space<vmem>>, vector<16xf32>,
        %get3A_375 = vector.shape_cast %get3A_374 : vector<16xf32> to vector<16xf32>
        %add3A_376 = arith.addf %get3A_375, %while3A_285#8 : vector<16xf32>
        %add3A_377 = arith.constant 112 : i32
        %add3A_378 = arith.addi %mul3A_287, %add3A_377 : i32
        %swap3A_379 = arith.index_cast %add3A_378 : i32 to index
        %swap3A_380 = tpu.vector_load %arg7[%swap3A_379] {strides = array<i32>} : memref<40960xf32, #tpu.memory_space<vmem>>, vector<16xf32>,
        %swap3A_381 = vector.shape_cast %swap3A_380 : vector<16xf32> to vector<16xf32>
        %swap3A_382 = vector.shape_cast %add3A_376 : vector<16xf32> to vector<16xf32>
        tpu.vector_store %arg7[%swap3A_379], %swap3A_382 {strides = array<i32>} : memref<40960xf32, #tpu.memory_space<vmem>>, vector<16xf32>,
        %get3A_383 = arith.index_cast %while3A_258 : i32 to index
        %get3A_384 = tpu.vector_load %arg8[%get3A_383] {strides = array<i32>} : memref<336xf32, #tpu.memory_space<vmem>>, vector<16xf32>,
        %get3A_385 = vector.shape_cast %get3A_384 : vector<16xf32> to vector<16xf32>
        %add3A_386 = arith.addf %get3A_385, %while3A_285#0 : vector<16xf32>
        %swap3A_387 = arith.index_cast %while3A_258 : i32 to index
        %swap3A_388 = tpu.vector_load %arg8[%swap3A_387] {strides = array<i32>} : memref<336xf32, #tpu.memory_space<vmem>>, vector<16xf32>,
        %swap3A_389 = vector.shape_cast %swap3A_388 : vector<16xf32> to vector<16xf32>
        %swap3A_390 = vector.shape_cast %add3A_386 : vector<16xf32> to vector<16xf32>
        tpu.vector_store %arg8[%swap3A_387], %swap3A_390 {strides = array<i32>} : memref<336xf32, #tpu.memory_space<vmem>>, vector<16xf32>,
      }
      %max3A_257 = arith.maxsi %max3A_202, %sub3A_244 : i32
      scf.yield %max3A_257 : i32
    }
    %mul3A_146 = arith.constant 128 : i32
    %mul3A_147 = arith.muli %mul3A_2, %mul3A_146 : i32
    "tpu.region"() ({
      %run_scoped3A = tpu.sem_alloc : memref<!tpu.dma_semaphore, #tpu.memory_space<semaphore_mem>>
      %dma_start3A = tpu.memref_slice %arg5[%mul3A_147] : memref<1310720xf32, #tpu.memory_space<hbm>> -> memref<40960xf32, #tpu.memory_space<hbm>>
      %dma_start3A_148 = tpu.memref_slice %arg5[%mul3A_147] : memref<1310720xf32, #tpu.memory_space<hbm>> -> memref<40960xf32, #tpu.memory_space<hbm>>
      tpu.enqueue_dma source(%arg7 : memref<40960xf32, #tpu.memory_space<vmem>>) target(%dma_start3A_148 : memref<40960xf32, #tpu.memory_space<hbm>>) target_semaphore(%run_scoped3A : memref<!tpu.dma_semaphore, #tpu.memory_space<semaphore_mem>>)
      %dma_wait3A = tpu.memref_slice %arg5[%mul3A_147] : memref<1310720xf32, #tpu.memory_space<hbm>> -> memref<40960xf32, #tpu.memory_space<hbm>>
      %dma_wait3A_149 = tpu.memref_slice %arg5[%mul3A_147] : memref<1310720xf32, #tpu.memory_space<hbm>> -> memref<40960xf32, #tpu.memory_space<hbm>>
      tpu.wait_dma2 semaphore(%run_scoped3A : memref<!tpu.dma_semaphore, #tpu.memory_space<semaphore_mem>>) src(%arg7 : memref<40960xf32, #tpu.memory_space<vmem>>) dst(%dma_wait3A_149 : memref<40960xf32, #tpu.memory_space<hbm>>)
      tpu.yield
    }) : () -> ()
    "tpu.region"() ({
      %run_scoped3A = tpu.sem_alloc : memref<!tpu.dma_semaphore, #tpu.memory_space<semaphore_mem>>
      %dma_start3A = arith.constant 0 : i32
      %dma_start3A_148 = tpu.memref_slice %arg8[%dma_start3A] : memref<336xf32, #tpu.memory_space<vmem>> -> memref<320xf32, #tpu.memory_space<vmem>>
      %dma_start3A_149 = tpu.memref_slice %arg6[%mul3A_2] : memref<10240xf32, #tpu.memory_space<hbm>> -> memref<320xf32, #tpu.memory_space<hbm>>
      %dma_start3A_150 = tpu.memref_slice %arg6[%mul3A_2] : memref<10240xf32, #tpu.memory_space<hbm>> -> memref<320xf32, #tpu.memory_space<hbm>>
      %dma_start3A_151 = arith.constant 0 : i32
      %dma_start3A_152 = tpu.memref_slice %arg8[%dma_start3A_151] : memref<336xf32, #tpu.memory_space<vmem>> -> memref<320xf32, #tpu.memory_space<vmem>>
      tpu.enqueue_dma source(%dma_start3A_152 : memref<320xf32, #tpu.memory_space<vmem>>) target(%dma_start3A_150 : memref<320xf32, #tpu.memory_space<hbm>>) target_semaphore(%run_scoped3A : memref<!tpu.dma_semaphore, #tpu.memory_space<semaphore_mem>>)
      %dma_wait3A = arith.constant 0 : i32
      %dma_wait3A_153 = tpu.memref_slice %arg8[%dma_wait3A] : memref<336xf32, #tpu.memory_space<vmem>> -> memref<320xf32, #tpu.memory_space<vmem>>
      %dma_wait3A_154 = tpu.memref_slice %arg6[%mul3A_2] : memref<10240xf32, #tpu.memory_space<hbm>> -> memref<320xf32, #tpu.memory_space<hbm>>
      %dma_wait3A_155 = tpu.memref_slice %arg6[%mul3A_2] : memref<10240xf32, #tpu.memory_space<hbm>> -> memref<320xf32, #tpu.memory_space<hbm>>
      %dma_wait3A_156 = arith.constant 0 : i32
      %dma_wait3A_157 = tpu.memref_slice %arg8[%dma_wait3A_156] : memref<336xf32, #tpu.memory_space<vmem>> -> memref<320xf32, #tpu.memory_space<vmem>>
      tpu.wait_dma2 semaphore(%run_scoped3A : memref<!tpu.dma_semaphore, #tpu.memory_space<semaphore_mem>>) src(%dma_wait3A_157 : memref<320xf32, #tpu.memory_space<vmem>>) dst(%dma_wait3A_155 : memref<320xf32, #tpu.memory_space<hbm>>)
      tpu.yield
    }) : () -> ()
    return
  }
}

module attributes {stable_mosaic.version = 14 : i64} {
  func.func @body(%arg0: i32, %arg1: memref<1280x128xf32, #tpu.memory_space<vmem>>, %arg2: memref<1280x1xf32, #tpu.memory_space<vmem>>, %arg3: memref<128x128xf32, #tpu.memory_space<vmem>>, %arg4: memref<1x128xf32, #tpu.memory_space<vmem>>, %arg5: memref<1280x128xf32, #tpu.memory_space<vmem>>) attributes {dimension_semantics = [#tpu.dimension_semantics<arbitrary>], iteration_bounds = array<i64: 8>, scalar_prefetch = 0 : i64, scratch_operands = 0 : i64, tpu.core_type = #tpu.core_type<tc>, window_params = [{transform_indices = @transform_0, window_bounds = array<i64: 1280, 128>}, {transform_indices = @transform_1, window_bounds = array<i64: 1280, 1>}, {pipeline_mode = #tpu.pipeline_mode<synchronous>, transform_indices = @transform_2, window_bounds = array<i64: 128, 128>}, {pipeline_mode = #tpu.pipeline_mode<synchronous>, transform_indices = @transform_3, window_bounds = array<i64: 1, 128>}, {transform_indices = @transform_4, window_bounds = array<i64: 1280, 128>}]} {
    %get3A = arith.constant 0 : index
    %get3A_0 = arith.constant 0 : index
    %get3A_1 = vector.load %arg2[%get3A, %get3A_0] : memref<1280x1xf32, #tpu.memory_space<vmem>>, vector<1280x1xf32>
    %gt3A = arith.constant 0.000000e+00 : f32
    %gt3A_2 = vector.broadcast %gt3A : f32 to vector<1280x1xf32>
    %gt3A_3 = arith.cmpf ogt, %get3A_1, %gt3A_2 : vector<1280x1xf32>
    %jit3A = arith.constant 1.000000e+00 : f32
    %broadcast_in_dim3A = vector.broadcast %jit3A : f32 to vector<1280x1xf32>
    %select_n3A = arith.select %gt3A_3, %get3A_1, %broadcast_in_dim3A : vector<1280x1xi1>, vector<1280x1xf32>
    %div3A = arith.constant 1.000000e+00 : f32
    %div3A_4 = vector.broadcast %div3A : f32 to vector<1280x1xf32>
    %div3A_5 = arith.divf %div3A_4, %select_n3A : vector<1280x1xf32>
    %jit3A_6 = arith.constant 0.000000e+00 : f32
    %broadcast_in_dim3A_7 = vector.broadcast %jit3A_6 : f32 to vector<1280x1xf32>
    %select_n3A_8 = arith.select %gt3A_3, %div3A_5, %broadcast_in_dim3A_7 : vector<1280x1xi1>, vector<1280x1xf32>
    %get3A_9 = arith.constant 0 : index
    %get3A_10 = arith.constant 0 : index
    %get3A_11 = vector.load %arg1[%get3A_9, %get3A_10] : memref<1280x128xf32, #tpu.memory_space<vmem>>, vector<1280x128xf32>
    %mul3A = vector.broadcast %select_n3A_8 : vector<1280x1xf32> to vector<1280x128xf32>
    %mul3A_12 = arith.mulf %get3A_11, %mul3A : vector<1280x128xf32>
    %get3A_13 = arith.constant 0 : index
    %get3A_14 = arith.constant 0 : index
    %get3A_15 = vector.load %arg3[%get3A_13, %get3A_14] : memref<128x128xf32, #tpu.memory_space<vmem>>, vector<128x128xf32>
    %dot_general3A = arith.constant dense<0.000000e+00> : vector<1280x128xf32>
    %dot_general3A_16 = tpu.matmul %mul3A_12, %get3A_15, %dot_general3A {dimension_numbers = #tpu.dot_dimension_numbers<[1], [0], [0], [1], [0, 0, 1, 1], [], []>, transpose_lhs_hint = false} : vector<1280x128xf32>, vector<128x128xf32>, vector<1280x128xf32> -> vector<1280x128xf32>
    %get3A_17 = arith.constant 0 : index
    %get3A_18 = arith.constant 0 : index
    %get3A_19 = vector.load %arg4[%get3A_17, %get3A_18] : memref<1x128xf32, #tpu.memory_space<vmem>>, vector<1x128xf32>
    %jit3A_20 = arith.constant 0.000000e+00 : f32
    %broadcast_in_dim3A_21 = vector.shape_cast %gt3A_3 : vector<1280x1xi1> to vector<1280x1xi1>
    %broadcast_in_dim3A_22 = vector.broadcast %broadcast_in_dim3A_21 : vector<1280x1xi1> to vector<1280x128xi1>
    %broadcast_in_dim3A_23 = vector.shape_cast %get3A_19 : vector<1x128xf32> to vector<1x128xf32>
    %broadcast_in_dim3A_24 = vector.broadcast %broadcast_in_dim3A_23 : vector<1x128xf32> to vector<1280x128xf32>
    %broadcast_in_dim3A_25 = vector.broadcast %jit3A_20 : f32 to vector<1280x128xf32>
    %select_n3A_26 = arith.select %broadcast_in_dim3A_22, %broadcast_in_dim3A_24, %broadcast_in_dim3A_25 : vector<1280x128xi1>, vector<1280x128xf32>
    %add3A = arith.addf %dot_general3A_16, %select_n3A_26 : vector<1280x128xf32>
    %swap3A = arith.constant 0 : index
    %swap3A_27 = arith.constant 0 : index
    %swap3A_28 = vector.load %arg5[%swap3A, %swap3A_27] : memref<1280x128xf32, #tpu.memory_space<vmem>>, vector<1280x128xf32>
    tpu.vector_store %arg5[%swap3A, %swap3A_27], %add3A {strides = array<i32>} : memref<1280x128xf32, #tpu.memory_space<vmem>>, vector<1280x128xf32>,
    return
  }
  func.func @transform_0(%arg0: i32) -> (i32, i32) {
    %c0_i32 = arith.constant 0 : i32
    %c0_i32_0 = arith.constant 0 : i32
    return %arg0, %c0_i32 : i32, i32
  }
  func.func @transform_1(%arg0: i32) -> (i32, i32) {
    %c0_i32 = arith.constant 0 : i32
    %c0_i32_0 = arith.constant 0 : i32
    return %arg0, %c0_i32 : i32, i32
  }
  func.func @transform_2(%arg0: i32) -> (i32, i32) {
    %c0_i32 = arith.constant 0 : i32
    %c0_i32_0 = arith.constant 0 : i32
    %c0_i32_1 = arith.constant 0 : i32
    return %c0_i32, %c0_i32_0 : i32, i32
  }
  func.func @transform_3(%arg0: i32) -> (i32, i32) {
    %c0_i32 = arith.constant 0 : i32
    %c0_i32_0 = arith.constant 0 : i32
    %c0_i32_1 = arith.constant 0 : i32
    return %c0_i32, %c0_i32_0 : i32, i32
  }
  func.func @transform_4(%arg0: i32) -> (i32, i32) {
    %c0_i32 = arith.constant 0 : i32
    %c0_i32_0 = arith.constant 0 : i32
    return %arg0, %c0_i32 : i32, i32
  }
}

</mosaic_0001>

<sc_bundles>
// kernel: kernel.4.cloned.1.call-start
scs
__scs_entry_jumppad:
0x0: {  	(pc) =	sbr.rel $0x88, $3  }
0x1: {  	(tag) =	ssettag $0x0;
	lr =	simm.s32 $0x1  }
0x2: {  	[smem:$0x3F9C] =	sst lr;
	_ =	strace $0xD0000000  }
0x3: {  	_ = 	snop  }
0x4: {  	_ = 	snop  }
0x5: {  	_ = 	snop  }
0x6: {  	_ = 	snop  }
0x7: {  	_ = 	snop  }
__scs_overlays_trampoline_lowered:
0x8: {  	[smem:$0x3FAB] =	sst s0  }
0x9: {  	[smem:$0x3FAC] =	sst s1  }
0xa: {  	[smem:$0x3FAD] =	sst s2  }
0xb: {  	[smem:$0x3FAE] =	sst s3  }
0xc: {  	[smem:$0x3FAF] =	sst s4  }
0xd: {  	[smem:$0x3FB0] =	sst s5  }
0xe: {  	[smem:$0x3FB1] =	sst s6  }
0xf: {  	[smem:$0x3FB2] =	sst s7  }
0x10: {  	[smem:$0x3FB3] =	sst s8  }
0x11: {  	[smem:$0x3FB4] =	sst s9;
	s0 =	simm.s32 @!p0 $0x0  }
0x12: {  	s1 =	sld [smem:$0x3F9A];
	s0 =	simm.s32 @p0 $0x1  }
0x13: {  	[smem:$0x3FB5] =	sst s0;
	s0 =	simm.s32 @!p1 $0x0  }
0x14: {  	s2 =	sld [smem:$0x3F99];
	s0 =	simm.s32 @p1 $0x1  }
0x15: {  	[smem:$0x3FB6] =	sst s0;
	s0 =	simm.s32 @!p2 $0x0  }
0x16: {  	s3 =	sld [smem:$0x3FDB];
	s0 =	simm.s32 @p2 $0x1  }
0x17: {  	s4 =	simm.s32 $0x1BF5;
	[smem:$0x3FB8] =	sst s0  }
0x18: {  	s0 =	sld [smem:$0x3F9B];
	_ =	swait.ge [sflag:s4], $0x0  }
0x19: {  	s7 =	sld [smem:$0x3F9C]  }
0x1a: {  	s8 =	sadd.s32 $0xFFFFE003, lr  }
0x1b: {  	s9 =	sadd.s32 $0xFFFFFEF7, lr;
	s5 =	simm.s32 $0xFFFFFFFF;
	p2 =	slt.u32 s8, $0xFFFFF086  }
0x1c: {  	p1 =	slt.u32 s9, $0xF7A;
	s5 =	simm.s32 @!p2 $0x0  }
0x1d: {  	s5 =	simm.s32 @p1 $0x1;
	p0 =	seq.s32 s7, s2  }
0x1e: {  	s7 =	smul.u32 @!p0 $0xF7A, s2;
	p2 =	seq.s32 @!p0 s5, $0x0  }
0x1f: {  	s9 =	smul.u32 $0xF7A, s1;
	s8 =	simm.s32 @!p0 $0x1BF5;
	p2 =	por !p2, p0  }
0x20: {  	[sflag:s8] =	ssyncset.s32 @!p0 $0xFFFFF086;
	s6 =	sadd.s32 @!p0 s3, s7;
	s7 =	simm.s32 @!p0 $0x108  }
0x21: {  	s3 =	sadd.s32 s3, s9;
	s6 =	sadd.s32 @!p0 $0x88, s6;
	s7 =	simm.s32 @p2 $0x1082  }
0x22: {  	[simem:s7], [sflag:s8] =	dma.local @!p0 [hbm:s6], $0xF7A  }
0x23: {  	s9 =	sor.u32 $0xD0000000, s2;
	s6 =	simm.s32 $0x108;
	_ =	swait.ge @!p0 [sflag:s8], $0x0  }
0x24: {  	s3 =	sadd.s32 $0x88, s3;
	s6 =	simm.s32 @!p1 $0x1082;
	[sflag:s4] =	ssyncset.s32 $0xFFFFF086  }
0x25: {  	[simem:s6], [sflag:s4] =	dma.local [hbm:s3], $0xF7A  }
0x26: {  	[smem:$0x3F9C] =	sst s1;
	(tag) =	ssettag s2;
	_ =	strace s9  }
0x27: {  	s1 =	sld [smem:$0x3FAC]  }
0x28: {  	s2 =	sld [smem:$0x3FAD]  }
0x29: {  	s4 =	sld [smem:$0x3FAF]  }
0x2a: {  	p0 =	seq.s32 s5, $0x0;
	s5 =	sld [smem:$0x3FB0]  }
0x2b: {  	s6 =	sld [smem:$0x3FB1]  }
0x2c: {  	s7 =	sld [smem:$0x3FB2]  }
0x2d: {  	s3 =	simm.s32 $0x108;
	s8 =	sld [smem:$0x3FB3]  }
0x2e: {  	s3 =	simm.s32 @!p0 $0x1082;
	s9 =	sld [smem:$0x3FB4]  }
0x2f: {  	lr =	sadd.s32 s0, s3;
	s0 =	sld [smem:$0x3FAB]  }
0x30: {  	s3 =	sld [smem:$0x3FAE]  }
0x31: {  	[smem:$0x3FB7] =	sst s10  }
0x32: {  	s10 =	sld [smem:$0x3FB5];
	_ =	sdelay $0x3  }
0x33: {  	p0 =	seq.s32 s10, $0x1;
	s10 =	sld [smem:$0x3FB7];
	_ =	sdelay $0x3  }
0x34: {  	[smem:$0x3FB7] =	sst s10  }
0x35: {  	s10 =	sld [smem:$0x3FB6];
	_ =	sdelay $0x3  }
0x36: {  	p1 =	seq.s32 s10, $0x1;
	s10 =	sld [smem:$0x3FB7];
	_ =	sdelay $0x3  }
0x37: {  	[smem:$0x3FB7] =	sst s10  }
0x38: {  	s10 =	sld [smem:$0x3FB8]  }
0x39: {  	_ = 	snop;
	(pc) =	sbr.ind lr, $3  }
0x3a: {  	_ = 	snop  }
0x3b: {  	_ = 	snop  }
0x3c: {  	p2 =	seq.s32 s10, $0x1;
	s10 =	sld [smem:$0x3FB7]  }
0x3d: {  	_ =	shalt  }
0x3e: {  	_ =	shalt  }
0x3f: {  	_ =	shalt  }
0x40: {  	_ =	shalt  }
0x41: {  	_ =	shalt  }
0x42: {  	_ =	shalt  }
0x43: {  	_ =	shalt  }
0x44: {  	_ =	shalt  }
0x45: {  	_ =	shalt  }
0x46: {  	_ =	shalt  }
0x47: {  	_ =	shalt  }
0x48: {  	_ =	shalt  }
0x49: {  	_ =	shalt  }
0x4a: {  	_ =	shalt  }
0x4b: {  	_ =	shalt  }
0x4c: {  	_ =	shalt  }
0x4d: {  	_ =	shalt  }
0x4e: {  	_ =	shalt  }
0x4f: {  	_ =	shalt  }
0x50: {  	_ =	shalt  }
0x51: {  	_ =	shalt  }
0x52: {  	_ =	shalt  }
0x53: {  	_ =	shalt  }
0x54: {  	_ =	shalt  }
0x55: {  	_ =	shalt  }
0x56: {  	_ =	shalt  }
0x57: {  	_ =	shalt  }
0x58: {  	_ =	shalt  }
0x59: {  	_ =	shalt  }
0x5a: {  	_ =	shalt  }
0x5b: {  	_ =	shalt  }
0x5c: {  	_ =	shalt  }
0x5d: {  	_ =	shalt  }
0x5e: {  	_ =	shalt  }
0x5f: {  	_ =	shalt  }
0x60: {  	_ =	shalt  }
0x61: {  	_ =	shalt  }
0x62: {  	_ =	shalt  }
0x63: {  	_ =	shalt  }
0x64: {  	_ =	shalt  }
0x65: {  	_ =	shalt  }
0x66: {  	_ =	shalt  }
0x67: {  	_ =	shalt  }
0x68: {  	_ =	shalt  }
0x69: {  	_ =	shalt  }
0x6a: {  	_ =	shalt  }
0x6b: {  	_ =	shalt  }
0x6c: {  	_ =	shalt  }
0x6d: {  	_ =	shalt  }
0x6e: {  	_ =	shalt  }
0x6f: {  	_ =	shalt  }
0x70: {  	_ =	shalt  }
0x71: {  	_ =	shalt  }
0x72: {  	_ =	shalt  }
0x73: {  	_ =	shalt  }
0x74: {  	_ =	shalt  }
0x75: {  	_ =	shalt  }
0x76: {  	_ =	shalt  }
0x77: {  	_ =	shalt  }
0x78: {  	_ =	shalt  }
0x79: {  	_ =	shalt  }
0x7a: {  	_ =	shalt  }
0x7b: {  	_ =	shalt  }
0x7c: {  	_ =	shalt  }
0x7d: {  	_ =	shalt  }
0x7e: {  	_ =	shalt  }
0x7f: {  	_ =	shalt  }
0x80: {  	_ =	shalt  }
0x81: {  	_ =	shalt  }
0x82: {  	_ =	shalt  }
0x83: {  	_ =	shalt  }
0x84: {  	_ =	shalt  }
0x85: {  	_ =	shalt  }
0x86: {  	_ =	shalt  }
0x87: {  	_ =	shalt  }
.Lfunc_end0:
.L_simem_size_0:
called_computation_lowered:
.L_overlay_start_0:
0x88: {  	s2 =	sld [smem:$0x3FD9]  }
0x89: {  	s3 =	sld [smem:$0x3FFE];
	_ =	sdelay $0x1  }
0x8a: {  	s1 =	srdreg.scid  }
0x8b: {  	s0 =	sand.u32 $0x1, s1  }
0x8c: {  	s17 =	sshll.u32 s0, $0xA;
	s2 =	sadd.s32 s3, s2  }
0x8d: {  	s2 =	sadd.s32 s2, s17  }
0x8e: {  	[smem:$0x3FC3] =	sst s2  }
0x8f: {  	_ = 	snop  }
0x90: {  	s2 =	sld [smem:$0x3FC9]  }
0x91: {  	s18 =	sld [smem:$0x3FC5]  }
0x92: {  	s4 =	sld [smem:$0x3FD0];
	(tm) =	ssettm $0x1  }
0x93: {  	s5 =	sld [smem:$0x3FFB];
	_ =	sdelay $0x3  }
0x94: {  	_ =	strace s5  }
0x95: {  	s5 =	sld [smem:$0x3FFC];
	_ =	sdelay $0x3  }
0x96: {  	_ =	strace s5  }
0x97: {  	s5 =	sld [smem:$0x3FFD];
	_ =	sdelay $0x3  }
0x98: {  	_ =	strace s5  }
0x99: {  	_ =	strace $0x8FFFFFFF  }
0x9a: {  	s19 =	sld [smem:$0x3FDB];
	_ =	sdelay $0x1  }
0x9b: {  	s6 =	simm.s32 $_scs_section_size  }
0x9c: {  	s7 =	simm.s32 $_size__tile_overlayer_lowered;
	s8 =	simm.s32 $_tile_overlayer_lowered  }
0x9d: {  	s22 =	simm.s32 $0x1BFF;
	s21 =	sshll.u32 s8, $0x1;
	s5 =	sadd.s32 s6, s19  }
0x9e: {  	s9 =	simm.s32 $0x0;
	s20 =	sshll.u32 s7, $0x1;
	s7 =	sadd.s32 s21, s5  }
0x9f: {  	[timem:s9], [sflag:s22] =	dma.local [hbm:s7], s20  }
0xa0: {  	_ =	swait.ge [sflag:s22], s20  }
0xa1: {  	s6 =	ssub.s32 $0x0, s20;
	[sflag:s22] =	ssyncset.done $0x0  }
0xa2: {  	[sflag:s22] =	ssyncadd.s32 s6;
	_ =	sdelay $0x1  }
0xa3: {  	s23 =	simm.s32 $0x1B8B  }
0xa4: {  	_ =	swait.ge [sflag:s23], $0x1  }
0xa5: {  	[sflag:s23] =	ssyncset.done $0x0  }
0xa6: {  	s25 =	simm.s32 $0x1B8E;
	s24 =	sld [smem:$0x3FFE];
	[sflag:s23] =	ssyncadd.s32 $0xFFFFFFFF  }
0xa7: {  	s26 =	simm.s32 $execute0_lowered;
	[smem:$0x3FD2] =	sst s25  }
0xa8: {  	s7 =	sshll.u32 s26, $0x1;
	_ =	strace $0x80000046;
	[dreg:$0x1] =	wrdreg $0xFFFFFFFF  }
0xa9: {  	s28 =	simm.s32 $_size_execute0_lowered;
	s5 =	sadd.s32 s5, s7;
	[dreg:$0x0] =	wrdreg $0x0  }
0xaa: {  	s7 =	sshll.u32 s28, $0x1;
	[dreg:$0x2] =	wrdreg s5  }
0xab: {  	[dreg:$0x3] =	wrdreg s7  }
0xac: {  	[dreg:$0x4] =	wrdreg $0xC0  }
0xad: {  	_ =	task [dreg:s9], $0x5FFFF  }
0xae: {  	[dreg:$0x1] =	wrdreg $0xFFFFFFFF  }
0xaf: {  	[dreg:$0x0] =	wrdreg $0x60  }
0xb0: {  	[dreg:$0x2] =	wrdreg s2  }
0xb1: {  	[dreg:$0x3] =	wrdreg s18  }
0xb2: {  	[dreg:$0x4] =	wrdreg s4  }
0xb3: {  	[dreg:$0x5] =	wrdreg s24  }
0xb4: {  	[dreg:$0x6] =	wrdreg $0x9  }
0xb5: {  	_ =	task.clear_ibuf [dreg:s9], $0x7FFFF;
	_ =	strace $0x90000046  }
0xb6: {  	s29 =	simm.s32 $0x9;
	_ =	strace $0x80000048  }
0xb7: {  	_ =	swait.ge [sflag:s29], $0x1  }
0xb8: {  	[sflag:s29] =	ssyncadd.s32 $0xFFFFFFFF  }
0xb9: {  	_ =	strace $0x90000048  }
0xba: {  	_ =	sfence  }
0xbb: {  	s30 =	sld [smem:$0x0];
	_ =	sdelay $0x2  }
0xbc: {  	s31 =	sshll.u32 s1, $0xD;
	s1 =	sshrl.u32 s1, $0x2  }
0xbd: {  	s3 =	sand.u32 $0x4000, s31;
	s1 =	sadd.s32 s1, s30  }
0xbe: {  	s0 =	sor.u32 s3, s0;
	s1 =	sshll.u32 s1, $0x11  }
0xbf: {  	s0 =	sor.u32 s1, s0  }
0xc0: {  	s0 =	sadd.s32 $0x8F2B, s0  }
0xc1: {  	[sflag:s0] =	ssyncadd.remote.s32 $0x1  }
0xc2: {  	_ =	sfence.sel $0xFFFF  }
0xc3: {  	[dreg:$0x0] =	wrdreg $0xFFFFFFFF;
	(pc) =	sbr.abs _section_cstart, $3  }
0xc4: {  	[dreg:$0x1] =	wrdreg $0xFFFFFFFF  }
0xc5: {  	_ =	task.clear_ibuf [dreg:s9], $0x2FFFF;
	_ =	strace $0x9FFFFFFF  }
0xc6: {  	(tm) =	ssettm $0x7FFFFFFF  }
0xc7: {  	_ =	shalt  }
tec
execute0_lowered:
.L_overlay_start_1:
0x0: {  	(tag) =	ssettag $0x1  }
0x1: {  	v0 =	vimm.s32 $0xEFCDAB89;
	s0 =	rddreg [dreg:$0x0];
	v1 =	vimm.s32 $0x67452301  }
0x2: {  	s2 =	rddreg [dreg:$0x1];
	s1 =	srdreg.scid;
	v2 =	vimm.s32 $0xDCFE98BA;
	v3 =	vimm.s32 $0x54761032;
	v4 =	vimm.s32 $0xBA98FEDC  }
0x3: {  	s4 =	stileid.u32;
	s3 =	rddreg [dreg:$0x2];
	v5 =	vimm.s32 $0x32107654;
	v6 =	vimm.s32 $0xFEDCBA98;
	v7 =	vimm.s32 $0x76543210  }
0x4: {  	s5 =	rddreg [dreg:$0x3];
	v0 =	vunpack.c.l.s4.s8 v0;
	v1 =	vunpack.c.l.s4.s8 v1;
	s1 =	sand.u32 $0x1, s1;
	s4 =	sshll.u32 s4, $0x1;
	v2 =	vunpack.c.l.s4.s8 v2  }
0x5: {  	s10 =	simm.s32 $0x3;
	s11 =	simm.s32 $0xA300;
	v3 =	vunpack.c.l.s4.s8 v3;
	v4 =	vunpack.c.l.s4.s8 v4;
	v5 =	vunpack.c.l.s4.s8 v5;
	s6 =	sor.u32 s1, s4  }
0x6: {  	s12 =	simm.s32 $0xA000;
	s13 =	simm.s32 $0x0;
	v6 =	vunpack.c.l.s4.s8 v6;
	v7 =	vunpack.c.l.s4.s8 v7;
	v0 =	vunpack.c.0.s8.s32 v0;
	s7 =	smul.u32 $0x1400, s6  }
.Ltmp0:
0x7: {  	s4 =	simm.s32 $0x0;
	s1 =	ssub.s32 $0x2, s1;
	v1 =	vunpack.c.0.s8.s32 v1;
	v2 =	vunpack.c.0.s8.s32 v2;
	v3 =	vunpack.c.0.s8.s32 v3;
	(pc) =	sbr.rel .LBB2_1-.Ltmp0, $4  }
0x8: {  	[smem:$0x7FF] =	sst s4;
	s6 =	smul.u32 $0x28, s6;
	s8 =	sshrl.u32 s1, $0x1;
	v4 =	vunpack.c.0.s8.s32 v4;
	v5 =	vunpack.c.0.s8.s32 v5;
	v6 =	vunpack.c.0.s8.s32 v6  }
0x9: {  	v7 =	vunpack.c.0.s8.s32 v7;
	_ =	strace $0x80000047;
	s1 =	ssub.s32 s1, s8;
	s7 =	sadd.s32 s7, s5;
	v0 =	vcombine.low v1, v0  }
0xa: {  	s9 =	sadd.s32 s6, s5;
	s5 =	sadd.s32 s3, s6;
	v1 =	vcombine.low v3, v2;
	s8 =	smax.u32 s1, $0x1;
	v2 =	vcombine.low v5, v4;
	v4 =	vand.u32 $0xF, v6  }
0xb: {  	vm0 =	vmmov $0x1;
	v3 =	vimm.f32 $0.0e+00;
	s6 =	sadd.s32 $0x1400, s7;
	s7 =	sadd.s32 $0xE00, s9;
	s9 =	simm.s32 $0xA180;
	v4 =	vcombine.low v4, v7  }
.LBB2_39:
0xc: {  	[hbm4b:s6+s4] =	stream.linear.scatter [tilespmem:s4], [sflag:$0x3], $0xA000, $0x38;
	[tilespmem:$0x1A380] =	vst v63  }
0xd: {  	s13 =	sadd.s32 $0x1, s13;
	_ =	swait.ge [sflag:s10], $0xA000  }
0xe: {  	p0 =	sne.s32 s13, s8;
	[sflag:s10] =	ssyncset.done $0x0  }
.Ltmp1:
0xf: {  	[sflag:s10] =	ssyncadd.s32 $0xFFFF6000;
	(pc) =	sbr.rel @!p0 .LBB2_40-.Ltmp1, $4  }
0x10: {  	[hbm4b:s7+s4] =	stream.linear.scatter [tilespmem:s12], [sflag:$0x3], $0x140, $0x38;
	[tilespmem:$0x1A380] =	vst v63  }
0x11: {  	_ =	swait.ge [sflag:s10], $0x140  }
0x12: {  	[sflag:s10] =	ssyncset.done $0x0  }
0x13: {  	[sflag:s10] =	ssyncadd.s32 $0xFFFFFEC0  }
.LBB2_1:
0x14: {  	[tilespmem:s9], [sflag:$0x3] =	stream.linear.gather [hbm4b:s5+s4], $0x160, $0x38;
	[tilespmem:$0x1A380] =	vst v63  }
0x15: {  	_ =	swait.ge [sflag:s10], $0x160  }
0x16: {  	[sflag:s10] =	ssyncset.done $0x0  }
0x17: {  	[sflag:s10] =	ssyncadd.s32 $0xFFFFFEA0  }
0x18: {  	[tilespmem:s11], [sflag:$0x3] =	stream.linear.gather [hbm4b:s2+s4], $0x80, $0x38;
	[tilespmem:$0x1A380] =	vst v63  }
0x19: {  	_ =	swait.ge [sflag:s10], $0x80  }
0x1a: {  	[sflag:s10] =	ssyncset.done $0x0  }
0x1b: {  	[sflag:s10] =	ssyncadd.s32 $0xFFFFFF80  }
0x1c: {  	v5 =	vld [tilespmem:$0xA180];
	_ =	sdelay $0x1  }
0x1d: {  	v6 =	vld [tilespmem:$0xA2C0];
	_ =	sdelay $0x2  }
0x1e: {  	(v2sf) =	vpush v5, $0x0;
	_ =	sdelay $0x1  }
0x1f: {  	(v2sf) =	vpush v6, $0x0;
	_ =	sdelay $0xc  }
0x20: {  	s14 =	spop (v2sf)  }
0x21: {  	s17 =	simm.s32 $0x1;
	s18 =	simm.s32 $0x1;
	s1 =	sshra.s32 s14, $0x1F  }
0x22: {  	s15 =	spop (v2sf);
	s3 =	sand.u32 $0xFF, s14;
	p0 =	slt.s32 s14, $0x1  }
0x23: {  	s1 =	sshrl.u32 s1, $0x18;
	s16 =	sadd.s32 $0xFF, s15;
	p1 =	sne.s32 s3, $0x0  }
0x24: {  	s1 =	sadd.s32 s1, s14;
	s30 =	sand.u32 $0xFF, s16;
	p0 =	por !p0, !p1  }
0x25: {  	p6 =	slt.s32 s16, $0x1;
	s31 =	sshra.s32 s16, $0x1F;
	p2 =	sne.s32 s30, $0x0  }
0x26: {  	s1 =	sshra.s32 s1, $0x8;
	s3 =	sshrl.u32 s31, $0x18;
	p1 =	por !p6, !p2  }
0x27: {  	v7 =	vld [tilespmem:$0xA320];
	p0 =	por !p0, !p0;
	s3 =	sadd.s32 s3, s16;
	p1 =	por !p1, !p1  }
0x28: {  	v8 =	vld [tilespmem:$0xA330];
	s17 =	simm.s32 @!p0 $0x0;
	s3 =	sshra.s32 s3, $0x8;
	s18 =	simm.s32 @!p1 $0x0  }
0x29: {  	v9 =	vld [tilespmem:$0xA340];
	s16 =	ssub.s32 s1, s17;
	s17 =	ssub.s32 s3, s18  }
0x2a: {  	v10 =	vld [tilespmem:$0xA350];
	p0 =	sle.s32 s17, s16  }
0x2b: {  	v11 =	vld [tilespmem:$0xA360];
	s1 =	sshll.u32 @!p0 s16, $0xC  }
0x2c: {  	v12 =	vld [tilespmem:$0xA370];
	s1 =	sand.u32 @!p0 $0x1FFFF000, s1  }
0x2d: {  	v5 =	vld [tilespmem:$0xA300];
	s3 =	simm.s32 @!p0 $0x0;
	s18 =	simm.s32 @!p0 $0xA380;
	s1 =	sadd.s32 @!p0 s0, s1  }
0x2e: {  	v6 =	vld [tilespmem:$0xA310];
	[tilespmem:s18], [sflag:$0x1] =	stream.linear.gather @!p0 [hbm4b:s1+s3], $0x8000, $0x38  }
0x2f: {  	s1 =	simm.s32 $0x0;
	s3 =	simm.s32 $0x200  }
.LBB2_2:
0x30: {  	p0 =	sne.s32 s3, $0x27E00;
	[tilespmem:s1+$0x70] =	vst v3  }
0x31: {  	[tilespmem:s1+$0x0] =	vst v3  }
0x32: {  	[tilespmem:s1+$0x10] =	vst v3  }
.Ltmp2:
0x33: {  	[tilespmem:s1+$0x20] =	vst v3;
	(pc) =	sbr.rel @p0 .LBB2_2-.Ltmp2, $4  }
0x34: {  	[tilespmem:s1+$0x30] =	vst v3  }
0x35: {  	[tilespmem:s1+$0x40] =	vst v3  }
0x36: {  	[tilespmem:s1+$0x50] =	vst v3  }
0x37: {  	[tilespmem:s1+$0x60] =	vst v3;
	s1 =	sshra.s32 s3, $0x2;
	s3 =	sadd.s32 $0x200, s3  }
0x38: {  	[tilespmem:s1+$0x70] =	vst v3  }
0x39: {  	[tilespmem:s1+$0x0] =	vst v3  }
0x3a: {  	[tilespmem:s1+$0x10] =	vst v3  }
0x3b: {  	[tilespmem:s1+$0x20] =	vst v3  }
0x3c: {  	[tilespmem:s1+$0x30] =	vst v3  }
0x3d: {  	[tilespmem:s1+$0x40] =	vst v3  }
0x3e: {  	[tilespmem:s1+$0x50] =	vst v3  }
0x3f: {  	[tilespmem:s1+$0x60] =	vst v3  }
0x40: {  	[tilespmem:$0xA000] =	vst v3  }
0x41: {  	[tilespmem:$0xA010] =	vst v3  }
0x42: {  	[tilespmem:$0xA020] =	vst v3  }
0x43: {  	[tilespmem:$0xA030] =	vst v3  }
0x44: {  	[tilespmem:$0xA040] =	vst v3  }
0x45: {  	[tilespmem:$0xA050] =	vst v3  }
0x46: {  	[tilespmem:$0xA060] =	vst v3  }
0x47: {  	s30 =	ssub.s32 s17, s16;
	[tilespmem:$0xA070] =	vst v3  }
0x48: {  	[tilespmem:$0xA080] =	vst v3;
	s3 =	sadd.s32 $0x1, s30  }
0x49: {  	[tilespmem:$0xA090] =	vst v3;
	s18 =	sand.u32 $0x1, s3  }
0x4a: {  	[tilespmem:$0xA0A0] =	vst v3;
	p0 =	slt.s32 s30, $0x0;
	p1 =	seq.s32 s18, $0x1  }
0x4b: {  	[tilespmem:$0xA0B0] =	vst v3;
	s31 =	sshrl.u32 s3, $0x1F;
	p0 =	por !p0, !p1  }
0x4c: {  	[tilespmem:$0xA0C0] =	vst v3;
	s1 =	sadd.s32 s31, s3;
	s3 =	simm.s32 $0x1;
	p0 =	por !p0, !p0  }
0x4d: {  	[tilespmem:$0xA0D0] =	vst v3;
	s1 =	sshra.s32 s1, $0x1;
	s3 =	simm.s32 @!p0 $0x0  }
0x4e: {  	[tilespmem:$0xA0E0] =	vst v3;
	s18 =	ssub.s32 s1, s3  }
0x4f: {  	[tilespmem:$0xA0F0] =	vst v3;
	p0 =	slt.s32 s18, $0x1  }
.Ltmp3:
0x50: {  	[tilespmem:$0xA100] =	vst v3;
	(pc) =	sbr.rel @!p0 .LBB2_4-.Ltmp3, $4  }
.Ltmp4:
0x51: {  	[tilespmem:$0xA110] =	vst v3;
	(pc) =	sbr.rel @p0 .LBB2_39-.Ltmp4, $4  }
0x52: {  	[tilespmem:$0xA120] =	vst v3  }
0x53: {  	[tilespmem:$0xA130] =	vst v3  }
0x54: {  	s20 =	simm.s32 $0x0;
	s19 =	simm.s32 $0x0;
	[tilespmem:$0xA140] =	vst v3  }
0x55: {  	_ = 	snop  }
.LBB2_38:
0x56: {  	s19 =	sadd.s32 $0x1, s19  }
0x57: {  	p1 =	sne.s32 s19, s18  }
.Ltmp5:
0x58: {  	_ = 	snop;
	(pc) =	sbr.rel @!p1 .LBB2_39-.Ltmp5, $4  }
0x59: {  	_ = 	snop  }
0x5a: {  	s20 =	sadd.s32 $0xFFFFFFFF, s20  }
0x5b: {  	p0 =	sgt.s32 s21, s20  }
0x5c: {  	s20 =	smov.u32 @p0 s21  }
.LBB2_4:
0x5d: {  	s1 =	sshll.u32 s19, $0x1  }
0x5e: {  	s22 =	sadd.s32 s16, s1  }
0x5f: {  	p1 =	sge.s32 s22, s17  }
0x60: {  	s21 =	sadd.s32 $0x1, s22;
	s1 =	simm.s32 @!p1 $0x1  }
0x61: {  	p0 =	sge.s32 s21, s17;
	_ =	swait.ge @!p1 [sflag:s1], $0x8000  }
0x62: {  	s3 =	sshll.u32 @!p0 s21, $0xC;
	[sflag:s1] =	ssyncset.done @!p1 $0x0  }
0x63: {  	s26 =	simm.s32 $0x141;
	[sflag:s1] =	ssyncadd.s32 @!p1 $0xFFFF8000;
	s1 =	sand.u32 @!p0 $0x1FFFF000, s3  }
0x64: {  	s23 =	simm.s32 @!p0 $0x12380;
	s3 =	simm.s32 @!p0 $0x0;
	s1 =	sadd.s32 @!p0 s0, s1  }
0x65: {  	[tilespmem:s23], [sflag:$0x2] =	stream.linear.gather @!p0 [hbm4b:s1+s3], $0x8000, $0x38;
	[tilespmem:$0x1A380] =	vst v63  }
0x66: {  	s1 =	sand.u32 $0x1, s26  }
0x67: {  	p6 =	por $0x0, $0x0;
	p2 =	seq.s32 s1, $0x1  }
0x68: {  	p1 =	por !p6, !p2  }
0x69: {  	s1 =	simm.s32 $0x1;
	p1 =	por !p1, !p1  }
0x6a: {  	s1 =	simm.s32 @!p1 $0x0  }
0x6b: {  	s23 =	ssub.s32 $0xA0, s1  }
0x6c: {  	v13 =	vld [tilespmem:s23+$0xA180];
	_ =	sdelay $0x4  }
0x6d: {  	(v2sf) =	vpush v13, $0x0;
	_ =	sdelay $0x7  }
0x6e: {  	s24 =	sshll.u32 s22, $0x8;
	p1 =	slt.s32 s22, s17  }
0x6f: {  	s24 =	simm.s32 @!p1 $0x0  }
0x70: {  	s25 =	ssub.s32 s15, s24  }
0x71: {  	p2 =	slt.s32 s25, $0x100  }
0x72: {  	s25 =	simm.s32 @!p2 $0x100  }
0x73: {  	s25 =	simm.s32 @!p1 $0x0  }
0x74: {  	s28 =	simm.s32 $0x8;
	s30 =	sadd.s32 s25, s24  }
0x75: {  	p3 =	por $0x1, $0x1;
	s3 =	sadd.s32 $0xFFFFFFFF, s30;
	s31 =	spop (v2sf)  }
0x76: {  	s1 =	simm.s32 $0x0;
	s29 =	sadd.s32 $0x1, s23;
	p2 =	sle.s32 s31, s3  }
0x77: {  	p4 =	sgt.s32 s31, s3;
	s1 =	smov.u32 @p2 s29;
	s29 =	simm.s32 $0x141  }
0x78: {  	s26 =	simm.s32 $0x141;
	s29 =	smov.u32 @p4 s23;
	s23 =	simm.s32 $0x0  }
.LBB2_5:
0x79: {  	p2 =	sne.s32 s28, $0x1;
	s23 =	smov.u32 @p3 s1;
	s26 =	smov.u32 @p3 s29  }
0x7a: {  	s28 =	sadd.s32 $0xFFFFFFFF, s28;
	s1 =	sadd.s32 s23, s26  }
0x7b: {  	s29 =	sshrl.u32 s1, $0x1F;
	s30 =	sand.u32 $0x1, s1  }
0x7c: {  	p3 =	slt.s32 s1, $0x1;
	s29 =	sadd.s32 s29, s1;
	p4 =	seq.s32 s30, $0x1  }
0x7d: {  	p3 =	por !p3, !p4  }
0x7e: {  	s1 =	sshra.s32 s29, $0x1;
	s29 =	simm.s32 $0x1;
	p3 =	por !p3, !p3  }
0x7f: {  	s29 =	simm.s32 @!p3 $0x0  }
0x80: {  	s30 =	ssub.s32 s1, s29  }
0x81: {  	v13 =	vld [tilespmem:s30+$0xA180];
	_ =	sdelay $0x4  }
0x82: {  	(v2sf) =	vpush v13, $0x0;
	_ =	sdelay $0xd  }
.Ltmp6:
0x83: {  	(pc) =	sbr.rel @p2 .LBB2_5-.Ltmp6, $4  }
0x84: {  	s29 =	sadd.s32 $0x1, s30;
	s1 =	spop (v2sf)  }
0x85: {  	p4 =	sle.s32 s1, s3;
	p5 =	sgt.s32 s1, s3;
	s1 =	smov.u32 s23  }
0x86: {  	s1 =	smov.u32 @p4 s29;
	s29 =	smov.u32 s26  }
0x87: {  	p3 =	slt.s32 s23, s26;
	s29 =	smov.u32 @p5 s30  }
0x88: {  	s23 =	smov.u32 @p3 s1  }
0x89: {  	p2 =	sle.s32 s23, s20  }
.Ltmp7:
0x8a: {  	_ = 	snop;
	(pc) =	sbr.rel @p2 .LBB2_21-.Ltmp7, $1  }
0x8b: {  	_ =	sdelay $0x3  }
.Ltmp8:
0x8c: {  	(pc) =	sbr.rel .LBB2_8-.Ltmp8, $4  }
0x8d: {  	s26 =	ssub.s32 s14, s24  }
0x8e: {  	p2 =	sgt.s32 s26, $0x0  }
0x8f: {  	s28 =	smov.u32 s23;
	s26 =	simm.s32 @!p2 $0x0;
	p2 =	sgt.s32 s20, s23  }
0x90: {  	s29 =	smov.u32 s20;
	s26 =	simm.s32 @!p1 $0x0;
	s28 =	smov.u32 @p2 s20  }
.LBB2_10:
0x91: {  	_ = 	snop  }
0x92: {  	_ = 	snop  }
0x93: {  	_ = 	snop  }
0x94: {  	_ = 	snop  }
0x95: {  	v32 =	vimm.f32 $0.0e+00;
	v33 =	vimm.f32 $0.0e+00  }
0x96: {  	v34 =	vimm.f32 $0.0e+00;
	v17 =	vmovc v37;
	v14 =	vmovc v55;
	v30 =	vmov v60;
	v37 =	vimm.f32 $0.0e+00  }
0x97: {  	v27 =	vmovc v61;
	v41 =	vimm.f32 $0.0e+00;
	v40 =	vimm.f32 $0.0e+00;
	v15 =	vmovc v26;
	v16 =	vmov v42  }
0x98: {  	v18 =	vmovc v46;
	v20 =	vmovc v47;
	v42 =	vimm.f32 $0.0e+00;
	v46 =	vimm.f32 $0.0e+00;
	v47 =	vimm.f32 $0.0e+00  }
.LBB2_19:
0x99: {  	v19 =	vadd.f32 v45, v44;
	v35 =	vmul.f32 v30, v11  }
0x9a: {  	v36 =	vperm.xlane @p1 v39, v2;
	v32 =	vadd.f32 @p3 v48, v32  }
0x9b: {  	v53 =	vmul.f32 v27, v12;
	v33 =	vadd.f32 @p3 v49, v33;
	v38 =	vpop @p2 (erf);
	v19 =	vadd.f32 v35, v19  }
0x9c: {  	v34 =	vadd.f32 @p3 v54, v34;
	v25 =	vmul.f32 @p2 v38, v25;
	v23 =	vmul.f32 @p2 v38, v23  }
0x9d: {  	v21 =	vmul.f32 @p2 v38, v21;
	v22 =	vmul.f32 @p2 v38, v22;
	v19 =	vadd.f32 v53, v19  }
0x9e: {  	v37 =	vadd.f32 @p3 v55, v37;
	v31 =	vmul.f32 @p2 v38, v31;
	v26 =	vmul.f32 @p2 v38, v26  }
0x9f: {  	v41 =	vadd.f32 @p3 v60, v41;
	v28 =	vmul.f32 @p2 v38, v28;
	v58 =	vperm.xlane v19, v0  }
0xa0: {  	v36 =	vadd.f32 @p1 v39, v36;
	v39 =	vadd.f32 @p3 v51, v40;
	v32 =	vpsel p3, v32, v13  }
0xa1: {  	v33 =	vpsel p3, v33, v13;
	v34 =	vpsel p3, v34, v13;
	v19 =	vadd.f32 v19, v58  }
0xa2: {  	v48 =	vld [tilespmem:$0x1FFD0];
	v37 =	vpsel p3, v37, v13;
	v41 =	vpsel p3, v41, v13;
	v35 =	vperm.xlane @p1 v36, v4  }
0xa3: {  	v49 =	vld [tilespmem:$0x1FFF0];
	v25 =	vadd.f32 @p2 v25, v46;
	v23 =	vadd.f32 @p2 v23, v47;
	v45 =	vperm.xlane v19, v1  }
0xa4: {  	v52 =	vld [tilespmem:$0x1FFB0];
	v21 =	vpsel p2, v21, v0;
	v22 =	vpsel p2, v22, v0;
	v35 =	vadd.f32 @p1 v36, v35  }
0xa5: {  	v54 =	vld [tilespmem:$0x1FFA0];
	v31 =	vpsel p2, v31, v0;
	v26 =	vpsel p2, v26, v0;
	v19 =	vadd.f32 v19, v45  }
0xa6: {  	v28 =	vpsel p2, v28, v0;
	v39 =	vpsel p3, v39, v13;
	v35 =	vmul.f32 @p1 $1.442695020e+00, v35  }
0xa7: {  	v40 =	vmovc @p1 v50;
	v21 =	vadd.f32 @p2 v21, v32;
	v22 =	vadd.f32 @p2 v22, v33;
	v50 =	vperm.xlane v19, v2  }
0xa8: {  	v43 =	vmovc @p2 v61;
	v31 =	vadd.f32 @p2 v31, v34;
	v26 =	vadd.f32 @p2 v26, v37;
	(erf) = vpow2.f32 @p1 v35  }
0xa9: {  	v44 =	vmovc @p1 v59;
	v28 =	vadd.f32 @p2 v28, v41;
	v40 =	vpsel p1, v40, v48;
	v19 =	vadd.f32 v19, v50  }
0xaa: {  	v55 =	vld [tilespmem:$0x1FF80];
	v29 =	vpsel p1, v29, v49;
	v24 =	vpsel p1, v24, v52;
	v44 =	vpsel p1, v44, v54  }
0xab: {  	v51 =	vld [tilespmem:$0x1FFE0];
	v25 =	vpsel p2, v25, v13;
	v23 =	vpsel p2, v23, v13;
	v53 =	vperm.xlane v19, v4  }
0xac: {  	v36 =	vmul.f32 @p2 v38, v43;
	v43 =	vmovc @p1 v56;
	v56 =	vld [tilespmem:$0x1FF90];
	v21 =	vpsel p2, v21, v13;
	v22 =	vpsel p2, v22, v13  }
0xad: {  	v31 =	vpsel p2, v31, v13;
	v35 =	vnsel @p2 vm0, $0x0, v38;
	v45 =	vmovc @p1 v57;
	v57 =	vld [tilespmem:$0x1FFC0];
	v19 =	vadd.f32 v19, v53  }
0xae: {  	v26 =	vpsel p2, v26, v13;
	v36 =	vadd.f32 @p2 v36, v42;
	v35 =	vpsel p2, v35, v0  }
0xaf: {  	v28 =	vpsel p2, v28, v13;
	v38 =	vmovc @p1 v63;
	v34 =	vadd.f32 @p2 v35, v39;
	v19 =	vmul.f32 $1.442695020e+00, v19  }
0xb0: {  	v43 =	vpsel p1, v43, v55;
	v42 =	vmovc @p1 v62;
	v36 =	vpsel p2, v36, v13;
	v38 =	vpsel p1, v38, v51  }
0xb1: {  	v32 =	vmov @p1 v38;
	v34 =	vpsel p2, v34, v13;
	v33 =	vpop @p1 (erf);
	(erf) = vpow2.f32 v19  }
0xb2: {  	v35 =	vmovc @p1 v40;
	v45 =	vpsel p1, v45, v56;
	v42 =	vpsel p1, v42, v57;
	v32 =	vmul.f32 @p1 v33, v32  }
0xb3: {  	v37 =	vmul.f32 @p1 v33, v45;
	v38 =	vnsel @p1 vm0, $0x0, v33;
	v35 =	vmul.f32 @p1 v33, v35  }
0xb4: {  	v39 =	vmul.f32 @p1 v33, v42;
	v32 =	vadd.f32 @p1 v32, v36;
	v19 =	vmul.f32 @p1 v33, v24  }
0xb5: {  	v36 =	vmul.f32 @p1 v33, v43;
	v35 =	vpsel p1, v35, v0;
	v24 =	vmul.f32 @p1 v33, v44  }
0xb6: {  	v26 =	vadd.f32 @p1 v35, v26;
	v32 =	vpsel p1, v32, v13;
	v19 =	vadd.f32 @p1 v19, v25  }
0xb7: {  	v25 =	vmul.f32 @p1 v33, v29;
	v23 =	vadd.f32 @p1 v24, v23;
	v24 =	vpsel p1, v36, v0  }
0xb8: {  	v29 =	vpsel p1, v37, v0;
	v33 =	vpsel p1, v39, v0;
	v21 =	vadd.f32 @p1 v24, v21  }
0xb9: {  	v36 =	vpsel p1, v38, v0;
	v22 =	vadd.f32 @p1 v29, v22;
	v29 =	vadd.f32 @p1 v33, v31  }
0xba: {  	v25 =	vpsel p1, v25, v0;
	v19 =	vpsel p1, v19, v13;
	v23 =	vpsel p1, v23, v13;
	v58 =	vpop (erf)  }
0xbb: {  	v25 =	vadd.f32 @p1 v25, v28;
	v59 =	vmul.f32 v58, v27;
	v60 =	vmul.f32 v58, v15  }
0xbc: {  	v28 =	vadd.f32 @p1 v36, v34;
	v16 =	vmul.f32 v58, v16;
	v18 =	vmul.f32 v58, v18  }
0xbd: {  	v20 =	vmul.f32 v58, v20;
	v61 =	vnsel vm0, $0x0, v58;
	v62 =	vmul.f32 v58, v17  }
0xbe: {  	v63 =	vmul.f32 v58, v14;
	v24 =	vmul.f32 v58, v30;
	v17 =	vpsel p1, v21, v13  }
0xbf: {  	v21 =	vpsel p1, v29, v13;
	v15 =	vadd.f32 v59, v32;
	v14 =	vadd.f32 v60, v19  }
0xc0: {  	v16 =	vadd.f32 v16, v23;
	v19 =	vpsel p1, v22, v13;
	v22 =	vpsel p1, v26, v13  }
0xc1: {  	v23 =	vpsel p1, v25, v13;
	v18 =	vadd.f32 v18, v17;
	v17 =	vadd.f32 v20, v19  }
0xc2: {  	v13 =	vpsel p1, v28, v13;
	v19 =	vadd.f32 v62, v21;
	v20 =	vadd.f32 v63, v22  }
0xc3: {  	v21 =	vadd.f32 v24, v23;
	v13 =	vadd.f32 v61, v13  }
.LBB2_20:
0xc4: {  	s1 =	sshll.u32 s29, $0x9  }
0xc5: {  	s1 =	sshra.s32 s1, $0x2  }
0xc6: {  	v22 =	vld [tilespmem:s1+$0x0]  }
0xc7: {  	v23 =	vld [tilespmem:s1+$0x10]  }
0xc8: {  	v25 =	vld [tilespmem:s1+$0x30]  }
0xc9: {  	v24 =	vld [tilespmem:s1+$0x20]  }
0xca: {  	v59 =	vld [tilespmem:s1+$0x50]  }
0xcb: {  	v26 =	vld [tilespmem:s1+$0x40];
	v14 =	vadd.f32 v22, v14  }
0xcc: {  	v61 =	vld [tilespmem:s1+$0x70];
	v16 =	vadd.f32 v23, v16  }
0xcd: {  	v60 =	vld [tilespmem:s1+$0x60];
	v62 =	vadd.f32 v25, v17;
	[tilespmem:s1+$0x0] =	vst v14  }
0xce: {  	v14 =	vadd.f32 v24, v18;
	[tilespmem:s1+$0x10] =	vst v16  }
0xcf: {  	v63 =	vadd.f32 v59, v20;
	[tilespmem:s1+$0x30] =	vst v62  }
0xd0: {  	[tilespmem:s1+$0x20] =	vst v14;
	v14 =	vadd.f32 v26, v19  }
0xd1: {  	v15 =	vadd.f32 v61, v15;
	[tilespmem:s1+$0x50] =	vst v63  }
0xd2: {  	[tilespmem:s1+$0x40] =	vst v14;
	v14 =	vadd.f32 v60, v21  }
0xd3: {  	[tilespmem:s1+$0x70] =	vst v15  }
0xd4: {  	[tilespmem:s1+$0x60] =	vst v14  }
0xd5: {  	v14 =	vld [tilespmem:s29+$0xA000]  }
0xd6: {  	s31 =	sadd.s32 $0x1, s29  }
0xd7: {  	p1 =	sne.s32 s31, s28  }
.Ltmp9:
0xd8: {  	_ = 	snop;
	(pc) =	sbr.rel @!p1 .LBB2_21-.Ltmp9, $3  }
0xd9: {  	_ = 	snop  }
0xda: {  	v13 =	vadd.f32 v14, v13;
	_ =	sdelay $0x1  }
0xdb: {  	[tilespmem:s29+$0xA000] =	vst v13;
	s29 =	smov.u32 s31  }
.LBB2_8:
0xdc: {  	v13 =	vld [tilespmem:s29+$0xA180]  }
0xdd: {  	v14 =	vld [tilespmem:s29+$0xA181];
	_ =	sdelay $0x3  }
0xde: {  	(v2sf) =	vpush v13, $0x0  }
0xdf: {  	(v2sf) =	vpush v14, $0x0;
	_ =	sdelay $0xd  }
0xe0: {  	s1 =	spop (v2sf)  }
0xe1: {  	s3 =	spop (v2sf)  }
0xe2: {  	s30 =	smov.u32 s25;
	s31 =	ssub.s32 s1, s24;
	s3 =	ssub.s32 s3, s24  }
0xe3: {  	s1 =	smov.u32 s26;
	p1 =	sgt.s32 s31, s26;
	p2 =	slt.s32 s3, s25  }
0xe4: {  	s1 =	smov.u32 @p1 s31;
	s30 =	smov.u32 @p2 s3  }
0xe5: {  	p1 =	sle.s32 s30, s1  }
.Ltmp10:
0xe6: {  	_ = 	snop;
	(pc) =	sbr.rel @p1 .LBB2_20-.Ltmp10, $4  }
0xe7: {  	_ = 	snop  }
0xe8: {  	v16 =	vimm.f32 $0.0e+00;
	v18 =	vimm.f32 $0.0e+00;
	v17 =	vimm.f32 $0.0e+00  }
0xe9: {  	v19 =	vimm.f32 $0.0e+00;
	v20 =	vimm.f32 $0.0e+00;
	v21 =	vimm.f32 $0.0e+00  }
0xea: {  	v15 =	vimm.f32 $0.0e+00;
	v13 =	vimm.f32 $0.0e+00;
	v14 =	vimm.f32 $0.0e+00  }
0xeb: {  	s3 =	sshll.u32 s1, $0x9  }
0xec: {  	s3 =	sshra.s32 s3, $0x2  }
0xed: {  	s31 =	sadd.s32 $0xA3C0, s3  }
0xee: {  	v26 =	vld [tilespmem:s31+$0xFFFFFFC0]  }
0xef: {  	v42 =	vld [tilespmem:s31+$0xFFFFFFD0];
	_ =	sdelay $0x1  }
0xf0: {  	v46 =	vld [tilespmem:s31+$0xFFFFFFE0];
	_ =	sdelay $0x1  }
0xf1: {  	v47 =	vld [tilespmem:s31+$0xFFFFFFF0]  }
0xf2: {  	v13 =	vmul.f32 v26, v5;
	v14 =	vmul.f32 v42, v6  }
0xf3: {  	p1 =	sgt.s32 s1, s30;
	v37 =	vld [tilespmem:s31+$0x0]  }
0xf4: {  	s30 =	smov.u32 @p1 s1;
	s3 =	sadd.s32 $0x1, s1;
	v13 =	vadd.f32 v14, v13;
	v14 =	vmul.f32 v46, v7  }
0xf5: {  	v55 =	vld [tilespmem:s31+$0x10];
	p4 =	slt.u32 s3, s30  }
.Ltmp11:
0xf6: {  	v13 =	vadd.f32 v14, v13;
	v14 =	vmul.f32 v47, v8;
	(pc) =	sbr.rel @!p4 .LBB2_10-.Ltmp11, $4  }
0xf7: {  	_ = 	snop  }
0xf8: {  	v15 =	vmul.f32 v37, v9;
	v14 =	vadd.f32 v14, v13  }
0xf9: {  	p2 =	por $0x0, $0x0;
	v60 =	vld [tilespmem:s31+$0x20]  }
0xfa: {  	p3 =	por $0x0, $0x0;
	p1 =	por $0x0, $0x0;
	s1 =	sadd.s32 $0x80, s31;
	v61 =	vld [tilespmem:s31+$0x30];
	v45 =	vmul.f32 v55, v10;
	v13 =	vimm.f32 $0.0e+00;
	v44 =	vadd.f32 v15, v14  }
0xfb: {  	_ = 	snop  }
0xfc: {  	v15 =	vld [tilespmem:s1+$0xFFFFFFC0]  }
0xfd: {  	v16 =	vld [tilespmem:s1+$0xFFFFFFD0]  }
0xfe: {  	v14 =	vadd.f32 v45, v44;
	v17 =	vmul.f32 v60, v11  }
0xff: {  	v18 =	vld [tilespmem:s1+$0xFFFFFFE0]  }
0x100: {  	v14 =	vadd.f32 v17, v14;
	v17 =	vmul.f32 v61, v12  }
0x101: {  	v20 =	vld [tilespmem:s1+$0xFFFFFFF0]  }
0x102: {  	v19 =	vmul.f32 v16, v6;
	v17 =	vadd.f32 v17, v14;
	v14 =	vmul.f32 v15, v5  }
0x103: {  	v31 =	vld [tilespmem:s1+$0x0]  }
0x104: {  	s3 =	sadd.s32 $0x1, s3;
	v22 =	vmul.f32 v18, v7;
	v21 =	vperm.xlane v17, v0;
	v19 =	vadd.f32 v19, v14  }
0x105: {  	p4 =	slt.u32 s3, s30;
	v14 =	vld [tilespmem:s1+$0x10]  }
.Ltmp12:
0x106: {  	v17 =	vadd.f32 v17, v21;
	v19 =	vadd.f32 v22, v19;
	v21 =	vmul.f32 v20, v8;
	(pc) =	sbr.rel @!p4 .LBB2_12-.Ltmp12, $4  }
0x107: {  	v29 =	vld [tilespmem:s1+$0x20]  }
0x108: {  	v22 =	vperm.xlane v17, v1;
	v19 =	vadd.f32 v21, v19;
	v21 =	vmul.f32 v31, v9  }
0x109: {  	v27 =	vld [tilespmem:s1+$0x30]  }
0x10a: {  	p1 =	por $0x1, $0x1;
	s1 =	sadd.s32 $0x80, s1;
	v45 =	vmul.f32 v14, v10;
	v39 =	vadd.f32 v17, v22;
	v44 =	vadd.f32 v21, v19  }
0x10b: {  	_ = 	snop  }
0x10c: {  	v21 =	vperm.xlane v39, v2;
	_ =	sdelay $0x1  }
0x10d: {  	v43 =	vld [tilespmem:s1+$0xFFFFFFC0];
	v21 =	vadd.f32 v39, v21  }
0x10e: {  	v38 =	vld [tilespmem:s1+$0xFFFFFFD0];
	v17 =	vadd.f32 v45, v44;
	v19 =	vmul.f32 v29, v11  }
0x10f: {  	v24 =	vperm.xlane v21, v4  }
0x110: {  	v35 =	vld [tilespmem:s1+$0xFFFFFFE0];
	v17 =	vadd.f32 v19, v17;
	v19 =	vmul.f32 v27, v12  }
0x111: {  	v21 =	vadd.f32 v21, v24  }
0x112: {  	v36 =	vld [tilespmem:s1+$0xFFFFFFF0];
	v19 =	vadd.f32 v19, v17;
	v22 =	vmul.f32 v43, v5  }
0x113: {  	v23 =	vmul.f32 v38, v6;
	v21 =	vmul.f32 $1.442695020e+00, v21  }
0x114: {  	[tilespmem:$0x1FF80] =	vst v46;
	v17 =	vld [tilespmem:s1+$0x0];
	v25 =	vperm.xlane v19, v0  }
0x115: {  	s3 =	sadd.s32 $0x1, s3;
	[tilespmem:$0x1FF90] =	vst v47;
	v22 =	vadd.f32 v23, v22;
	v23 =	vmul.f32 v35, v7;
	(erf) = vpow2.f32 v21  }
0x116: {  	v50 =	vld [tilespmem:s1+$0x10];
	[tilespmem:$0x1FFA0] =	vst v42;
	p4 =	slt.u32 s3, s30  }
.Ltmp13:
0x117: {  	[tilespmem:$0x1FFB0] =	vst v26;
	v19 =	vadd.f32 v19, v25;
	v22 =	vadd.f32 v23, v22;
	v23 =	vmul.f32 v36, v8;
	(pc) =	sbr.rel @!p4 .LBB2_14-.Ltmp13, $4  }
0x118: {  	[tilespmem:$0x1FFC0] =	vst v37  }
0x119: {  	v53 =	vld [tilespmem:s1+$0x20];
	[tilespmem:$0x1FFD0] =	vst v55;
	v24 =	vperm.xlane v19, v1;
	v22 =	vadd.f32 v23, v22;
	v23 =	vmul.f32 v17, v9  }
0x11a: {  	v52 =	vld [tilespmem:s1+$0x30];
	[tilespmem:$0x1FFE0] =	vst v61  }
0x11b: {  	p2 =	por $0x1, $0x1;
	[tilespmem:$0x1FFF0] =	vst v60;
	v45 =	vmul.f32 v50, v10;
	s1 =	sadd.s32 $0x80, s1;
	v39 =	vadd.f32 v19, v24;
	v44 =	vadd.f32 v23, v22  }
0x11c: {  	_ = 	snop  }
0x11d: {  	v19 =	vperm.xlane v39, v2  }
0x11e: {  	v59 =	vld [tilespmem:s1+$0xFFFFFFC0]  }
0x11f: {  	v19 =	vadd.f32 v39, v19  }
0x120: {  	v56 =	vld [tilespmem:s1+$0xFFFFFFD0];
	v21 =	vadd.f32 v45, v44;
	v22 =	vmul.f32 v53, v11  }
0x121: {  	v33 =	vimm.f32 $0.0e+00;
	v34 =	vimm.f32 $0.0e+00;
	v23 =	vperm.xlane v19, v4  }
0x122: {  	v57 =	vld [tilespmem:s1+$0xFFFFFFE0];
	v41 =	vimm.f32 $0.0e+00;
	v25 =	vpop (erf);
	v21 =	vadd.f32 v22, v21;
	v22 =	vmul.f32 v52, v12  }
0x123: {  	v32 =	vmul.f32 v25, v42;
	v28 =	vmul.f32 v59, v5;
	v19 =	vadd.f32 v19, v23  }
0x124: {  	v58 =	vld [tilespmem:s1+$0xFFFFFFF0];
	v21 =	vadd.f32 v22, v21;
	v22 =	vmul.f32 v25, v26;
	v26 =	vmul.f32 v25, v61  }
0x125: {  	v40 =	vimm.f32 $0.0e+00;
	v30 =	vmul.f32 v56, v6;
	v19 =	vmul.f32 $1.442695020e+00, v19  }
0x126: {  	v24 =	vld [tilespmem:s1+$0x0];
	v48 =	vmul.f32 v25, v46;
	v23 =	vperm.xlane v21, v0;
	v42 =	vadd.f32 v26, v13  }
0x127: {  	v63 =	vld [tilespmem:s1+$0x10];
	s31 =	sadd.s32 $0x1, s3;
	v26 =	vadd.f32 v30, v28;
	v28 =	vmul.f32 v57, v7;
	(erf) = vpow2.f32 v19  }
0x128: {  	p4 =	slt.u32 s31, s30;
	v49 =	vmul.f32 v25, v47;
	v54 =	vmul.f32 v25, v37;
	v21 =	vadd.f32 v21, v23  }
.Ltmp14:
0x129: {  	v55 =	vmul.f32 v25, v55;
	v23 =	vadd.f32 v28, v26;
	v26 =	vmul.f32 v58, v8;
	(pc) =	sbr.rel @!p4 .LBB2_16-.Ltmp14, $4  }
0x12a: {  	v51 =	vnsel vm0, $0x0, v25;
	v60 =	vmul.f32 v25, v60;
	v19 =	vperm.xlane v21, v1  }
0x12b: {  	v37 =	vimm.f32 $0.0e+00;
	v30 =	vld [tilespmem:s1+$0x20];
	v23 =	vadd.f32 v26, v23;
	v26 =	vmul.f32 v24, v9  }
0x12c: {  	v45 =	vmul.f32 v63, v10;
	v47 =	vadd.f32 v32, v13;
	v39 =	vadd.f32 v21, v19  }
0x12d: {  	s3 =	sadd.s32 $0x80, s1;
	p3 =	por $0x1, $0x1;
	v32 =	vimm.f32 $0.0e+00;
	v46 =	vadd.f32 v22, v13;
	v44 =	vadd.f32 v26, v23;
	v19 =	vld [tilespmem:s1+$0x30]  }
.LBB2_17:
0x12e: {  	v22 =	vperm.xlane v39, v2;
	v32 =	vadd.f32 v48, v32;
	v33 =	vadd.f32 v49, v33;
	v23 =	vmovc v17  }
0x12f: {  	v21 =	vld [tilespmem:s3+$0xFFFFFFC0];
	v17 =	vmovc v24;
	v25 =	vmovc v14;
	v14 =	vmov v50;
	v50 =	vmov v63;
	v26 =	vmov v29  }
0x130: {  	s31 =	sadd.s32 $0x1, s31;
	v34 =	vadd.f32 v54, v34;
	v29 =	vmovc v53;
	v28 =	vld [tilespmem:s3+$0xFFFFFFD0];
	v24 =	vadd.f32 v45, v44;
	v44 =	vmul.f32 v30, v11  }
0x131: {  	v37 =	vadd.f32 v55, v37;
	p4 =	slt.u32 s31, s30;
	v53 =	vmovc v30;
	v30 =	vmovc v27;
	v27 =	vmov v52;
	v22 =	vadd.f32 v39, v22  }
0x132: {  	v41 =	vadd.f32 v60, v41;
	v39 =	vld [tilespmem:s3+$0xFFFFFFE0];
	v24 =	vadd.f32 v44, v24;
	v44 =	vmul.f32 v19, v12;
	v52 =	vmovc v19  }
0x133: {  	v40 =	vadd.f32 v51, v40;
	v19 =	vperm.xlane v22, v4;
	v45 =	vpop (erf)  }
0x134: {  	v61 =	vld [tilespmem:s3+$0xFFFFFFF0];
	v44 =	vadd.f32 v44, v24;
	v60 =	vmul.f32 v45, v15;
	v30 =	vmul.f32 v45, v30;
	v15 =	vmovc v43  }
0x135: {  	v48 =	vmul.f32 v21, v5;
	v43 =	vmovc v59;
	v49 =	vmul.f32 v28, v6;
	v19 =	vadd.f32 v22, v19  }
0x136: {  	v62 =	vmul.f32 v45, v16;
	v59 =	vmovc v21;
	v24 =	vld [tilespmem:s3+$0x0];
	v22 =	vperm.xlane v44, v0;
	v42 =	vadd.f32 v30, v42  }
0x137: {  	v16 =	vmovc v38;
	v38 =	vmovc v56;
	v21 =	vadd.f32 v49, v48;
	v30 =	vmul.f32 v39, v7;
	v19 =	vmul.f32 $1.442695020e+00, v19  }
0x138: {  	v56 =	vmovc v28;
	v48 =	vmul.f32 v45, v18;
	v49 =	vmul.f32 v45, v20;
	v63 =	vld [tilespmem:s3+$0x10];
	v22 =	vadd.f32 v44, v22  }
.Ltmp15:
0x139: {  	v18 =	vmovc v35;
	v35 =	vmovc v57;
	v21 =	vadd.f32 v30, v21;
	v28 =	vmul.f32 v61, v8;
	(erf) = vpow2.f32 v19;
	(pc) =	sbr.rel @p4 .LBB2_17-.Ltmp15, $4  }
0x13a: {  	v51 =	vnsel vm0, $0x0, v45;
	v54 =	vmul.f32 v45, v31;
	v57 =	vmovc v39;
	v20 =	vmovc v36;
	v30 =	vld [tilespmem:s3+$0x20];
	v44 =	vperm.xlane v22, v1  }
0x13b: {  	v55 =	vmul.f32 v45, v25;
	v36 =	vmovc v58;
	v21 =	vadd.f32 v28, v21;
	v28 =	vmul.f32 v24, v9  }
0x13c: {  	v46 =	vadd.f32 v60, v46;
	v60 =	vmul.f32 v45, v26;
	v58 =	vmovc v61;
	v19 =	vld [tilespmem:s3+$0x30];
	v39 =	vadd.f32 v22, v44  }
0x13d: {  	v31 =	vmovc v23;
	v47 =	vadd.f32 v62, v47;
	s3 =	sadd.s32 $0x80, s3;
	v44 =	vadd.f32 v28, v21;
	v45 =	vmul.f32 v63, v10  }
.Ltmp16:
0x13e: {  	v62 =	vmov v17;
	(pc) =	sbr.rel .LBB2_19-.Ltmp16, $4  }
0x13f: {  	v26 =	vmovc v14;
	v28 =	vmovc v29;
	v61 =	vmov v27;
	v25 =	vmov v15;
	v23 =	vmov v16  }
0x140: {  	v21 =	vmovc v18;
	v22 =	vmovc v20;
	v17 =	vmov v24;
	v14 =	vmov v63;
	v29 =	vmov v53  }
0x141: {  	v63 =	vmovc v52;
	v24 =	vmovc v43;
	v15 =	vmov v59;
	v59 =	vmov v38;
	v16 =	vmov v56  }
0x142: {  	v56 =	vmovc v35;
	v18 =	vmovc v57;
	v57 =	vmov v36;
	v20 =	vmov v58;
	v27 =	vmov v19  }
.LBB2_12:
0x143: {  	_ = 	snop  }
0x144: {  	_ = 	snop  }
0x145: {  	_ = 	snop  }
.Ltmp17:
0x146: {  	(pc) =	sbr.rel .LBB2_19-.Ltmp17, $4  }
0x147: {  	v32 =	vimm.f32 $0.0e+00;
	v33 =	vimm.f32 $0.0e+00;
	v34 =	vimm.f32 $0.0e+00;
	v62 =	vmovc v37  }
0x148: {  	v17 =	vmovc v31;
	v50 =	vmovc v55;
	v37 =	vimm.f32 $0.0e+00;
	v63 =	vmov v61;
	v41 =	vimm.f32 $0.0e+00  }
0x149: {  	v40 =	vimm.f32 $0.0e+00;
	v24 =	vmovc v26;
	v59 =	vmovc v42;
	v56 =	vmov v46;
	v57 =	vmov v47  }
0x14a: {  	v42 =	vimm.f32 $0.0e+00;
	v46 =	vimm.f32 $0.0e+00;
	v47 =	vimm.f32 $0.0e+00;
	v30 =	vmovc v29;
	v29 =	vmovc v60  }
.LBB2_14:
0x14b: {  	v32 =	vimm.f32 $0.0e+00  }
0x14c: {  	v33 =	vimm.f32 $0.0e+00;
	v34 =	vimm.f32 $0.0e+00;
	v62 =	vmovc v31;
	v19 =	vmovc v14;
	v31 =	vmov v37  }
.Ltmp18:
0x14d: {  	v37 =	vimm.f32 $0.0e+00;
	v63 =	vmovc v27;
	v41 =	vimm.f32 $0.0e+00;
	v40 =	vimm.f32 $0.0e+00;
	v24 =	vmovc v15;
	(pc) =	sbr.rel .LBB2_19-.Ltmp18, $4  }
0x14e: {  	v59 =	vmovc v16;
	v56 =	vmovc v18;
	v57 =	vmov v20;
	v25 =	vmov v26;
	v26 =	vmov v55  }
0x14f: {  	v14 =	vmovc v50;
	v28 =	vmovc v60;
	v15 =	vmov v43;
	v23 =	vmov v42;
	v42 =	vimm.f32 $0.0e+00  }
0x150: {  	v16 =	vmovc v38;
	v21 =	vmovc v46;
	v22 =	vmov v47;
	v18 =	vmov v35;
	v20 =	vmov v36  }
0x151: {  	v46 =	vimm.f32 $0.0e+00;
	v47 =	vimm.f32 $0.0e+00;
	v50 =	vmovc v19;
	v30 =	vmovc v53;
	v27 =	vmov v52  }
.LBB2_16:
0x152: {  	v32 =	vimm.f32 $0.0e+00;
	v33 =	vimm.f32 $0.0e+00  }
.Ltmp19:
0x153: {  	v62 =	vmovc v17;
	v26 =	vmovc v14;
	v28 =	vmov v29;
	v34 =	vimm.f32 $0.0e+00;
	v61 =	vmov v27;
	(pc) =	sbr.rel .LBB2_19-.Ltmp19, $4  }
0x154: {  	v25 =	vmovc v15;
	v23 =	vmovc v16;
	v21 =	vmov v18;
	v22 =	vmov v20;
	v17 =	vmov v24  }
0x155: {  	v14 =	vmovc v63;
	v29 =	vmovc v53;
	v37 =	vimm.f32 $0.0e+00;
	v63 =	vmov v52;
	v41 =	vimm.f32 $0.0e+00  }
0x156: {  	v40 =	vimm.f32 $0.0e+00;
	v24 =	vmovc v43;
	v15 =	vmovc v59;
	v59 =	vmov v38;
	v16 =	vmov v56  }
0x157: {  	v56 =	vmovc v35;
	v18 =	vmovc v57;
	v57 =	vmov v36;
	v20 =	vmov v58;
	v27 =	vmov v19  }
.LBB2_21:
0x158: {  	s1 =	simm.s32 @!p0 $0x2;
	s3 =	sadd.s32 $0x2, s22  }
0x159: {  	_ =	swait.ge @!p0 [sflag:s1], $0x8000;
	p1 =	sge.s32 s3, s17  }
0x15a: {  	[sflag:s1] =	ssyncset.done @!p0 $0x0;
	s3 =	sshll.u32 @!p1 s3, $0xC  }
0x15b: {  	s30 =	simm.s32 $0x141;
	[sflag:s1] =	ssyncadd.s32 @!p0 $0xFFFF8000;
	s1 =	sand.u32 @!p1 $0x1FFFF000, s3  }
0x15c: {  	s22 =	simm.s32 @!p1 $0xA380;
	s3 =	simm.s32 @!p1 $0x0;
	s1 =	sadd.s32 @!p1 s0, s1  }
0x15d: {  	[tilespmem:s22], [sflag:$0x1] =	stream.linear.gather @!p1 [hbm4b:s1+s3], $0x8000, $0x38;
	[tilespmem:$0x1A380] =	vst v63  }
0x15e: {  	s1 =	sand.u32 $0x1, s30  }
0x15f: {  	p5 =	por $0x0, $0x0;
	p6 =	seq.s32 s1, $0x1  }
0x160: {  	p0 =	por !p5, !p6  }
0x161: {  	s1 =	simm.s32 $0x1;
	p0 =	por !p0, !p0  }
0x162: {  	s1 =	simm.s32 @!p0 $0x0  }
0x163: {  	s28 =	ssub.s32 $0xA0, s1  }
0x164: {  	v13 =	vld [tilespmem:s28+$0xA180];
	_ =	sdelay $0x4  }
0x165: {  	(v2sf) =	vpush v13, $0x0;
	_ =	sdelay $0x7  }
0x166: {  	s22 =	sshll.u32 s21, $0x8;
	p0 =	slt.s32 s21, s17  }
0x167: {  	s22 =	simm.s32 @!p0 $0x0  }
0x168: {  	s24 =	ssub.s32 s15, s22  }
0x169: {  	p1 =	slt.s32 s24, $0x100  }
0x16a: {  	s24 =	simm.s32 @!p1 $0x100  }
0x16b: {  	p2 =	por $0x1, $0x1;
	s21 =	sadd.s32 $0xFFFFFFFF, s23;
	s24 =	simm.s32 @!p0 $0x0  }
0x16c: {  	s23 =	simm.s32 $0x141;
	s1 =	simm.s32 $0x0;
	s31 =	sadd.s32 s24, s22  }
0x16d: {  	p1 =	sgt.s32 s20, s21;
	s3 =	sadd.s32 $0xFFFFFFFF, s31;
	s25 =	spop (v2sf)  }
0x16e: {  	s26 =	sadd.s32 $0x1, s28;
	s21 =	smov.u32 @p1 s20;
	p1 =	sle.s32 s25, s3  }
0x16f: {  	p3 =	sgt.s32 s25, s3;
	s1 =	smov.u32 @p1 s26;
	s26 =	simm.s32 $0x141  }
0x170: {  	s20 =	simm.s32 $0x0;
	s25 =	simm.s32 $0x8;
	s26 =	smov.u32 @p3 s28  }
.LBB2_22:
0x171: {  	p1 =	sne.s32 s25, $0x1;
	s20 =	smov.u32 @p2 s1;
	s23 =	smov.u32 @p2 s26  }
0x172: {  	s25 =	sadd.s32 $0xFFFFFFFF, s25;
	s1 =	sadd.s32 s20, s23  }
0x173: {  	s26 =	sshrl.u32 s1, $0x1F;
	s28 =	sand.u32 $0x1, s1  }
0x174: {  	p2 =	slt.s32 s1, $0x1;
	s26 =	sadd.s32 s26, s1;
	p3 =	seq.s32 s28, $0x1  }
0x175: {  	p2 =	por !p2, !p3  }
0x176: {  	s1 =	sshra.s32 s26, $0x1;
	s26 =	simm.s32 $0x1;
	p2 =	por !p2, !p2  }
0x177: {  	s26 =	simm.s32 @!p2 $0x0  }
0x178: {  	s28 =	ssub.s32 s1, s26  }
0x179: {  	v13 =	vld [tilespmem:s28+$0xA180];
	_ =	sdelay $0x4  }
0x17a: {  	(v2sf) =	vpush v13, $0x0;
	_ =	sdelay $0xd  }
.Ltmp20:
0x17b: {  	(pc) =	sbr.rel @p1 .LBB2_22-.Ltmp20, $4  }
0x17c: {  	s26 =	sadd.s32 $0x1, s28;
	s1 =	spop (v2sf)  }
0x17d: {  	p3 =	sle.s32 s1, s3;
	p4 =	sgt.s32 s1, s3;
	s1 =	smov.u32 s20  }
0x17e: {  	s1 =	smov.u32 @p3 s26;
	s26 =	smov.u32 s23  }
0x17f: {  	p2 =	slt.s32 s20, s23;
	s26 =	smov.u32 @p4 s28  }
0x180: {  	s20 =	smov.u32 @p2 s1  }
0x181: {  	p1 =	sle.s32 s20, s21  }
.Ltmp21:
0x182: {  	_ = 	snop;
	(pc) =	sbr.rel @p1 .LBB2_38-.Ltmp21, $1  }
0x183: {  	_ =	sdelay $0x3  }
.Ltmp22:
0x184: {  	(pc) =	sbr.rel .LBB2_25-.Ltmp22, $4  }
0x185: {  	s23 =	ssub.s32 s14, s22  }
0x186: {  	p1 =	sgt.s32 s23, $0x0  }
0x187: {  	s25 =	smov.u32 s20;
	s23 =	simm.s32 @!p1 $0x0;
	p1 =	sgt.s32 s21, s20  }
0x188: {  	s26 =	smov.u32 s21;
	s23 =	simm.s32 @!p0 $0x0;
	s25 =	smov.u32 @p1 s21  }
.LBB2_27:
0x189: {  	_ = 	snop  }
0x18a: {  	_ = 	snop  }
0x18b: {  	_ = 	snop  }
0x18c: {  	_ = 	snop  }
0x18d: {  	v32 =	vimm.f32 $0.0e+00;
	v33 =	vimm.f32 $0.0e+00  }
0x18e: {  	v34 =	vimm.f32 $0.0e+00;
	v17 =	vmovc v37;
	v14 =	vmovc v55;
	v30 =	vmov v60;
	v37 =	vimm.f32 $0.0e+00  }
0x18f: {  	v27 =	vmovc v61;
	v41 =	vimm.f32 $0.0e+00;
	v40 =	vimm.f32 $0.0e+00;
	v15 =	vmovc v26;
	v16 =	vmov v42  }
0x190: {  	v18 =	vmovc v46;
	v20 =	vmovc v47;
	v42 =	vimm.f32 $0.0e+00;
	v46 =	vimm.f32 $0.0e+00;
	v47 =	vimm.f32 $0.0e+00  }
.LBB2_36:
0x191: {  	v19 =	vadd.f32 v45, v44;
	v35 =	vmul.f32 v30, v11  }
0x192: {  	v36 =	vperm.xlane @p0 v39, v2;
	v32 =	vadd.f32 @p2 v48, v32  }
0x193: {  	v53 =	vmul.f32 v27, v12;
	v33 =	vadd.f32 @p2 v49, v33;
	v38 =	vpop @p1 (erf);
	v19 =	vadd.f32 v35, v19  }
0x194: {  	v34 =	vadd.f32 @p2 v54, v34;
	v25 =	vmul.f32 @p1 v38, v25;
	v23 =	vmul.f32 @p1 v38, v23  }
0x195: {  	v21 =	vmul.f32 @p1 v38, v21;
	v22 =	vmul.f32 @p1 v38, v22;
	v19 =	vadd.f32 v53, v19  }
0x196: {  	v37 =	vadd.f32 @p2 v55, v37;
	v31 =	vmul.f32 @p1 v38, v31;
	v26 =	vmul.f32 @p1 v38, v26  }
0x197: {  	v41 =	vadd.f32 @p2 v60, v41;
	v28 =	vmul.f32 @p1 v38, v28;
	v58 =	vperm.xlane v19, v0  }
0x198: {  	v36 =	vadd.f32 @p0 v39, v36;
	v39 =	vadd.f32 @p2 v51, v40;
	v32 =	vpsel p2, v32, v13  }
0x199: {  	v33 =	vpsel p2, v33, v13;
	v34 =	vpsel p2, v34, v13;
	v19 =	vadd.f32 v19, v58  }
0x19a: {  	v48 =	vld [tilespmem:$0x1FF50];
	v37 =	vpsel p2, v37, v13;
	v41 =	vpsel p2, v41, v13;
	v35 =	vperm.xlane @p0 v36, v4  }
0x19b: {  	v49 =	vld [tilespmem:$0x1FF70];
	v25 =	vadd.f32 @p1 v25, v46;
	v23 =	vadd.f32 @p1 v23, v47;
	v45 =	vperm.xlane v19, v1  }
0x19c: {  	v52 =	vld [tilespmem:$0x1FF30];
	v21 =	vpsel p1, v21, v0;
	v22 =	vpsel p1, v22, v0;
	v35 =	vadd.f32 @p0 v36, v35  }
0x19d: {  	v54 =	vld [tilespmem:$0x1FF20];
	v31 =	vpsel p1, v31, v0;
	v26 =	vpsel p1, v26, v0;
	v19 =	vadd.f32 v19, v45  }
0x19e: {  	v28 =	vpsel p1, v28, v0;
	v39 =	vpsel p2, v39, v13;
	v35 =	vmul.f32 @p0 $1.442695020e+00, v35  }
0x19f: {  	v40 =	vmovc @p0 v50;
	v21 =	vadd.f32 @p1 v21, v32;
	v22 =	vadd.f32 @p1 v22, v33;
	v50 =	vperm.xlane v19, v2  }
0x1a0: {  	v43 =	vmovc @p1 v61;
	v31 =	vadd.f32 @p1 v31, v34;
	v26 =	vadd.f32 @p1 v26, v37;
	(erf) = vpow2.f32 @p0 v35  }
0x1a1: {  	v44 =	vmovc @p0 v59;
	v28 =	vadd.f32 @p1 v28, v41;
	v40 =	vpsel p0, v40, v48;
	v19 =	vadd.f32 v19, v50  }
0x1a2: {  	v55 =	vld [tilespmem:$0x1FF00];
	v29 =	vpsel p0, v29, v49;
	v24 =	vpsel p0, v24, v52;
	v44 =	vpsel p0, v44, v54  }
0x1a3: {  	v51 =	vld [tilespmem:$0x1FF60];
	v25 =	vpsel p1, v25, v13;
	v23 =	vpsel p1, v23, v13;
	v53 =	vperm.xlane v19, v4  }
0x1a4: {  	v36 =	vmul.f32 @p1 v38, v43;
	v43 =	vmovc @p0 v56;
	v56 =	vld [tilespmem:$0x1FF10];
	v21 =	vpsel p1, v21, v13;
	v22 =	vpsel p1, v22, v13  }
0x1a5: {  	v31 =	vpsel p1, v31, v13;
	v35 =	vnsel @p1 vm0, $0x0, v38;
	v45 =	vmovc @p0 v57;
	v57 =	vld [tilespmem:$0x1FF40];
	v19 =	vadd.f32 v19, v53  }
0x1a6: {  	v26 =	vpsel p1, v26, v13;
	v36 =	vadd.f32 @p1 v36, v42;
	v35 =	vpsel p1, v35, v0  }
0x1a7: {  	v28 =	vpsel p1, v28, v13;
	v38 =	vmovc @p0 v63;
	v34 =	vadd.f32 @p1 v35, v39;
	v19 =	vmul.f32 $1.442695020e+00, v19  }
0x1a8: {  	v43 =	vpsel p0, v43, v55;
	v42 =	vmovc @p0 v62;
	v36 =	vpsel p1, v36, v13;
	v38 =	vpsel p0, v38, v51  }
0x1a9: {  	v32 =	vmov @p0 v38;
	v34 =	vpsel p1, v34, v13;
	v33 =	vpop @p0 (erf);
	(erf) = vpow2.f32 v19  }
0x1aa: {  	v35 =	vmovc @p0 v40;
	v45 =	vpsel p0, v45, v56;
	v42 =	vpsel p0, v42, v57;
	v32 =	vmul.f32 @p0 v33, v32  }
0x1ab: {  	v37 =	vmul.f32 @p0 v33, v45;
	v38 =	vnsel @p0 vm0, $0x0, v33;
	v35 =	vmul.f32 @p0 v33, v35  }
0x1ac: {  	v39 =	vmul.f32 @p0 v33, v42;
	v32 =	vadd.f32 @p0 v32, v36;
	v19 =	vmul.f32 @p0 v33, v24  }
0x1ad: {  	v36 =	vmul.f32 @p0 v33, v43;
	v35 =	vpsel p0, v35, v0;
	v24 =	vmul.f32 @p0 v33, v44  }
0x1ae: {  	v26 =	vadd.f32 @p0 v35, v26;
	v32 =	vpsel p0, v32, v13;
	v19 =	vadd.f32 @p0 v19, v25  }
0x1af: {  	v25 =	vmul.f32 @p0 v33, v29;
	v23 =	vadd.f32 @p0 v24, v23;
	v24 =	vpsel p0, v36, v0  }
0x1b0: {  	v29 =	vpsel p0, v37, v0;
	v33 =	vpsel p0, v39, v0;
	v21 =	vadd.f32 @p0 v24, v21  }
0x1b1: {  	v36 =	vpsel p0, v38, v0;
	v22 =	vadd.f32 @p0 v29, v22;
	v29 =	vadd.f32 @p0 v33, v31  }
0x1b2: {  	v25 =	vpsel p0, v25, v0;
	v19 =	vpsel p0, v19, v13;
	v23 =	vpsel p0, v23, v13;
	v58 =	vpop (erf)  }
0x1b3: {  	v25 =	vadd.f32 @p0 v25, v28;
	v59 =	vmul.f32 v58, v27;
	v60 =	vmul.f32 v58, v15  }
0x1b4: {  	v28 =	vadd.f32 @p0 v36, v34;
	v16 =	vmul.f32 v58, v16;
	v18 =	vmul.f32 v58, v18  }
0x1b5: {  	v20 =	vmul.f32 v58, v20;
	v61 =	vnsel vm0, $0x0, v58;
	v62 =	vmul.f32 v58, v17  }
0x1b6: {  	v63 =	vmul.f32 v58, v14;
	v24 =	vmul.f32 v58, v30;
	v17 =	vpsel p0, v21, v13  }
0x1b7: {  	v21 =	vpsel p0, v29, v13;
	v15 =	vadd.f32 v59, v32;
	v14 =	vadd.f32 v60, v19  }
0x1b8: {  	v16 =	vadd.f32 v16, v23;
	v19 =	vpsel p0, v22, v13;
	v22 =	vpsel p0, v26, v13  }
0x1b9: {  	v23 =	vpsel p0, v25, v13;
	v18 =	vadd.f32 v18, v17;
	v17 =	vadd.f32 v20, v19  }
0x1ba: {  	v13 =	vpsel p0, v28, v13;
	v19 =	vadd.f32 v62, v21;
	v20 =	vadd.f32 v63, v22  }
0x1bb: {  	v21 =	vadd.f32 v24, v23;
	v13 =	vadd.f32 v61, v13  }
.LBB2_37:
0x1bc: {  	s1 =	sshll.u32 s26, $0x9  }
0x1bd: {  	s1 =	sshra.s32 s1, $0x2  }
0x1be: {  	v22 =	vld [tilespmem:s1+$0x0]  }
0x1bf: {  	v23 =	vld [tilespmem:s1+$0x10]  }
0x1c0: {  	v25 =	vld [tilespmem:s1+$0x30]  }
0x1c1: {  	v24 =	vld [tilespmem:s1+$0x20]  }
0x1c2: {  	v59 =	vld [tilespmem:s1+$0x50]  }
0x1c3: {  	v26 =	vld [tilespmem:s1+$0x40];
	v14 =	vadd.f32 v22, v14  }
0x1c4: {  	v61 =	vld [tilespmem:s1+$0x70];
	v16 =	vadd.f32 v23, v16  }
0x1c5: {  	v60 =	vld [tilespmem:s1+$0x60];
	v62 =	vadd.f32 v25, v17;
	[tilespmem:s1+$0x0] =	vst v14  }
0x1c6: {  	v14 =	vadd.f32 v24, v18;
	[tilespmem:s1+$0x10] =	vst v16  }
0x1c7: {  	v63 =	vadd.f32 v59, v20;
	[tilespmem:s1+$0x30] =	vst v62  }
0x1c8: {  	[tilespmem:s1+$0x20] =	vst v14;
	v14 =	vadd.f32 v26, v19  }
0x1c9: {  	v15 =	vadd.f32 v61, v15;
	[tilespmem:s1+$0x50] =	vst v63  }
0x1ca: {  	[tilespmem:s1+$0x40] =	vst v14;
	v14 =	vadd.f32 v60, v21  }
0x1cb: {  	[tilespmem:s1+$0x70] =	vst v15  }
0x1cc: {  	[tilespmem:s1+$0x60] =	vst v14  }
0x1cd: {  	v14 =	vld [tilespmem:s26+$0xA000]  }
0x1ce: {  	s31 =	sadd.s32 $0x1, s26  }
0x1cf: {  	p0 =	sne.s32 s31, s25  }
.Ltmp23:
0x1d0: {  	_ = 	snop;
	(pc) =	sbr.rel @!p0 .LBB2_38-.Ltmp23, $3  }
0x1d1: {  	_ = 	snop  }
0x1d2: {  	v13 =	vadd.f32 v14, v13;
	_ =	sdelay $0x1  }
0x1d3: {  	[tilespmem:s26+$0xA000] =	vst v13;
	s26 =	smov.u32 s31  }
.LBB2_25:
0x1d4: {  	v13 =	vld [tilespmem:s26+$0xA180]  }
0x1d5: {  	v14 =	vld [tilespmem:s26+$0xA181];
	_ =	sdelay $0x3  }
0x1d6: {  	(v2sf) =	vpush v13, $0x0  }
0x1d7: {  	(v2sf) =	vpush v14, $0x0;
	_ =	sdelay $0xd  }
0x1d8: {  	s1 =	spop (v2sf)  }
0x1d9: {  	s3 =	spop (v2sf)  }
0x1da: {  	s28 =	smov.u32 s24;
	s29 =	ssub.s32 s1, s22;
	s3 =	ssub.s32 s3, s22  }
0x1db: {  	s1 =	smov.u32 s23;
	p0 =	sgt.s32 s29, s23;
	p1 =	slt.s32 s3, s24  }
0x1dc: {  	s1 =	smov.u32 @p0 s29;
	s28 =	smov.u32 @p1 s3  }
0x1dd: {  	p0 =	sle.s32 s28, s1  }
.Ltmp24:
0x1de: {  	_ = 	snop;
	(pc) =	sbr.rel @p0 .LBB2_37-.Ltmp24, $4  }
0x1df: {  	_ = 	snop  }
0x1e0: {  	v16 =	vimm.f32 $0.0e+00;
	v18 =	vimm.f32 $0.0e+00;
	v17 =	vimm.f32 $0.0e+00  }
0x1e1: {  	v19 =	vimm.f32 $0.0e+00;
	v20 =	vimm.f32 $0.0e+00;
	v21 =	vimm.f32 $0.0e+00  }
0x1e2: {  	v15 =	vimm.f32 $0.0e+00;
	v13 =	vimm.f32 $0.0e+00;
	v14 =	vimm.f32 $0.0e+00  }
0x1e3: {  	s3 =	sshll.u32 s1, $0x9  }
0x1e4: {  	s3 =	sshra.s32 s3, $0x2  }
0x1e5: {  	s29 =	sadd.s32 $0x123C0, s3  }
0x1e6: {  	v26 =	vld [tilespmem:s29+$0xFFFFFFC0]  }
0x1e7: {  	v42 =	vld [tilespmem:s29+$0xFFFFFFD0];
	_ =	sdelay $0x1  }
0x1e8: {  	v46 =	vld [tilespmem:s29+$0xFFFFFFE0];
	_ =	sdelay $0x1  }
0x1e9: {  	v47 =	vld [tilespmem:s29+$0xFFFFFFF0]  }
0x1ea: {  	v13 =	vmul.f32 v26, v5;
	v14 =	vmul.f32 v42, v6  }
0x1eb: {  	p0 =	sgt.s32 s1, s28;
	v37 =	vld [tilespmem:s29+$0x0]  }
0x1ec: {  	s28 =	smov.u32 @p0 s1;
	s3 =	sadd.s32 $0x1, s1;
	v13 =	vadd.f32 v14, v13;
	v14 =	vmul.f32 v46, v7  }
0x1ed: {  	v55 =	vld [tilespmem:s29+$0x10];
	p3 =	slt.u32 s3, s28  }
.Ltmp25:
0x1ee: {  	v13 =	vadd.f32 v14, v13;
	v14 =	vmul.f32 v47, v8;
	(pc) =	sbr.rel @!p3 .LBB2_27-.Ltmp25, $4  }
0x1ef: {  	_ = 	snop  }
0x1f0: {  	v15 =	vmul.f32 v37, v9;
	v14 =	vadd.f32 v14, v13  }
0x1f1: {  	p1 =	por $0x0, $0x0;
	v60 =	vld [tilespmem:s29+$0x20]  }
0x1f2: {  	p2 =	por $0x0, $0x0;
	p0 =	por $0x0, $0x0;
	s1 =	sadd.s32 $0x80, s29;
	v61 =	vld [tilespmem:s29+$0x30];
	v45 =	vmul.f32 v55, v10;
	v13 =	vimm.f32 $0.0e+00;
	v44 =	vadd.f32 v15, v14  }
0x1f3: {  	_ = 	snop  }
0x1f4: {  	v15 =	vld [tilespmem:s1+$0xFFFFFFC0]  }
0x1f5: {  	v16 =	vld [tilespmem:s1+$0xFFFFFFD0]  }
0x1f6: {  	v14 =	vadd.f32 v45, v44;
	v17 =	vmul.f32 v60, v11  }
0x1f7: {  	v18 =	vld [tilespmem:s1+$0xFFFFFFE0]  }
0x1f8: {  	v14 =	vadd.f32 v17, v14;
	v17 =	vmul.f32 v61, v12  }
0x1f9: {  	v20 =	vld [tilespmem:s1+$0xFFFFFFF0]  }
0x1fa: {  	v19 =	vmul.f32 v16, v6;
	v17 =	vadd.f32 v17, v14;
	v14 =	vmul.f32 v15, v5  }
0x1fb: {  	v31 =	vld [tilespmem:s1+$0x0]  }
0x1fc: {  	s3 =	sadd.s32 $0x1, s3;
	v22 =	vmul.f32 v18, v7;
	v21 =	vperm.xlane v17, v0;
	v19 =	vadd.f32 v19, v14  }
0x1fd: {  	p3 =	slt.u32 s3, s28;
	v14 =	vld [tilespmem:s1+$0x10]  }
.Ltmp26:
0x1fe: {  	v17 =	vadd.f32 v17, v21;
	v19 =	vadd.f32 v22, v19;
	v21 =	vmul.f32 v20, v8;
	(pc) =	sbr.rel @!p3 .LBB2_29-.Ltmp26, $4  }
0x1ff: {  	v29 =	vld [tilespmem:s1+$0x20]  }
0x200: {  	v22 =	vperm.xlane v17, v1;
	v19 =	vadd.f32 v21, v19;
	v21 =	vmul.f32 v31, v9  }
0x201: {  	v27 =	vld [tilespmem:s1+$0x30]  }
0x202: {  	p0 =	por $0x1, $0x1;
	s1 =	sadd.s32 $0x80, s1;
	v45 =	vmul.f32 v14, v10;
	v39 =	vadd.f32 v17, v22;
	v44 =	vadd.f32 v21, v19  }
0x203: {  	_ = 	snop  }
0x204: {  	v21 =	vperm.xlane v39, v2;
	_ =	sdelay $0x1  }
0x205: {  	v43 =	vld [tilespmem:s1+$0xFFFFFFC0];
	v21 =	vadd.f32 v39, v21  }
0x206: {  	v38 =	vld [tilespmem:s1+$0xFFFFFFD0];
	v17 =	vadd.f32 v45, v44;
	v19 =	vmul.f32 v29, v11  }
0x207: {  	v24 =	vperm.xlane v21, v4  }
0x208: {  	v35 =	vld [tilespmem:s1+$0xFFFFFFE0];
	v17 =	vadd.f32 v19, v17;
	v19 =	vmul.f32 v27, v12  }
0x209: {  	v21 =	vadd.f32 v21, v24  }
0x20a: {  	v36 =	vld [tilespmem:s1+$0xFFFFFFF0];
	v19 =	vadd.f32 v19, v17;
	v22 =	vmul.f32 v43, v5  }
0x20b: {  	v23 =	vmul.f32 v38, v6;
	v21 =	vmul.f32 $1.442695020e+00, v21  }
0x20c: {  	[tilespmem:$0x1FF00] =	vst v46;
	v17 =	vld [tilespmem:s1+$0x0];
	v25 =	vperm.xlane v19, v0  }
0x20d: {  	s3 =	sadd.s32 $0x1, s3;
	[tilespmem:$0x1FF10] =	vst v47;
	v22 =	vadd.f32 v23, v22;
	v23 =	vmul.f32 v35, v7;
	(erf) = vpow2.f32 v21  }
0x20e: {  	v50 =	vld [tilespmem:s1+$0x10];
	[tilespmem:$0x1FF20] =	vst v42;
	p3 =	slt.u32 s3, s28  }
.Ltmp27:
0x20f: {  	[tilespmem:$0x1FF30] =	vst v26;
	v19 =	vadd.f32 v19, v25;
	v22 =	vadd.f32 v23, v22;
	v23 =	vmul.f32 v36, v8;
	(pc) =	sbr.rel @!p3 .LBB2_31-.Ltmp27, $4  }
0x210: {  	[tilespmem:$0x1FF40] =	vst v37  }
0x211: {  	v53 =	vld [tilespmem:s1+$0x20];
	[tilespmem:$0x1FF50] =	vst v55;
	v24 =	vperm.xlane v19, v1;
	v22 =	vadd.f32 v23, v22;
	v23 =	vmul.f32 v17, v9  }
0x212: {  	v52 =	vld [tilespmem:s1+$0x30];
	[tilespmem:$0x1FF60] =	vst v61  }
0x213: {  	p1 =	por $0x1, $0x1;
	[tilespmem:$0x1FF70] =	vst v60;
	v45 =	vmul.f32 v50, v10;
	s1 =	sadd.s32 $0x80, s1;
	v39 =	vadd.f32 v19, v24;
	v44 =	vadd.f32 v23, v22  }
0x214: {  	_ = 	snop  }
0x215: {  	v19 =	vperm.xlane v39, v2  }
0x216: {  	v59 =	vld [tilespmem:s1+$0xFFFFFFC0]  }
0x217: {  	v19 =	vadd.f32 v39, v19  }
0x218: {  	v56 =	vld [tilespmem:s1+$0xFFFFFFD0];
	v21 =	vadd.f32 v45, v44;
	v22 =	vmul.f32 v53, v11  }
0x219: {  	v33 =	vimm.f32 $0.0e+00;
	v34 =	vimm.f32 $0.0e+00;
	v23 =	vperm.xlane v19, v4  }
0x21a: {  	v57 =	vld [tilespmem:s1+$0xFFFFFFE0];
	v41 =	vimm.f32 $0.0e+00;
	v25 =	vpop (erf);
	v21 =	vadd.f32 v22, v21;
	v22 =	vmul.f32 v52, v12  }
0x21b: {  	v32 =	vmul.f32 v25, v42;
	v28 =	vmul.f32 v59, v5;
	v19 =	vadd.f32 v19, v23  }
0x21c: {  	v58 =	vld [tilespmem:s1+$0xFFFFFFF0];
	v21 =	vadd.f32 v22, v21;
	v22 =	vmul.f32 v25, v26;
	v26 =	vmul.f32 v25, v61  }
0x21d: {  	v40 =	vimm.f32 $0.0e+00;
	v30 =	vmul.f32 v56, v6;
	v19 =	vmul.f32 $1.442695020e+00, v19  }
0x21e: {  	v24 =	vld [tilespmem:s1+$0x0];
	v48 =	vmul.f32 v25, v46;
	v23 =	vperm.xlane v21, v0;
	v42 =	vadd.f32 v26, v13  }
0x21f: {  	v63 =	vld [tilespmem:s1+$0x10];
	s29 =	sadd.s32 $0x1, s3;
	v26 =	vadd.f32 v30, v28;
	v28 =	vmul.f32 v57, v7;
	(erf) = vpow2.f32 v19  }
0x220: {  	p3 =	slt.u32 s29, s28;
	v49 =	vmul.f32 v25, v47;
	v54 =	vmul.f32 v25, v37;
	v21 =	vadd.f32 v21, v23  }
.Ltmp28:
0x221: {  	v55 =	vmul.f32 v25, v55;
	v23 =	vadd.f32 v28, v26;
	v26 =	vmul.f32 v58, v8;
	(pc) =	sbr.rel @!p3 .LBB2_33-.Ltmp28, $4  }
0x222: {  	v51 =	vnsel vm0, $0x0, v25;
	v60 =	vmul.f32 v25, v60;
	v19 =	vperm.xlane v21, v1  }
0x223: {  	v37 =	vimm.f32 $0.0e+00;
	v30 =	vld [tilespmem:s1+$0x20];
	v23 =	vadd.f32 v26, v23;
	v26 =	vmul.f32 v24, v9  }
0x224: {  	v45 =	vmul.f32 v63, v10;
	v47 =	vadd.f32 v32, v13;
	v39 =	vadd.f32 v21, v19  }
0x225: {  	s3 =	sadd.s32 $0x80, s1;
	p2 =	por $0x1, $0x1;
	v32 =	vimm.f32 $0.0e+00;
	v46 =	vadd.f32 v22, v13;
	v44 =	vadd.f32 v26, v23;
	v19 =	vld [tilespmem:s1+$0x30]  }
.LBB2_34:
0x226: {  	v22 =	vperm.xlane v39, v2;
	v32 =	vadd.f32 v48, v32;
	v33 =	vadd.f32 v49, v33;
	v23 =	vmovc v17  }
0x227: {  	v21 =	vld [tilespmem:s3+$0xFFFFFFC0];
	v17 =	vmovc v24;
	v25 =	vmovc v14;
	v14 =	vmov v50;
	v50 =	vmov v63;
	v26 =	vmov v29  }
0x228: {  	s29 =	sadd.s32 $0x1, s29;
	v34 =	vadd.f32 v54, v34;
	v29 =	vmovc v53;
	v28 =	vld [tilespmem:s3+$0xFFFFFFD0];
	v24 =	vadd.f32 v45, v44;
	v44 =	vmul.f32 v30, v11  }
0x229: {  	v37 =	vadd.f32 v55, v37;
	p3 =	slt.u32 s29, s28;
	v53 =	vmovc v30;
	v30 =	vmovc v27;
	v27 =	vmov v52;
	v22 =	vadd.f32 v39, v22  }
0x22a: {  	v41 =	vadd.f32 v60, v41;
	v39 =	vld [tilespmem:s3+$0xFFFFFFE0];
	v24 =	vadd.f32 v44, v24;
	v44 =	vmul.f32 v19, v12;
	v52 =	vmovc v19  }
0x22b: {  	v40 =	vadd.f32 v51, v40;
	v19 =	vperm.xlane v22, v4;
	v45 =	vpop (erf)  }
0x22c: {  	v61 =	vld [tilespmem:s3+$0xFFFFFFF0];
	v44 =	vadd.f32 v44, v24;
	v60 =	vmul.f32 v45, v15;
	v30 =	vmul.f32 v45, v30;
	v15 =	vmovc v43  }
0x22d: {  	v48 =	vmul.f32 v21, v5;
	v43 =	vmovc v59;
	v49 =	vmul.f32 v28, v6;
	v19 =	vadd.f32 v22, v19  }
0x22e: {  	v62 =	vmul.f32 v45, v16;
	v59 =	vmovc v21;
	v24 =	vld [tilespmem:s3+$0x0];
	v22 =	vperm.xlane v44, v0;
	v42 =	vadd.f32 v30, v42  }
0x22f: {  	v16 =	vmovc v38;
	v38 =	vmovc v56;
	v21 =	vadd.f32 v49, v48;
	v30 =	vmul.f32 v39, v7;
	v19 =	vmul.f32 $1.442695020e+00, v19  }
0x230: {  	v56 =	vmovc v28;
	v48 =	vmul.f32 v45, v18;
	v49 =	vmul.f32 v45, v20;
	v63 =	vld [tilespmem:s3+$0x10];
	v22 =	vadd.f32 v44, v22  }
.Ltmp29:
0x231: {  	v18 =	vmovc v35;
	v35 =	vmovc v57;
	v21 =	vadd.f32 v30, v21;
	v28 =	vmul.f32 v61, v8;
	(erf) = vpow2.f32 v19;
	(pc) =	sbr.rel @p3 .LBB2_34-.Ltmp29, $4  }
0x232: {  	v51 =	vnsel vm0, $0x0, v45;
	v54 =	vmul.f32 v45, v31;
	v57 =	vmovc v39;
	v20 =	vmovc v36;
	v30 =	vld [tilespmem:s3+$0x20];
	v44 =	vperm.xlane v22, v1  }
0x233: {  	v55 =	vmul.f32 v45, v25;
	v36 =	vmovc v58;
	v21 =	vadd.f32 v28, v21;
	v28 =	vmul.f32 v24, v9  }
0x234: {  	v46 =	vadd.f32 v60, v46;
	v60 =	vmul.f32 v45, v26;
	v58 =	vmovc v61;
	v19 =	vld [tilespmem:s3+$0x30];
	v39 =	vadd.f32 v22, v44  }
0x235: {  	v31 =	vmovc v23;
	v47 =	vadd.f32 v62, v47;
	s3 =	sadd.s32 $0x80, s3;
	v44 =	vadd.f32 v28, v21;
	v45 =	vmul.f32 v63, v10  }
.Ltmp30:
0x236: {  	v62 =	vmov v17;
	(pc) =	sbr.rel .LBB2_36-.Ltmp30, $4  }
0x237: {  	v26 =	vmovc v14;
	v28 =	vmovc v29;
	v61 =	vmov v27;
	v25 =	vmov v15;
	v23 =	vmov v16  }
0x238: {  	v21 =	vmovc v18;
	v22 =	vmovc v20;
	v17 =	vmov v24;
	v14 =	vmov v63;
	v29 =	vmov v53  }
0x239: {  	v63 =	vmovc v52;
	v24 =	vmovc v43;
	v15 =	vmov v59;
	v59 =	vmov v38;
	v16 =	vmov v56  }
0x23a: {  	v56 =	vmovc v35;
	v18 =	vmovc v57;
	v57 =	vmov v36;
	v20 =	vmov v58;
	v27 =	vmov v19  }
.LBB2_29:
0x23b: {  	_ = 	snop  }
0x23c: {  	_ = 	snop  }
0x23d: {  	_ = 	snop  }
.Ltmp31:
0x23e: {  	(pc) =	sbr.rel .LBB2_36-.Ltmp31, $4  }
0x23f: {  	v32 =	vimm.f32 $0.0e+00;
	v33 =	vimm.f32 $0.0e+00;
	v34 =	vimm.f32 $0.0e+00;
	v62 =	vmovc v37  }
0x240: {  	v17 =	vmovc v31;
	v50 =	vmovc v55;
	v37 =	vimm.f32 $0.0e+00;
	v63 =	vmov v61;
	v41 =	vimm.f32 $0.0e+00  }
0x241: {  	v40 =	vimm.f32 $0.0e+00;
	v24 =	vmovc v26;
	v59 =	vmovc v42;
	v56 =	vmov v46;
	v57 =	vmov v47  }
0x242: {  	v42 =	vimm.f32 $0.0e+00;
	v46 =	vimm.f32 $0.0e+00;
	v47 =	vimm.f32 $0.0e+00;
	v30 =	vmovc v29;
	v29 =	vmovc v60  }
.LBB2_31:
0x243: {  	v32 =	vimm.f32 $0.0e+00  }
0x244: {  	v33 =	vimm.f32 $0.0e+00;
	v34 =	vimm.f32 $0.0e+00;
	v62 =	vmovc v31;
	v19 =	vmovc v14;
	v31 =	vmov v37  }
.Ltmp32:
0x245: {  	v37 =	vimm.f32 $0.0e+00;
	v63 =	vmovc v27;
	v41 =	vimm.f32 $0.0e+00;
	v40 =	vimm.f32 $0.0e+00;
	v24 =	vmovc v15;
	(pc) =	sbr.rel .LBB2_36-.Ltmp32, $4  }
0x246: {  	v59 =	vmovc v16;
	v56 =	vmovc v18;
	v57 =	vmov v20;
	v25 =	vmov v26;
	v26 =	vmov v55  }
0x247: {  	v14 =	vmovc v50;
	v28 =	vmovc v60;
	v15 =	vmov v43;
	v23 =	vmov v42;
	v42 =	vimm.f32 $0.0e+00  }
0x248: {  	v16 =	vmovc v38;
	v21 =	vmovc v46;
	v22 =	vmov v47;
	v18 =	vmov v35;
	v20 =	vmov v36  }
0x249: {  	v46 =	vimm.f32 $0.0e+00;
	v47 =	vimm.f32 $0.0e+00;
	v50 =	vmovc v19;
	v30 =	vmovc v53;
	v27 =	vmov v52  }
.LBB2_33:
0x24a: {  	v32 =	vimm.f32 $0.0e+00;
	v33 =	vimm.f32 $0.0e+00  }
.Ltmp33:
0x24b: {  	v62 =	vmovc v17;
	v26 =	vmovc v14;
	v28 =	vmov v29;
	v34 =	vimm.f32 $0.0e+00;
	v61 =	vmov v27;
	(pc) =	sbr.rel .LBB2_36-.Ltmp33, $4  }
0x24c: {  	v25 =	vmovc v15;
	v23 =	vmovc v16;
	v21 =	vmov v18;
	v22 =	vmov v20;
	v17 =	vmov v24  }
0x24d: {  	v14 =	vmovc v63;
	v29 =	vmovc v53;
	v37 =	vimm.f32 $0.0e+00;
	v63 =	vmov v52;
	v41 =	vimm.f32 $0.0e+00  }
0x24e: {  	v40 =	vimm.f32 $0.0e+00;
	v24 =	vmovc v43;
	v15 =	vmovc v59;
	v59 =	vmov v38;
	v16 =	vmov v56  }
0x24f: {  	v56 =	vmovc v35;
	v18 =	vmovc v57;
	v57 =	vmov v36;
	v20 =	vmov v58;
	v27 =	vmov v19  }
.LBB2_40:
0x250: {  	_ =	sfence.sel $0x180000  }
0x251: {  	[bflag:$0x0] =	sbarrier.arrive $0xFFFF  }
0x252: {  	_ =	strace $0x90000047  }
0x253: {  	s0 =	stileid.u32;
	[bflag:$0x2] =	sbarrier.arrive $0xFFFF  }
0x254: {  	p0 =	sne.s32 s0, $0x0;
	s0 =	rddreg [dreg:$0x4]  }
0x255: {  	s0 =	sadd.s32 @!p0 $0x100000, s0  }
0x256: {  	[sflag:s0] =	ssyncadd.tile.s32 @!p0 $0x1;
	_ =	shalt  }
.Lfunc_end2:
_tile_overlayer_lowered:
.L_overlay_start_2:
0x257: {  	(tag) =	ssettag $0x2  }
0x258: {  	s0 =	rddreg [dreg:$0x0];
	s2 =	stileid.u32  }
0x259: {  	s1 =	rddreg [dreg:$0x1];
	p0 =	sne.s32 s2, $0x0  }
0x25a: {  	s3 =	rddreg [dreg:$0x2];
	[bflag:$0x3] =	sbarrier.arrive $0xFFFF;
	s2 =	simm.s32 @!p0 $0x1C03  }
0x25b: {  	[timem:s3], [sflag:s2] =	dma.local @!p0 [hbm:s0], s1  }
0x25c: {  	s0 =	simm.s32 @!p0 $0x3  }
0x25d: {  	_ =	swait.ge @!p0 [sflag:s0], s1  }
0x25e: {  	s1 =	ssub.s32 @!p0 $0x0, s1;
	[sflag:s0] =	ssyncset.done @!p0 $0x0  }
0x25f: {  	[sflag:s0] =	ssyncadd.s32 @!p0 s1  }
0x260: {  	[bflag:$0x3] =	sbarrier.arrive $0xFFFF  }
0x261: {  	_ =	shalt  }

</sc_bundles>
